<compile_context>
chip_gen: v7x
topology: tpu7x:2x2x1
jax: 0.10.2.dev20260603
libtpu: 0.0.44.dev20260713+nightly
codegen_flags: <defaults>
</compile_context>

<pallas_src>
import functools

import jax
import jax.numpy as jnp
from jax import lax
from jax.experimental import pallas as pl
from jax.experimental.pallas import tpu as pltpu
from jax.experimental.pallas import tpu_sc as plsc

_OUT_D = 128
_SEG = 42
_B = 16384
_NC, _NS = 2, 16
_NW = _NC * _NS
_BPW = _B // _NW
_CHUNK = 256
_NCHUNK = _BPW // _CHUNK
_SW = 48
_G = 16

_mesh = plsc.VectorSubcoreMesh(core_axis_name="c", subcore_axis_name="s")


@functools.partial(
    pl.kernel,
    mesh=_mesh,
    compiler_params=pltpu.CompilerParams(use_tc_tiling_on_sc=False),
    out_type=jax.ShapeDtypeStruct((_B, _OUT_D), jnp.float32),
    scratch_types=[
        pltpu.VMEM((_NCHUNK, _CHUNK), jnp.int32),
        pltpu.VMEM((_NCHUNK, _CHUNK), jnp.int32),
        pltpu.VMEM((_NCHUNK, _CHUNK), jnp.int32),
        pltpu.VMEM((64, _SW), jnp.float32),
        pltpu.VMEM((32, _OUT_D), jnp.float32),
        pltpu.VMEM((16, _SW), jnp.float32),
        pltpu.VMEM((_BPW, _OUT_D), jnp.float32),
        pltpu.SemaphoreType.DMA,
        pltpu.SemaphoreType.DMA,
    ],
)
def _recombine(v_idx_hbm, d_idx_hbm, j_idx_hbm,
               v_bank_hbm, d_bank_hbm, j_bank_hbm,
               out_hbm, vi, di, ji, vb, db, jb, rows, sem_i, sem_o):
    wid = lax.axis_index("s") * _NC + lax.axis_index("c")
    base = wid * _BPW

    cpi = [
        pltpu.async_copy(v_idx_hbm.at[pl.ds(wid * _NCHUNK, _NCHUNK)], vi, sem_i),
        pltpu.async_copy(d_idx_hbm.at[pl.ds(wid * _NCHUNK, _NCHUNK)], di, sem_i),
        pltpu.async_copy(j_idx_hbm.at[pl.ds(wid * _NCHUNK, _NCHUNK)], ji, sem_i),
        pltpu.async_copy(v_bank_hbm, vb, sem_i),
        pltpu.async_copy(d_bank_hbm, db, sem_i),
        pltpu.async_copy(j_bank_hbm, jb, sem_i),
    ]
    for cp in cpi:
        cp.wait()

    out_cps = []
    for c in range(_NCHUNK):
        def grp_body(g, carry=None, c=c):
            o16 = g * _G
            vvec = vi[c, pl.ds(o16, _G)]
            dvec = di[c, pl.ds(o16, _G)]
            jvec = ji[c, pl.ds(o16, _G)]
            for l in range(_G):
                rr = c * _CHUNK + o16 + l
                r_v = vvec[l]
                r_d = dvec[l]
                r_j = jvec[l]
                t0 = vb[r_v, pl.ds(0, 16)]
                t1 = vb[r_v, pl.ds(16, 16)]
                t2 = vb[r_v, pl.ds(32, 16)] + db[r_d, pl.ds(32, 16)]
                t3 = db[r_d, pl.ds(48, 16)]
                t4 = db[r_d, pl.ds(64, 16)]
                t5 = db[r_d, pl.ds(80, 16)] + jb[r_j, pl.ds(0, 16)]
                t6 = jb[r_j, pl.ds(16, 16)]
                t7 = jb[r_j, pl.ds(32, 16)]
                rows[rr, pl.ds(0, 16)] = t0
                rows[rr, pl.ds(16, 16)] = t1
                rows[rr, pl.ds(32, 16)] = t2
                rows[rr, pl.ds(48, 16)] = t3
                rows[rr, pl.ds(64, 16)] = t4
                rows[rr, pl.ds(80, 16)] = t5
                rows[rr, pl.ds(96, 16)] = t6
                rows[rr, pl.ds(112, 16)] = t7
            return carry

        lax.fori_loop(0, _CHUNK // _G, grp_body, 0)
        out_cps.append(pltpu.async_copy(
            rows.at[pl.ds(c * _CHUNK, _CHUNK)],
            out_hbm.at[pl.ds(base + c * _CHUNK, _CHUNK)], sem_o))
    for cp in out_cps:
        cp.wait()


def kernel(v_idx, d_idx, j_idx, v_bank, d_bank, j_bank):
    vi = v_idx.astype(jnp.int32).reshape(_NW * _NCHUNK, _CHUNK)
    di = d_idx.astype(jnp.int32).reshape(_NW * _NCHUNK, _CHUNK)
    ji = j_idx.astype(jnp.int32).reshape(_NW * _NCHUNK, _CHUNK)
    v_p = jnp.pad(v_bank, ((0, 0), (0, _SW - _SEG)))
    d_p = jnp.pad(d_bank, ((0, 0), (_SEG, _OUT_D - 2 * _SEG)))
    j_p = jnp.pad(j_bank, ((0, 0), (_SW - (_OUT_D - 2 * _SEG), 0)))
    return _recombine(vi, di, ji, v_p, d_p, j_p)

# --- scband reference (transcript-rebuilt; emitter-appended) ---
"""Pipeline reference for scband-immune-repertoire-80994493268352 (READ-ONLY COPY).

The authoritative reference and input builder live on the scoring server;
editing this copy changes nothing except your own understanding.
"""

import jax, jax.numpy as jnp
import numpy as np

OUTPUT_DIM = 128
N_V, N_D, N_J = 64, 32, 16
SEG = OUTPUT_DIM // 3  # 42
V_DIM = SEG
D_DIM = SEG
J_DIM = OUTPUT_DIM - 2 * SEG  # 44
B = 16384


def setup_inputs(seed: int = 0) -> dict:
    key = jax.random.key(seed)
    k1, k2, k3, k4, k5, k6 = jax.random.split(key, 6)
    v_idx = jax.random.randint(k1, (B,), 0, N_V, dtype=jnp.int64 if jax.config.jax_enable_x64 else jnp.int32)
    d_idx = jax.random.randint(k2, (B,), 0, N_D, dtype=jnp.int64 if jax.config.jax_enable_x64 else jnp.int32)
    j_idx = jax.random.randint(k3, (B,), 0, N_J, dtype=jnp.int64 if jax.config.jax_enable_x64 else jnp.int32)
    v_bank = jax.random.normal(k4, (N_V, V_DIM), dtype=jnp.float32) * 0.02
    d_bank = jax.random.normal(k5, (N_D, D_DIM), dtype=jnp.float32) * 0.02
    j_bank = jax.random.normal(k6, (N_J, J_DIM), dtype=jnp.float32) * 0.02
    return {"v_idx": v_idx, "d_idx": d_idx, "j_idx": j_idx,
            "v_bank": v_bank, "d_bank": d_bank, "j_bank": j_bank}


def reference(v_idx, d_idx, j_idx, v_bank, d_bank, j_bank):
    # recombine: gather V, D, J segments and concatenate along feature dim
    v = jnp.take(v_bank, v_idx, axis=0)
    d = jnp.take(d_bank, d_idx, axis=0)
    j = jnp.take(j_bank, j_idx, axis=0)
    return jnp.concatenate([v, d, j], axis=-1)

if __name__ == "__main__":
    import jax
    _d = setup_inputs()
    print(jax.jit(kernel)(*tuple(_d.values())))

</pallas_src>

<mosaic_0001>
#map = affine_map<(d0, d1) -> (0, 0)>
module attributes {stable_mosaic.version = 14 : i64} {
  func.func @_recombine(%arg0: i32, %arg1: i32, %arg2: memref<64x256xi32, #tpu.memory_space<hbm>>, %arg3: memref<64x256xi32, #tpu.memory_space<hbm>>, %arg4: memref<64x256xi32, #tpu.memory_space<hbm>>, %arg5: memref<64x48xf32, #tpu.memory_space<hbm>>, %arg6: memref<32x128xf32, #tpu.memory_space<hbm>>, %arg7: memref<16x48xf32, #tpu.memory_space<hbm>>, %arg8: memref<16384x128xf32, #tpu.memory_space<hbm>>, %arg9: memref<2x256xi32, #tpu.memory_space<vmem>>, %arg10: memref<2x256xi32, #tpu.memory_space<vmem>>, %arg11: memref<2x256xi32, #tpu.memory_space<vmem>>, %arg12: memref<64x48xf32, #tpu.memory_space<vmem>>, %arg13: memref<32x128xf32, #tpu.memory_space<vmem>>, %arg14: memref<16x48xf32, #tpu.memory_space<vmem>>, %arg15: memref<512x128xf32, #tpu.memory_space<vmem>>, %arg16: memref<!tpu.dma_semaphore, #tpu.memory_space<semaphore_mem>>, %arg17: memref<!tpu.dma_semaphore, #tpu.memory_space<semaphore_mem>>) attributes {dimension_semantics = [#tpu.dimension_semantics<core_parallel>, #tpu.dimension_semantics<subcore_parallel>], iteration_bounds = array<i64: 2, 16>, scalar_prefetch = 0 : i64, scratch_operands = 9 : i64, tpu.core_type = #tpu.core_type<sc_vector_subcore>, window_params = [{transform_indices = #map}, {transform_indices = #map}, {transform_indices = #map}, {transform_indices = #map}, {transform_indices = #map}, {transform_indices = #map}, {transform_indices = #map}]} {
    %mul3A = arith.constant 2 : i32
    %mul3A_0 = arith.muli %arg1, %mul3A : i32
    %add3A = arith.addi %mul3A_0, %arg0 : i32
    %mul3A_1 = arith.constant 512 : i32
    %mul3A_2 = arith.muli %add3A, %mul3A_1 : i32
    %mul3A_3 = arith.constant 2 : i32
    %mul3A_4 = arith.muli %add3A, %mul3A_3 : i32
    %dma_start3A = arith.constant 0 : i32
    %dma_start3A_5 = tpu.memref_slice %arg2[%mul3A_4, %dma_start3A] : memref<64x256xi32, #tpu.memory_space<hbm>> -> memref<2x256xi32, #tpu.memory_space<hbm>>
    %dma_start3A_6 = arith.constant 0 : i32
    %dma_start3A_7 = tpu.memref_slice %arg2[%mul3A_4, %dma_start3A_6] : memref<64x256xi32, #tpu.memory_space<hbm>> -> memref<2x256xi32, #tpu.memory_space<hbm>>
    tpu.enqueue_dma source(%dma_start3A_7 : memref<2x256xi32, #tpu.memory_space<hbm>>) target(%arg9 : memref<2x256xi32, #tpu.memory_space<vmem>>) target_semaphore(%arg16 : memref<!tpu.dma_semaphore, #tpu.memory_space<semaphore_mem>>)
    %mul3A_8 = arith.constant 2 : i32
    %mul3A_9 = arith.muli %add3A, %mul3A_8 : i32
    %dma_start3A_10 = arith.constant 0 : i32
    %dma_start3A_11 = tpu.memref_slice %arg3[%mul3A_9, %dma_start3A_10] : memref<64x256xi32, #tpu.memory_space<hbm>> -> memref<2x256xi32, #tpu.memory_space<hbm>>
    %dma_start3A_12 = arith.constant 0 : i32
    %dma_start3A_13 = tpu.memref_slice %arg3[%mul3A_9, %dma_start3A_12] : memref<64x256xi32, #tpu.memory_space<hbm>> -> memref<2x256xi32, #tpu.memory_space<hbm>>
    tpu.enqueue_dma source(%dma_start3A_13 : memref<2x256xi32, #tpu.memory_space<hbm>>) target(%arg10 : memref<2x256xi32, #tpu.memory_space<vmem>>) target_semaphore(%arg16 : memref<!tpu.dma_semaphore, #tpu.memory_space<semaphore_mem>>)
    %mul3A_14 = arith.constant 2 : i32
    %mul3A_15 = arith.muli %add3A, %mul3A_14 : i32
    %dma_start3A_16 = arith.constant 0 : i32
    %dma_start3A_17 = tpu.memref_slice %arg4[%mul3A_15, %dma_start3A_16] : memref<64x256xi32, #tpu.memory_space<hbm>> -> memref<2x256xi32, #tpu.memory_space<hbm>>
    %dma_start3A_18 = arith.constant 0 : i32
    %dma_start3A_19 = tpu.memref_slice %arg4[%mul3A_15, %dma_start3A_18] : memref<64x256xi32, #tpu.memory_space<hbm>> -> memref<2x256xi32, #tpu.memory_space<hbm>>
    tpu.enqueue_dma source(%dma_start3A_19 : memref<2x256xi32, #tpu.memory_space<hbm>>) target(%arg11 : memref<2x256xi32, #tpu.memory_space<vmem>>) target_semaphore(%arg16 : memref<!tpu.dma_semaphore, #tpu.memory_space<semaphore_mem>>)
    tpu.enqueue_dma source(%arg5 : memref<64x48xf32, #tpu.memory_space<hbm>>) target(%arg12 : memref<64x48xf32, #tpu.memory_space<vmem>>) target_semaphore(%arg16 : memref<!tpu.dma_semaphore, #tpu.memory_space<semaphore_mem>>)
    tpu.enqueue_dma source(%arg6 : memref<32x128xf32, #tpu.memory_space<hbm>>) target(%arg13 : memref<32x128xf32, #tpu.memory_space<vmem>>) target_semaphore(%arg16 : memref<!tpu.dma_semaphore, #tpu.memory_space<semaphore_mem>>)
    tpu.enqueue_dma source(%arg7 : memref<16x48xf32, #tpu.memory_space<hbm>>) target(%arg14 : memref<16x48xf32, #tpu.memory_space<vmem>>) target_semaphore(%arg16 : memref<!tpu.dma_semaphore, #tpu.memory_space<semaphore_mem>>)
    %dma_wait3A = arith.constant 0 : i32
    %dma_wait3A_20 = tpu.memref_slice %arg2[%mul3A_4, %dma_wait3A] : memref<64x256xi32, #tpu.memory_space<hbm>> -> memref<2x256xi32, #tpu.memory_space<hbm>>
    %dma_wait3A_21 = arith.constant 0 : i32
    %dma_wait3A_22 = tpu.memref_slice %arg2[%mul3A_4, %dma_wait3A_21] : memref<64x256xi32, #tpu.memory_space<hbm>> -> memref<2x256xi32, #tpu.memory_space<hbm>>
    tpu.wait_dma2 semaphore(%arg16 : memref<!tpu.dma_semaphore, #tpu.memory_space<semaphore_mem>>) src(%dma_wait3A_22 : memref<2x256xi32, #tpu.memory_space<hbm>>) dst(%arg9 : memref<2x256xi32, #tpu.memory_space<vmem>>)
    %dma_wait3A_23 = arith.constant 0 : i32
    %dma_wait3A_24 = tpu.memref_slice %arg3[%mul3A_9, %dma_wait3A_23] : memref<64x256xi32, #tpu.memory_space<hbm>> -> memref<2x256xi32, #tpu.memory_space<hbm>>
    %dma_wait3A_25 = arith.constant 0 : i32
    %dma_wait3A_26 = tpu.memref_slice %arg3[%mul3A_9, %dma_wait3A_25] : memref<64x256xi32, #tpu.memory_space<hbm>> -> memref<2x256xi32, #tpu.memory_space<hbm>>
    tpu.wait_dma2 semaphore(%arg16 : memref<!tpu.dma_semaphore, #tpu.memory_space<semaphore_mem>>) src(%dma_wait3A_26 : memref<2x256xi32, #tpu.memory_space<hbm>>) dst(%arg10 : memref<2x256xi32, #tpu.memory_space<vmem>>)
    %dma_wait3A_27 = arith.constant 0 : i32
    %dma_wait3A_28 = tpu.memref_slice %arg4[%mul3A_15, %dma_wait3A_27] : memref<64x256xi32, #tpu.memory_space<hbm>> -> memref<2x256xi32, #tpu.memory_space<hbm>>
    %dma_wait3A_29 = arith.constant 0 : i32
    %dma_wait3A_30 = tpu.memref_slice %arg4[%mul3A_15, %dma_wait3A_29] : memref<64x256xi32, #tpu.memory_space<hbm>> -> memref<2x256xi32, #tpu.memory_space<hbm>>
    tpu.wait_dma2 semaphore(%arg16 : memref<!tpu.dma_semaphore, #tpu.memory_space<semaphore_mem>>) src(%dma_wait3A_30 : memref<2x256xi32, #tpu.memory_space<hbm>>) dst(%arg11 : memref<2x256xi32, #tpu.memory_space<vmem>>)
    tpu.wait_dma2 semaphore(%arg16 : memref<!tpu.dma_semaphore, #tpu.memory_space<semaphore_mem>>) src(%arg5 : memref<64x48xf32, #tpu.memory_space<hbm>>) dst(%arg12 : memref<64x48xf32, #tpu.memory_space<vmem>>)
    tpu.wait_dma2 semaphore(%arg16 : memref<!tpu.dma_semaphore, #tpu.memory_space<semaphore_mem>>) src(%arg6 : memref<32x128xf32, #tpu.memory_space<hbm>>) dst(%arg13 : memref<32x128xf32, #tpu.memory_space<vmem>>)
    tpu.wait_dma2 semaphore(%arg16 : memref<!tpu.dma_semaphore, #tpu.memory_space<semaphore_mem>>) src(%arg7 : memref<16x48xf32, #tpu.memory_space<hbm>>) dst(%arg14 : memref<16x48xf32, #tpu.memory_space<vmem>>)
    %scan3A = arith.constant 0 : i32
    %scan3A_31 = arith.constant 0 : i32
    %scan3A_32 = arith.constant 16 : i32
    %scan3A_33 = arith.addi %scan3A_31, %scan3A_32 : i32
    %scan3A_34 = arith.constant 1 : i32
    scf.for %scan3A_86 = %scan3A_31 to %scan3A_33 step %scan3A_34  : i32 {
      %mul3A_87 = arith.constant 16 : i32
      %mul3A_88 = arith.muli %scan3A_86, %mul3A_87 : i32
      %get3A = arith.constant 0 : i32
      %get3A_89 = arith.index_cast %get3A : i32 to index
      %get3A_90 = arith.index_cast %mul3A_88 : i32 to index
      %get3A_91 = tpu.vector_load %arg9[%get3A_89, %get3A_90] {strides = array<i32>} : memref<2x256xi32, #tpu.memory_space<vmem>>, vector<1x16xi32>,
      %get3A_92 = vector.shape_cast %get3A_91 : vector<1x16xi32> to vector<16xi32>
      %get3A_93 = arith.constant 0 : i32
      %get3A_94 = arith.index_cast %get3A_93 : i32 to index
      %get3A_95 = arith.index_cast %mul3A_88 : i32 to index
      %get3A_96 = tpu.vector_load %arg10[%get3A_94, %get3A_95] {strides = array<i32>} : memref<2x256xi32, #tpu.memory_space<vmem>>, vector<1x16xi32>,
      %get3A_97 = vector.shape_cast %get3A_96 : vector<1x16xi32> to vector<16xi32>
      %get3A_98 = arith.constant 0 : i32
      %get3A_99 = arith.index_cast %get3A_98 : i32 to index
      %get3A_100 = arith.index_cast %mul3A_88 : i32 to index
      %get3A_101 = tpu.vector_load %arg11[%get3A_99, %get3A_100] {strides = array<i32>} : memref<2x256xi32, #tpu.memory_space<vmem>>, vector<1x16xi32>,
      %get3A_102 = vector.shape_cast %get3A_101 : vector<1x16xi32> to vector<16xi32>
      %add3A_103 = arith.constant 0 : i32
      %add3A_104 = arith.addi %add3A_103, %mul3A_88 : i32
      %add3A_105 = arith.constant 0 : i32
      %add3A_106 = arith.addi %add3A_104, %add3A_105 : i32
      %slice3A = vector.extract_strided_slice %get3A_92 {offsets = [0], sizes = [1], strides = [1]} : vector<16xi32> to vector<1xi32>
      %squeeze3A = vector.extract %slice3A[0] : i32 from vector<1xi32>
      %slice3A_107 = vector.extract_strided_slice %get3A_97 {offsets = [0], sizes = [1], strides = [1]} : vector<16xi32> to vector<1xi32>
      %squeeze3A_108 = vector.extract %slice3A_107[0] : i32 from vector<1xi32>
      %slice3A_109 = vector.extract_strided_slice %get3A_102 {offsets = [0], sizes = [1], strides = [1]} : vector<16xi32> to vector<1xi32>
      %squeeze3A_110 = vector.extract %slice3A_109[0] : i32 from vector<1xi32>
      %get3A_111 = arith.index_cast %squeeze3A : i32 to index
      %get3A_112 = arith.constant 0 : index
      %get3A_113 = tpu.vector_load %arg12[%get3A_111, %get3A_112] {strides = array<i32>} : memref<64x48xf32, #tpu.memory_space<vmem>>, vector<1x16xf32>,
      %get3A_114 = vector.shape_cast %get3A_113 : vector<1x16xf32> to vector<16xf32>
      %get3A_115 = arith.index_cast %squeeze3A : i32 to index
      %get3A_116 = arith.constant 16 : index
      %get3A_117 = tpu.vector_load %arg12[%get3A_115, %get3A_116] {strides = array<i32>} : memref<64x48xf32, #tpu.memory_space<vmem>>, vector<1x16xf32>,
      %get3A_118 = vector.shape_cast %get3A_117 : vector<1x16xf32> to vector<16xf32>
      %get3A_119 = arith.index_cast %squeeze3A : i32 to index
      %get3A_120 = arith.constant 32 : index
      %get3A_121 = tpu.vector_load %arg12[%get3A_119, %get3A_120] {strides = array<i32>} : memref<64x48xf32, #tpu.memory_space<vmem>>, vector<1x16xf32>,
      %get3A_122 = vector.shape_cast %get3A_121 : vector<1x16xf32> to vector<16xf32>
      %get3A_123 = arith.index_cast %squeeze3A_108 : i32 to index
      %get3A_124 = arith.constant 32 : index
      %get3A_125 = tpu.vector_load %arg13[%get3A_123, %get3A_124] {strides = array<i32>} : memref<32x128xf32, #tpu.memory_space<vmem>>, vector<1x16xf32>,
      %get3A_126 = vector.shape_cast %get3A_125 : vector<1x16xf32> to vector<16xf32>
      %add3A_127 = arith.addf %get3A_122, %get3A_126 : vector<16xf32>
      %get3A_128 = arith.index_cast %squeeze3A_108 : i32 to index
      %get3A_129 = arith.constant 48 : index
      %get3A_130 = tpu.vector_load %arg13[%get3A_128, %get3A_129] {strides = array<i32>} : memref<32x128xf32, #tpu.memory_space<vmem>>, vector<1x16xf32>,
      %get3A_131 = vector.shape_cast %get3A_130 : vector<1x16xf32> to vector<16xf32>
      %get3A_132 = arith.index_cast %squeeze3A_108 : i32 to index
      %get3A_133 = arith.constant 64 : index
      %get3A_134 = tpu.vector_load %arg13[%get3A_132, %get3A_133] {strides = array<i32>} : memref<32x128xf32, #tpu.memory_space<vmem>>, vector<1x16xf32>,
      %get3A_135 = vector.shape_cast %get3A_134 : vector<1x16xf32> to vector<16xf32>
      %get3A_136 = arith.index_cast %squeeze3A_108 : i32 to index
      %get3A_137 = arith.constant 80 : index
      %get3A_138 = tpu.vector_load %arg13[%get3A_136, %get3A_137] {strides = array<i32>} : memref<32x128xf32, #tpu.memory_space<vmem>>, vector<1x16xf32>,
      %get3A_139 = vector.shape_cast %get3A_138 : vector<1x16xf32> to vector<16xf32>
      %get3A_140 = arith.index_cast %squeeze3A_110 : i32 to index
      %get3A_141 = arith.constant 0 : index
      %get3A_142 = tpu.vector_load %arg14[%get3A_140, %get3A_141] {strides = array<i32>} : memref<16x48xf32, #tpu.memory_space<vmem>>, vector<1x16xf32>,
      %get3A_143 = vector.shape_cast %get3A_142 : vector<1x16xf32> to vector<16xf32>
      %add3A_144 = arith.addf %get3A_139, %get3A_143 : vector<16xf32>
      %get3A_145 = arith.index_cast %squeeze3A_110 : i32 to index
      %get3A_146 = arith.constant 16 : index
      %get3A_147 = tpu.vector_load %arg14[%get3A_145, %get3A_146] {strides = array<i32>} : memref<16x48xf32, #tpu.memory_space<vmem>>, vector<1x16xf32>,
      %get3A_148 = vector.shape_cast %get3A_147 : vector<1x16xf32> to vector<16xf32>
      %get3A_149 = arith.index_cast %squeeze3A_110 : i32 to index
      %get3A_150 = arith.constant 32 : index
      %get3A_151 = tpu.vector_load %arg14[%get3A_149, %get3A_150] {strides = array<i32>} : memref<16x48xf32, #tpu.memory_space<vmem>>, vector<1x16xf32>,
      %get3A_152 = vector.shape_cast %get3A_151 : vector<1x16xf32> to vector<16xf32>
      %swap3A = arith.index_cast %add3A_106 : i32 to index
      %swap3A_153 = arith.constant 0 : index
      %swap3A_154 = tpu.vector_load %arg15[%swap3A, %swap3A_153] {strides = array<i32>} : memref<512x128xf32, #tpu.memory_space<vmem>>, vector<1x16xf32>,
      %swap3A_155 = vector.shape_cast %swap3A_154 : vector<1x16xf32> to vector<16xf32>
      %swap3A_156 = vector.shape_cast %get3A_114 : vector<16xf32> to vector<1x16xf32>
      tpu.vector_store %arg15[%swap3A, %swap3A_153], %swap3A_156 {strides = array<i32>} : memref<512x128xf32, #tpu.memory_space<vmem>>, vector<1x16xf32>,
      %swap3A_157 = arith.index_cast %add3A_106 : i32 to index
      %swap3A_158 = arith.constant 16 : index
      %swap3A_159 = tpu.vector_load %arg15[%swap3A_157, %swap3A_158] {strides = array<i32>} : memref<512x128xf32, #tpu.memory_space<vmem>>, vector<1x16xf32>,
      %swap3A_160 = vector.shape_cast %swap3A_159 : vector<1x16xf32> to vector<16xf32>
      %swap3A_161 = vector.shape_cast %get3A_118 : vector<16xf32> to vector<1x16xf32>
      tpu.vector_store %arg15[%swap3A_157, %swap3A_158], %swap3A_161 {strides = array<i32>} : memref<512x128xf32, #tpu.memory_space<vmem>>, vector<1x16xf32>,
      %swap3A_162 = arith.index_cast %add3A_106 : i32 to index
      %swap3A_163 = arith.constant 32 : index
      %swap3A_164 = tpu.vector_load %arg15[%swap3A_162, %swap3A_163] {strides = array<i32>} : memref<512x128xf32, #tpu.memory_space<vmem>>, vector<1x16xf32>,
      %swap3A_165 = vector.shape_cast %swap3A_164 : vector<1x16xf32> to vector<16xf32>
      %swap3A_166 = vector.shape_cast %add3A_127 : vector<16xf32> to vector<1x16xf32>
      tpu.vector_store %arg15[%swap3A_162, %swap3A_163], %swap3A_166 {strides = array<i32>} : memref<512x128xf32, #tpu.memory_space<vmem>>, vector<1x16xf32>,
      %swap3A_167 = arith.index_cast %add3A_106 : i32 to index
      %swap3A_168 = arith.constant 48 : index
      %swap3A_169 = tpu.vector_load %arg15[%swap3A_167, %swap3A_168] {strides = array<i32>} : memref<512x128xf32, #tpu.memory_space<vmem>>, vector<1x16xf32>,
      %swap3A_170 = vector.shape_cast %swap3A_169 : vector<1x16xf32> to vector<16xf32>
      %swap3A_171 = vector.shape_cast %get3A_131 : vector<16xf32> to vector<1x16xf32>
      tpu.vector_store %arg15[%swap3A_167, %swap3A_168], %swap3A_171 {strides = array<i32>} : memref<512x128xf32, #tpu.memory_space<vmem>>, vector<1x16xf32>,
      %swap3A_172 = arith.index_cast %add3A_106 : i32 to index
      %swap3A_173 = arith.constant 64 : index
      %swap3A_174 = tpu.vector_load %arg15[%swap3A_172, %swap3A_173] {strides = array<i32>} : memref<512x128xf32, #tpu.memory_space<vmem>>, vector<1x16xf32>,
      %swap3A_175 = vector.shape_cast %swap3A_174 : vector<1x16xf32> to vector<16xf32>
      %swap3A_176 = vector.shape_cast %get3A_135 : vector<16xf32> to vector<1x16xf32>
      tpu.vector_store %arg15[%swap3A_172, %swap3A_173], %swap3A_176 {strides = array<i32>} : memref<512x128xf32, #tpu.memory_space<vmem>>, vector<1x16xf32>,
      %swap3A_177 = arith.index_cast %add3A_106 : i32 to index
      %swap3A_178 = arith.constant 80 : index
      %swap3A_179 = tpu.vector_load %arg15[%swap3A_177, %swap3A_178] {strides = array<i32>} : memref<512x128xf32, #tpu.memory_space<vmem>>, vector<1x16xf32>,
      %swap3A_180 = vector.shape_cast %swap3A_179 : vector<1x16xf32> to vector<16xf32>
      %swap3A_181 = vector.shape_cast %add3A_144 : vector<16xf32> to vector<1x16xf32>
      tpu.vector_store %arg15[%swap3A_177, %swap3A_178], %swap3A_181 {strides = array<i32>} : memref<512x128xf32, #tpu.memory_space<vmem>>, vector<1x16xf32>,
      %swap3A_182 = arith.index_cast %add3A_106 : i32 to index
      %swap3A_183 = arith.constant 96 : index
      %swap3A_184 = tpu.vector_load %arg15[%swap3A_182, %swap3A_183] {strides = array<i32>} : memref<512x128xf32, #tpu.memory_space<vmem>>, vector<1x16xf32>,
      %swap3A_185 = vector.shape_cast %swap3A_184 : vector<1x16xf32> to vector<16xf32>
      %swap3A_186 = vector.shape_cast %get3A_148 : vector<16xf32> to vector<1x16xf32>
      tpu.vector_store %arg15[%swap3A_182, %swap3A_183], %swap3A_186 {strides = array<i32>} : memref<512x128xf32, #tpu.memory_space<vmem>>, vector<1x16xf32>,
      %swap3A_187 = arith.index_cast %add3A_106 : i32 to index
      %swap3A_188 = arith.constant 112 : index
      %swap3A_189 = tpu.vector_load %arg15[%swap3A_187, %swap3A_188] {strides = array<i32>} : memref<512x128xf32, #tpu.memory_space<vmem>>, vector<1x16xf32>,
      %swap3A_190 = vector.shape_cast %swap3A_189 : vector<1x16xf32> to vector<16xf32>
      %swap3A_191 = vector.shape_cast %get3A_152 : vector<16xf32> to vector<1x16xf32>
      tpu.vector_store %arg15[%swap3A_187, %swap3A_188], %swap3A_191 {strides = array<i32>} : memref<512x128xf32, #tpu.memory_space<vmem>>, vector<1x16xf32>,
      %add3A_192 = arith.constant 0 : i32
      %add3A_193 = arith.addi %add3A_192, %mul3A_88 : i32
      %add3A_194 = arith.constant 1 : i32
      %add3A_195 = arith.addi %add3A_193, %add3A_194 : i32
      %slice3A_196 = vector.extract_strided_slice %get3A_92 {offsets = [1], sizes = [1], strides = [1]} : vector<16xi32> to vector<1xi32>
      %squeeze3A_197 = vector.extract %slice3A_196[0] : i32 from vector<1xi32>
      %slice3A_198 = vector.extract_strided_slice %get3A_97 {offsets = [1], sizes = [1], strides = [1]} : vector<16xi32> to vector<1xi32>
      %squeeze3A_199 = vector.extract %slice3A_198[0] : i32 from vector<1xi32>
      %slice3A_200 = vector.extract_strided_slice %get3A_102 {offsets = [1], sizes = [1], strides = [1]} : vector<16xi32> to vector<1xi32>
      %squeeze3A_201 = vector.extract %slice3A_200[0] : i32 from vector<1xi32>
      %get3A_202 = arith.index_cast %squeeze3A_197 : i32 to index
      %get3A_203 = arith.constant 0 : index
      %get3A_204 = tpu.vector_load %arg12[%get3A_202, %get3A_203] {strides = array<i32>} : memref<64x48xf32, #tpu.memory_space<vmem>>, vector<1x16xf32>,
      %get3A_205 = vector.shape_cast %get3A_204 : vector<1x16xf32> to vector<16xf32>
      %get3A_206 = arith.index_cast %squeeze3A_197 : i32 to index
      %get3A_207 = arith.constant 16 : index
      %get3A_208 = tpu.vector_load %arg12[%get3A_206, %get3A_207] {strides = array<i32>} : memref<64x48xf32, #tpu.memory_space<vmem>>, vector<1x16xf32>,
      %get3A_209 = vector.shape_cast %get3A_208 : vector<1x16xf32> to vector<16xf32>
      %get3A_210 = arith.index_cast %squeeze3A_197 : i32 to index
      %get3A_211 = arith.constant 32 : index
      %get3A_212 = tpu.vector_load %arg12[%get3A_210, %get3A_211] {strides = array<i32>} : memref<64x48xf32, #tpu.memory_space<vmem>>, vector<1x16xf32>,
      %get3A_213 = vector.shape_cast %get3A_212 : vector<1x16xf32> to vector<16xf32>
      %get3A_214 = arith.index_cast %squeeze3A_199 : i32 to index
      %get3A_215 = arith.constant 32 : index
      %get3A_216 = tpu.vector_load %arg13[%get3A_214, %get3A_215] {strides = array<i32>} : memref<32x128xf32, #tpu.memory_space<vmem>>, vector<1x16xf32>,
      %get3A_217 = vector.shape_cast %get3A_216 : vector<1x16xf32> to vector<16xf32>
      %add3A_218 = arith.addf %get3A_213, %get3A_217 : vector<16xf32>
      %get3A_219 = arith.index_cast %squeeze3A_199 : i32 to index
      %get3A_220 = arith.constant 48 : index
      %get3A_221 = tpu.vector_load %arg13[%get3A_219, %get3A_220] {strides = array<i32>} : memref<32x128xf32, #tpu.memory_space<vmem>>, vector<1x16xf32>,
      %get3A_222 = vector.shape_cast %get3A_221 : vector<1x16xf32> to vector<16xf32>
      %get3A_223 = arith.index_cast %squeeze3A_199 : i32 to index
      %get3A_224 = arith.constant 64 : index
      %get3A_225 = tpu.vector_load %arg13[%get3A_223, %get3A_224] {strides = array<i32>} : memref<32x128xf32, #tpu.memory_space<vmem>>, vector<1x16xf32>,
      %get3A_226 = vector.shape_cast %get3A_225 : vector<1x16xf32> to vector<16xf32>
      %get3A_227 = arith.index_cast %squeeze3A_199 : i32 to index
      %get3A_228 = arith.constant 80 : index
      %get3A_229 = tpu.vector_load %arg13[%get3A_227, %get3A_228] {strides = array<i32>} : memref<32x128xf32, #tpu.memory_space<vmem>>, vector<1x16xf32>,
      %get3A_230 = vector.shape_cast %get3A_229 : vector<1x16xf32> to vector<16xf32>
      %get3A_231 = arith.index_cast %squeeze3A_201 : i32 to index
      %get3A_232 = arith.constant 0 : index
      %get3A_233 = tpu.vector_load %arg14[%get3A_231, %get3A_232] {strides = array<i32>} : memref<16x48xf32, #tpu.memory_space<vmem>>, vector<1x16xf32>,
      %get3A_234 = vector.shape_cast %get3A_233 : vector<1x16xf32> to vector<16xf32>
      %add3A_235 = arith.addf %get3A_230, %get3A_234 : vector<16xf32>
      %get3A_236 = arith.index_cast %squeeze3A_201 : i32 to index
      %get3A_237 = arith.constant 16 : index
      %get3A_238 = tpu.vector_load %arg14[%get3A_236, %get3A_237] {strides = array<i32>} : memref<16x48xf32, #tpu.memory_space<vmem>>, vector<1x16xf32>,
      %get3A_239 = vector.shape_cast %get3A_238 : vector<1x16xf32> to vector<16xf32>
      %get3A_240 = arith.index_cast %squeeze3A_201 : i32 to index
      %get3A_241 = arith.constant 32 : index
      %get3A_242 = tpu.vector_load %arg14[%get3A_240, %get3A_241] {strides = array<i32>} : memref<16x48xf32, #tpu.memory_space<vmem>>, vector<1x16xf32>,
      %get3A_243 = vector.shape_cast %get3A_242 : vector<1x16xf32> to vector<16xf32>
      %swap3A_244 = arith.index_cast %add3A_195 : i32 to index
      %swap3A_245 = arith.constant 0 : index
      %swap3A_246 = tpu.vector_load %arg15[%swap3A_244, %swap3A_245] {strides = array<i32>} : memref<512x128xf32, #tpu.memory_space<vmem>>, vector<1x16xf32>,
      %swap3A_247 = vector.shape_cast %swap3A_246 : vector<1x16xf32> to vector<16xf32>
      %swap3A_248 = vector.shape_cast %get3A_205 : vector<16xf32> to vector<1x16xf32>
      tpu.vector_store %arg15[%swap3A_244, %swap3A_245], %swap3A_248 {strides = array<i32>} : memref<512x128xf32, #tpu.memory_space<vmem>>, vector<1x16xf32>,
      %swap3A_249 = arith.index_cast %add3A_195 : i32 to index
      %swap3A_250 = arith.constant 16 : index
      %swap3A_251 = tpu.vector_load %arg15[%swap3A_249, %swap3A_250] {strides = array<i32>} : memref<512x128xf32, #tpu.memory_space<vmem>>, vector<1x16xf32>,
      %swap3A_252 = vector.shape_cast %swap3A_251 : vector<1x16xf32> to vector<16xf32>
      %swap3A_253 = vector.shape_cast %get3A_209 : vector<16xf32> to vector<1x16xf32>
      tpu.vector_store %arg15[%swap3A_249, %swap3A_250], %swap3A_253 {strides = array<i32>} : memref<512x128xf32, #tpu.memory_space<vmem>>, vector<1x16xf32>,
      %swap3A_254 = arith.index_cast %add3A_195 : i32 to index
      %swap3A_255 = arith.constant 32 : index
      %swap3A_256 = tpu.vector_load %arg15[%swap3A_254, %swap3A_255] {strides = array<i32>} : memref<512x128xf32, #tpu.memory_space<vmem>>, vector<1x16xf32>,
      %swap3A_257 = vector.shape_cast %swap3A_256 : vector<1x16xf32> to vector<16xf32>
      %swap3A_258 = vector.shape_cast %add3A_218 : vector<16xf32> to vector<1x16xf32>
      tpu.vector_store %arg15[%swap3A_254, %swap3A_255], %swap3A_258 {strides = array<i32>} : memref<512x128xf32, #tpu.memory_space<vmem>>, vector<1x16xf32>,
      %swap3A_259 = arith.index_cast %add3A_195 : i32 to index
      %swap3A_260 = arith.constant 48 : index
      %swap3A_261 = tpu.vector_load %arg15[%swap3A_259, %swap3A_260] {strides = array<i32>} : memref<512x128xf32, #tpu.memory_space<vmem>>, vector<1x16xf32>,
      %swap3A_262 = vector.shape_cast %swap3A_261 : vector<1x16xf32> to vector<16xf32>
      %swap3A_263 = vector.shape_cast %get3A_222 : vector<16xf32> to vector<1x16xf32>
      tpu.vector_store %arg15[%swap3A_259, %swap3A_260], %swap3A_263 {strides = array<i32>} : memref<512x128xf32, #tpu.memory_space<vmem>>, vector<1x16xf32>,
      %swap3A_264 = arith.index_cast %add3A_195 : i32 to index
      %swap3A_265 = arith.constant 64 : index
      %swap3A_266 = tpu.vector_load %arg15[%swap3A_264, %swap3A_265] {strides = array<i32>} : memref<512x128xf32, #tpu.memory_space<vmem>>, vector<1x16xf32>,
      %swap3A_267 = vector.shape_cast %swap3A_266 : vector<1x16xf32> to vector<16xf32>
      %swap3A_268 = vector.shape_cast %get3A_226 : vector<16xf32> to vector<1x16xf32>
      tpu.vector_store %arg15[%swap3A_264, %swap3A_265], %swap3A_268 {strides = array<i32>} : memref<512x128xf32, #tpu.memory_space<vmem>>, vector<1x16xf32>,
      %swap3A_269 = arith.index_cast %add3A_195 : i32 to index
      %swap3A_270 = arith.constant 80 : index
      %swap3A_271 = tpu.vector_load %arg15[%swap3A_269, %swap3A_270] {strides = array<i32>} : memref<512x128xf32, #tpu.memory_space<vmem>>, vector<1x16xf32>,
      %swap3A_272 = vector.shape_cast %swap3A_271 : vector<1x16xf32> to vector<16xf32>
      %swap3A_273 = vector.shape_cast %add3A_235 : vector<16xf32> to vector<1x16xf32>
      tpu.vector_store %arg15[%swap3A_269, %swap3A_270], %swap3A_273 {strides = array<i32>} : memref<512x128xf32, #tpu.memory_space<vmem>>, vector<1x16xf32>,
      %swap3A_274 = arith.index_cast %add3A_195 : i32 to index
      %swap3A_275 = arith.constant 96 : index
      %swap3A_276 = tpu.vector_load %arg15[%swap3A_274, %swap3A_275] {strides = array<i32>} : memref<512x128xf32, #tpu.memory_space<vmem>>, vector<1x16xf32>,
      %swap3A_277 = vector.shape_cast %swap3A_276 : vector<1x16xf32> to vector<16xf32>
      %swap3A_278 = vector.shape_cast %get3A_239 : vector<16xf32> to vector<1x16xf32>
      tpu.vector_store %arg15[%swap3A_274, %swap3A_275], %swap3A_278 {strides = array<i32>} : memref<512x128xf32, #tpu.memory_space<vmem>>, vector<1x16xf32>,
      %swap3A_279 = arith.index_cast %add3A_195 : i32 to index
      %swap3A_280 = arith.constant 112 : index
      %swap3A_281 = tpu.vector_load %arg15[%swap3A_279, %swap3A_280] {strides = array<i32>} : memref<512x128xf32, #tpu.memory_space<vmem>>, vector<1x16xf32>,
      %swap3A_282 = vector.shape_cast %swap3A_281 : vector<1x16xf32> to vector<16xf32>
      %swap3A_283 = vector.shape_cast %get3A_243 : vector<16xf32> to vector<1x16xf32>
      tpu.vector_store %arg15[%swap3A_279, %swap3A_280], %swap3A_283 {strides = array<i32>} : memref<512x128xf32, #tpu.memory_space<vmem>>, vector<1x16xf32>,
      %add3A_284 = arith.constant 0 : i32
      %add3A_285 = arith.addi %add3A_284, %mul3A_88 : i32
      %add3A_286 = arith.constant 2 : i32
      %add3A_287 = arith.addi %add3A_285, %add3A_286 : i32
      %slice3A_288 = vector.extract_strided_slice %get3A_92 {offsets = [2], sizes = [1], strides = [1]} : vector<16xi32> to vector<1xi32>
      %squeeze3A_289 = vector.extract %slice3A_288[0] : i32 from vector<1xi32>
      %slice3A_290 = vector.extract_strided_slice %get3A_97 {offsets = [2], sizes = [1], strides = [1]} : vector<16xi32> to vector<1xi32>
      %squeeze3A_291 = vector.extract %slice3A_290[0] : i32 from vector<1xi32>
      %slice3A_292 = vector.extract_strided_slice %get3A_102 {offsets = [2], sizes = [1], strides = [1]} : vector<16xi32> to vector<1xi32>
      %squeeze3A_293 = vector.extract %slice3A_292[0] : i32 from vector<1xi32>
      %get3A_294 = arith.index_cast %squeeze3A_289 : i32 to index
      %get3A_295 = arith.constant 0 : index
      %get3A_296 = tpu.vector_load %arg12[%get3A_294, %get3A_295] {strides = array<i32>} : memref<64x48xf32, #tpu.memory_space<vmem>>, vector<1x16xf32>,
      %get3A_297 = vector.shape_cast %get3A_296 : vector<1x16xf32> to vector<16xf32>
      %get3A_298 = arith.index_cast %squeeze3A_289 : i32 to index
      %get3A_299 = arith.constant 16 : index
      %get3A_300 = tpu.vector_load %arg12[%get3A_298, %get3A_299] {strides = array<i32>} : memref<64x48xf32, #tpu.memory_space<vmem>>, vector<1x16xf32>,
      %get3A_301 = vector.shape_cast %get3A_300 : vector<1x16xf32> to vector<16xf32>
      %get3A_302 = arith.index_cast %squeeze3A_289 : i32 to index
      %get3A_303 = arith.constant 32 : index
      %get3A_304 = tpu.vector_load %arg12[%get3A_302, %get3A_303] {strides = array<i32>} : memref<64x48xf32, #tpu.memory_space<vmem>>, vector<1x16xf32>,
      %get3A_305 = vector.shape_cast %get3A_304 : vector<1x16xf32> to vector<16xf32>
      %get3A_306 = arith.index_cast %squeeze3A_291 : i32 to index
      %get3A_307 = arith.constant 32 : index
      %get3A_308 = tpu.vector_load %arg13[%get3A_306, %get3A_307] {strides = array<i32>} : memref<32x128xf32, #tpu.memory_space<vmem>>, vector<1x16xf32>,
      %get3A_309 = vector.shape_cast %get3A_308 : vector<1x16xf32> to vector<16xf32>
      %add3A_310 = arith.addf %get3A_305, %get3A_309 : vector<16xf32>
      %get3A_311 = arith.index_cast %squeeze3A_291 : i32 to index
      %get3A_312 = arith.constant 48 : index
      %get3A_313 = tpu.vector_load %arg13[%get3A_311, %get3A_312] {strides = array<i32>} : memref<32x128xf32, #tpu.memory_space<vmem>>, vector<1x16xf32>,
      %get3A_314 = vector.shape_cast %get3A_313 : vector<1x16xf32> to vector<16xf32>
      %get3A_315 = arith.index_cast %squeeze3A_291 : i32 to index
      %get3A_316 = arith.constant 64 : index
      %get3A_317 = tpu.vector_load %arg13[%get3A_315, %get3A_316] {strides = array<i32>} : memref<32x128xf32, #tpu.memory_space<vmem>>, vector<1x16xf32>,
      %get3A_318 = vector.shape_cast %get3A_317 : vector<1x16xf32> to vector<16xf32>
      %get3A_319 = arith.index_cast %squeeze3A_291 : i32 to index
      %get3A_320 = arith.constant 80 : index
      %get3A_321 = tpu.vector_load %arg13[%get3A_319, %get3A_320] {strides = array<i32>} : memref<32x128xf32, #tpu.memory_space<vmem>>, vector<1x16xf32>,
      %get3A_322 = vector.shape_cast %get3A_321 : vector<1x16xf32> to vector<16xf32>
      %get3A_323 = arith.index_cast %squeeze3A_293 : i32 to index
      %get3A_324 = arith.constant 0 : index
      %get3A_325 = tpu.vector_load %arg14[%get3A_323, %get3A_324] {strides = array<i32>} : memref<16x48xf32, #tpu.memory_space<vmem>>, vector<1x16xf32>,
      %get3A_326 = vector.shape_cast %get3A_325 : vector<1x16xf32> to vector<16xf32>
      %add3A_327 = arith.addf %get3A_322, %get3A_326 : vector<16xf32>
      %get3A_328 = arith.index_cast %squeeze3A_293 : i32 to index
      %get3A_329 = arith.constant 16 : index
      %get3A_330 = tpu.vector_load %arg14[%get3A_328, %get3A_329] {strides = array<i32>} : memref<16x48xf32, #tpu.memory_space<vmem>>, vector<1x16xf32>,
      %get3A_331 = vector.shape_cast %get3A_330 : vector<1x16xf32> to vector<16xf32>
      %get3A_332 = arith.index_cast %squeeze3A_293 : i32 to index
      %get3A_333 = arith.constant 32 : index
      %get3A_334 = tpu.vector_load %arg14[%get3A_332, %get3A_333] {strides = array<i32>} : memref<16x48xf32, #tpu.memory_space<vmem>>, vector<1x16xf32>,
      %get3A_335 = vector.shape_cast %get3A_334 : vector<1x16xf32> to vector<16xf32>
      %swap3A_336 = arith.index_cast %add3A_287 : i32 to index
      %swap3A_337 = arith.constant 0 : index
      %swap3A_338 = tpu.vector_load %arg15[%swap3A_336, %swap3A_337] {strides = array<i32>} : memref<512x128xf32, #tpu.memory_space<vmem>>, vector<1x16xf32>,
      %swap3A_339 = vector.shape_cast %swap3A_338 : vector<1x16xf32> to vector<16xf32>
      %swap3A_340 = vector.shape_cast %get3A_297 : vector<16xf32> to vector<1x16xf32>
      tpu.vector_store %arg15[%swap3A_336, %swap3A_337], %swap3A_340 {strides = array<i32>} : memref<512x128xf32, #tpu.memory_space<vmem>>, vector<1x16xf32>,
      %swap3A_341 = arith.index_cast %add3A_287 : i32 to index
      %swap3A_342 = arith.constant 16 : index
      %swap3A_343 = tpu.vector_load %arg15[%swap3A_341, %swap3A_342] {strides = array<i32>} : memref<512x128xf32, #tpu.memory_space<vmem>>, vector<1x16xf32>,
      %swap3A_344 = vector.shape_cast %swap3A_343 : vector<1x16xf32> to vector<16xf32>
      %swap3A_345 = vector.shape_cast %get3A_301 : vector<16xf32> to vector<1x16xf32>
      tpu.vector_store %arg15[%swap3A_341, %swap3A_342], %swap3A_345 {strides = array<i32>} : memref<512x128xf32, #tpu.memory_space<vmem>>, vector<1x16xf32>,
      %swap3A_346 = arith.index_cast %add3A_287 : i32 to index
      %swap3A_347 = arith.constant 32 : index
      %swap3A_348 = tpu.vector_load %arg15[%swap3A_346, %swap3A_347] {strides = array<i32>} : memref<512x128xf32, #tpu.memory_space<vmem>>, vector<1x16xf32>,
      %swap3A_349 = vector.shape_cast %swap3A_348 : vector<1x16xf32> to vector<16xf32>
      %swap3A_350 = vector.shape_cast %add3A_310 : vector<16xf32> to vector<1x16xf32>
      tpu.vector_store %arg15[%swap3A_346, %swap3A_347], %swap3A_350 {strides = array<i32>} : memref<512x128xf32, #tpu.memory_space<vmem>>, vector<1x16xf32>,
      %swap3A_351 = arith.index_cast %add3A_287 : i32 to index
      %swap3A_352 = arith.constant 48 : index
      %swap3A_353 = tpu.vector_load %arg15[%swap3A_351, %swap3A_352] {strides = array<i32>} : memref<512x128xf32, #tpu.memory_space<vmem>>, vector<1x16xf32>,
      %swap3A_354 = vector.shape_cast %swap3A_353 : vector<1x16xf32> to vector<16xf32>
      %swap3A_355 = vector.shape_cast %get3A_314 : vector<16xf32> to vector<1x16xf32>
      tpu.vector_store %arg15[%swap3A_351, %swap3A_352], %swap3A_355 {strides = array<i32>} : memref<512x128xf32, #tpu.memory_space<vmem>>, vector<1x16xf32>,
      %swap3A_356 = arith.index_cast %add3A_287 : i32 to index
      %swap3A_357 = arith.constant 64 : index
      %swap3A_358 = tpu.vector_load %arg15[%swap3A_356, %swap3A_357] {strides = array<i32>} : memref<512x128xf32, #tpu.memory_space<vmem>>, vector<1x16xf32>,
      %swap3A_359 = vector.shape_cast %swap3A_358 : vector<1x16xf32> to vector<16xf32>
      %swap3A_360 = vector.shape_cast %get3A_318 : vector<16xf32> to vector<1x16xf32>
      tpu.vector_store %arg15[%swap3A_356, %swap3A_357], %swap3A_360 {strides = array<i32>} : memref<512x128xf32, #tpu.memory_space<vmem>>, vector<1x16xf32>,
      %swap3A_361 = arith.index_cast %add3A_287 : i32 to index
      %swap3A_362 = arith.constant 80 : index
      %swap3A_363 = tpu.vector_load %arg15[%swap3A_361, %swap3A_362] {strides = array<i32>} : memref<512x128xf32, #tpu.memory_space<vmem>>, vector<1x16xf32>,
      %swap3A_364 = vector.shape_cast %swap3A_363 : vector<1x16xf32> to vector<16xf32>
      %swap3A_365 = vector.shape_cast %add3A_327 : vector<16xf32> to vector<1x16xf32>
      tpu.vector_store %arg15[%swap3A_361, %swap3A_362], %swap3A_365 {strides = array<i32>} : memref<512x128xf32, #tpu.memory_space<vmem>>, vector<1x16xf32>,
      %swap3A_366 = arith.index_cast %add3A_287 : i32 to index
      %swap3A_367 = arith.constant 96 : index
      %swap3A_368 = tpu.vector_load %arg15[%swap3A_366, %swap3A_367] {strides = array<i32>} : memref<512x128xf32, #tpu.memory_space<vmem>>, vector<1x16xf32>,
      %swap3A_369 = vector.shape_cast %swap3A_368 : vector<1x16xf32> to vector<16xf32>
      %swap3A_370 = vector.shape_cast %get3A_331 : vector<16xf32> to vector<1x16xf32>
      tpu.vector_store %arg15[%swap3A_366, %swap3A_367], %swap3A_370 {strides = array<i32>} : memref<512x128xf32, #tpu.memory_space<vmem>>, vector<1x16xf32>,
      %swap3A_371 = arith.index_cast %add3A_287 : i32 to index
      %swap3A_372 = arith.constant 112 : index
      %swap3A_373 = tpu.vector_load %arg15[%swap3A_371, %swap3A_372] {strides = array<i32>} : memref<512x128xf32, #tpu.memory_space<vmem>>, vector<1x16xf32>,
      %swap3A_374 = vector.shape_cast %swap3A_373 : vector<1x16xf32> to vector<16xf32>
      %swap3A_375 = vector.shape_cast %get3A_335 : vector<16xf32> to vector<1x16xf32>
      tpu.vector_store %arg15[%swap3A_371, %swap3A_372], %swap3A_375 {strides = array<i32>} : memref<512x128xf32, #tpu.memory_space<vmem>>, vector<1x16xf32>,
      %add3A_376 = arith.constant 0 : i32
      %add3A_377 = arith.addi %add3A_376, %mul3A_88 : i32
      %add3A_378 = arith.constant 3 : i32
      %add3A_379 = arith.addi %add3A_377, %add3A_378 : i32
      %slice3A_380 = vector.extract_strided_slice %get3A_92 {offsets = [3], sizes = [1], strides = [1]} : vector<16xi32> to vector<1xi32>
      %squeeze3A_381 = vector.extract %slice3A_380[0] : i32 from vector<1xi32>
      %slice3A_382 = vector.extract_strided_slice %get3A_97 {offsets = [3], sizes = [1], strides = [1]} : vector<16xi32> to vector<1xi32>
      %squeeze3A_383 = vector.extract %slice3A_382[0] : i32 from vector<1xi32>
      %slice3A_384 = vector.extract_strided_slice %get3A_102 {offsets = [3], sizes = [1], strides = [1]} : vector<16xi32> to vector<1xi32>
      %squeeze3A_385 = vector.extract %slice3A_384[0] : i32 from vector<1xi32>
      %get3A_386 = arith.index_cast %squeeze3A_381 : i32 to index
      %get3A_387 = arith.constant 0 : index
      %get3A_388 = tpu.vector_load %arg12[%get3A_386, %get3A_387] {strides = array<i32>} : memref<64x48xf32, #tpu.memory_space<vmem>>, vector<1x16xf32>,
      %get3A_389 = vector.shape_cast %get3A_388 : vector<1x16xf32> to vector<16xf32>
      %get3A_390 = arith.index_cast %squeeze3A_381 : i32 to index
      %get3A_391 = arith.constant 16 : index
      %get3A_392 = tpu.vector_load %arg12[%get3A_390, %get3A_391] {strides = array<i32>} : memref<64x48xf32, #tpu.memory_space<vmem>>, vector<1x16xf32>,
      %get3A_393 = vector.shape_cast %get3A_392 : vector<1x16xf32> to vector<16xf32>
      %get3A_394 = arith.index_cast %squeeze3A_381 : i32 to index
      %get3A_395 = arith.constant 32 : index
      %get3A_396 = tpu.vector_load %arg12[%get3A_394, %get3A_395] {strides = array<i32>} : memref<64x48xf32, #tpu.memory_space<vmem>>, vector<1x16xf32>,
      %get3A_397 = vector.shape_cast %get3A_396 : vector<1x16xf32> to vector<16xf32>
      %get3A_398 = arith.index_cast %squeeze3A_383 : i32 to index
      %get3A_399 = arith.constant 32 : index
      %get3A_400 = tpu.vector_load %arg13[%get3A_398, %get3A_399] {strides = array<i32>} : memref<32x128xf32, #tpu.memory_space<vmem>>, vector<1x16xf32>,
      %get3A_401 = vector.shape_cast %get3A_400 : vector<1x16xf32> to vector<16xf32>
      %add3A_402 = arith.addf %get3A_397, %get3A_401 : vector<16xf32>
      %get3A_403 = arith.index_cast %squeeze3A_383 : i32 to index
      %get3A_404 = arith.constant 48 : index
      %get3A_405 = tpu.vector_load %arg13[%get3A_403, %get3A_404] {strides = array<i32>} : memref<32x128xf32, #tpu.memory_space<vmem>>, vector<1x16xf32>,
      %get3A_406 = vector.shape_cast %get3A_405 : vector<1x16xf32> to vector<16xf32>
      %get3A_407 = arith.index_cast %squeeze3A_383 : i32 to index
      %get3A_408 = arith.constant 64 : index
      %get3A_409 = tpu.vector_load %arg13[%get3A_407, %get3A_408] {strides = array<i32>} : memref<32x128xf32, #tpu.memory_space<vmem>>, vector<1x16xf32>,
      %get3A_410 = vector.shape_cast %get3A_409 : vector<1x16xf32> to vector<16xf32>
      %get3A_411 = arith.index_cast %squeeze3A_383 : i32 to index
      %get3A_412 = arith.constant 80 : index
      %get3A_413 = tpu.vector_load %arg13[%get3A_411, %get3A_412] {strides = array<i32>} : memref<32x128xf32, #tpu.memory_space<vmem>>, vector<1x16xf32>,
      %get3A_414 = vector.shape_cast %get3A_413 : vector<1x16xf32> to vector<16xf32>
      %get3A_415 = arith.index_cast %squeeze3A_385 : i32 to index
      %get3A_416 = arith.constant 0 : index
      %get3A_417 = tpu.vector_load %arg14[%get3A_415, %get3A_416] {strides = array<i32>} : memref<16x48xf32, #tpu.memory_space<vmem>>, vector<1x16xf32>,
      %get3A_418 = vector.shape_cast %get3A_417 : vector<1x16xf32> to vector<16xf32>
      %add3A_419 = arith.addf %get3A_414, %get3A_418 : vector<16xf32>
      %get3A_420 = arith.index_cast %squeeze3A_385 : i32 to index
      %get3A_421 = arith.constant 16 : index
      %get3A_422 = tpu.vector_load %arg14[%get3A_420, %get3A_421] {strides = array<i32>} : memref<16x48xf32, #tpu.memory_space<vmem>>, vector<1x16xf32>,
      %get3A_423 = vector.shape_cast %get3A_422 : vector<1x16xf32> to vector<16xf32>
      %get3A_424 = arith.index_cast %squeeze3A_385 : i32 to index
      %get3A_425 = arith.constant 32 : index
      %get3A_426 = tpu.vector_load %arg14[%get3A_424, %get3A_425] {strides = array<i32>} : memref<16x48xf32, #tpu.memory_space<vmem>>, vector<1x16xf32>,
      %get3A_427 = vector.shape_cast %get3A_426 : vector<1x16xf32> to vector<16xf32>
      %swap3A_428 = arith.index_cast %add3A_379 : i32 to index
      %swap3A_429 = arith.constant 0 : index
      %swap3A_430 = tpu.vector_load %arg15[%swap3A_428, %swap3A_429] {strides = array<i32>} : memref<512x128xf32, #tpu.memory_space<vmem>>, vector<1x16xf32>,
      %swap3A_431 = vector.shape_cast %swap3A_430 : vector<1x16xf32> to vector<16xf32>
      %swap3A_432 = vector.shape_cast %get3A_389 : vector<16xf32> to vector<1x16xf32>
      tpu.vector_store %arg15[%swap3A_428, %swap3A_429], %swap3A_432 {strides = array<i32>} : memref<512x128xf32, #tpu.memory_space<vmem>>, vector<1x16xf32>,
      %swap3A_433 = arith.index_cast %add3A_379 : i32 to index
      %swap3A_434 = arith.constant 16 : index
      %swap3A_435 = tpu.vector_load %arg15[%swap3A_433, %swap3A_434] {strides = array<i32>} : memref<512x128xf32, #tpu.memory_space<vmem>>, vector<1x16xf32>,
      %swap3A_436 = vector.shape_cast %swap3A_435 : vector<1x16xf32> to vector<16xf32>
      %swap3A_437 = vector.shape_cast %get3A_393 : vector<16xf32> to vector<1x16xf32>
      tpu.vector_store %arg15[%swap3A_433, %swap3A_434], %swap3A_437 {strides = array<i32>} : memref<512x128xf32, #tpu.memory_space<vmem>>, vector<1x16xf32>,
      %swap3A_438 = arith.index_cast %add3A_379 : i32 to index
      %swap3A_439 = arith.constant 32 : index
      %swap3A_440 = tpu.vector_load %arg15[%swap3A_438, %swap3A_439] {strides = array<i32>} : memref<512x128xf32, #tpu.memory_space<vmem>>, vector<1x16xf32>,
      %swap3A_441 = vector.shape_cast %swap3A_440 : vector<1x16xf32> to vector<16xf32>
      %swap3A_442 = vector.shape_cast %add3A_402 : vector<16xf32> to vector<1x16xf32>
      tpu.vector_store %arg15[%swap3A_438, %swap3A_439], %swap3A_442 {strides = array<i32>} : memref<512x128xf32, #tpu.memory_space<vmem>>, vector<1x16xf32>,
      %swap3A_443 = arith.index_cast %add3A_379 : i32 to index
      %swap3A_444 = arith.constant 48 : index
      %swap3A_445 = tpu.vector_load %arg15[%swap3A_443, %swap3A_444] {strides = array<i32>} : memref<512x128xf32, #tpu.memory_space<vmem>>, vector<1x16xf32>,
      %swap3A_446 = vector.shape_cast %swap3A_445 : vector<1x16xf32> to vector<16xf32>
      %swap3A_447 = vector.shape_cast %get3A_406 : vector<16xf32> to vector<1x16xf32>
      tpu.vector_store %arg15[%swap3A_443, %swap3A_444], %swap3A_447 {strides = array<i32>} : memref<512x128xf32, #tpu.memory_space<vmem>>, vector<1x16xf32>,
      %swap3A_448 = arith.index_cast %add3A_379 : i32 to index
      %swap3A_449 = arith.constant 64 : index
      %swap3A_450 = tpu.vector_load %arg15[%swap3A_448, %swap3A_449] {strides = array<i32>} : memref<512x128xf32, #tpu.memory_space<vmem>>, vector<1x16xf32>,
      %swap3A_451 = vector.shape_cast %swap3A_450 : vector<1x16xf32> to vector<16xf32>
      %swap3A_452 = vector.shape_cast %get3A_410 : vector<16xf32> to vector<1x16xf32>
      tpu.vector_store %arg15[%swap3A_448, %swap3A_449], %swap3A_452 {strides = array<i32>} : memref<512x128xf32, #tpu.memory_space<vmem>>, vector<1x16xf32>,
      %swap3A_453 = arith.index_cast %add3A_379 : i32 to index
      %swap3A_454 = arith.constant 80 : index
      %swap3A_455 = tpu.vector_load %arg15[%swap3A_453, %swap3A_454] {strides = array<i32>} : memref<512x128xf32, #tpu.memory_space<vmem>>, vector<1x16xf32>,
      %swap3A_456 = vector.shape_cast %swap3A_455 : vector<1x16xf32> to vector<16xf32>
      %swap3A_457 = vector.shape_cast %add3A_419 : vector<16xf32> to vector<1x16xf32>
      tpu.vector_store %arg15[%swap3A_453, %swap3A_454], %swap3A_457 {strides = array<i32>} : memref<512x128xf32, #tpu.memory_space<vmem>>, vector<1x16xf32>,
      %swap3A_458 = arith.index_cast %add3A_379 : i32 to index
      %swap3A_459 = arith.constant 96 : index
      %swap3A_460 = tpu.vector_load %arg15[%swap3A_458, %swap3A_459] {strides = array<i32>} : memref<512x128xf32, #tpu.memory_space<vmem>>, vector<1x16xf32>,
      %swap3A_461 = vector.shape_cast %swap3A_460 : vector<1x16xf32> to vector<16xf32>
      %swap3A_462 = vector.shape_cast %get3A_423 : vector<16xf32> to vector<1x16xf32>
      tpu.vector_store %arg15[%swap3A_458, %swap3A_459], %swap3A_462 {strides = array<i32>} : memref<512x128xf32, #tpu.memory_space<vmem>>, vector<1x16xf32>,
      %swap3A_463 = arith.index_cast %add3A_379 : i32 to index
      %swap3A_464 = arith.constant 112 : index
      %swap3A_465 = tpu.vector_load %arg15[%swap3A_463, %swap3A_464] {strides = array<i32>} : memref<512x128xf32, #tpu.memory_space<vmem>>, vector<1x16xf32>,
      %swap3A_466 = vector.shape_cast %swap3A_465 : vector<1x16xf32> to vector<16xf32>
      %swap3A_467 = vector.shape_cast %get3A_427 : vector<16xf32> to vector<1x16xf32>
      tpu.vector_store %arg15[%swap3A_463, %swap3A_464], %swap3A_467 {strides = array<i32>} : memref<512x128xf32, #tpu.memory_space<vmem>>, vector<1x16xf32>,
      %add3A_468 = arith.constant 0 : i32
      %add3A_469 = arith.addi %add3A_468, %mul3A_88 : i32
      %add3A_470 = arith.constant 4 : i32
      %add3A_471 = arith.addi %add3A_469, %add3A_470 : i32
      %slice3A_472 = vector.extract_strided_slice %get3A_92 {offsets = [4], sizes = [1], strides = [1]} : vector<16xi32> to vector<1xi32>
      %squeeze3A_473 = vector.extract %slice3A_472[0] : i32 from vector<1xi32>
      %slice3A_474 = vector.extract_strided_slice %get3A_97 {offsets = [4], sizes = [1], strides = [1]} : vector<16xi32> to vector<1xi32>
      %squeeze3A_475 = vector.extract %slice3A_474[0] : i32 from vector<1xi32>
      %slice3A_476 = vector.extract_strided_slice %get3A_102 {offsets = [4], sizes = [1], strides = [1]} : vector<16xi32> to vector<1xi32>
      %squeeze3A_477 = vector.extract %slice3A_476[0] : i32 from vector<1xi32>
      %get3A_478 = arith.index_cast %squeeze3A_473 : i32 to index
      %get3A_479 = arith.constant 0 : index
      %get3A_480 = tpu.vector_load %arg12[%get3A_478, %get3A_479] {strides = array<i32>} : memref<64x48xf32, #tpu.memory_space<vmem>>, vector<1x16xf32>,
      %get3A_481 = vector.shape_cast %get3A_480 : vector<1x16xf32> to vector<16xf32>
      %get3A_482 = arith.index_cast %squeeze3A_473 : i32 to index
      %get3A_483 = arith.constant 16 : index
      %get3A_484 = tpu.vector_load %arg12[%get3A_482, %get3A_483] {strides = array<i32>} : memref<64x48xf32, #tpu.memory_space<vmem>>, vector<1x16xf32>,
      %get3A_485 = vector.shape_cast %get3A_484 : vector<1x16xf32> to vector<16xf32>
      %get3A_486 = arith.index_cast %squeeze3A_473 : i32 to index
      %get3A_487 = arith.constant 32 : index
      %get3A_488 = tpu.vector_load %arg12[%get3A_486, %get3A_487] {strides = array<i32>} : memref<64x48xf32, #tpu.memory_space<vmem>>, vector<1x16xf32>,
      %get3A_489 = vector.shape_cast %get3A_488 : vector<1x16xf32> to vector<16xf32>
      %get3A_490 = arith.index_cast %squeeze3A_475 : i32 to index
      %get3A_491 = arith.constant 32 : index
      %get3A_492 = tpu.vector_load %arg13[%get3A_490, %get3A_491] {strides = array<i32>} : memref<32x128xf32, #tpu.memory_space<vmem>>, vector<1x16xf32>,
      %get3A_493 = vector.shape_cast %get3A_492 : vector<1x16xf32> to vector<16xf32>
      %add3A_494 = arith.addf %get3A_489, %get3A_493 : vector<16xf32>
      %get3A_495 = arith.index_cast %squeeze3A_475 : i32 to index
      %get3A_496 = arith.constant 48 : index
      %get3A_497 = tpu.vector_load %arg13[%get3A_495, %get3A_496] {strides = array<i32>} : memref<32x128xf32, #tpu.memory_space<vmem>>, vector<1x16xf32>,
      %get3A_498 = vector.shape_cast %get3A_497 : vector<1x16xf32> to vector<16xf32>
      %get3A_499 = arith.index_cast %squeeze3A_475 : i32 to index
      %get3A_500 = arith.constant 64 : index
      %get3A_501 = tpu.vector_load %arg13[%get3A_499, %get3A_500] {strides = array<i32>} : memref<32x128xf32, #tpu.memory_space<vmem>>, vector<1x16xf32>,
      %get3A_502 = vector.shape_cast %get3A_501 : vector<1x16xf32> to vector<16xf32>
      %get3A_503 = arith.index_cast %squeeze3A_475 : i32 to index
      %get3A_504 = arith.constant 80 : index
      %get3A_505 = tpu.vector_load %arg13[%get3A_503, %get3A_504] {strides = array<i32>} : memref<32x128xf32, #tpu.memory_space<vmem>>, vector<1x16xf32>,
      %get3A_506 = vector.shape_cast %get3A_505 : vector<1x16xf32> to vector<16xf32>
      %get3A_507 = arith.index_cast %squeeze3A_477 : i32 to index
      %get3A_508 = arith.constant 0 : index
      %get3A_509 = tpu.vector_load %arg14[%get3A_507, %get3A_508] {strides = array<i32>} : memref<16x48xf32, #tpu.memory_space<vmem>>, vector<1x16xf32>,
      %get3A_510 = vector.shape_cast %get3A_509 : vector<1x16xf32> to vector<16xf32>
      %add3A_511 = arith.addf %get3A_506, %get3A_510 : vector<16xf32>
      %get3A_512 = arith.index_cast %squeeze3A_477 : i32 to index
      %get3A_513 = arith.constant 16 : index
      %get3A_514 = tpu.vector_load %arg14[%get3A_512, %get3A_513] {strides = array<i32>} : memref<16x48xf32, #tpu.memory_space<vmem>>, vector<1x16xf32>,
      %get3A_515 = vector.shape_cast %get3A_514 : vector<1x16xf32> to vector<16xf32>
      %get3A_516 = arith.index_cast %squeeze3A_477 : i32 to index
      %get3A_517 = arith.constant 32 : index
      %get3A_518 = tpu.vector_load %arg14[%get3A_516, %get3A_517] {strides = array<i32>} : memref<16x48xf32, #tpu.memory_space<vmem>>, vector<1x16xf32>,
      %get3A_519 = vector.shape_cast %get3A_518 : vector<1x16xf32> to vector<16xf32>
      %swap3A_520 = arith.index_cast %add3A_471 : i32 to index
      %swap3A_521 = arith.constant 0 : index
      %swap3A_522 = tpu.vector_load %arg15[%swap3A_520, %swap3A_521] {strides = array<i32>} : memref<512x128xf32, #tpu.memory_space<vmem>>, vector<1x16xf32>,
      %swap3A_523 = vector.shape_cast %swap3A_522 : vector<1x16xf32> to vector<16xf32>
      %swap3A_524 = vector.shape_cast %get3A_481 : vector<16xf32> to vector<1x16xf32>
      tpu.vector_store %arg15[%swap3A_520, %swap3A_521], %swap3A_524 {strides = array<i32>} : memref<512x128xf32, #tpu.memory_space<vmem>>, vector<1x16xf32>,
      %swap3A_525 = arith.index_cast %add3A_471 : i32 to index
      %swap3A_526 = arith.constant 16 : index
      %swap3A_527 = tpu.vector_load %arg15[%swap3A_525, %swap3A_526] {strides = array<i32>} : memref<512x128xf32, #tpu.memory_space<vmem>>, vector<1x16xf32>,
      %swap3A_528 = vector.shape_cast %swap3A_527 : vector<1x16xf32> to vector<16xf32>
      %swap3A_529 = vector.shape_cast %get3A_485 : vector<16xf32> to vector<1x16xf32>
      tpu.vector_store %arg15[%swap3A_525, %swap3A_526], %swap3A_529 {strides = array<i32>} : memref<512x128xf32, #tpu.memory_space<vmem>>, vector<1x16xf32>,
      %swap3A_530 = arith.index_cast %add3A_471 : i32 to index
      %swap3A_531 = arith.constant 32 : index
      %swap3A_532 = tpu.vector_load %arg15[%swap3A_530, %swap3A_531] {strides = array<i32>} : memref<512x128xf32, #tpu.memory_space<vmem>>, vector<1x16xf32>,
      %swap3A_533 = vector.shape_cast %swap3A_532 : vector<1x16xf32> to vector<16xf32>
      %swap3A_534 = vector.shape_cast %add3A_494 : vector<16xf32> to vector<1x16xf32>
      tpu.vector_store %arg15[%swap3A_530, %swap3A_531], %swap3A_534 {strides = array<i32>} : memref<512x128xf32, #tpu.memory_space<vmem>>, vector<1x16xf32>,
      %swap3A_535 = arith.index_cast %add3A_471 : i32 to index
      %swap3A_536 = arith.constant 48 : index
      %swap3A_537 = tpu.vector_load %arg15[%swap3A_535, %swap3A_536] {strides = array<i32>} : memref<512x128xf32, #tpu.memory_space<vmem>>, vector<1x16xf32>,
      %swap3A_538 = vector.shape_cast %swap3A_537 : vector<1x16xf32> to vector<16xf32>
      %swap3A_539 = vector.shape_cast %get3A_498 : vector<16xf32> to vector<1x16xf32>
      tpu.vector_store %arg15[%swap3A_535, %swap3A_536], %swap3A_539 {strides = array<i32>} : memref<512x128xf32, #tpu.memory_space<vmem>>, vector<1x16xf32>,
      %swap3A_540 = arith.index_cast %add3A_471 : i32 to index
      %swap3A_541 = arith.constant 64 : index
      %swap3A_542 = tpu.vector_load %arg15[%swap3A_540, %swap3A_541] {strides = array<i32>} : memref<512x128xf32, #tpu.memory_space<vmem>>, vector<1x16xf32>,
      %swap3A_543 = vector.shape_cast %swap3A_542 : vector<1x16xf32> to vector<16xf32>
      %swap3A_544 = vector.shape_cast %get3A_502 : vector<16xf32> to vector<1x16xf32>
      tpu.vector_store %arg15[%swap3A_540, %swap3A_541], %swap3A_544 {strides = array<i32>} : memref<512x128xf32, #tpu.memory_space<vmem>>, vector<1x16xf32>,
      %swap3A_545 = arith.index_cast %add3A_471 : i32 to index
      %swap3A_546 = arith.constant 80 : index
      %swap3A_547 = tpu.vector_load %arg15[%swap3A_545, %swap3A_546] {strides = array<i32>} : memref<512x128xf32, #tpu.memory_space<vmem>>, vector<1x16xf32>,
      %swap3A_548 = vector.shape_cast %swap3A_547 : vector<1x16xf32> to vector<16xf32>
      %swap3A_549 = vector.shape_cast %add3A_511 : vector<16xf32> to vector<1x16xf32>
      tpu.vector_store %arg15[%swap3A_545, %swap3A_546], %swap3A_549 {strides = array<i32>} : memref<512x128xf32, #tpu.memory_space<vmem>>, vector<1x16xf32>,
      %swap3A_550 = arith.index_cast %add3A_471 : i32 to index
      %swap3A_551 = arith.constant 96 : index
      %swap3A_552 = tpu.vector_load %arg15[%swap3A_550, %swap3A_551] {strides = array<i32>} : memref<512x128xf32, #tpu.memory_space<vmem>>, vector<1x16xf32>,
      %swap3A_553 = vector.shape_cast %swap3A_552 : vector<1x16xf32> to vector<16xf32>
      %swap3A_554 = vector.shape_cast %get3A_515 : vector<16xf32> to vector<1x16xf32>
      tpu.vector_store %arg15[%swap3A_550, %swap3A_551], %swap3A_554 {strides = array<i32>} : memref<512x128xf32, #tpu.memory_space<vmem>>, vector<1x16xf32>,
      %swap3A_555 = arith.index_cast %add3A_471 : i32 to index
      %swap3A_556 = arith.constant 112 : index
      %swap3A_557 = tpu.vector_load %arg15[%swap3A_555, %swap3A_556] {strides = array<i32>} : memref<512x128xf32, #tpu.memory_space<vmem>>, vector<1x16xf32>,
      %swap3A_558 = vector.shape_cast %swap3A_557 : vector<1x16xf32> to vector<16xf32>
      %swap3A_559 = vector.shape_cast %get3A_519 : vector<16xf32> to vector<1x16xf32>
      tpu.vector_store %arg15[%swap3A_555, %swap3A_556], %swap3A_559 {strides = array<i32>} : memref<512x128xf32, #tpu.memory_space<vmem>>, vector<1x16xf32>,
      %add3A_560 = arith.constant 0 : i32
      %add3A_561 = arith.addi %add3A_560, %mul3A_88 : i32
      %add3A_562 = arith.constant 5 : i32
      %add3A_563 = arith.addi %add3A_561, %add3A_562 : i32
      %slice3A_564 = vector.extract_strided_slice %get3A_92 {offsets = [5], sizes = [1], strides = [1]} : vector<16xi32> to vector<1xi32>
      %squeeze3A_565 = vector.extract %slice3A_564[0] : i32 from vector<1xi32>
      %slice3A_566 = vector.extract_strided_slice %get3A_97 {offsets = [5], sizes = [1], strides = [1]} : vector<16xi32> to vector<1xi32>
      %squeeze3A_567 = vector.extract %slice3A_566[0] : i32 from vector<1xi32>
      %slice3A_568 = vector.extract_strided_slice %get3A_102 {offsets = [5], sizes = [1], strides = [1]} : vector<16xi32> to vector<1xi32>
      %squeeze3A_569 = vector.extract %slice3A_568[0] : i32 from vector<1xi32>
      %get3A_570 = arith.index_cast %squeeze3A_565 : i32 to index
      %get3A_571 = arith.constant 0 : index
      %get3A_572 = tpu.vector_load %arg12[%get3A_570, %get3A_571] {strides = array<i32>} : memref<64x48xf32, #tpu.memory_space<vmem>>, vector<1x16xf32>,
      %get3A_573 = vector.shape_cast %get3A_572 : vector<1x16xf32> to vector<16xf32>
      %get3A_574 = arith.index_cast %squeeze3A_565 : i32 to index
      %get3A_575 = arith.constant 16 : index
      %get3A_576 = tpu.vector_load %arg12[%get3A_574, %get3A_575] {strides = array<i32>} : memref<64x48xf32, #tpu.memory_space<vmem>>, vector<1x16xf32>,
      %get3A_577 = vector.shape_cast %get3A_576 : vector<1x16xf32> to vector<16xf32>
      %get3A_578 = arith.index_cast %squeeze3A_565 : i32 to index
      %get3A_579 = arith.constant 32 : index
      %get3A_580 = tpu.vector_load %arg12[%get3A_578, %get3A_579] {strides = array<i32>} : memref<64x48xf32, #tpu.memory_space<vmem>>, vector<1x16xf32>,
      %get3A_581 = vector.shape_cast %get3A_580 : vector<1x16xf32> to vector<16xf32>
      %get3A_582 = arith.index_cast %squeeze3A_567 : i32 to index
      %get3A_583 = arith.constant 32 : index
      %get3A_584 = tpu.vector_load %arg13[%get3A_582, %get3A_583] {strides = array<i32>} : memref<32x128xf32, #tpu.memory_space<vmem>>, vector<1x16xf32>,
      %get3A_585 = vector.shape_cast %get3A_584 : vector<1x16xf32> to vector<16xf32>
      %add3A_586 = arith.addf %get3A_581, %get3A_585 : vector<16xf32>
      %get3A_587 = arith.index_cast %squeeze3A_567 : i32 to index
      %get3A_588 = arith.constant 48 : index
      %get3A_589 = tpu.vector_load %arg13[%get3A_587, %get3A_588] {strides = array<i32>} : memref<32x128xf32, #tpu.memory_space<vmem>>, vector<1x16xf32>,
      %get3A_590 = vector.shape_cast %get3A_589 : vector<1x16xf32> to vector<16xf32>
      %get3A_591 = arith.index_cast %squeeze3A_567 : i32 to index
      %get3A_592 = arith.constant 64 : index
      %get3A_593 = tpu.vector_load %arg13[%get3A_591, %get3A_592] {strides = array<i32>} : memref<32x128xf32, #tpu.memory_space<vmem>>, vector<1x16xf32>,
      %get3A_594 = vector.shape_cast %get3A_593 : vector<1x16xf32> to vector<16xf32>
      %get3A_595 = arith.index_cast %squeeze3A_567 : i32 to index
      %get3A_596 = arith.constant 80 : index
      %get3A_597 = tpu.vector_load %arg13[%get3A_595, %get3A_596] {strides = array<i32>} : memref<32x128xf32, #tpu.memory_space<vmem>>, vector<1x16xf32>,
      %get3A_598 = vector.shape_cast %get3A_597 : vector<1x16xf32> to vector<16xf32>
      %get3A_599 = arith.index_cast %squeeze3A_569 : i32 to index
      %get3A_600 = arith.constant 0 : index
      %get3A_601 = tpu.vector_load %arg14[%get3A_599, %get3A_600] {strides = array<i32>} : memref<16x48xf32, #tpu.memory_space<vmem>>, vector<1x16xf32>,
      %get3A_602 = vector.shape_cast %get3A_601 : vector<1x16xf32> to vector<16xf32>
      %add3A_603 = arith.addf %get3A_598, %get3A_602 : vector<16xf32>
      %get3A_604 = arith.index_cast %squeeze3A_569 : i32 to index
      %get3A_605 = arith.constant 16 : index
      %get3A_606 = tpu.vector_load %arg14[%get3A_604, %get3A_605] {strides = array<i32>} : memref<16x48xf32, #tpu.memory_space<vmem>>, vector<1x16xf32>,
      %get3A_607 = vector.shape_cast %get3A_606 : vector<1x16xf32> to vector<16xf32>
      %get3A_608 = arith.index_cast %squeeze3A_569 : i32 to index
      %get3A_609 = arith.constant 32 : index
      %get3A_610 = tpu.vector_load %arg14[%get3A_608, %get3A_609] {strides = array<i32>} : memref<16x48xf32, #tpu.memory_space<vmem>>, vector<1x16xf32>,
      %get3A_611 = vector.shape_cast %get3A_610 : vector<1x16xf32> to vector<16xf32>
      %swap3A_612 = arith.index_cast %add3A_563 : i32 to index
      %swap3A_613 = arith.constant 0 : index
      %swap3A_614 = tpu.vector_load %arg15[%swap3A_612, %swap3A_613] {strides = array<i32>} : memref<512x128xf32, #tpu.memory_space<vmem>>, vector<1x16xf32>,
      %swap3A_615 = vector.shape_cast %swap3A_614 : vector<1x16xf32> to vector<16xf32>
      %swap3A_616 = vector.shape_cast %get3A_573 : vector<16xf32> to vector<1x16xf32>
      tpu.vector_store %arg15[%swap3A_612, %swap3A_613], %swap3A_616 {strides = array<i32>} : memref<512x128xf32, #tpu.memory_space<vmem>>, vector<1x16xf32>,
      %swap3A_617 = arith.index_cast %add3A_563 : i32 to index
      %swap3A_618 = arith.constant 16 : index
      %swap3A_619 = tpu.vector_load %arg15[%swap3A_617, %swap3A_618] {strides = array<i32>} : memref<512x128xf32, #tpu.memory_space<vmem>>, vector<1x16xf32>,
      %swap3A_620 = vector.shape_cast %swap3A_619 : vector<1x16xf32> to vector<16xf32>
      %swap3A_621 = vector.shape_cast %get3A_577 : vector<16xf32> to vector<1x16xf32>
      tpu.vector_store %arg15[%swap3A_617, %swap3A_618], %swap3A_621 {strides = array<i32>} : memref<512x128xf32, #tpu.memory_space<vmem>>, vector<1x16xf32>,
      %swap3A_622 = arith.index_cast %add3A_563 : i32 to index
      %swap3A_623 = arith.constant 32 : index
      %swap3A_624 = tpu.vector_load %arg15[%swap3A_622, %swap3A_623] {strides = array<i32>} : memref<512x128xf32, #tpu.memory_space<vmem>>, vector<1x16xf32>,
      %swap3A_625 = vector.shape_cast %swap3A_624 : vector<1x16xf32> to vector<16xf32>
      %swap3A_626 = vector.shape_cast %add3A_586 : vector<16xf32> to vector<1x16xf32>
      tpu.vector_store %arg15[%swap3A_622, %swap3A_623], %swap3A_626 {strides = array<i32>} : memref<512x128xf32, #tpu.memory_space<vmem>>, vector<1x16xf32>,
      %swap3A_627 = arith.index_cast %add3A_563 : i32 to index
      %swap3A_628 = arith.constant 48 : index
      %swap3A_629 = tpu.vector_load %arg15[%swap3A_627, %swap3A_628] {strides = array<i32>} : memref<512x128xf32, #tpu.memory_space<vmem>>, vector<1x16xf32>,
      %swap3A_630 = vector.shape_cast %swap3A_629 : vector<1x16xf32> to vector<16xf32>
      %swap3A_631 = vector.shape_cast %get3A_590 : vector<16xf32> to vector<1x16xf32>
      tpu.vector_store %arg15[%swap3A_627, %swap3A_628], %swap3A_631 {strides = array<i32>} : memref<512x128xf32, #tpu.memory_space<vmem>>, vector<1x16xf32>,
      %swap3A_632 = arith.index_cast %add3A_563 : i32 to index
      %swap3A_633 = arith.constant 64 : index
      %swap3A_634 = tpu.vector_load %arg15[%swap3A_632, %swap3A_633] {strides = array<i32>} : memref<512x128xf32, #tpu.memory_space<vmem>>, vector<1x16xf32>,
      %swap3A_635 = vector.shape_cast %swap3A_634 : vector<1x16xf32> to vector<16xf32>
      %swap3A_636 = vector.shape_cast %get3A_594 : vector<16xf32> to vector<1x16xf32>
      tpu.vector_store %arg15[%swap3A_632, %swap3A_633], %swap3A_636 {strides = array<i32>} : memref<512x128xf32, #tpu.memory_space<vmem>>, vector<1x16xf32>,
      %swap3A_637 = arith.index_cast %add3A_563 : i32 to index
      %swap3A_638 = arith.constant 80 : index
      %swap3A_639 = tpu.vector_load %arg15[%swap3A_637, %swap3A_638] {strides = array<i32>} : memref<512x128xf32, #tpu.memory_space<vmem>>, vector<1x16xf32>,
      %swap3A_640 = vector.shape_cast %swap3A_639 : vector<1x16xf32> to vector<16xf32>
      %swap3A_641 = vector.shape_cast %add3A_603 : vector<16xf32> to vector<1x16xf32>
      tpu.vector_store %arg15[%swap3A_637, %swap3A_638], %swap3A_641 {strides = array<i32>} : memref<512x128xf32, #tpu.memory_space<vmem>>, vector<1x16xf32>,
      %swap3A_642 = arith.index_cast %add3A_563 : i32 to index
      %swap3A_643 = arith.constant 96 : index
      %swap3A_644 = tpu.vector_load %arg15[%swap3A_642, %swap3A_643] {strides = array<i32>} : memref<512x128xf32, #tpu.memory_space<vmem>>, vector<1x16xf32>,
      %swap3A_645 = vector.shape_cast %swap3A_644 : vector<1x16xf32> to vector<16xf32>
      %swap3A_646 = vector.shape_cast %get3A_607 : vector<16xf32> to vector<1x16xf32>
      tpu.vector_store %arg15[%swap3A_642, %swap3A_643], %swap3A_646 {strides = array<i32>} : memref<512x128xf32, #tpu.memory_space<vmem>>, vector<1x16xf32>,
      %swap3A_647 = arith.index_cast %add3A_563 : i32 to index
      %swap3A_648 = arith.constant 112 : index
      %swap3A_649 = tpu.vector_load %arg15[%swap3A_647, %swap3A_648] {strides = array<i32>} : memref<512x128xf32, #tpu.memory_space<vmem>>, vector<1x16xf32>,
      %swap3A_650 = vector.shape_cast %swap3A_649 : vector<1x16xf32> to vector<16xf32>
      %swap3A_651 = vector.shape_cast %get3A_611 : vector<16xf32> to vector<1x16xf32>
      tpu.vector_store %arg15[%swap3A_647, %swap3A_648], %swap3A_651 {strides = array<i32>} : memref<512x128xf32, #tpu.memory_space<vmem>>, vector<1x16xf32>,
      %add3A_652 = arith.constant 0 : i32
      %add3A_653 = arith.addi %add3A_652, %mul3A_88 : i32
      %add3A_654 = arith.constant 6 : i32
      %add3A_655 = arith.addi %add3A_653, %add3A_654 : i32
      %slice3A_656 = vector.extract_strided_slice %get3A_92 {offsets = [6], sizes = [1], strides = [1]} : vector<16xi32> to vector<1xi32>
      %squeeze3A_657 = vector.extract %slice3A_656[0] : i32 from vector<1xi32>
      %slice3A_658 = vector.extract_strided_slice %get3A_97 {offsets = [6], sizes = [1], strides = [1]} : vector<16xi32> to vector<1xi32>
      %squeeze3A_659 = vector.extract %slice3A_658[0] : i32 from vector<1xi32>
      %slice3A_660 = vector.extract_strided_slice %get3A_102 {offsets = [6], sizes = [1], strides = [1]} : vector<16xi32> to vector<1xi32>
      %squeeze3A_661 = vector.extract %slice3A_660[0] : i32 from vector<1xi32>
      %get3A_662 = arith.index_cast %squeeze3A_657 : i32 to index
      %get3A_663 = arith.constant 0 : index
      %get3A_664 = tpu.vector_load %arg12[%get3A_662, %get3A_663] {strides = array<i32>} : memref<64x48xf32, #tpu.memory_space<vmem>>, vector<1x16xf32>,
      %get3A_665 = vector.shape_cast %get3A_664 : vector<1x16xf32> to vector<16xf32>
      %get3A_666 = arith.index_cast %squeeze3A_657 : i32 to index
      %get3A_667 = arith.constant 16 : index
      %get3A_668 = tpu.vector_load %arg12[%get3A_666, %get3A_667] {strides = array<i32>} : memref<64x48xf32, #tpu.memory_space<vmem>>, vector<1x16xf32>,
      %get3A_669 = vector.shape_cast %get3A_668 : vector<1x16xf32> to vector<16xf32>
      %get3A_670 = arith.index_cast %squeeze3A_657 : i32 to index
      %get3A_671 = arith.constant 32 : index
      %get3A_672 = tpu.vector_load %arg12[%get3A_670, %get3A_671] {strides = array<i32>} : memref<64x48xf32, #tpu.memory_space<vmem>>, vector<1x16xf32>,
      %get3A_673 = vector.shape_cast %get3A_672 : vector<1x16xf32> to vector<16xf32>
      %get3A_674 = arith.index_cast %squeeze3A_659 : i32 to index
      %get3A_675 = arith.constant 32 : index
      %get3A_676 = tpu.vector_load %arg13[%get3A_674, %get3A_675] {strides = array<i32>} : memref<32x128xf32, #tpu.memory_space<vmem>>, vector<1x16xf32>,
      %get3A_677 = vector.shape_cast %get3A_676 : vector<1x16xf32> to vector<16xf32>
      %add3A_678 = arith.addf %get3A_673, %get3A_677 : vector<16xf32>
      %get3A_679 = arith.index_cast %squeeze3A_659 : i32 to index
      %get3A_680 = arith.constant 48 : index
      %get3A_681 = tpu.vector_load %arg13[%get3A_679, %get3A_680] {strides = array<i32>} : memref<32x128xf32, #tpu.memory_space<vmem>>, vector<1x16xf32>,
      %get3A_682 = vector.shape_cast %get3A_681 : vector<1x16xf32> to vector<16xf32>
      %get3A_683 = arith.index_cast %squeeze3A_659 : i32 to index
      %get3A_684 = arith.constant 64 : index
      %get3A_685 = tpu.vector_load %arg13[%get3A_683, %get3A_684] {strides = array<i32>} : memref<32x128xf32, #tpu.memory_space<vmem>>, vector<1x16xf32>,
      %get3A_686 = vector.shape_cast %get3A_685 : vector<1x16xf32> to vector<16xf32>
      %get3A_687 = arith.index_cast %squeeze3A_659 : i32 to index
      %get3A_688 = arith.constant 80 : index
      %get3A_689 = tpu.vector_load %arg13[%get3A_687, %get3A_688] {strides = array<i32>} : memref<32x128xf32, #tpu.memory_space<vmem>>, vector<1x16xf32>,
      %get3A_690 = vector.shape_cast %get3A_689 : vector<1x16xf32> to vector<16xf32>
      %get3A_691 = arith.index_cast %squeeze3A_661 : i32 to index
      %get3A_692 = arith.constant 0 : index
      %get3A_693 = tpu.vector_load %arg14[%get3A_691, %get3A_692] {strides = array<i32>} : memref<16x48xf32, #tpu.memory_space<vmem>>, vector<1x16xf32>,
      %get3A_694 = vector.shape_cast %get3A_693 : vector<1x16xf32> to vector<16xf32>
      %add3A_695 = arith.addf %get3A_690, %get3A_694 : vector<16xf32>
      %get3A_696 = arith.index_cast %squeeze3A_661 : i32 to index
      %get3A_697 = arith.constant 16 : index
      %get3A_698 = tpu.vector_load %arg14[%get3A_696, %get3A_697] {strides = array<i32>} : memref<16x48xf32, #tpu.memory_space<vmem>>, vector<1x16xf32>,
      %get3A_699 = vector.shape_cast %get3A_698 : vector<1x16xf32> to vector<16xf32>
      %get3A_700 = arith.index_cast %squeeze3A_661 : i32 to index
      %get3A_701 = arith.constant 32 : index
      %get3A_702 = tpu.vector_load %arg14[%get3A_700, %get3A_701] {strides = array<i32>} : memref<16x48xf32, #tpu.memory_space<vmem>>, vector<1x16xf32>,
      %get3A_703 = vector.shape_cast %get3A_702 : vector<1x16xf32> to vector<16xf32>
      %swap3A_704 = arith.index_cast %add3A_655 : i32 to index
      %swap3A_705 = arith.constant 0 : index
      %swap3A_706 = tpu.vector_load %arg15[%swap3A_704, %swap3A_705] {strides = array<i32>} : memref<512x128xf32, #tpu.memory_space<vmem>>, vector<1x16xf32>,
      %swap3A_707 = vector.shape_cast %swap3A_706 : vector<1x16xf32> to vector<16xf32>
      %swap3A_708 = vector.shape_cast %get3A_665 : vector<16xf32> to vector<1x16xf32>
      tpu.vector_store %arg15[%swap3A_704, %swap3A_705], %swap3A_708 {strides = array<i32>} : memref<512x128xf32, #tpu.memory_space<vmem>>, vector<1x16xf32>,
      %swap3A_709 = arith.index_cast %add3A_655 : i32 to index
      %swap3A_710 = arith.constant 16 : index
      %swap3A_711 = tpu.vector_load %arg15[%swap3A_709, %swap3A_710] {strides = array<i32>} : memref<512x128xf32, #tpu.memory_space<vmem>>, vector<1x16xf32>,
      %swap3A_712 = vector.shape_cast %swap3A_711 : vector<1x16xf32> to vector<16xf32>
      %swap3A_713 = vector.shape_cast %get3A_669 : vector<16xf32> to vector<1x16xf32>
      tpu.vector_store %arg15[%swap3A_709, %swap3A_710], %swap3A_713 {strides = array<i32>} : memref<512x128xf32, #tpu.memory_space<vmem>>, vector<1x16xf32>,
      %swap3A_714 = arith.index_cast %add3A_655 : i32 to index
      %swap3A_715 = arith.constant 32 : index
      %swap3A_716 = tpu.vector_load %arg15[%swap3A_714, %swap3A_715] {strides = array<i32>} : memref<512x128xf32, #tpu.memory_space<vmem>>, vector<1x16xf32>,
      %swap3A_717 = vector.shape_cast %swap3A_716 : vector<1x16xf32> to vector<16xf32>
      %swap3A_718 = vector.shape_cast %add3A_678 : vector<16xf32> to vector<1x16xf32>
      tpu.vector_store %arg15[%swap3A_714, %swap3A_715], %swap3A_718 {strides = array<i32>} : memref<512x128xf32, #tpu.memory_space<vmem>>, vector<1x16xf32>,
      %swap3A_719 = arith.index_cast %add3A_655 : i32 to index
      %swap3A_720 = arith.constant 48 : index
      %swap3A_721 = tpu.vector_load %arg15[%swap3A_719, %swap3A_720] {strides = array<i32>} : memref<512x128xf32, #tpu.memory_space<vmem>>, vector<1x16xf32>,
      %swap3A_722 = vector.shape_cast %swap3A_721 : vector<1x16xf32> to vector<16xf32>
      %swap3A_723 = vector.shape_cast %get3A_682 : vector<16xf32> to vector<1x16xf32>
      tpu.vector_store %arg15[%swap3A_719, %swap3A_720], %swap3A_723 {strides = array<i32>} : memref<512x128xf32, #tpu.memory_space<vmem>>, vector<1x16xf32>,
      %swap3A_724 = arith.index_cast %add3A_655 : i32 to index
      %swap3A_725 = arith.constant 64 : index
      %swap3A_726 = tpu.vector_load %arg15[%swap3A_724, %swap3A_725] {strides = array<i32>} : memref<512x128xf32, #tpu.memory_space<vmem>>, vector<1x16xf32>,
      %swap3A_727 = vector.shape_cast %swap3A_726 : vector<1x16xf32> to vector<16xf32>
      %swap3A_728 = vector.shape_cast %get3A_686 : vector<16xf32> to vector<1x16xf32>
      tpu.vector_store %arg15[%swap3A_724, %swap3A_725], %swap3A_728 {strides = array<i32>} : memref<512x128xf32, #tpu.memory_space<vmem>>, vector<1x16xf32>,
      %swap3A_729 = arith.index_cast %add3A_655 : i32 to index
      %swap3A_730 = arith.constant 80 : index
      %swap3A_731 = tpu.vector_load %arg15[%swap3A_729, %swap3A_730] {strides = array<i32>} : memref<512x128xf32, #tpu.memory_space<vmem>>, vector<1x16xf32>,
      %swap3A_732 = vector.shape_cast %swap3A_731 : vector<1x16xf32> to vector<16xf32>
      %swap3A_733 = vector.shape_cast %add3A_695 : vector<16xf32> to vector<1x16xf32>
      tpu.vector_store %arg15[%swap3A_729, %swap3A_730], %swap3A_733 {strides = array<i32>} : memref<512x128xf32, #tpu.memory_space<vmem>>, vector<1x16xf32>,
      %swap3A_734 = arith.index_cast %add3A_655 : i32 to index
      %swap3A_735 = arith.constant 96 : index
      %swap3A_736 = tpu.vector_load %arg15[%swap3A_734, %swap3A_735] {strides = array<i32>} : memref<512x128xf32, #tpu.memory_space<vmem>>, vector<1x16xf32>,
      %swap3A_737 = vector.shape_cast %swap3A_736 : vector<1x16xf32> to vector<16xf32>
      %swap3A_738 = vector.shape_cast %get3A_699 : vector<16xf32> to vector<1x16xf32>
      tpu.vector_store %arg15[%swap3A_734, %swap3A_735], %swap3A_738 {strides = array<i32>} : memref<512x128xf32, #tpu.memory_space<vmem>>, vector<1x16xf32>,
      %swap3A_739 = arith.index_cast %add3A_655 : i32 to index
      %swap3A_740 = arith.constant 112 : index
      %swap3A_741 = tpu.vector_load %arg15[%swap3A_739, %swap3A_740] {strides = array<i32>} : memref<512x128xf32, #tpu.memory_space<vmem>>, vector<1x16xf32>,
      %swap3A_742 = vector.shape_cast %swap3A_741 : vector<1x16xf32> to vector<16xf32>
      %swap3A_743 = vector.shape_cast %get3A_703 : vector<16xf32> to vector<1x16xf32>
      tpu.vector_store %arg15[%swap3A_739, %swap3A_740], %swap3A_743 {strides = array<i32>} : memref<512x128xf32, #tpu.memory_space<vmem>>, vector<1x16xf32>,
      %add3A_744 = arith.constant 0 : i32
      %add3A_745 = arith.addi %add3A_744, %mul3A_88 : i32
      %add3A_746 = arith.constant 7 : i32
      %add3A_747 = arith.addi %add3A_745, %add3A_746 : i32
      %slice3A_748 = vector.extract_strided_slice %get3A_92 {offsets = [7], sizes = [1], strides = [1]} : vector<16xi32> to vector<1xi32>
      %squeeze3A_749 = vector.extract %slice3A_748[0] : i32 from vector<1xi32>
      %slice3A_750 = vector.extract_strided_slice %get3A_97 {offsets = [7], sizes = [1], strides = [1]} : vector<16xi32> to vector<1xi32>
      %squeeze3A_751 = vector.extract %slice3A_750[0] : i32 from vector<1xi32>
      %slice3A_752 = vector.extract_strided_slice %get3A_102 {offsets = [7], sizes = [1], strides = [1]} : vector<16xi32> to vector<1xi32>
      %squeeze3A_753 = vector.extract %slice3A_752[0] : i32 from vector<1xi32>
      %get3A_754 = arith.index_cast %squeeze3A_749 : i32 to index
      %get3A_755 = arith.constant 0 : index
      %get3A_756 = tpu.vector_load %arg12[%get3A_754, %get3A_755] {strides = array<i32>} : memref<64x48xf32, #tpu.memory_space<vmem>>, vector<1x16xf32>,
      %get3A_757 = vector.shape_cast %get3A_756 : vector<1x16xf32> to vector<16xf32>
      %get3A_758 = arith.index_cast %squeeze3A_749 : i32 to index
      %get3A_759 = arith.constant 16 : index
      %get3A_760 = tpu.vector_load %arg12[%get3A_758, %get3A_759] {strides = array<i32>} : memref<64x48xf32, #tpu.memory_space<vmem>>, vector<1x16xf32>,
      %get3A_761 = vector.shape_cast %get3A_760 : vector<1x16xf32> to vector<16xf32>
      %get3A_762 = arith.index_cast %squeeze3A_749 : i32 to index
      %get3A_763 = arith.constant 32 : index
      %get3A_764 = tpu.vector_load %arg12[%get3A_762, %get3A_763] {strides = array<i32>} : memref<64x48xf32, #tpu.memory_space<vmem>>, vector<1x16xf32>,
      %get3A_765 = vector.shape_cast %get3A_764 : vector<1x16xf32> to vector<16xf32>
      %get3A_766 = arith.index_cast %squeeze3A_751 : i32 to index
      %get3A_767 = arith.constant 32 : index
      %get3A_768 = tpu.vector_load %arg13[%get3A_766, %get3A_767] {strides = array<i32>} : memref<32x128xf32, #tpu.memory_space<vmem>>, vector<1x16xf32>,
      %get3A_769 = vector.shape_cast %get3A_768 : vector<1x16xf32> to vector<16xf32>
      %add3A_770 = arith.addf %get3A_765, %get3A_769 : vector<16xf32>
      %get3A_771 = arith.index_cast %squeeze3A_751 : i32 to index
      %get3A_772 = arith.constant 48 : index
      %get3A_773 = tpu.vector_load %arg13[%get3A_771, %get3A_772] {strides = array<i32>} : memref<32x128xf32, #tpu.memory_space<vmem>>, vector<1x16xf32>,
      %get3A_774 = vector.shape_cast %get3A_773 : vector<1x16xf32> to vector<16xf32>
      %get3A_775 = arith.index_cast %squeeze3A_751 : i32 to index
      %get3A_776 = arith.constant 64 : index
      %get3A_777 = tpu.vector_load %arg13[%get3A_775, %get3A_776] {strides = array<i32>} : memref<32x128xf32, #tpu.memory_space<vmem>>, vector<1x16xf32>,
      %get3A_778 = vector.shape_cast %get3A_777 : vector<1x16xf32> to vector<16xf32>
      %get3A_779 = arith.index_cast %squeeze3A_751 : i32 to index
      %get3A_780 = arith.constant 80 : index
      %get3A_781 = tpu.vector_load %arg13[%get3A_779, %get3A_780] {strides = array<i32>} : memref<32x128xf32, #tpu.memory_space<vmem>>, vector<1x16xf32>,
      %get3A_782 = vector.shape_cast %get3A_781 : vector<1x16xf32> to vector<16xf32>
      %get3A_783 = arith.index_cast %squeeze3A_753 : i32 to index
      %get3A_784 = arith.constant 0 : index
      %get3A_785 = tpu.vector_load %arg14[%get3A_783, %get3A_784] {strides = array<i32>} : memref<16x48xf32, #tpu.memory_space<vmem>>, vector<1x16xf32>,
      %get3A_786 = vector.shape_cast %get3A_785 : vector<1x16xf32> to vector<16xf32>
      %add3A_787 = arith.addf %get3A_782, %get3A_786 : vector<16xf32>
      %get3A_788 = arith.index_cast %squeeze3A_753 : i32 to index
      %get3A_789 = arith.constant 16 : index
      %get3A_790 = tpu.vector_load %arg14[%get3A_788, %get3A_789] {strides = array<i32>} : memref<16x48xf32, #tpu.memory_space<vmem>>, vector<1x16xf32>,
      %get3A_791 = vector.shape_cast %get3A_790 : vector<1x16xf32> to vector<16xf32>
      %get3A_792 = arith.index_cast %squeeze3A_753 : i32 to index
      %get3A_793 = arith.constant 32 : index
      %get3A_794 = tpu.vector_load %arg14[%get3A_792, %get3A_793] {strides = array<i32>} : memref<16x48xf32, #tpu.memory_space<vmem>>, vector<1x16xf32>,
      %get3A_795 = vector.shape_cast %get3A_794 : vector<1x16xf32> to vector<16xf32>
      %swap3A_796 = arith.index_cast %add3A_747 : i32 to index
      %swap3A_797 = arith.constant 0 : index
      %swap3A_798 = tpu.vector_load %arg15[%swap3A_796, %swap3A_797] {strides = array<i32>} : memref<512x128xf32, #tpu.memory_space<vmem>>, vector<1x16xf32>,
      %swap3A_799 = vector.shape_cast %swap3A_798 : vector<1x16xf32> to vector<16xf32>
      %swap3A_800 = vector.shape_cast %get3A_757 : vector<16xf32> to vector<1x16xf32>
      tpu.vector_store %arg15[%swap3A_796, %swap3A_797], %swap3A_800 {strides = array<i32>} : memref<512x128xf32, #tpu.memory_space<vmem>>, vector<1x16xf32>,
      %swap3A_801 = arith.index_cast %add3A_747 : i32 to index
      %swap3A_802 = arith.constant 16 : index
      %swap3A_803 = tpu.vector_load %arg15[%swap3A_801, %swap3A_802] {strides = array<i32>} : memref<512x128xf32, #tpu.memory_space<vmem>>, vector<1x16xf32>,
      %swap3A_804 = vector.shape_cast %swap3A_803 : vector<1x16xf32> to vector<16xf32>
      %swap3A_805 = vector.shape_cast %get3A_761 : vector<16xf32> to vector<1x16xf32>
      tpu.vector_store %arg15[%swap3A_801, %swap3A_802], %swap3A_805 {strides = array<i32>} : memref<512x128xf32, #tpu.memory_space<vmem>>, vector<1x16xf32>,
      %swap3A_806 = arith.index_cast %add3A_747 : i32 to index
      %swap3A_807 = arith.constant 32 : index
      %swap3A_808 = tpu.vector_load %arg15[%swap3A_806, %swap3A_807] {strides = array<i32>} : memref<512x128xf32, #tpu.memory_space<vmem>>, vector<1x16xf32>,
      %swap3A_809 = vector.shape_cast %swap3A_808 : vector<1x16xf32> to vector<16xf32>
      %swap3A_810 = vector.shape_cast %add3A_770 : vector<16xf32> to vector<1x16xf32>
      tpu.vector_store %arg15[%swap3A_806, %swap3A_807], %swap3A_810 {strides = array<i32>} : memref<512x128xf32, #tpu.memory_space<vmem>>, vector<1x16xf32>,
      %swap3A_811 = arith.index_cast %add3A_747 : i32 to index
      %swap3A_812 = arith.constant 48 : index
      %swap3A_813 = tpu.vector_load %arg15[%swap3A_811, %swap3A_812] {strides = array<i32>} : memref<512x128xf32, #tpu.memory_space<vmem>>, vector<1x16xf32>,
      %swap3A_814 = vector.shape_cast %swap3A_813 : vector<1x16xf32> to vector<16xf32>
      %swap3A_815 = vector.shape_cast %get3A_774 : vector<16xf32> to vector<1x16xf32>
      tpu.vector_store %arg15[%swap3A_811, %swap3A_812], %swap3A_815 {strides = array<i32>} : memref<512x128xf32, #tpu.memory_space<vmem>>, vector<1x16xf32>,
      %swap3A_816 = arith.index_cast %add3A_747 : i32 to index
      %swap3A_817 = arith.constant 64 : index
      %swap3A_818 = tpu.vector_load %arg15[%swap3A_816, %swap3A_817] {strides = array<i32>} : memref<512x128xf32, #tpu.memory_space<vmem>>, vector<1x16xf32>,
      %swap3A_819 = vector.shape_cast %swap3A_818 : vector<1x16xf32> to vector<16xf32>
      %swap3A_820 = vector.shape_cast %get3A_778 : vector<16xf32> to vector<1x16xf32>
      tpu.vector_store %arg15[%swap3A_816, %swap3A_817], %swap3A_820 {strides = array<i32>} : memref<512x128xf32, #tpu.memory_space<vmem>>, vector<1x16xf32>,
      %swap3A_821 = arith.index_cast %add3A_747 : i32 to index
      %swap3A_822 = arith.constant 80 : index
      %swap3A_823 = tpu.vector_load %arg15[%swap3A_821, %swap3A_822] {strides = array<i32>} : memref<512x128xf32, #tpu.memory_space<vmem>>, vector<1x16xf32>,
      %swap3A_824 = vector.shape_cast %swap3A_823 : vector<1x16xf32> to vector<16xf32>
      %swap3A_825 = vector.shape_cast %add3A_787 : vector<16xf32> to vector<1x16xf32>
      tpu.vector_store %arg15[%swap3A_821, %swap3A_822], %swap3A_825 {strides = array<i32>} : memref<512x128xf32, #tpu.memory_space<vmem>>, vector<1x16xf32>,
      %swap3A_826 = arith.index_cast %add3A_747 : i32 to index
      %swap3A_827 = arith.constant 96 : index
      %swap3A_828 = tpu.vector_load %arg15[%swap3A_826, %swap3A_827] {strides = array<i32>} : memref<512x128xf32, #tpu.memory_space<vmem>>, vector<1x16xf32>,
      %swap3A_829 = vector.shape_cast %swap3A_828 : vector<1x16xf32> to vector<16xf32>
      %swap3A_830 = vector.shape_cast %get3A_791 : vector<16xf32> to vector<1x16xf32>
      tpu.vector_store %arg15[%swap3A_826, %swap3A_827], %swap3A_830 {strides = array<i32>} : memref<512x128xf32, #tpu.memory_space<vmem>>, vector<1x16xf32>,
      %swap3A_831 = arith.index_cast %add3A_747 : i32 to index
      %swap3A_832 = arith.constant 112 : index
      %swap3A_833 = tpu.vector_load %arg15[%swap3A_831, %swap3A_832] {strides = array<i32>} : memref<512x128xf32, #tpu.memory_space<vmem>>, vector<1x16xf32>,
      %swap3A_834 = vector.shape_cast %swap3A_833 : vector<1x16xf32> to vector<16xf32>
      %swap3A_835 = vector.shape_cast %get3A_795 : vector<16xf32> to vector<1x16xf32>
      tpu.vector_store %arg15[%swap3A_831, %swap3A_832], %swap3A_835 {strides = array<i32>} : memref<512x128xf32, #tpu.memory_space<vmem>>, vector<1x16xf32>,
      %add3A_836 = arith.constant 0 : i32
      %add3A_837 = arith.addi %add3A_836, %mul3A_88 : i32
      %add3A_838 = arith.constant 8 : i32
      %add3A_839 = arith.addi %add3A_837, %add3A_838 : i32
      %slice3A_840 = vector.extract_strided_slice %get3A_92 {offsets = [8], sizes = [1], strides = [1]} : vector<16xi32> to vector<1xi32>
      %squeeze3A_841 = vector.extract %slice3A_840[0] : i32 from vector<1xi32>
      %slice3A_842 = vector.extract_strided_slice %get3A_97 {offsets = [8], sizes = [1], strides = [1]} : vector<16xi32> to vector<1xi32>
      %squeeze3A_843 = vector.extract %slice3A_842[0] : i32 from vector<1xi32>
      %slice3A_844 = vector.extract_strided_slice %get3A_102 {offsets = [8], sizes = [1], strides = [1]} : vector<16xi32> to vector<1xi32>
      %squeeze3A_845 = vector.extract %slice3A_844[0] : i32 from vector<1xi32>
      %get3A_846 = arith.index_cast %squeeze3A_841 : i32 to index
      %get3A_847 = arith.constant 0 : index
      %get3A_848 = tpu.vector_load %arg12[%get3A_846, %get3A_847] {strides = array<i32>} : memref<64x48xf32, #tpu.memory_space<vmem>>, vector<1x16xf32>,
      %get3A_849 = vector.shape_cast %get3A_848 : vector<1x16xf32> to vector<16xf32>
      %get3A_850 = arith.index_cast %squeeze3A_841 : i32 to index
      %get3A_851 = arith.constant 16 : index
      %get3A_852 = tpu.vector_load %arg12[%get3A_850, %get3A_851] {strides = array<i32>} : memref<64x48xf32, #tpu.memory_space<vmem>>, vector<1x16xf32>,
      %get3A_853 = vector.shape_cast %get3A_852 : vector<1x16xf32> to vector<16xf32>
      %get3A_854 = arith.index_cast %squeeze3A_841 : i32 to index
      %get3A_855 = arith.constant 32 : index
      %get3A_856 = tpu.vector_load %arg12[%get3A_854, %get3A_855] {strides = array<i32>} : memref<64x48xf32, #tpu.memory_space<vmem>>, vector<1x16xf32>,
      %get3A_857 = vector.shape_cast %get3A_856 : vector<1x16xf32> to vector<16xf32>
      %get3A_858 = arith.index_cast %squeeze3A_843 : i32 to index
      %get3A_859 = arith.constant 32 : index
      %get3A_860 = tpu.vector_load %arg13[%get3A_858, %get3A_859] {strides = array<i32>} : memref<32x128xf32, #tpu.memory_space<vmem>>, vector<1x16xf32>,
      %get3A_861 = vector.shape_cast %get3A_860 : vector<1x16xf32> to vector<16xf32>
      %add3A_862 = arith.addf %get3A_857, %get3A_861 : vector<16xf32>
      %get3A_863 = arith.index_cast %squeeze3A_843 : i32 to index
      %get3A_864 = arith.constant 48 : index
      %get3A_865 = tpu.vector_load %arg13[%get3A_863, %get3A_864] {strides = array<i32>} : memref<32x128xf32, #tpu.memory_space<vmem>>, vector<1x16xf32>,
      %get3A_866 = vector.shape_cast %get3A_865 : vector<1x16xf32> to vector<16xf32>
      %get3A_867 = arith.index_cast %squeeze3A_843 : i32 to index
      %get3A_868 = arith.constant 64 : index
      %get3A_869 = tpu.vector_load %arg13[%get3A_867, %get3A_868] {strides = array<i32>} : memref<32x128xf32, #tpu.memory_space<vmem>>, vector<1x16xf32>,
      %get3A_870 = vector.shape_cast %get3A_869 : vector<1x16xf32> to vector<16xf32>
      %get3A_871 = arith.index_cast %squeeze3A_843 : i32 to index
      %get3A_872 = arith.constant 80 : index
      %get3A_873 = tpu.vector_load %arg13[%get3A_871, %get3A_872] {strides = array<i32>} : memref<32x128xf32, #tpu.memory_space<vmem>>, vector<1x16xf32>,
      %get3A_874 = vector.shape_cast %get3A_873 : vector<1x16xf32> to vector<16xf32>
      %get3A_875 = arith.index_cast %squeeze3A_845 : i32 to index
      %get3A_876 = arith.constant 0 : index
      %get3A_877 = tpu.vector_load %arg14[%get3A_875, %get3A_876] {strides = array<i32>} : memref<16x48xf32, #tpu.memory_space<vmem>>, vector<1x16xf32>,
      %get3A_878 = vector.shape_cast %get3A_877 : vector<1x16xf32> to vector<16xf32>
      %add3A_879 = arith.addf %get3A_874, %get3A_878 : vector<16xf32>
      %get3A_880 = arith.index_cast %squeeze3A_845 : i32 to index
      %get3A_881 = arith.constant 16 : index
      %get3A_882 = tpu.vector_load %arg14[%get3A_880, %get3A_881] {strides = array<i32>} : memref<16x48xf32, #tpu.memory_space<vmem>>, vector<1x16xf32>,
      %get3A_883 = vector.shape_cast %get3A_882 : vector<1x16xf32> to vector<16xf32>
      %get3A_884 = arith.index_cast %squeeze3A_845 : i32 to index
      %get3A_885 = arith.constant 32 : index
      %get3A_886 = tpu.vector_load %arg14[%get3A_884, %get3A_885] {strides = array<i32>} : memref<16x48xf32, #tpu.memory_space<vmem>>, vector<1x16xf32>,
      %get3A_887 = vector.shape_cast %get3A_886 : vector<1x16xf32> to vector<16xf32>
      %swap3A_888 = arith.index_cast %add3A_839 : i32 to index
      %swap3A_889 = arith.constant 0 : index
      %swap3A_890 = tpu.vector_load %arg15[%swap3A_888, %swap3A_889] {strides = array<i32>} : memref<512x128xf32, #tpu.memory_space<vmem>>, vector<1x16xf32>,
      %swap3A_891 = vector.shape_cast %swap3A_890 : vector<1x16xf32> to vector<16xf32>
      %swap3A_892 = vector.shape_cast %get3A_849 : vector<16xf32> to vector<1x16xf32>
      tpu.vector_store %arg15[%swap3A_888, %swap3A_889], %swap3A_892 {strides = array<i32>} : memref<512x128xf32, #tpu.memory_space<vmem>>, vector<1x16xf32>,
      %swap3A_893 = arith.index_cast %add3A_839 : i32 to index
      %swap3A_894 = arith.constant 16 : index
      %swap3A_895 = tpu.vector_load %arg15[%swap3A_893, %swap3A_894] {strides = array<i32>} : memref<512x128xf32, #tpu.memory_space<vmem>>, vector<1x16xf32>,
      %swap3A_896 = vector.shape_cast %swap3A_895 : vector<1x16xf32> to vector<16xf32>
      %swap3A_897 = vector.shape_cast %get3A_853 : vector<16xf32> to vector<1x16xf32>
      tpu.vector_store %arg15[%swap3A_893, %swap3A_894], %swap3A_897 {strides = array<i32>} : memref<512x128xf32, #tpu.memory_space<vmem>>, vector<1x16xf32>,
      %swap3A_898 = arith.index_cast %add3A_839 : i32 to index
      %swap3A_899 = arith.constant 32 : index
      %swap3A_900 = tpu.vector_load %arg15[%swap3A_898, %swap3A_899] {strides = array<i32>} : memref<512x128xf32, #tpu.memory_space<vmem>>, vector<1x16xf32>,
      %swap3A_901 = vector.shape_cast %swap3A_900 : vector<1x16xf32> to vector<16xf32>
      %swap3A_902 = vector.shape_cast %add3A_862 : vector<16xf32> to vector<1x16xf32>
      tpu.vector_store %arg15[%swap3A_898, %swap3A_899], %swap3A_902 {strides = array<i32>} : memref<512x128xf32, #tpu.memory_space<vmem>>, vector<1x16xf32>,
      %swap3A_903 = arith.index_cast %add3A_839 : i32 to index
      %swap3A_904 = arith.constant 48 : index
      %swap3A_905 = tpu.vector_load %arg15[%swap3A_903, %swap3A_904] {strides = array<i32>} : memref<512x128xf32, #tpu.memory_space<vmem>>, vector<1x16xf32>,
      %swap3A_906 = vector.shape_cast %swap3A_905 : vector<1x16xf32> to vector<16xf32>
      %swap3A_907 = vector.shape_cast %get3A_866 : vector<16xf32> to vector<1x16xf32>
      tpu.vector_store %arg15[%swap3A_903, %swap3A_904], %swap3A_907 {strides = array<i32>} : memref<512x128xf32, #tpu.memory_space<vmem>>, vector<1x16xf32>,
      %swap3A_908 = arith.index_cast %add3A_839 : i32 to index
      %swap3A_909 = arith.constant 64 : index
      %swap3A_910 = tpu.vector_load %arg15[%swap3A_908, %swap3A_909] {strides = array<i32>} : memref<512x128xf32, #tpu.memory_space<vmem>>, vector<1x16xf32>,
      %swap3A_911 = vector.shape_cast %swap3A_910 : vector<1x16xf32> to vector<16xf32>
      %swap3A_912 = vector.shape_cast %get3A_870 : vector<16xf32> to vector<1x16xf32>
      tpu.vector_store %arg15[%swap3A_908, %swap3A_909], %swap3A_912 {strides = array<i32>} : memref<512x128xf32, #tpu.memory_space<vmem>>, vector<1x16xf32>,
      %swap3A_913 = arith.index_cast %add3A_839 : i32 to index
      %swap3A_914 = arith.constant 80 : index
      %swap3A_915 = tpu.vector_load %arg15[%swap3A_913, %swap3A_914] {strides = array<i32>} : memref<512x128xf32, #tpu.memory_space<vmem>>, vector<1x16xf32>,
      %swap3A_916 = vector.shape_cast %swap3A_915 : vector<1x16xf32> to vector<16xf32>
      %swap3A_917 = vector.shape_cast %add3A_879 : vector<16xf32> to vector<1x16xf32>
      tpu.vector_store %arg15[%swap3A_913, %swap3A_914], %swap3A_917 {strides = array<i32>} : memref<512x128xf32, #tpu.memory_space<vmem>>, vector<1x16xf32>,
      %swap3A_918 = arith.index_cast %add3A_839 : i32 to index
      %swap3A_919 = arith.constant 96 : index
      %swap3A_920 = tpu.vector_load %arg15[%swap3A_918, %swap3A_919] {strides = array<i32>} : memref<512x128xf32, #tpu.memory_space<vmem>>, vector<1x16xf32>,
      %swap3A_921 = vector.shape_cast %swap3A_920 : vector<1x16xf32> to vector<16xf32>
      %swap3A_922 = vector.shape_cast %get3A_883 : vector<16xf32> to vector<1x16xf32>
      tpu.vector_store %arg15[%swap3A_918, %swap3A_919], %swap3A_922 {strides = array<i32>} : memref<512x128xf32, #tpu.memory_space<vmem>>, vector<1x16xf32>,
      %swap3A_923 = arith.index_cast %add3A_839 : i32 to index
      %swap3A_924 = arith.constant 112 : index
      %swap3A_925 = tpu.vector_load %arg15[%swap3A_923, %swap3A_924] {strides = array<i32>} : memref<512x128xf32, #tpu.memory_space<vmem>>, vector<1x16xf32>,
      %swap3A_926 = vector.shape_cast %swap3A_925 : vector<1x16xf32> to vector<16xf32>
      %swap3A_927 = vector.shape_cast %get3A_887 : vector<16xf32> to vector<1x16xf32>
      tpu.vector_store %arg15[%swap3A_923, %swap3A_924], %swap3A_927 {strides = array<i32>} : memref<512x128xf32, #tpu.memory_space<vmem>>, vector<1x16xf32>,
      %add3A_928 = arith.constant 0 : i32
      %add3A_929 = arith.addi %add3A_928, %mul3A_88 : i32
      %add3A_930 = arith.constant 9 : i32
      %add3A_931 = arith.addi %add3A_929, %add3A_930 : i32
      %slice3A_932 = vector.extract_strided_slice %get3A_92 {offsets = [9], sizes = [1], strides = [1]} : vector<16xi32> to vector<1xi32>
      %squeeze3A_933 = vector.extract %slice3A_932[0] : i32 from vector<1xi32>
      %slice3A_934 = vector.extract_strided_slice %get3A_97 {offsets = [9], sizes = [1], strides = [1]} : vector<16xi32> to vector<1xi32>
      %squeeze3A_935 = vector.extract %slice3A_934[0] : i32 from vector<1xi32>
      %slice3A_936 = vector.extract_strided_slice %get3A_102 {offsets = [9], sizes = [1], strides = [1]} : vector<16xi32> to vector<1xi32>
      %squeeze3A_937 = vector.extract %slice3A_936[0] : i32 from vector<1xi32>
      %get3A_938 = arith.index_cast %squeeze3A_933 : i32 to index
      %get3A_939 = arith.constant 0 : index
      %get3A_940 = tpu.vector_load %arg12[%get3A_938, %get3A_939] {strides = array<i32>} : memref<64x48xf32, #tpu.memory_space<vmem>>, vector<1x16xf32>,
      %get3A_941 = vector.shape_cast %get3A_940 : vector<1x16xf32> to vector<16xf32>
      %get3A_942 = arith.index_cast %squeeze3A_933 : i32 to index
      %get3A_943 = arith.constant 16 : index
      %get3A_944 = tpu.vector_load %arg12[%get3A_942, %get3A_943] {strides = array<i32>} : memref<64x48xf32, #tpu.memory_space<vmem>>, vector<1x16xf32>,
      %get3A_945 = vector.shape_cast %get3A_944 : vector<1x16xf32> to vector<16xf32>
      %get3A_946 = arith.index_cast %squeeze3A_933 : i32 to index
      %get3A_947 = arith.constant 32 : index
      %get3A_948 = tpu.vector_load %arg12[%get3A_946, %get3A_947] {strides = array<i32>} : memref<64x48xf32, #tpu.memory_space<vmem>>, vector<1x16xf32>,
      %get3A_949 = vector.shape_cast %get3A_948 : vector<1x16xf32> to vector<16xf32>
      %get3A_950 = arith.index_cast %squeeze3A_935 : i32 to index
      %get3A_951 = arith.constant 32 : index
      %get3A_952 = tpu.vector_load %arg13[%get3A_950, %get3A_951] {strides = array<i32>} : memref<32x128xf32, #tpu.memory_space<vmem>>, vector<1x16xf32>,
      %get3A_953 = vector.shape_cast %get3A_952 : vector<1x16xf32> to vector<16xf32>
      %add3A_954 = arith.addf %get3A_949, %get3A_953 : vector<16xf32>
      %get3A_955 = arith.index_cast %squeeze3A_935 : i32 to index
      %get3A_956 = arith.constant 48 : index
      %get3A_957 = tpu.vector_load %arg13[%get3A_955, %get3A_956] {strides = array<i32>} : memref<32x128xf32, #tpu.memory_space<vmem>>, vector<1x16xf32>,
      %get3A_958 = vector.shape_cast %get3A_957 : vector<1x16xf32> to vector<16xf32>
      %get3A_959 = arith.index_cast %squeeze3A_935 : i32 to index
      %get3A_960 = arith.constant 64 : index
      %get3A_961 = tpu.vector_load %arg13[%get3A_959, %get3A_960] {strides = array<i32>} : memref<32x128xf32, #tpu.memory_space<vmem>>, vector<1x16xf32>,
      %get3A_962 = vector.shape_cast %get3A_961 : vector<1x16xf32> to vector<16xf32>
      %get3A_963 = arith.index_cast %squeeze3A_935 : i32 to index
      %get3A_964 = arith.constant 80 : index
      %get3A_965 = tpu.vector_load %arg13[%get3A_963, %get3A_964] {strides = array<i32>} : memref<32x128xf32, #tpu.memory_space<vmem>>, vector<1x16xf32>,
      %get3A_966 = vector.shape_cast %get3A_965 : vector<1x16xf32> to vector<16xf32>
      %get3A_967 = arith.index_cast %squeeze3A_937 : i32 to index
      %get3A_968 = arith.constant 0 : index
      %get3A_969 = tpu.vector_load %arg14[%get3A_967, %get3A_968] {strides = array<i32>} : memref<16x48xf32, #tpu.memory_space<vmem>>, vector<1x16xf32>,
      %get3A_970 = vector.shape_cast %get3A_969 : vector<1x16xf32> to vector<16xf32>
      %add3A_971 = arith.addf %get3A_966, %get3A_970 : vector<16xf32>
      %get3A_972 = arith.index_cast %squeeze3A_937 : i32 to index
      %get3A_973 = arith.constant 16 : index
      %get3A_974 = tpu.vector_load %arg14[%get3A_972, %get3A_973] {strides = array<i32>} : memref<16x48xf32, #tpu.memory_space<vmem>>, vector<1x16xf32>,
      %get3A_975 = vector.shape_cast %get3A_974 : vector<1x16xf32> to vector<16xf32>
      %get3A_976 = arith.index_cast %squeeze3A_937 : i32 to index
      %get3A_977 = arith.constant 32 : index
      %get3A_978 = tpu.vector_load %arg14[%get3A_976, %get3A_977] {strides = array<i32>} : memref<16x48xf32, #tpu.memory_space<vmem>>, vector<1x16xf32>,
      %get3A_979 = vector.shape_cast %get3A_978 : vector<1x16xf32> to vector<16xf32>
      %swap3A_980 = arith.index_cast %add3A_931 : i32 to index
      %swap3A_981 = arith.constant 0 : index
      %swap3A_982 = tpu.vector_load %arg15[%swap3A_980, %swap3A_981] {strides = array<i32>} : memref<512x128xf32, #tpu.memory_space<vmem>>, vector<1x16xf32>,
      %swap3A_983 = vector.shape_cast %swap3A_982 : vector<1x16xf32> to vector<16xf32>
      %swap3A_984 = vector.shape_cast %get3A_941 : vector<16xf32> to vector<1x16xf32>
      tpu.vector_store %arg15[%swap3A_980, %swap3A_981], %swap3A_984 {strides = array<i32>} : memref<512x128xf32, #tpu.memory_space<vmem>>, vector<1x16xf32>,
      %swap3A_985 = arith.index_cast %add3A_931 : i32 to index
      %swap3A_986 = arith.constant 16 : index
      %swap3A_987 = tpu.vector_load %arg15[%swap3A_985, %swap3A_986] {strides = array<i32>} : memref<512x128xf32, #tpu.memory_space<vmem>>, vector<1x16xf32>,
      %swap3A_988 = vector.shape_cast %swap3A_987 : vector<1x16xf32> to vector<16xf32>
      %swap3A_989 = vector.shape_cast %get3A_945 : vector<16xf32> to vector<1x16xf32>
      tpu.vector_store %arg15[%swap3A_985, %swap3A_986], %swap3A_989 {strides = array<i32>} : memref<512x128xf32, #tpu.memory_space<vmem>>, vector<1x16xf32>,
      %swap3A_990 = arith.index_cast %add3A_931 : i32 to index
      %swap3A_991 = arith.constant 32 : index
      %swap3A_992 = tpu.vector_load %arg15[%swap3A_990, %swap3A_991] {strides = array<i32>} : memref<512x128xf32, #tpu.memory_space<vmem>>, vector<1x16xf32>,
      %swap3A_993 = vector.shape_cast %swap3A_992 : vector<1x16xf32> to vector<16xf32>
      %swap3A_994 = vector.shape_cast %add3A_954 : vector<16xf32> to vector<1x16xf32>
      tpu.vector_store %arg15[%swap3A_990, %swap3A_991], %swap3A_994 {strides = array<i32>} : memref<512x128xf32, #tpu.memory_space<vmem>>, vector<1x16xf32>,
      %swap3A_995 = arith.index_cast %add3A_931 : i32 to index
      %swap3A_996 = arith.constant 48 : index
      %swap3A_997 = tpu.vector_load %arg15[%swap3A_995, %swap3A_996] {strides = array<i32>} : memref<512x128xf32, #tpu.memory_space<vmem>>, vector<1x16xf32>,
      %swap3A_998 = vector.shape_cast %swap3A_997 : vector<1x16xf32> to vector<16xf32>
      %swap3A_999 = vector.shape_cast %get3A_958 : vector<16xf32> to vector<1x16xf32>
      tpu.vector_store %arg15[%swap3A_995, %swap3A_996], %swap3A_999 {strides = array<i32>} : memref<512x128xf32, #tpu.memory_space<vmem>>, vector<1x16xf32>,
      %swap3A_1000 = arith.index_cast %add3A_931 : i32 to index
      %swap3A_1001 = arith.constant 64 : index
      %swap3A_1002 = tpu.vector_load %arg15[%swap3A_1000, %swap3A_1001] {strides = array<i32>} : memref<512x128xf32, #tpu.memory_space<vmem>>, vector<1x16xf32>,
      %swap3A_1003 = vector.shape_cast %swap3A_1002 : vector<1x16xf32> to vector<16xf32>
      %swap3A_1004 = vector.shape_cast %get3A_962 : vector<16xf32> to vector<1x16xf32>
      tpu.vector_store %arg15[%swap3A_1000, %swap3A_1001], %swap3A_1004 {strides = array<i32>} : memref<512x128xf32, #tpu.memory_space<vmem>>, vector<1x16xf32>,
      %swap3A_1005 = arith.index_cast %add3A_931 : i32 to index
      %swap3A_1006 = arith.constant 80 : index
      %swap3A_1007 = tpu.vector_load %arg15[%swap3A_1005, %swap3A_1006] {strides = array<i32>} : memref<512x128xf32, #tpu.memory_space<vmem>>, vector<1x16xf32>,
      %swap3A_1008 = vector.shape_cast %swap3A_1007 : vector<1x16xf32> to vector<16xf32>
      %swap3A_1009 = vector.shape_cast %add3A_971 : vector<16xf32> to vector<1x16xf32>
      tpu.vector_store %arg15[%swap3A_1005, %swap3A_1006], %swap3A_1009 {strides = array<i32>} : memref<512x128xf32, #tpu.memory_space<vmem>>, vector<1x16xf32>,
      %swap3A_1010 = arith.index_cast %add3A_931 : i32 to index
      %swap3A_1011 = arith.constant 96 : index
      %swap3A_1012 = tpu.vector_load %arg15[%swap3A_1010, %swap3A_1011] {strides = array<i32>} : memref<512x128xf32, #tpu.memory_space<vmem>>, vector<1x16xf32>,
      %swap3A_1013 = vector.shape_cast %swap3A_1012 : vector<1x16xf32> to vector<16xf32>
      %swap3A_1014 = vector.shape_cast %get3A_975 : vector<16xf32> to vector<1x16xf32>
      tpu.vector_store %arg15[%swap3A_1010, %swap3A_1011], %swap3A_1014 {strides = array<i32>} : memref<512x128xf32, #tpu.memory_space<vmem>>, vector<1x16xf32>,
      %swap3A_1015 = arith.index_cast %add3A_931 : i32 to index
      %swap3A_1016 = arith.constant 112 : index
      %swap3A_1017 = tpu.vector_load %arg15[%swap3A_1015, %swap3A_1016] {strides = array<i32>} : memref<512x128xf32, #tpu.memory_space<vmem>>, vector<1x16xf32>,
      %swap3A_1018 = vector.shape_cast %swap3A_1017 : vector<1x16xf32> to vector<16xf32>
      %swap3A_1019 = vector.shape_cast %get3A_979 : vector<16xf32> to vector<1x16xf32>
      tpu.vector_store %arg15[%swap3A_1015, %swap3A_1016], %swap3A_1019 {strides = array<i32>} : memref<512x128xf32, #tpu.memory_space<vmem>>, vector<1x16xf32>,
      %add3A_1020 = arith.constant 0 : i32
      %add3A_1021 = arith.addi %add3A_1020, %mul3A_88 : i32
      %add3A_1022 = arith.constant 10 : i32
      %add3A_1023 = arith.addi %add3A_1021, %add3A_1022 : i32
      %slice3A_1024 = vector.extract_strided_slice %get3A_92 {offsets = [10], sizes = [1], strides = [1]} : vector<16xi32> to vector<1xi32>
      %squeeze3A_1025 = vector.extract %slice3A_1024[0] : i32 from vector<1xi32>
      %slice3A_1026 = vector.extract_strided_slice %get3A_97 {offsets = [10], sizes = [1], strides = [1]} : vector<16xi32> to vector<1xi32>
      %squeeze3A_1027 = vector.extract %slice3A_1026[0] : i32 from vector<1xi32>
      %slice3A_1028 = vector.extract_strided_slice %get3A_102 {offsets = [10], sizes = [1], strides = [1]} : vector<16xi32> to vector<1xi32>
      %squeeze3A_1029 = vector.extract %slice3A_1028[0] : i32 from vector<1xi32>
      %get3A_1030 = arith.index_cast %squeeze3A_1025 : i32 to index
      %get3A_1031 = arith.constant 0 : index
      %get3A_1032 = tpu.vector_load %arg12[%get3A_1030, %get3A_1031] {strides = array<i32>} : memref<64x48xf32, #tpu.memory_space<vmem>>, vector<1x16xf32>,
      %get3A_1033 = vector.shape_cast %get3A_1032 : vector<1x16xf32> to vector<16xf32>
      %get3A_1034 = arith.index_cast %squeeze3A_1025 : i32 to index
      %get3A_1035 = arith.constant 16 : index
      %get3A_1036 = tpu.vector_load %arg12[%get3A_1034, %get3A_1035] {strides = array<i32>} : memref<64x48xf32, #tpu.memory_space<vmem>>, vector<1x16xf32>,
      %get3A_1037 = vector.shape_cast %get3A_1036 : vector<1x16xf32> to vector<16xf32>
      %get3A_1038 = arith.index_cast %squeeze3A_1025 : i32 to index
      %get3A_1039 = arith.constant 32 : index
      %get3A_1040 = tpu.vector_load %arg12[%get3A_1038, %get3A_1039] {strides = array<i32>} : memref<64x48xf32, #tpu.memory_space<vmem>>, vector<1x16xf32>,
      %get3A_1041 = vector.shape_cast %get3A_1040 : vector<1x16xf32> to vector<16xf32>
      %get3A_1042 = arith.index_cast %squeeze3A_1027 : i32 to index
      %get3A_1043 = arith.constant 32 : index
      %get3A_1044 = tpu.vector_load %arg13[%get3A_1042, %get3A_1043] {strides = array<i32>} : memref<32x128xf32, #tpu.memory_space<vmem>>, vector<1x16xf32>,
      %get3A_1045 = vector.shape_cast %get3A_1044 : vector<1x16xf32> to vector<16xf32>
      %add3A_1046 = arith.addf %get3A_1041, %get3A_1045 : vector<16xf32>
      %get3A_1047 = arith.index_cast %squeeze3A_1027 : i32 to index
      %get3A_1048 = arith.constant 48 : index
      %get3A_1049 = tpu.vector_load %arg13[%get3A_1047, %get3A_1048] {strides = array<i32>} : memref<32x128xf32, #tpu.memory_space<vmem>>, vector<1x16xf32>,
      %get3A_1050 = vector.shape_cast %get3A_1049 : vector<1x16xf32> to vector<16xf32>
      %get3A_1051 = arith.index_cast %squeeze3A_1027 : i32 to index
      %get3A_1052 = arith.constant 64 : index
      %get3A_1053 = tpu.vector_load %arg13[%get3A_1051, %get3A_1052] {strides = array<i32>} : memref<32x128xf32, #tpu.memory_space<vmem>>, vector<1x16xf32>,
      %get3A_1054 = vector.shape_cast %get3A_1053 : vector<1x16xf32> to vector<16xf32>
      %get3A_1055 = arith.index_cast %squeeze3A_1027 : i32 to index
      %get3A_1056 = arith.constant 80 : index
      %get3A_1057 = tpu.vector_load %arg13[%get3A_1055, %get3A_1056] {strides = array<i32>} : memref<32x128xf32, #tpu.memory_space<vmem>>, vector<1x16xf32>,
      %get3A_1058 = vector.shape_cast %get3A_1057 : vector<1x16xf32> to vector<16xf32>
      %get3A_1059 = arith.index_cast %squeeze3A_1029 : i32 to index
      %get3A_1060 = arith.constant 0 : index
      %get3A_1061 = tpu.vector_load %arg14[%get3A_1059, %get3A_1060] {strides = array<i32>} : memref<16x48xf32, #tpu.memory_space<vmem>>, vector<1x16xf32>,
      %get3A_1062 = vector.shape_cast %get3A_1061 : vector<1x16xf32> to vector<16xf32>
      %add3A_1063 = arith.addf %get3A_1058, %get3A_1062 : vector<16xf32>
      %get3A_1064 = arith.index_cast %squeeze3A_1029 : i32 to index
      %get3A_1065 = arith.constant 16 : index
      %get3A_1066 = tpu.vector_load %arg14[%get3A_1064, %get3A_1065] {strides = array<i32>} : memref<16x48xf32, #tpu.memory_space<vmem>>, vector<1x16xf32>,
      %get3A_1067 = vector.shape_cast %get3A_1066 : vector<1x16xf32> to vector<16xf32>
      %get3A_1068 = arith.index_cast %squeeze3A_1029 : i32 to index
      %get3A_1069 = arith.constant 32 : index
      %get3A_1070 = tpu.vector_load %arg14[%get3A_1068, %get3A_1069] {strides = array<i32>} : memref<16x48xf32, #tpu.memory_space<vmem>>, vector<1x16xf32>,
      %get3A_1071 = vector.shape_cast %get3A_1070 : vector<1x16xf32> to vector<16xf32>
      %swap3A_1072 = arith.index_cast %add3A_1023 : i32 to index
      %swap3A_1073 = arith.constant 0 : index
      %swap3A_1074 = tpu.vector_load %arg15[%swap3A_1072, %swap3A_1073] {strides = array<i32>} : memref<512x128xf32, #tpu.memory_space<vmem>>, vector<1x16xf32>,
      %swap3A_1075 = vector.shape_cast %swap3A_1074 : vector<1x16xf32> to vector<16xf32>
      %swap3A_1076 = vector.shape_cast %get3A_1033 : vector<16xf32> to vector<1x16xf32>
      tpu.vector_store %arg15[%swap3A_1072, %swap3A_1073], %swap3A_1076 {strides = array<i32>} : memref<512x128xf32, #tpu.memory_space<vmem>>, vector<1x16xf32>,
      %swap3A_1077 = arith.index_cast %add3A_1023 : i32 to index
      %swap3A_1078 = arith.constant 16 : index
      %swap3A_1079 = tpu.vector_load %arg15[%swap3A_1077, %swap3A_1078] {strides = array<i32>} : memref<512x128xf32, #tpu.memory_space<vmem>>, vector<1x16xf32>,
      %swap3A_1080 = vector.shape_cast %swap3A_1079 : vector<1x16xf32> to vector<16xf32>
      %swap3A_1081 = vector.shape_cast %get3A_1037 : vector<16xf32> to vector<1x16xf32>
      tpu.vector_store %arg15[%swap3A_1077, %swap3A_1078], %swap3A_1081 {strides = array<i32>} : memref<512x128xf32, #tpu.memory_space<vmem>>, vector<1x16xf32>,
      %swap3A_1082 = arith.index_cast %add3A_1023 : i32 to index
      %swap3A_1083 = arith.constant 32 : index
      %swap3A_1084 = tpu.vector_load %arg15[%swap3A_1082, %swap3A_1083] {strides = array<i32>} : memref<512x128xf32, #tpu.memory_space<vmem>>, vector<1x16xf32>,
      %swap3A_1085 = vector.shape_cast %swap3A_1084 : vector<1x16xf32> to vector<16xf32>
      %swap3A_1086 = vector.shape_cast %add3A_1046 : vector<16xf32> to vector<1x16xf32>
      tpu.vector_store %arg15[%swap3A_1082, %swap3A_1083], %swap3A_1086 {strides = array<i32>} : memref<512x128xf32, #tpu.memory_space<vmem>>, vector<1x16xf32>,
      %swap3A_1087 = arith.index_cast %add3A_1023 : i32 to index
      %swap3A_1088 = arith.constant 48 : index
      %swap3A_1089 = tpu.vector_load %arg15[%swap3A_1087, %swap3A_1088] {strides = array<i32>} : memref<512x128xf32, #tpu.memory_space<vmem>>, vector<1x16xf32>,
      %swap3A_1090 = vector.shape_cast %swap3A_1089 : vector<1x16xf32> to vector<16xf32>
      %swap3A_1091 = vector.shape_cast %get3A_1050 : vector<16xf32> to vector<1x16xf32>
      tpu.vector_store %arg15[%swap3A_1087, %swap3A_1088], %swap3A_1091 {strides = array<i32>} : memref<512x128xf32, #tpu.memory_space<vmem>>, vector<1x16xf32>,
      %swap3A_1092 = arith.index_cast %add3A_1023 : i32 to index
      %swap3A_1093 = arith.constant 64 : index
      %swap3A_1094 = tpu.vector_load %arg15[%swap3A_1092, %swap3A_1093] {strides = array<i32>} : memref<512x128xf32, #tpu.memory_space<vmem>>, vector<1x16xf32>,
      %swap3A_1095 = vector.shape_cast %swap3A_1094 : vector<1x16xf32> to vector<16xf32>
      %swap3A_1096 = vector.shape_cast %get3A_1054 : vector<16xf32> to vector<1x16xf32>
      tpu.vector_store %arg15[%swap3A_1092, %swap3A_1093], %swap3A_1096 {strides = array<i32>} : memref<512x128xf32, #tpu.memory_space<vmem>>, vector<1x16xf32>,
      %swap3A_1097 = arith.index_cast %add3A_1023 : i32 to index
      %swap3A_1098 = arith.constant 80 : index
      %swap3A_1099 = tpu.vector_load %arg15[%swap3A_1097, %swap3A_1098] {strides = array<i32>} : memref<512x128xf32, #tpu.memory_space<vmem>>, vector<1x16xf32>,
      %swap3A_1100 = vector.shape_cast %swap3A_1099 : vector<1x16xf32> to vector<16xf32>
      %swap3A_1101 = vector.shape_cast %add3A_1063 : vector<16xf32> to vector<1x16xf32>
      tpu.vector_store %arg15[%swap3A_1097, %swap3A_1098], %swap3A_1101 {strides = array<i32>} : memref<512x128xf32, #tpu.memory_space<vmem>>, vector<1x16xf32>,
      %swap3A_1102 = arith.index_cast %add3A_1023 : i32 to index
      %swap3A_1103 = arith.constant 96 : index
      %swap3A_1104 = tpu.vector_load %arg15[%swap3A_1102, %swap3A_1103] {strides = array<i32>} : memref<512x128xf32, #tpu.memory_space<vmem>>, vector<1x16xf32>,
      %swap3A_1105 = vector.shape_cast %swap3A_1104 : vector<1x16xf32> to vector<16xf32>
      %swap3A_1106 = vector.shape_cast %get3A_1067 : vector<16xf32> to vector<1x16xf32>
      tpu.vector_store %arg15[%swap3A_1102, %swap3A_1103], %swap3A_1106 {strides = array<i32>} : memref<512x128xf32, #tpu.memory_space<vmem>>, vector<1x16xf32>,
      %swap3A_1107 = arith.index_cast %add3A_1023 : i32 to index
      %swap3A_1108 = arith.constant 112 : index
      %swap3A_1109 = tpu.vector_load %arg15[%swap3A_1107, %swap3A_1108] {strides = array<i32>} : memref<512x128xf32, #tpu.memory_space<vmem>>, vector<1x16xf32>,
      %swap3A_1110 = vector.shape_cast %swap3A_1109 : vector<1x16xf32> to vector<16xf32>
      %swap3A_1111 = vector.shape_cast %get3A_1071 : vector<16xf32> to vector<1x16xf32>
      tpu.vector_store %arg15[%swap3A_1107, %swap3A_1108], %swap3A_1111 {strides = array<i32>} : memref<512x128xf32, #tpu.memory_space<vmem>>, vector<1x16xf32>,
      %add3A_1112 = arith.constant 0 : i32
      %add3A_1113 = arith.addi %add3A_1112, %mul3A_88 : i32
      %add3A_1114 = arith.constant 11 : i32
      %add3A_1115 = arith.addi %add3A_1113, %add3A_1114 : i32
      %slice3A_1116 = vector.extract_strided_slice %get3A_92 {offsets = [11], sizes = [1], strides = [1]} : vector<16xi32> to vector<1xi32>
      %squeeze3A_1117 = vector.extract %slice3A_1116[0] : i32 from vector<1xi32>
      %slice3A_1118 = vector.extract_strided_slice %get3A_97 {offsets = [11], sizes = [1], strides = [1]} : vector<16xi32> to vector<1xi32>
      %squeeze3A_1119 = vector.extract %slice3A_1118[0] : i32 from vector<1xi32>
      %slice3A_1120 = vector.extract_strided_slice %get3A_102 {offsets = [11], sizes = [1], strides = [1]} : vector<16xi32> to vector<1xi32>
      %squeeze3A_1121 = vector.extract %slice3A_1120[0] : i32 from vector<1xi32>
      %get3A_1122 = arith.index_cast %squeeze3A_1117 : i32 to index
      %get3A_1123 = arith.constant 0 : index
      %get3A_1124 = tpu.vector_load %arg12[%get3A_1122, %get3A_1123] {strides = array<i32>} : memref<64x48xf32, #tpu.memory_space<vmem>>, vector<1x16xf32>,
      %get3A_1125 = vector.shape_cast %get3A_1124 : vector<1x16xf32> to vector<16xf32>
      %get3A_1126 = arith.index_cast %squeeze3A_1117 : i32 to index
      %get3A_1127 = arith.constant 16 : index
      %get3A_1128 = tpu.vector_load %arg12[%get3A_1126, %get3A_1127] {strides = array<i32>} : memref<64x48xf32, #tpu.memory_space<vmem>>, vector<1x16xf32>,
      %get3A_1129 = vector.shape_cast %get3A_1128 : vector<1x16xf32> to vector<16xf32>
      %get3A_1130 = arith.index_cast %squeeze3A_1117 : i32 to index
      %get3A_1131 = arith.constant 32 : index
      %get3A_1132 = tpu.vector_load %arg12[%get3A_1130, %get3A_1131] {strides = array<i32>} : memref<64x48xf32, #tpu.memory_space<vmem>>, vector<1x16xf32>,
      %get3A_1133 = vector.shape_cast %get3A_1132 : vector<1x16xf32> to vector<16xf32>
      %get3A_1134 = arith.index_cast %squeeze3A_1119 : i32 to index
      %get3A_1135 = arith.constant 32 : index
      %get3A_1136 = tpu.vector_load %arg13[%get3A_1134, %get3A_1135] {strides = array<i32>} : memref<32x128xf32, #tpu.memory_space<vmem>>, vector<1x16xf32>,
      %get3A_1137 = vector.shape_cast %get3A_1136 : vector<1x16xf32> to vector<16xf32>
      %add3A_1138 = arith.addf %get3A_1133, %get3A_1137 : vector<16xf32>
      %get3A_1139 = arith.index_cast %squeeze3A_1119 : i32 to index
      %get3A_1140 = arith.constant 48 : index
      %get3A_1141 = tpu.vector_load %arg13[%get3A_1139, %get3A_1140] {strides = array<i32>} : memref<32x128xf32, #tpu.memory_space<vmem>>, vector<1x16xf32>,
      %get3A_1142 = vector.shape_cast %get3A_1141 : vector<1x16xf32> to vector<16xf32>
      %get3A_1143 = arith.index_cast %squeeze3A_1119 : i32 to index
      %get3A_1144 = arith.constant 64 : index
      %get3A_1145 = tpu.vector_load %arg13[%get3A_1143, %get3A_1144] {strides = array<i32>} : memref<32x128xf32, #tpu.memory_space<vmem>>, vector<1x16xf32>,
      %get3A_1146 = vector.shape_cast %get3A_1145 : vector<1x16xf32> to vector<16xf32>
      %get3A_1147 = arith.index_cast %squeeze3A_1119 : i32 to index
      %get3A_1148 = arith.constant 80 : index
      %get3A_1149 = tpu.vector_load %arg13[%get3A_1147, %get3A_1148] {strides = array<i32>} : memref<32x128xf32, #tpu.memory_space<vmem>>, vector<1x16xf32>,
      %get3A_1150 = vector.shape_cast %get3A_1149 : vector<1x16xf32> to vector<16xf32>
      %get3A_1151 = arith.index_cast %squeeze3A_1121 : i32 to index
      %get3A_1152 = arith.constant 0 : index
      %get3A_1153 = tpu.vector_load %arg14[%get3A_1151, %get3A_1152] {strides = array<i32>} : memref<16x48xf32, #tpu.memory_space<vmem>>, vector<1x16xf32>,
      %get3A_1154 = vector.shape_cast %get3A_1153 : vector<1x16xf32> to vector<16xf32>
      %add3A_1155 = arith.addf %get3A_1150, %get3A_1154 : vector<16xf32>
      %get3A_1156 = arith.index_cast %squeeze3A_1121 : i32 to index
      %get3A_1157 = arith.constant 16 : index
      %get3A_1158 = tpu.vector_load %arg14[%get3A_1156, %get3A_1157] {strides = array<i32>} : memref<16x48xf32, #tpu.memory_space<vmem>>, vector<1x16xf32>,
      %get3A_1159 = vector.shape_cast %get3A_1158 : vector<1x16xf32> to vector<16xf32>
      %get3A_1160 = arith.index_cast %squeeze3A_1121 : i32 to index
      %get3A_1161 = arith.constant 32 : index
      %get3A_1162 = tpu.vector_load %arg14[%get3A_1160, %get3A_1161] {strides = array<i32>} : memref<16x48xf32, #tpu.memory_space<vmem>>, vector<1x16xf32>,
      %get3A_1163 = vector.shape_cast %get3A_1162 : vector<1x16xf32> to vector<16xf32>
      %swap3A_1164 = arith.index_cast %add3A_1115 : i32 to index
      %swap3A_1165 = arith.constant 0 : index
      %swap3A_1166 = tpu.vector_load %arg15[%swap3A_1164, %swap3A_1165] {strides = array<i32>} : memref<512x128xf32, #tpu.memory_space<vmem>>, vector<1x16xf32>,
      %swap3A_1167 = vector.shape_cast %swap3A_1166 : vector<1x16xf32> to vector<16xf32>
      %swap3A_1168 = vector.shape_cast %get3A_1125 : vector<16xf32> to vector<1x16xf32>
      tpu.vector_store %arg15[%swap3A_1164, %swap3A_1165], %swap3A_1168 {strides = array<i32>} : memref<512x128xf32, #tpu.memory_space<vmem>>, vector<1x16xf32>,
      %swap3A_1169 = arith.index_cast %add3A_1115 : i32 to index
      %swap3A_1170 = arith.constant 16 : index
      %swap3A_1171 = tpu.vector_load %arg15[%swap3A_1169, %swap3A_1170] {strides = array<i32>} : memref<512x128xf32, #tpu.memory_space<vmem>>, vector<1x16xf32>,
      %swap3A_1172 = vector.shape_cast %swap3A_1171 : vector<1x16xf32> to vector<16xf32>
      %swap3A_1173 = vector.shape_cast %get3A_1129 : vector<16xf32> to vector<1x16xf32>
      tpu.vector_store %arg15[%swap3A_1169, %swap3A_1170], %swap3A_1173 {strides = array<i32>} : memref<512x128xf32, #tpu.memory_space<vmem>>, vector<1x16xf32>,
      %swap3A_1174 = arith.index_cast %add3A_1115 : i32 to index
      %swap3A_1175 = arith.constant 32 : index
      %swap3A_1176 = tpu.vector_load %arg15[%swap3A_1174, %swap3A_1175] {strides = array<i32>} : memref<512x128xf32, #tpu.memory_space<vmem>>, vector<1x16xf32>,
      %swap3A_1177 = vector.shape_cast %swap3A_1176 : vector<1x16xf32> to vector<16xf32>
      %swap3A_1178 = vector.shape_cast %add3A_1138 : vector<16xf32> to vector<1x16xf32>
      tpu.vector_store %arg15[%swap3A_1174, %swap3A_1175], %swap3A_1178 {strides = array<i32>} : memref<512x128xf32, #tpu.memory_space<vmem>>, vector<1x16xf32>,
      %swap3A_1179 = arith.index_cast %add3A_1115 : i32 to index
      %swap3A_1180 = arith.constant 48 : index
      %swap3A_1181 = tpu.vector_load %arg15[%swap3A_1179, %swap3A_1180] {strides = array<i32>} : memref<512x128xf32, #tpu.memory_space<vmem>>, vector<1x16xf32>,
      %swap3A_1182 = vector.shape_cast %swap3A_1181 : vector<1x16xf32> to vector<16xf32>
      %swap3A_1183 = vector.shape_cast %get3A_1142 : vector<16xf32> to vector<1x16xf32>
      tpu.vector_store %arg15[%swap3A_1179, %swap3A_1180], %swap3A_1183 {strides = array<i32>} : memref<512x128xf32, #tpu.memory_space<vmem>>, vector<1x16xf32>,
      %swap3A_1184 = arith.index_cast %add3A_1115 : i32 to index
      %swap3A_1185 = arith.constant 64 : index
      %swap3A_1186 = tpu.vector_load %arg15[%swap3A_1184, %swap3A_1185] {strides = array<i32>} : memref<512x128xf32, #tpu.memory_space<vmem>>, vector<1x16xf32>,
      %swap3A_1187 = vector.shape_cast %swap3A_1186 : vector<1x16xf32> to vector<16xf32>
      %swap3A_1188 = vector.shape_cast %get3A_1146 : vector<16xf32> to vector<1x16xf32>
      tpu.vector_store %arg15[%swap3A_1184, %swap3A_1185], %swap3A_1188 {strides = array<i32>} : memref<512x128xf32, #tpu.memory_space<vmem>>, vector<1x16xf32>,
      %swap3A_1189 = arith.index_cast %add3A_1115 : i32 to index
      %swap3A_1190 = arith.constant 80 : index
      %swap3A_1191 = tpu.vector_load %arg15[%swap3A_1189, %swap3A_1190] {strides = array<i32>} : memref<512x128xf32, #tpu.memory_space<vmem>>, vector<1x16xf32>,
      %swap3A_1192 = vector.shape_cast %swap3A_1191 : vector<1x16xf32> to vector<16xf32>
      %swap3A_1193 = vector.shape_cast %add3A_1155 : vector<16xf32> to vector<1x16xf32>
      tpu.vector_store %arg15[%swap3A_1189, %swap3A_1190], %swap3A_1193 {strides = array<i32>} : memref<512x128xf32, #tpu.memory_space<vmem>>, vector<1x16xf32>,
      %swap3A_1194 = arith.index_cast %add3A_1115 : i32 to index
      %swap3A_1195 = arith.constant 96 : index
      %swap3A_1196 = tpu.vector_load %arg15[%swap3A_1194, %swap3A_1195] {strides = array<i32>} : memref<512x128xf32, #tpu.memory_space<vmem>>, vector<1x16xf32>,
      %swap3A_1197 = vector.shape_cast %swap3A_1196 : vector<1x16xf32> to vector<16xf32>
      %swap3A_1198 = vector.shape_cast %get3A_1159 : vector<16xf32> to vector<1x16xf32>
      tpu.vector_store %arg15[%swap3A_1194, %swap3A_1195], %swap3A_1198 {strides = array<i32>} : memref<512x128xf32, #tpu.memory_space<vmem>>, vector<1x16xf32>,
      %swap3A_1199 = arith.index_cast %add3A_1115 : i32 to index
      %swap3A_1200 = arith.constant 112 : index
      %swap3A_1201 = tpu.vector_load %arg15[%swap3A_1199, %swap3A_1200] {strides = array<i32>} : memref<512x128xf32, #tpu.memory_space<vmem>>, vector<1x16xf32>,
      %swap3A_1202 = vector.shape_cast %swap3A_1201 : vector<1x16xf32> to vector<16xf32>
      %swap3A_1203 = vector.shape_cast %get3A_1163 : vector<16xf32> to vector<1x16xf32>
      tpu.vector_store %arg15[%swap3A_1199, %swap3A_1200], %swap3A_1203 {strides = array<i32>} : memref<512x128xf32, #tpu.memory_space<vmem>>, vector<1x16xf32>,
      %add3A_1204 = arith.constant 0 : i32
      %add3A_1205 = arith.addi %add3A_1204, %mul3A_88 : i32
      %add3A_1206 = arith.constant 12 : i32
      %add3A_1207 = arith.addi %add3A_1205, %add3A_1206 : i32
      %slice3A_1208 = vector.extract_strided_slice %get3A_92 {offsets = [12], sizes = [1], strides = [1]} : vector<16xi32> to vector<1xi32>
      %squeeze3A_1209 = vector.extract %slice3A_1208[0] : i32 from vector<1xi32>
      %slice3A_1210 = vector.extract_strided_slice %get3A_97 {offsets = [12], sizes = [1], strides = [1]} : vector<16xi32> to vector<1xi32>
      %squeeze3A_1211 = vector.extract %slice3A_1210[0] : i32 from vector<1xi32>
      %slice3A_1212 = vector.extract_strided_slice %get3A_102 {offsets = [12], sizes = [1], strides = [1]} : vector<16xi32> to vector<1xi32>
      %squeeze3A_1213 = vector.extract %slice3A_1212[0] : i32 from vector<1xi32>
      %get3A_1214 = arith.index_cast %squeeze3A_1209 : i32 to index
      %get3A_1215 = arith.constant 0 : index
      %get3A_1216 = tpu.vector_load %arg12[%get3A_1214, %get3A_1215] {strides = array<i32>} : memref<64x48xf32, #tpu.memory_space<vmem>>, vector<1x16xf32>,
      %get3A_1217 = vector.shape_cast %get3A_1216 : vector<1x16xf32> to vector<16xf32>
      %get3A_1218 = arith.index_cast %squeeze3A_1209 : i32 to index
      %get3A_1219 = arith.constant 16 : index
      %get3A_1220 = tpu.vector_load %arg12[%get3A_1218, %get3A_1219] {strides = array<i32>} : memref<64x48xf32, #tpu.memory_space<vmem>>, vector<1x16xf32>,
      %get3A_1221 = vector.shape_cast %get3A_1220 : vector<1x16xf32> to vector<16xf32>
      %get3A_1222 = arith.index_cast %squeeze3A_1209 : i32 to index
      %get3A_1223 = arith.constant 32 : index
      %get3A_1224 = tpu.vector_load %arg12[%get3A_1222, %get3A_1223] {strides = array<i32>} : memref<64x48xf32, #tpu.memory_space<vmem>>, vector<1x16xf32>,
      %get3A_1225 = vector.shape_cast %get3A_1224 : vector<1x16xf32> to vector<16xf32>
      %get3A_1226 = arith.index_cast %squeeze3A_1211 : i32 to index
      %get3A_1227 = arith.constant 32 : index
      %get3A_1228 = tpu.vector_load %arg13[%get3A_1226, %get3A_1227] {strides = array<i32>} : memref<32x128xf32, #tpu.memory_space<vmem>>, vector<1x16xf32>,
      %get3A_1229 = vector.shape_cast %get3A_1228 : vector<1x16xf32> to vector<16xf32>
      %add3A_1230 = arith.addf %get3A_1225, %get3A_1229 : vector<16xf32>
      %get3A_1231 = arith.index_cast %squeeze3A_1211 : i32 to index
      %get3A_1232 = arith.constant 48 : index
      %get3A_1233 = tpu.vector_load %arg13[%get3A_1231, %get3A_1232] {strides = array<i32>} : memref<32x128xf32, #tpu.memory_space<vmem>>, vector<1x16xf32>,
      %get3A_1234 = vector.shape_cast %get3A_1233 : vector<1x16xf32> to vector<16xf32>
      %get3A_1235 = arith.index_cast %squeeze3A_1211 : i32 to index
      %get3A_1236 = arith.constant 64 : index
      %get3A_1237 = tpu.vector_load %arg13[%get3A_1235, %get3A_1236] {strides = array<i32>} : memref<32x128xf32, #tpu.memory_space<vmem>>, vector<1x16xf32>,
      %get3A_1238 = vector.shape_cast %get3A_1237 : vector<1x16xf32> to vector<16xf32>
      %get3A_1239 = arith.index_cast %squeeze3A_1211 : i32 to index
      %get3A_1240 = arith.constant 80 : index
      %get3A_1241 = tpu.vector_load %arg13[%get3A_1239, %get3A_1240] {strides = array<i32>} : memref<32x128xf32, #tpu.memory_space<vmem>>, vector<1x16xf32>,
      %get3A_1242 = vector.shape_cast %get3A_1241 : vector<1x16xf32> to vector<16xf32>
      %get3A_1243 = arith.index_cast %squeeze3A_1213 : i32 to index
      %get3A_1244 = arith.constant 0 : index
      %get3A_1245 = tpu.vector_load %arg14[%get3A_1243, %get3A_1244] {strides = array<i32>} : memref<16x48xf32, #tpu.memory_space<vmem>>, vector<1x16xf32>,
      %get3A_1246 = vector.shape_cast %get3A_1245 : vector<1x16xf32> to vector<16xf32>
      %add3A_1247 = arith.addf %get3A_1242, %get3A_1246 : vector<16xf32>
      %get3A_1248 = arith.index_cast %squeeze3A_1213 : i32 to index
      %get3A_1249 = arith.constant 16 : index
      %get3A_1250 = tpu.vector_load %arg14[%get3A_1248, %get3A_1249] {strides = array<i32>} : memref<16x48xf32, #tpu.memory_space<vmem>>, vector<1x16xf32>,
      %get3A_1251 = vector.shape_cast %get3A_1250 : vector<1x16xf32> to vector<16xf32>
      %get3A_1252 = arith.index_cast %squeeze3A_1213 : i32 to index
      %get3A_1253 = arith.constant 32 : index
      %get3A_1254 = tpu.vector_load %arg14[%get3A_1252, %get3A_1253] {strides = array<i32>} : memref<16x48xf32, #tpu.memory_space<vmem>>, vector<1x16xf32>,
      %get3A_1255 = vector.shape_cast %get3A_1254 : vector<1x16xf32> to vector<16xf32>
      %swap3A_1256 = arith.index_cast %add3A_1207 : i32 to index
      %swap3A_1257 = arith.constant 0 : index
      %swap3A_1258 = tpu.vector_load %arg15[%swap3A_1256, %swap3A_1257] {strides = array<i32>} : memref<512x128xf32, #tpu.memory_space<vmem>>, vector<1x16xf32>,
      %swap3A_1259 = vector.shape_cast %swap3A_1258 : vector<1x16xf32> to vector<16xf32>
      %swap3A_1260 = vector.shape_cast %get3A_1217 : vector<16xf32> to vector<1x16xf32>
      tpu.vector_store %arg15[%swap3A_1256, %swap3A_1257], %swap3A_1260 {strides = array<i32>} : memref<512x128xf32, #tpu.memory_space<vmem>>, vector<1x16xf32>,
      %swap3A_1261 = arith.index_cast %add3A_1207 : i32 to index
      %swap3A_1262 = arith.constant 16 : index
      %swap3A_1263 = tpu.vector_load %arg15[%swap3A_1261, %swap3A_1262] {strides = array<i32>} : memref<512x128xf32, #tpu.memory_space<vmem>>, vector<1x16xf32>,
      %swap3A_1264 = vector.shape_cast %swap3A_1263 : vector<1x16xf32> to vector<16xf32>
      %swap3A_1265 = vector.shape_cast %get3A_1221 : vector<16xf32> to vector<1x16xf32>
      tpu.vector_store %arg15[%swap3A_1261, %swap3A_1262], %swap3A_1265 {strides = array<i32>} : memref<512x128xf32, #tpu.memory_space<vmem>>, vector<1x16xf32>,
      %swap3A_1266 = arith.index_cast %add3A_1207 : i32 to index
      %swap3A_1267 = arith.constant 32 : index
      %swap3A_1268 = tpu.vector_load %arg15[%swap3A_1266, %swap3A_1267] {strides = array<i32>} : memref<512x128xf32, #tpu.memory_space<vmem>>, vector<1x16xf32>,
      %swap3A_1269 = vector.shape_cast %swap3A_1268 : vector<1x16xf32> to vector<16xf32>
      %swap3A_1270 = vector.shape_cast %add3A_1230 : vector<16xf32> to vector<1x16xf32>
      tpu.vector_store %arg15[%swap3A_1266, %swap3A_1267], %swap3A_1270 {strides = array<i32>} : memref<512x128xf32, #tpu.memory_space<vmem>>, vector<1x16xf32>,
      %swap3A_1271 = arith.index_cast %add3A_1207 : i32 to index
      %swap3A_1272 = arith.constant 48 : index
      %swap3A_1273 = tpu.vector_load %arg15[%swap3A_1271, %swap3A_1272] {strides = array<i32>} : memref<512x128xf32, #tpu.memory_space<vmem>>, vector<1x16xf32>,
      %swap3A_1274 = vector.shape_cast %swap3A_1273 : vector<1x16xf32> to vector<16xf32>
      %swap3A_1275 = vector.shape_cast %get3A_1234 : vector<16xf32> to vector<1x16xf32>
      tpu.vector_store %arg15[%swap3A_1271, %swap3A_1272], %swap3A_1275 {strides = array<i32>} : memref<512x128xf32, #tpu.memory_space<vmem>>, vector<1x16xf32>,
      %swap3A_1276 = arith.index_cast %add3A_1207 : i32 to index
      %swap3A_1277 = arith.constant 64 : index
      %swap3A_1278 = tpu.vector_load %arg15[%swap3A_1276, %swap3A_1277] {strides = array<i32>} : memref<512x128xf32, #tpu.memory_space<vmem>>, vector<1x16xf32>,
      %swap3A_1279 = vector.shape_cast %swap3A_1278 : vector<1x16xf32> to vector<16xf32>
      %swap3A_1280 = vector.shape_cast %get3A_1238 : vector<16xf32> to vector<1x16xf32>
      tpu.vector_store %arg15[%swap3A_1276, %swap3A_1277], %swap3A_1280 {strides = array<i32>} : memref<512x128xf32, #tpu.memory_space<vmem>>, vector<1x16xf32>,
      %swap3A_1281 = arith.index_cast %add3A_1207 : i32 to index
      %swap3A_1282 = arith.constant 80 : index
      %swap3A_1283 = tpu.vector_load %arg15[%swap3A_1281, %swap3A_1282] {strides = array<i32>} : memref<512x128xf32, #tpu.memory_space<vmem>>, vector<1x16xf32>,
      %swap3A_1284 = vector.shape_cast %swap3A_1283 : vector<1x16xf32> to vector<16xf32>
      %swap3A_1285 = vector.shape_cast %add3A_1247 : vector<16xf32> to vector<1x16xf32>
      tpu.vector_store %arg15[%swap3A_1281, %swap3A_1282], %swap3A_1285 {strides = array<i32>} : memref<512x128xf32, #tpu.memory_space<vmem>>, vector<1x16xf32>,
      %swap3A_1286 = arith.index_cast %add3A_1207 : i32 to index
      %swap3A_1287 = arith.constant 96 : index
      %swap3A_1288 = tpu.vector_load %arg15[%swap3A_1286, %swap3A_1287] {strides = array<i32>} : memref<512x128xf32, #tpu.memory_space<vmem>>, vector<1x16xf32>,
      %swap3A_1289 = vector.shape_cast %swap3A_1288 : vector<1x16xf32> to vector<16xf32>
      %swap3A_1290 = vector.shape_cast %get3A_1251 : vector<16xf32> to vector<1x16xf32>
      tpu.vector_store %arg15[%swap3A_1286, %swap3A_1287], %swap3A_1290 {strides = array<i32>} : memref<512x128xf32, #tpu.memory_space<vmem>>, vector<1x16xf32>,
      %swap3A_1291 = arith.index_cast %add3A_1207 : i32 to index
      %swap3A_1292 = arith.constant 112 : index
      %swap3A_1293 = tpu.vector_load %arg15[%swap3A_1291, %swap3A_1292] {strides = array<i32>} : memref<512x128xf32, #tpu.memory_space<vmem>>, vector<1x16xf32>,
      %swap3A_1294 = vector.shape_cast %swap3A_1293 : vector<1x16xf32> to vector<16xf32>
      %swap3A_1295 = vector.shape_cast %get3A_1255 : vector<16xf32> to vector<1x16xf32>
      tpu.vector_store %arg15[%swap3A_1291, %swap3A_1292], %swap3A_1295 {strides = array<i32>} : memref<512x128xf32, #tpu.memory_space<vmem>>, vector<1x16xf32>,
      %add3A_1296 = arith.constant 0 : i32
      %add3A_1297 = arith.addi %add3A_1296, %mul3A_88 : i32
      %add3A_1298 = arith.constant 13 : i32
      %add3A_1299 = arith.addi %add3A_1297, %add3A_1298 : i32
      %slice3A_1300 = vector.extract_strided_slice %get3A_92 {offsets = [13], sizes = [1], strides = [1]} : vector<16xi32> to vector<1xi32>
      %squeeze3A_1301 = vector.extract %slice3A_1300[0] : i32 from vector<1xi32>
      %slice3A_1302 = vector.extract_strided_slice %get3A_97 {offsets = [13], sizes = [1], strides = [1]} : vector<16xi32> to vector<1xi32>
      %squeeze3A_1303 = vector.extract %slice3A_1302[0] : i32 from vector<1xi32>
      %slice3A_1304 = vector.extract_strided_slice %get3A_102 {offsets = [13], sizes = [1], strides = [1]} : vector<16xi32> to vector<1xi32>
      %squeeze3A_1305 = vector.extract %slice3A_1304[0] : i32 from vector<1xi32>
      %get3A_1306 = arith.index_cast %squeeze3A_1301 : i32 to index
      %get3A_1307 = arith.constant 0 : index
      %get3A_1308 = tpu.vector_load %arg12[%get3A_1306, %get3A_1307] {strides = array<i32>} : memref<64x48xf32, #tpu.memory_space<vmem>>, vector<1x16xf32>,
      %get3A_1309 = vector.shape_cast %get3A_1308 : vector<1x16xf32> to vector<16xf32>
      %get3A_1310 = arith.index_cast %squeeze3A_1301 : i32 to index
      %get3A_1311 = arith.constant 16 : index
      %get3A_1312 = tpu.vector_load %arg12[%get3A_1310, %get3A_1311] {strides = array<i32>} : memref<64x48xf32, #tpu.memory_space<vmem>>, vector<1x16xf32>,
      %get3A_1313 = vector.shape_cast %get3A_1312 : vector<1x16xf32> to vector<16xf32>
      %get3A_1314 = arith.index_cast %squeeze3A_1301 : i32 to index
      %get3A_1315 = arith.constant 32 : index
      %get3A_1316 = tpu.vector_load %arg12[%get3A_1314, %get3A_1315] {strides = array<i32>} : memref<64x48xf32, #tpu.memory_space<vmem>>, vector<1x16xf32>,
      %get3A_1317 = vector.shape_cast %get3A_1316 : vector<1x16xf32> to vector<16xf32>
      %get3A_1318 = arith.index_cast %squeeze3A_1303 : i32 to index
      %get3A_1319 = arith.constant 32 : index
      %get3A_1320 = tpu.vector_load %arg13[%get3A_1318, %get3A_1319] {strides = array<i32>} : memref<32x128xf32, #tpu.memory_space<vmem>>, vector<1x16xf32>,
      %get3A_1321 = vector.shape_cast %get3A_1320 : vector<1x16xf32> to vector<16xf32>
      %add3A_1322 = arith.addf %get3A_1317, %get3A_1321 : vector<16xf32>
      %get3A_1323 = arith.index_cast %squeeze3A_1303 : i32 to index
      %get3A_1324 = arith.constant 48 : index
      %get3A_1325 = tpu.vector_load %arg13[%get3A_1323, %get3A_1324] {strides = array<i32>} : memref<32x128xf32, #tpu.memory_space<vmem>>, vector<1x16xf32>,
      %get3A_1326 = vector.shape_cast %get3A_1325 : vector<1x16xf32> to vector<16xf32>
      %get3A_1327 = arith.index_cast %squeeze3A_1303 : i32 to index
      %get3A_1328 = arith.constant 64 : index
      %get3A_1329 = tpu.vector_load %arg13[%get3A_1327, %get3A_1328] {strides = array<i32>} : memref<32x128xf32, #tpu.memory_space<vmem>>, vector<1x16xf32>,
      %get3A_1330 = vector.shape_cast %get3A_1329 : vector<1x16xf32> to vector<16xf32>
      %get3A_1331 = arith.index_cast %squeeze3A_1303 : i32 to index
      %get3A_1332 = arith.constant 80 : index
      %get3A_1333 = tpu.vector_load %arg13[%get3A_1331, %get3A_1332] {strides = array<i32>} : memref<32x128xf32, #tpu.memory_space<vmem>>, vector<1x16xf32>,
      %get3A_1334 = vector.shape_cast %get3A_1333 : vector<1x16xf32> to vector<16xf32>
      %get3A_1335 = arith.index_cast %squeeze3A_1305 : i32 to index
      %get3A_1336 = arith.constant 0 : index
      %get3A_1337 = tpu.vector_load %arg14[%get3A_1335, %get3A_1336] {strides = array<i32>} : memref<16x48xf32, #tpu.memory_space<vmem>>, vector<1x16xf32>,
      %get3A_1338 = vector.shape_cast %get3A_1337 : vector<1x16xf32> to vector<16xf32>
      %add3A_1339 = arith.addf %get3A_1334, %get3A_1338 : vector<16xf32>
      %get3A_1340 = arith.index_cast %squeeze3A_1305 : i32 to index
      %get3A_1341 = arith.constant 16 : index
      %get3A_1342 = tpu.vector_load %arg14[%get3A_1340, %get3A_1341] {strides = array<i32>} : memref<16x48xf32, #tpu.memory_space<vmem>>, vector<1x16xf32>,
      %get3A_1343 = vector.shape_cast %get3A_1342 : vector<1x16xf32> to vector<16xf32>
      %get3A_1344 = arith.index_cast %squeeze3A_1305 : i32 to index
      %get3A_1345 = arith.constant 32 : index
      %get3A_1346 = tpu.vector_load %arg14[%get3A_1344, %get3A_1345] {strides = array<i32>} : memref<16x48xf32, #tpu.memory_space<vmem>>, vector<1x16xf32>,
      %get3A_1347 = vector.shape_cast %get3A_1346 : vector<1x16xf32> to vector<16xf32>
      %swap3A_1348 = arith.index_cast %add3A_1299 : i32 to index
      %swap3A_1349 = arith.constant 0 : index
      %swap3A_1350 = tpu.vector_load %arg15[%swap3A_1348, %swap3A_1349] {strides = array<i32>} : memref<512x128xf32, #tpu.memory_space<vmem>>, vector<1x16xf32>,
      %swap3A_1351 = vector.shape_cast %swap3A_1350 : vector<1x16xf32> to vector<16xf32>
      %swap3A_1352 = vector.shape_cast %get3A_1309 : vector<16xf32> to vector<1x16xf32>
      tpu.vector_store %arg15[%swap3A_1348, %swap3A_1349], %swap3A_1352 {strides = array<i32>} : memref<512x128xf32, #tpu.memory_space<vmem>>, vector<1x16xf32>,
      %swap3A_1353 = arith.index_cast %add3A_1299 : i32 to index
      %swap3A_1354 = arith.constant 16 : index
      %swap3A_1355 = tpu.vector_load %arg15[%swap3A_1353, %swap3A_1354] {strides = array<i32>} : memref<512x128xf32, #tpu.memory_space<vmem>>, vector<1x16xf32>,
      %swap3A_1356 = vector.shape_cast %swap3A_1355 : vector<1x16xf32> to vector<16xf32>
      %swap3A_1357 = vector.shape_cast %get3A_1313 : vector<16xf32> to vector<1x16xf32>
      tpu.vector_store %arg15[%swap3A_1353, %swap3A_1354], %swap3A_1357 {strides = array<i32>} : memref<512x128xf32, #tpu.memory_space<vmem>>, vector<1x16xf32>,
      %swap3A_1358 = arith.index_cast %add3A_1299 : i32 to index
      %swap3A_1359 = arith.constant 32 : index
      %swap3A_1360 = tpu.vector_load %arg15[%swap3A_1358, %swap3A_1359] {strides = array<i32>} : memref<512x128xf32, #tpu.memory_space<vmem>>, vector<1x16xf32>,
      %swap3A_1361 = vector.shape_cast %swap3A_1360 : vector<1x16xf32> to vector<16xf32>
      %swap3A_1362 = vector.shape_cast %add3A_1322 : vector<16xf32> to vector<1x16xf32>
      tpu.vector_store %arg15[%swap3A_1358, %swap3A_1359], %swap3A_1362 {strides = array<i32>} : memref<512x128xf32, #tpu.memory_space<vmem>>, vector<1x16xf32>,
      %swap3A_1363 = arith.index_cast %add3A_1299 : i32 to index
      %swap3A_1364 = arith.constant 48 : index
      %swap3A_1365 = tpu.vector_load %arg15[%swap3A_1363, %swap3A_1364] {strides = array<i32>} : memref<512x128xf32, #tpu.memory_space<vmem>>, vector<1x16xf32>,
      %swap3A_1366 = vector.shape_cast %swap3A_1365 : vector<1x16xf32> to vector<16xf32>
      %swap3A_1367 = vector.shape_cast %get3A_1326 : vector<16xf32> to vector<1x16xf32>
      tpu.vector_store %arg15[%swap3A_1363, %swap3A_1364], %swap3A_1367 {strides = array<i32>} : memref<512x128xf32, #tpu.memory_space<vmem>>, vector<1x16xf32>,
      %swap3A_1368 = arith.index_cast %add3A_1299 : i32 to index
      %swap3A_1369 = arith.constant 64 : index
      %swap3A_1370 = tpu.vector_load %arg15[%swap3A_1368, %swap3A_1369] {strides = array<i32>} : memref<512x128xf32, #tpu.memory_space<vmem>>, vector<1x16xf32>,
      %swap3A_1371 = vector.shape_cast %swap3A_1370 : vector<1x16xf32> to vector<16xf32>
      %swap3A_1372 = vector.shape_cast %get3A_1330 : vector<16xf32> to vector<1x16xf32>
      tpu.vector_store %arg15[%swap3A_1368, %swap3A_1369], %swap3A_1372 {strides = array<i32>} : memref<512x128xf32, #tpu.memory_space<vmem>>, vector<1x16xf32>,
      %swap3A_1373 = arith.index_cast %add3A_1299 : i32 to index
      %swap3A_1374 = arith.constant 80 : index
      %swap3A_1375 = tpu.vector_load %arg15[%swap3A_1373, %swap3A_1374] {strides = array<i32>} : memref<512x128xf32, #tpu.memory_space<vmem>>, vector<1x16xf32>,
      %swap3A_1376 = vector.shape_cast %swap3A_1375 : vector<1x16xf32> to vector<16xf32>
      %swap3A_1377 = vector.shape_cast %add3A_1339 : vector<16xf32> to vector<1x16xf32>
      tpu.vector_store %arg15[%swap3A_1373, %swap3A_1374], %swap3A_1377 {strides = array<i32>} : memref<512x128xf32, #tpu.memory_space<vmem>>, vector<1x16xf32>,
      %swap3A_1378 = arith.index_cast %add3A_1299 : i32 to index
      %swap3A_1379 = arith.constant 96 : index
      %swap3A_1380 = tpu.vector_load %arg15[%swap3A_1378, %swap3A_1379] {strides = array<i32>} : memref<512x128xf32, #tpu.memory_space<vmem>>, vector<1x16xf32>,
      %swap3A_1381 = vector.shape_cast %swap3A_1380 : vector<1x16xf32> to vector<16xf32>
      %swap3A_1382 = vector.shape_cast %get3A_1343 : vector<16xf32> to vector<1x16xf32>
      tpu.vector_store %arg15[%swap3A_1378, %swap3A_1379], %swap3A_1382 {strides = array<i32>} : memref<512x128xf32, #tpu.memory_space<vmem>>, vector<1x16xf32>,
      %swap3A_1383 = arith.index_cast %add3A_1299 : i32 to index
      %swap3A_1384 = arith.constant 112 : index
      %swap3A_1385 = tpu.vector_load %arg15[%swap3A_1383, %swap3A_1384] {strides = array<i32>} : memref<512x128xf32, #tpu.memory_space<vmem>>, vector<1x16xf32>,
      %swap3A_1386 = vector.shape_cast %swap3A_1385 : vector<1x16xf32> to vector<16xf32>
      %swap3A_1387 = vector.shape_cast %get3A_1347 : vector<16xf32> to vector<1x16xf32>
      tpu.vector_store %arg15[%swap3A_1383, %swap3A_1384], %swap3A_1387 {strides = array<i32>} : memref<512x128xf32, #tpu.memory_space<vmem>>, vector<1x16xf32>,
      %add3A_1388 = arith.constant 0 : i32
      %add3A_1389 = arith.addi %add3A_1388, %mul3A_88 : i32
      %add3A_1390 = arith.constant 14 : i32
      %add3A_1391 = arith.addi %add3A_1389, %add3A_1390 : i32
      %slice3A_1392 = vector.extract_strided_slice %get3A_92 {offsets = [14], sizes = [1], strides = [1]} : vector<16xi32> to vector<1xi32>
      %squeeze3A_1393 = vector.extract %slice3A_1392[0] : i32 from vector<1xi32>
      %slice3A_1394 = vector.extract_strided_slice %get3A_97 {offsets = [14], sizes = [1], strides = [1]} : vector<16xi32> to vector<1xi32>
      %squeeze3A_1395 = vector.extract %slice3A_1394[0] : i32 from vector<1xi32>
      %slice3A_1396 = vector.extract_strided_slice %get3A_102 {offsets = [14], sizes = [1], strides = [1]} : vector<16xi32> to vector<1xi32>
      %squeeze3A_1397 = vector.extract %slice3A_1396[0] : i32 from vector<1xi32>
      %get3A_1398 = arith.index_cast %squeeze3A_1393 : i32 to index
      %get3A_1399 = arith.constant 0 : index
      %get3A_1400 = tpu.vector_load %arg12[%get3A_1398, %get3A_1399] {strides = array<i32>} : memref<64x48xf32, #tpu.memory_space<vmem>>, vector<1x16xf32>,
      %get3A_1401 = vector.shape_cast %get3A_1400 : vector<1x16xf32> to vector<16xf32>
      %get3A_1402 = arith.index_cast %squeeze3A_1393 : i32 to index
      %get3A_1403 = arith.constant 16 : index
      %get3A_1404 = tpu.vector_load %arg12[%get3A_1402, %get3A_1403] {strides = array<i32>} : memref<64x48xf32, #tpu.memory_space<vmem>>, vector<1x16xf32>,
      %get3A_1405 = vector.shape_cast %get3A_1404 : vector<1x16xf32> to vector<16xf32>
      %get3A_1406 = arith.index_cast %squeeze3A_1393 : i32 to index
      %get3A_1407 = arith.constant 32 : index
      %get3A_1408 = tpu.vector_load %arg12[%get3A_1406, %get3A_1407] {strides = array<i32>} : memref<64x48xf32, #tpu.memory_space<vmem>>, vector<1x16xf32>,
      %get3A_1409 = vector.shape_cast %get3A_1408 : vector<1x16xf32> to vector<16xf32>
      %get3A_1410 = arith.index_cast %squeeze3A_1395 : i32 to index
      %get3A_1411 = arith.constant 32 : index
      %get3A_1412 = tpu.vector_load %arg13[%get3A_1410, %get3A_1411] {strides = array<i32>} : memref<32x128xf32, #tpu.memory_space<vmem>>, vector<1x16xf32>,
      %get3A_1413 = vector.shape_cast %get3A_1412 : vector<1x16xf32> to vector<16xf32>
      %add3A_1414 = arith.addf %get3A_1409, %get3A_1413 : vector<16xf32>
      %get3A_1415 = arith.index_cast %squeeze3A_1395 : i32 to index
      %get3A_1416 = arith.constant 48 : index
      %get3A_1417 = tpu.vector_load %arg13[%get3A_1415, %get3A_1416] {strides = array<i32>} : memref<32x128xf32, #tpu.memory_space<vmem>>, vector<1x16xf32>,
      %get3A_1418 = vector.shape_cast %get3A_1417 : vector<1x16xf32> to vector<16xf32>
      %get3A_1419 = arith.index_cast %squeeze3A_1395 : i32 to index
      %get3A_1420 = arith.constant 64 : index
      %get3A_1421 = tpu.vector_load %arg13[%get3A_1419, %get3A_1420] {strides = array<i32>} : memref<32x128xf32, #tpu.memory_space<vmem>>, vector<1x16xf32>,
      %get3A_1422 = vector.shape_cast %get3A_1421 : vector<1x16xf32> to vector<16xf32>
      %get3A_1423 = arith.index_cast %squeeze3A_1395 : i32 to index
      %get3A_1424 = arith.constant 80 : index
      %get3A_1425 = tpu.vector_load %arg13[%get3A_1423, %get3A_1424] {strides = array<i32>} : memref<32x128xf32, #tpu.memory_space<vmem>>, vector<1x16xf32>,
      %get3A_1426 = vector.shape_cast %get3A_1425 : vector<1x16xf32> to vector<16xf32>
      %get3A_1427 = arith.index_cast %squeeze3A_1397 : i32 to index
      %get3A_1428 = arith.constant 0 : index
      %get3A_1429 = tpu.vector_load %arg14[%get3A_1427, %get3A_1428] {strides = array<i32>} : memref<16x48xf32, #tpu.memory_space<vmem>>, vector<1x16xf32>,
      %get3A_1430 = vector.shape_cast %get3A_1429 : vector<1x16xf32> to vector<16xf32>
      %add3A_1431 = arith.addf %get3A_1426, %get3A_1430 : vector<16xf32>
      %get3A_1432 = arith.index_cast %squeeze3A_1397 : i32 to index
      %get3A_1433 = arith.constant 16 : index
      %get3A_1434 = tpu.vector_load %arg14[%get3A_1432, %get3A_1433] {strides = array<i32>} : memref<16x48xf32, #tpu.memory_space<vmem>>, vector<1x16xf32>,
      %get3A_1435 = vector.shape_cast %get3A_1434 : vector<1x16xf32> to vector<16xf32>
      %get3A_1436 = arith.index_cast %squeeze3A_1397 : i32 to index
      %get3A_1437 = arith.constant 32 : index
      %get3A_1438 = tpu.vector_load %arg14[%get3A_1436, %get3A_1437] {strides = array<i32>} : memref<16x48xf32, #tpu.memory_space<vmem>>, vector<1x16xf32>,
      %get3A_1439 = vector.shape_cast %get3A_1438 : vector<1x16xf32> to vector<16xf32>
      %swap3A_1440 = arith.index_cast %add3A_1391 : i32 to index
      %swap3A_1441 = arith.constant 0 : index
      %swap3A_1442 = tpu.vector_load %arg15[%swap3A_1440, %swap3A_1441] {strides = array<i32>} : memref<512x128xf32, #tpu.memory_space<vmem>>, vector<1x16xf32>,
      %swap3A_1443 = vector.shape_cast %swap3A_1442 : vector<1x16xf32> to vector<16xf32>
      %swap3A_1444 = vector.shape_cast %get3A_1401 : vector<16xf32> to vector<1x16xf32>
      tpu.vector_store %arg15[%swap3A_1440, %swap3A_1441], %swap3A_1444 {strides = array<i32>} : memref<512x128xf32, #tpu.memory_space<vmem>>, vector<1x16xf32>,
      %swap3A_1445 = arith.index_cast %add3A_1391 : i32 to index
      %swap3A_1446 = arith.constant 16 : index
      %swap3A_1447 = tpu.vector_load %arg15[%swap3A_1445, %swap3A_1446] {strides = array<i32>} : memref<512x128xf32, #tpu.memory_space<vmem>>, vector<1x16xf32>,
      %swap3A_1448 = vector.shape_cast %swap3A_1447 : vector<1x16xf32> to vector<16xf32>
      %swap3A_1449 = vector.shape_cast %get3A_1405 : vector<16xf32> to vector<1x16xf32>
      tpu.vector_store %arg15[%swap3A_1445, %swap3A_1446], %swap3A_1449 {strides = array<i32>} : memref<512x128xf32, #tpu.memory_space<vmem>>, vector<1x16xf32>,
      %swap3A_1450 = arith.index_cast %add3A_1391 : i32 to index
      %swap3A_1451 = arith.constant 32 : index
      %swap3A_1452 = tpu.vector_load %arg15[%swap3A_1450, %swap3A_1451] {strides = array<i32>} : memref<512x128xf32, #tpu.memory_space<vmem>>, vector<1x16xf32>,
      %swap3A_1453 = vector.shape_cast %swap3A_1452 : vector<1x16xf32> to vector<16xf32>
      %swap3A_1454 = vector.shape_cast %add3A_1414 : vector<16xf32> to vector<1x16xf32>
      tpu.vector_store %arg15[%swap3A_1450, %swap3A_1451], %swap3A_1454 {strides = array<i32>} : memref<512x128xf32, #tpu.memory_space<vmem>>, vector<1x16xf32>,
      %swap3A_1455 = arith.index_cast %add3A_1391 : i32 to index
      %swap3A_1456 = arith.constant 48 : index
      %swap3A_1457 = tpu.vector_load %arg15[%swap3A_1455, %swap3A_1456] {strides = array<i32>} : memref<512x128xf32, #tpu.memory_space<vmem>>, vector<1x16xf32>,
      %swap3A_1458 = vector.shape_cast %swap3A_1457 : vector<1x16xf32> to vector<16xf32>
      %swap3A_1459 = vector.shape_cast %get3A_1418 : vector<16xf32> to vector<1x16xf32>
      tpu.vector_store %arg15[%swap3A_1455, %swap3A_1456], %swap3A_1459 {strides = array<i32>} : memref<512x128xf32, #tpu.memory_space<vmem>>, vector<1x16xf32>,
      %swap3A_1460 = arith.index_cast %add3A_1391 : i32 to index
      %swap3A_1461 = arith.constant 64 : index
      %swap3A_1462 = tpu.vector_load %arg15[%swap3A_1460, %swap3A_1461] {strides = array<i32>} : memref<512x128xf32, #tpu.memory_space<vmem>>, vector<1x16xf32>,
      %swap3A_1463 = vector.shape_cast %swap3A_1462 : vector<1x16xf32> to vector<16xf32>
      %swap3A_1464 = vector.shape_cast %get3A_1422 : vector<16xf32> to vector<1x16xf32>
      tpu.vector_store %arg15[%swap3A_1460, %swap3A_1461], %swap3A_1464 {strides = array<i32>} : memref<512x128xf32, #tpu.memory_space<vmem>>, vector<1x16xf32>,
      %swap3A_1465 = arith.index_cast %add3A_1391 : i32 to index
      %swap3A_1466 = arith.constant 80 : index
      %swap3A_1467 = tpu.vector_load %arg15[%swap3A_1465, %swap3A_1466] {strides = array<i32>} : memref<512x128xf32, #tpu.memory_space<vmem>>, vector<1x16xf32>,
      %swap3A_1468 = vector.shape_cast %swap3A_1467 : vector<1x16xf32> to vector<16xf32>
      %swap3A_1469 = vector.shape_cast %add3A_1431 : vector<16xf32> to vector<1x16xf32>
      tpu.vector_store %arg15[%swap3A_1465, %swap3A_1466], %swap3A_1469 {strides = array<i32>} : memref<512x128xf32, #tpu.memory_space<vmem>>, vector<1x16xf32>,
      %swap3A_1470 = arith.index_cast %add3A_1391 : i32 to index
      %swap3A_1471 = arith.constant 96 : index
      %swap3A_1472 = tpu.vector_load %arg15[%swap3A_1470, %swap3A_1471] {strides = array<i32>} : memref<512x128xf32, #tpu.memory_space<vmem>>, vector<1x16xf32>,
      %swap3A_1473 = vector.shape_cast %swap3A_1472 : vector<1x16xf32> to vector<16xf32>
      %swap3A_1474 = vector.shape_cast %get3A_1435 : vector<16xf32> to vector<1x16xf32>
      tpu.vector_store %arg15[%swap3A_1470, %swap3A_1471], %swap3A_1474 {strides = array<i32>} : memref<512x128xf32, #tpu.memory_space<vmem>>, vector<1x16xf32>,
      %swap3A_1475 = arith.index_cast %add3A_1391 : i32 to index
      %swap3A_1476 = arith.constant 112 : index
      %swap3A_1477 = tpu.vector_load %arg15[%swap3A_1475, %swap3A_1476] {strides = array<i32>} : memref<512x128xf32, #tpu.memory_space<vmem>>, vector<1x16xf32>,
      %swap3A_1478 = vector.shape_cast %swap3A_1477 : vector<1x16xf32> to vector<16xf32>
      %swap3A_1479 = vector.shape_cast %get3A_1439 : vector<16xf32> to vector<1x16xf32>
      tpu.vector_store %arg15[%swap3A_1475, %swap3A_1476], %swap3A_1479 {strides = array<i32>} : memref<512x128xf32, #tpu.memory_space<vmem>>, vector<1x16xf32>,
      %add3A_1480 = arith.constant 0 : i32
      %add3A_1481 = arith.addi %add3A_1480, %mul3A_88 : i32
      %add3A_1482 = arith.constant 15 : i32
      %add3A_1483 = arith.addi %add3A_1481, %add3A_1482 : i32
      %slice3A_1484 = vector.extract_strided_slice %get3A_92 {offsets = [15], sizes = [1], strides = [1]} : vector<16xi32> to vector<1xi32>
      %squeeze3A_1485 = vector.extract %slice3A_1484[0] : i32 from vector<1xi32>
      %slice3A_1486 = vector.extract_strided_slice %get3A_97 {offsets = [15], sizes = [1], strides = [1]} : vector<16xi32> to vector<1xi32>
      %squeeze3A_1487 = vector.extract %slice3A_1486[0] : i32 from vector<1xi32>
      %slice3A_1488 = vector.extract_strided_slice %get3A_102 {offsets = [15], sizes = [1], strides = [1]} : vector<16xi32> to vector<1xi32>
      %squeeze3A_1489 = vector.extract %slice3A_1488[0] : i32 from vector<1xi32>
      %get3A_1490 = arith.index_cast %squeeze3A_1485 : i32 to index
      %get3A_1491 = arith.constant 0 : index
      %get3A_1492 = tpu.vector_load %arg12[%get3A_1490, %get3A_1491] {strides = array<i32>} : memref<64x48xf32, #tpu.memory_space<vmem>>, vector<1x16xf32>,
      %get3A_1493 = vector.shape_cast %get3A_1492 : vector<1x16xf32> to vector<16xf32>
      %get3A_1494 = arith.index_cast %squeeze3A_1485 : i32 to index
      %get3A_1495 = arith.constant 16 : index
      %get3A_1496 = tpu.vector_load %arg12[%get3A_1494, %get3A_1495] {strides = array<i32>} : memref<64x48xf32, #tpu.memory_space<vmem>>, vector<1x16xf32>,
      %get3A_1497 = vector.shape_cast %get3A_1496 : vector<1x16xf32> to vector<16xf32>
      %get3A_1498 = arith.index_cast %squeeze3A_1485 : i32 to index
      %get3A_1499 = arith.constant 32 : index
      %get3A_1500 = tpu.vector_load %arg12[%get3A_1498, %get3A_1499] {strides = array<i32>} : memref<64x48xf32, #tpu.memory_space<vmem>>, vector<1x16xf32>,
      %get3A_1501 = vector.shape_cast %get3A_1500 : vector<1x16xf32> to vector<16xf32>
      %get3A_1502 = arith.index_cast %squeeze3A_1487 : i32 to index
      %get3A_1503 = arith.constant 32 : index
      %get3A_1504 = tpu.vector_load %arg13[%get3A_1502, %get3A_1503] {strides = array<i32>} : memref<32x128xf32, #tpu.memory_space<vmem>>, vector<1x16xf32>,
      %get3A_1505 = vector.shape_cast %get3A_1504 : vector<1x16xf32> to vector<16xf32>
      %add3A_1506 = arith.addf %get3A_1501, %get3A_1505 : vector<16xf32>
      %get3A_1507 = arith.index_cast %squeeze3A_1487 : i32 to index
      %get3A_1508 = arith.constant 48 : index
      %get3A_1509 = tpu.vector_load %arg13[%get3A_1507, %get3A_1508] {strides = array<i32>} : memref<32x128xf32, #tpu.memory_space<vmem>>, vector<1x16xf32>,
      %get3A_1510 = vector.shape_cast %get3A_1509 : vector<1x16xf32> to vector<16xf32>
      %get3A_1511 = arith.index_cast %squeeze3A_1487 : i32 to index
      %get3A_1512 = arith.constant 64 : index
      %get3A_1513 = tpu.vector_load %arg13[%get3A_1511, %get3A_1512] {strides = array<i32>} : memref<32x128xf32, #tpu.memory_space<vmem>>, vector<1x16xf32>,
      %get3A_1514 = vector.shape_cast %get3A_1513 : vector<1x16xf32> to vector<16xf32>
      %get3A_1515 = arith.index_cast %squeeze3A_1487 : i32 to index
      %get3A_1516 = arith.constant 80 : index
      %get3A_1517 = tpu.vector_load %arg13[%get3A_1515, %get3A_1516] {strides = array<i32>} : memref<32x128xf32, #tpu.memory_space<vmem>>, vector<1x16xf32>,
      %get3A_1518 = vector.shape_cast %get3A_1517 : vector<1x16xf32> to vector<16xf32>
      %get3A_1519 = arith.index_cast %squeeze3A_1489 : i32 to index
      %get3A_1520 = arith.constant 0 : index
      %get3A_1521 = tpu.vector_load %arg14[%get3A_1519, %get3A_1520] {strides = array<i32>} : memref<16x48xf32, #tpu.memory_space<vmem>>, vector<1x16xf32>,
      %get3A_1522 = vector.shape_cast %get3A_1521 : vector<1x16xf32> to vector<16xf32>
      %add3A_1523 = arith.addf %get3A_1518, %get3A_1522 : vector<16xf32>
      %get3A_1524 = arith.index_cast %squeeze3A_1489 : i32 to index
      %get3A_1525 = arith.constant 16 : index
      %get3A_1526 = tpu.vector_load %arg14[%get3A_1524, %get3A_1525] {strides = array<i32>} : memref<16x48xf32, #tpu.memory_space<vmem>>, vector<1x16xf32>,
      %get3A_1527 = vector.shape_cast %get3A_1526 : vector<1x16xf32> to vector<16xf32>
      %get3A_1528 = arith.index_cast %squeeze3A_1489 : i32 to index
      %get3A_1529 = arith.constant 32 : index
      %get3A_1530 = tpu.vector_load %arg14[%get3A_1528, %get3A_1529] {strides = array<i32>} : memref<16x48xf32, #tpu.memory_space<vmem>>, vector<1x16xf32>,
      %get3A_1531 = vector.shape_cast %get3A_1530 : vector<1x16xf32> to vector<16xf32>
      %swap3A_1532 = arith.index_cast %add3A_1483 : i32 to index
      %swap3A_1533 = arith.constant 0 : index
      %swap3A_1534 = tpu.vector_load %arg15[%swap3A_1532, %swap3A_1533] {strides = array<i32>} : memref<512x128xf32, #tpu.memory_space<vmem>>, vector<1x16xf32>,
      %swap3A_1535 = vector.shape_cast %swap3A_1534 : vector<1x16xf32> to vector<16xf32>
      %swap3A_1536 = vector.shape_cast %get3A_1493 : vector<16xf32> to vector<1x16xf32>
      tpu.vector_store %arg15[%swap3A_1532, %swap3A_1533], %swap3A_1536 {strides = array<i32>} : memref<512x128xf32, #tpu.memory_space<vmem>>, vector<1x16xf32>,
      %swap3A_1537 = arith.index_cast %add3A_1483 : i32 to index
      %swap3A_1538 = arith.constant 16 : index
      %swap3A_1539 = tpu.vector_load %arg15[%swap3A_1537, %swap3A_1538] {strides = array<i32>} : memref<512x128xf32, #tpu.memory_space<vmem>>, vector<1x16xf32>,
      %swap3A_1540 = vector.shape_cast %swap3A_1539 : vector<1x16xf32> to vector<16xf32>
      %swap3A_1541 = vector.shape_cast %get3A_1497 : vector<16xf32> to vector<1x16xf32>
      tpu.vector_store %arg15[%swap3A_1537, %swap3A_1538], %swap3A_1541 {strides = array<i32>} : memref<512x128xf32, #tpu.memory_space<vmem>>, vector<1x16xf32>,
      %swap3A_1542 = arith.index_cast %add3A_1483 : i32 to index
      %swap3A_1543 = arith.constant 32 : index
      %swap3A_1544 = tpu.vector_load %arg15[%swap3A_1542, %swap3A_1543] {strides = array<i32>} : memref<512x128xf32, #tpu.memory_space<vmem>>, vector<1x16xf32>,
      %swap3A_1545 = vector.shape_cast %swap3A_1544 : vector<1x16xf32> to vector<16xf32>
      %swap3A_1546 = vector.shape_cast %add3A_1506 : vector<16xf32> to vector<1x16xf32>
      tpu.vector_store %arg15[%swap3A_1542, %swap3A_1543], %swap3A_1546 {strides = array<i32>} : memref<512x128xf32, #tpu.memory_space<vmem>>, vector<1x16xf32>,
      %swap3A_1547 = arith.index_cast %add3A_1483 : i32 to index
      %swap3A_1548 = arith.constant 48 : index
      %swap3A_1549 = tpu.vector_load %arg15[%swap3A_1547, %swap3A_1548] {strides = array<i32>} : memref<512x128xf32, #tpu.memory_space<vmem>>, vector<1x16xf32>,
      %swap3A_1550 = vector.shape_cast %swap3A_1549 : vector<1x16xf32> to vector<16xf32>
      %swap3A_1551 = vector.shape_cast %get3A_1510 : vector<16xf32> to vector<1x16xf32>
      tpu.vector_store %arg15[%swap3A_1547, %swap3A_1548], %swap3A_1551 {strides = array<i32>} : memref<512x128xf32, #tpu.memory_space<vmem>>, vector<1x16xf32>,
      %swap3A_1552 = arith.index_cast %add3A_1483 : i32 to index
      %swap3A_1553 = arith.constant 64 : index
      %swap3A_1554 = tpu.vector_load %arg15[%swap3A_1552, %swap3A_1553] {strides = array<i32>} : memref<512x128xf32, #tpu.memory_space<vmem>>, vector<1x16xf32>,
      %swap3A_1555 = vector.shape_cast %swap3A_1554 : vector<1x16xf32> to vector<16xf32>
      %swap3A_1556 = vector.shape_cast %get3A_1514 : vector<16xf32> to vector<1x16xf32>
      tpu.vector_store %arg15[%swap3A_1552, %swap3A_1553], %swap3A_1556 {strides = array<i32>} : memref<512x128xf32, #tpu.memory_space<vmem>>, vector<1x16xf32>,
      %swap3A_1557 = arith.index_cast %add3A_1483 : i32 to index
      %swap3A_1558 = arith.constant 80 : index
      %swap3A_1559 = tpu.vector_load %arg15[%swap3A_1557, %swap3A_1558] {strides = array<i32>} : memref<512x128xf32, #tpu.memory_space<vmem>>, vector<1x16xf32>,
      %swap3A_1560 = vector.shape_cast %swap3A_1559 : vector<1x16xf32> to vector<16xf32>
      %swap3A_1561 = vector.shape_cast %add3A_1523 : vector<16xf32> to vector<1x16xf32>
      tpu.vector_store %arg15[%swap3A_1557, %swap3A_1558], %swap3A_1561 {strides = array<i32>} : memref<512x128xf32, #tpu.memory_space<vmem>>, vector<1x16xf32>,
      %swap3A_1562 = arith.index_cast %add3A_1483 : i32 to index
      %swap3A_1563 = arith.constant 96 : index
      %swap3A_1564 = tpu.vector_load %arg15[%swap3A_1562, %swap3A_1563] {strides = array<i32>} : memref<512x128xf32, #tpu.memory_space<vmem>>, vector<1x16xf32>,
      %swap3A_1565 = vector.shape_cast %swap3A_1564 : vector<1x16xf32> to vector<16xf32>
      %swap3A_1566 = vector.shape_cast %get3A_1527 : vector<16xf32> to vector<1x16xf32>
      tpu.vector_store %arg15[%swap3A_1562, %swap3A_1563], %swap3A_1566 {strides = array<i32>} : memref<512x128xf32, #tpu.memory_space<vmem>>, vector<1x16xf32>,
      %swap3A_1567 = arith.index_cast %add3A_1483 : i32 to index
      %swap3A_1568 = arith.constant 112 : index
      %swap3A_1569 = tpu.vector_load %arg15[%swap3A_1567, %swap3A_1568] {strides = array<i32>} : memref<512x128xf32, #tpu.memory_space<vmem>>, vector<1x16xf32>,
      %swap3A_1570 = vector.shape_cast %swap3A_1569 : vector<1x16xf32> to vector<16xf32>
      %swap3A_1571 = vector.shape_cast %get3A_1531 : vector<16xf32> to vector<1x16xf32>
      tpu.vector_store %arg15[%swap3A_1567, %swap3A_1568], %swap3A_1571 {strides = array<i32>} : memref<512x128xf32, #tpu.memory_space<vmem>>, vector<1x16xf32>,
    }
    %scan3A_35 = arith.constant 16 : i32
    %add3A_36 = arith.constant 0 : i32
    %add3A_37 = arith.addi %mul3A_2, %add3A_36 : i32
    %dma_start3A_38 = arith.constant 0 : i32
    %dma_start3A_39 = arith.constant 0 : i32
    %dma_start3A_40 = tpu.memref_slice %arg15[%dma_start3A_38, %dma_start3A_39] : memref<512x128xf32, #tpu.memory_space<vmem>> -> memref<256x128xf32, #tpu.memory_space<vmem>>
    %dma_start3A_41 = arith.constant 0 : i32
    %dma_start3A_42 = tpu.memref_slice %arg8[%add3A_37, %dma_start3A_41] : memref<16384x128xf32, #tpu.memory_space<hbm>> -> memref<256x128xf32, #tpu.memory_space<hbm>>
    %dma_start3A_43 = arith.constant 0 : i32
    %dma_start3A_44 = tpu.memref_slice %arg8[%add3A_37, %dma_start3A_43] : memref<16384x128xf32, #tpu.memory_space<hbm>> -> memref<256x128xf32, #tpu.memory_space<hbm>>
    %dma_start3A_45 = arith.constant 0 : i32
    %dma_start3A_46 = arith.constant 0 : i32
    %dma_start3A_47 = tpu.memref_slice %arg15[%dma_start3A_45, %dma_start3A_46] : memref<512x128xf32, #tpu.memory_space<vmem>> -> memref<256x128xf32, #tpu.memory_space<vmem>>
    tpu.enqueue_dma source(%dma_start3A_47 : memref<256x128xf32, #tpu.memory_space<vmem>>) target(%dma_start3A_44 : memref<256x128xf32, #tpu.memory_space<hbm>>) target_semaphore(%arg17 : memref<!tpu.dma_semaphore, #tpu.memory_space<semaphore_mem>>)
    %scan3A_48 = arith.constant 0 : i32
    %scan3A_49 = arith.constant 0 : i32
    %scan3A_50 = arith.constant 16 : i32
    %scan3A_51 = arith.addi %scan3A_49, %scan3A_50 : i32
    %scan3A_52 = arith.constant 1 : i32
    scf.for %scan3A_86 = %scan3A_49 to %scan3A_51 step %scan3A_52  : i32 {
      %mul3A_87 = arith.constant 16 : i32
      %mul3A_88 = arith.muli %scan3A_86, %mul3A_87 : i32
      %get3A = arith.constant 1 : i32
      %get3A_89 = arith.index_cast %get3A : i32 to index
      %get3A_90 = arith.index_cast %mul3A_88 : i32 to index
      %get3A_91 = tpu.vector_load %arg9[%get3A_89, %get3A_90] {strides = array<i32>} : memref<2x256xi32, #tpu.memory_space<vmem>>, vector<1x16xi32>,
      %get3A_92 = vector.shape_cast %get3A_91 : vector<1x16xi32> to vector<16xi32>
      %get3A_93 = arith.constant 1 : i32
      %get3A_94 = arith.index_cast %get3A_93 : i32 to index
      %get3A_95 = arith.index_cast %mul3A_88 : i32 to index
      %get3A_96 = tpu.vector_load %arg10[%get3A_94, %get3A_95] {strides = array<i32>} : memref<2x256xi32, #tpu.memory_space<vmem>>, vector<1x16xi32>,
      %get3A_97 = vector.shape_cast %get3A_96 : vector<1x16xi32> to vector<16xi32>
      %get3A_98 = arith.constant 1 : i32
      %get3A_99 = arith.index_cast %get3A_98 : i32 to index
      %get3A_100 = arith.index_cast %mul3A_88 : i32 to index
      %get3A_101 = tpu.vector_load %arg11[%get3A_99, %get3A_100] {strides = array<i32>} : memref<2x256xi32, #tpu.memory_space<vmem>>, vector<1x16xi32>,
      %get3A_102 = vector.shape_cast %get3A_101 : vector<1x16xi32> to vector<16xi32>
      %add3A_103 = arith.constant 256 : i32
      %add3A_104 = arith.addi %add3A_103, %mul3A_88 : i32
      %add3A_105 = arith.constant 0 : i32
      %add3A_106 = arith.addi %add3A_104, %add3A_105 : i32
      %slice3A = vector.extract_strided_slice %get3A_92 {offsets = [0], sizes = [1], strides = [1]} : vector<16xi32> to vector<1xi32>
      %squeeze3A = vector.extract %slice3A[0] : i32 from vector<1xi32>
      %slice3A_107 = vector.extract_strided_slice %get3A_97 {offsets = [0], sizes = [1], strides = [1]} : vector<16xi32> to vector<1xi32>
      %squeeze3A_108 = vector.extract %slice3A_107[0] : i32 from vector<1xi32>
      %slice3A_109 = vector.extract_strided_slice %get3A_102 {offsets = [0], sizes = [1], strides = [1]} : vector<16xi32> to vector<1xi32>
      %squeeze3A_110 = vector.extract %slice3A_109[0] : i32 from vector<1xi32>
      %get3A_111 = arith.index_cast %squeeze3A : i32 to index
      %get3A_112 = arith.constant 0 : index
      %get3A_113 = tpu.vector_load %arg12[%get3A_111, %get3A_112] {strides = array<i32>} : memref<64x48xf32, #tpu.memory_space<vmem>>, vector<1x16xf32>,
      %get3A_114 = vector.shape_cast %get3A_113 : vector<1x16xf32> to vector<16xf32>
      %get3A_115 = arith.index_cast %squeeze3A : i32 to index
      %get3A_116 = arith.constant 16 : index
      %get3A_117 = tpu.vector_load %arg12[%get3A_115, %get3A_116] {strides = array<i32>} : memref<64x48xf32, #tpu.memory_space<vmem>>, vector<1x16xf32>,
      %get3A_118 = vector.shape_cast %get3A_117 : vector<1x16xf32> to vector<16xf32>
      %get3A_119 = arith.index_cast %squeeze3A : i32 to index
      %get3A_120 = arith.constant 32 : index
      %get3A_121 = tpu.vector_load %arg12[%get3A_119, %get3A_120] {strides = array<i32>} : memref<64x48xf32, #tpu.memory_space<vmem>>, vector<1x16xf32>,
      %get3A_122 = vector.shape_cast %get3A_121 : vector<1x16xf32> to vector<16xf32>
      %get3A_123 = arith.index_cast %squeeze3A_108 : i32 to index
      %get3A_124 = arith.constant 32 : index
      %get3A_125 = tpu.vector_load %arg13[%get3A_123, %get3A_124] {strides = array<i32>} : memref<32x128xf32, #tpu.memory_space<vmem>>, vector<1x16xf32>,
      %get3A_126 = vector.shape_cast %get3A_125 : vector<1x16xf32> to vector<16xf32>
      %add3A_127 = arith.addf %get3A_122, %get3A_126 : vector<16xf32>
      %get3A_128 = arith.index_cast %squeeze3A_108 : i32 to index
      %get3A_129 = arith.constant 48 : index
      %get3A_130 = tpu.vector_load %arg13[%get3A_128, %get3A_129] {strides = array<i32>} : memref<32x128xf32, #tpu.memory_space<vmem>>, vector<1x16xf32>,
      %get3A_131 = vector.shape_cast %get3A_130 : vector<1x16xf32> to vector<16xf32>
      %get3A_132 = arith.index_cast %squeeze3A_108 : i32 to index
      %get3A_133 = arith.constant 64 : index
      %get3A_134 = tpu.vector_load %arg13[%get3A_132, %get3A_133] {strides = array<i32>} : memref<32x128xf32, #tpu.memory_space<vmem>>, vector<1x16xf32>,
      %get3A_135 = vector.shape_cast %get3A_134 : vector<1x16xf32> to vector<16xf32>
      %get3A_136 = arith.index_cast %squeeze3A_108 : i32 to index
      %get3A_137 = arith.constant 80 : index
      %get3A_138 = tpu.vector_load %arg13[%get3A_136, %get3A_137] {strides = array<i32>} : memref<32x128xf32, #tpu.memory_space<vmem>>, vector<1x16xf32>,
      %get3A_139 = vector.shape_cast %get3A_138 : vector<1x16xf32> to vector<16xf32>
      %get3A_140 = arith.index_cast %squeeze3A_110 : i32 to index
      %get3A_141 = arith.constant 0 : index
      %get3A_142 = tpu.vector_load %arg14[%get3A_140, %get3A_141] {strides = array<i32>} : memref<16x48xf32, #tpu.memory_space<vmem>>, vector<1x16xf32>,
      %get3A_143 = vector.shape_cast %get3A_142 : vector<1x16xf32> to vector<16xf32>
      %add3A_144 = arith.addf %get3A_139, %get3A_143 : vector<16xf32>
      %get3A_145 = arith.index_cast %squeeze3A_110 : i32 to index
      %get3A_146 = arith.constant 16 : index
      %get3A_147 = tpu.vector_load %arg14[%get3A_145, %get3A_146] {strides = array<i32>} : memref<16x48xf32, #tpu.memory_space<vmem>>, vector<1x16xf32>,
      %get3A_148 = vector.shape_cast %get3A_147 : vector<1x16xf32> to vector<16xf32>
      %get3A_149 = arith.index_cast %squeeze3A_110 : i32 to index
      %get3A_150 = arith.constant 32 : index
      %get3A_151 = tpu.vector_load %arg14[%get3A_149, %get3A_150] {strides = array<i32>} : memref<16x48xf32, #tpu.memory_space<vmem>>, vector<1x16xf32>,
      %get3A_152 = vector.shape_cast %get3A_151 : vector<1x16xf32> to vector<16xf32>
      %swap3A = arith.index_cast %add3A_106 : i32 to index
      %swap3A_153 = arith.constant 0 : index
      %swap3A_154 = tpu.vector_load %arg15[%swap3A, %swap3A_153] {strides = array<i32>} : memref<512x128xf32, #tpu.memory_space<vmem>>, vector<1x16xf32>,
      %swap3A_155 = vector.shape_cast %swap3A_154 : vector<1x16xf32> to vector<16xf32>
      %swap3A_156 = vector.shape_cast %get3A_114 : vector<16xf32> to vector<1x16xf32>
      tpu.vector_store %arg15[%swap3A, %swap3A_153], %swap3A_156 {strides = array<i32>} : memref<512x128xf32, #tpu.memory_space<vmem>>, vector<1x16xf32>,
      %swap3A_157 = arith.index_cast %add3A_106 : i32 to index
      %swap3A_158 = arith.constant 16 : index
      %swap3A_159 = tpu.vector_load %arg15[%swap3A_157, %swap3A_158] {strides = array<i32>} : memref<512x128xf32, #tpu.memory_space<vmem>>, vector<1x16xf32>,
      %swap3A_160 = vector.shape_cast %swap3A_159 : vector<1x16xf32> to vector<16xf32>
      %swap3A_161 = vector.shape_cast %get3A_118 : vector<16xf32> to vector<1x16xf32>
      tpu.vector_store %arg15[%swap3A_157, %swap3A_158], %swap3A_161 {strides = array<i32>} : memref<512x128xf32, #tpu.memory_space<vmem>>, vector<1x16xf32>,
      %swap3A_162 = arith.index_cast %add3A_106 : i32 to index
      %swap3A_163 = arith.constant 32 : index
      %swap3A_164 = tpu.vector_load %arg15[%swap3A_162, %swap3A_163] {strides = array<i32>} : memref<512x128xf32, #tpu.memory_space<vmem>>, vector<1x16xf32>,
      %swap3A_165 = vector.shape_cast %swap3A_164 : vector<1x16xf32> to vector<16xf32>
      %swap3A_166 = vector.shape_cast %add3A_127 : vector<16xf32> to vector<1x16xf32>
      tpu.vector_store %arg15[%swap3A_162, %swap3A_163], %swap3A_166 {strides = array<i32>} : memref<512x128xf32, #tpu.memory_space<vmem>>, vector<1x16xf32>,
      %swap3A_167 = arith.index_cast %add3A_106 : i32 to index
      %swap3A_168 = arith.constant 48 : index
      %swap3A_169 = tpu.vector_load %arg15[%swap3A_167, %swap3A_168] {strides = array<i32>} : memref<512x128xf32, #tpu.memory_space<vmem>>, vector<1x16xf32>,
      %swap3A_170 = vector.shape_cast %swap3A_169 : vector<1x16xf32> to vector<16xf32>
      %swap3A_171 = vector.shape_cast %get3A_131 : vector<16xf32> to vector<1x16xf32>
      tpu.vector_store %arg15[%swap3A_167, %swap3A_168], %swap3A_171 {strides = array<i32>} : memref<512x128xf32, #tpu.memory_space<vmem>>, vector<1x16xf32>,
      %swap3A_172 = arith.index_cast %add3A_106 : i32 to index
      %swap3A_173 = arith.constant 64 : index
      %swap3A_174 = tpu.vector_load %arg15[%swap3A_172, %swap3A_173] {strides = array<i32>} : memref<512x128xf32, #tpu.memory_space<vmem>>, vector<1x16xf32>,
      %swap3A_175 = vector.shape_cast %swap3A_174 : vector<1x16xf32> to vector<16xf32>
      %swap3A_176 = vector.shape_cast %get3A_135 : vector<16xf32> to vector<1x16xf32>
      tpu.vector_store %arg15[%swap3A_172, %swap3A_173], %swap3A_176 {strides = array<i32>} : memref<512x128xf32, #tpu.memory_space<vmem>>, vector<1x16xf32>,
      %swap3A_177 = arith.index_cast %add3A_106 : i32 to index
      %swap3A_178 = arith.constant 80 : index
      %swap3A_179 = tpu.vector_load %arg15[%swap3A_177, %swap3A_178] {strides = array<i32>} : memref<512x128xf32, #tpu.memory_space<vmem>>, vector<1x16xf32>,
      %swap3A_180 = vector.shape_cast %swap3A_179 : vector<1x16xf32> to vector<16xf32>
      %swap3A_181 = vector.shape_cast %add3A_144 : vector<16xf32> to vector<1x16xf32>
      tpu.vector_store %arg15[%swap3A_177, %swap3A_178], %swap3A_181 {strides = array<i32>} : memref<512x128xf32, #tpu.memory_space<vmem>>, vector<1x16xf32>,
      %swap3A_182 = arith.index_cast %add3A_106 : i32 to index
      %swap3A_183 = arith.constant 96 : index
      %swap3A_184 = tpu.vector_load %arg15[%swap3A_182, %swap3A_183] {strides = array<i32>} : memref<512x128xf32, #tpu.memory_space<vmem>>, vector<1x16xf32>,
      %swap3A_185 = vector.shape_cast %swap3A_184 : vector<1x16xf32> to vector<16xf32>
      %swap3A_186 = vector.shape_cast %get3A_148 : vector<16xf32> to vector<1x16xf32>
      tpu.vector_store %arg15[%swap3A_182, %swap3A_183], %swap3A_186 {strides = array<i32>} : memref<512x128xf32, #tpu.memory_space<vmem>>, vector<1x16xf32>,
      %swap3A_187 = arith.index_cast %add3A_106 : i32 to index
      %swap3A_188 = arith.constant 112 : index
      %swap3A_189 = tpu.vector_load %arg15[%swap3A_187, %swap3A_188] {strides = array<i32>} : memref<512x128xf32, #tpu.memory_space<vmem>>, vector<1x16xf32>,
      %swap3A_190 = vector.shape_cast %swap3A_189 : vector<1x16xf32> to vector<16xf32>
      %swap3A_191 = vector.shape_cast %get3A_152 : vector<16xf32> to vector<1x16xf32>
      tpu.vector_store %arg15[%swap3A_187, %swap3A_188], %swap3A_191 {strides = array<i32>} : memref<512x128xf32, #tpu.memory_space<vmem>>, vector<1x16xf32>,
      %add3A_192 = arith.constant 256 : i32
      %add3A_193 = arith.addi %add3A_192, %mul3A_88 : i32
      %add3A_194 = arith.constant 1 : i32
      %add3A_195 = arith.addi %add3A_193, %add3A_194 : i32
      %slice3A_196 = vector.extract_strided_slice %get3A_92 {offsets = [1], sizes = [1], strides = [1]} : vector<16xi32> to vector<1xi32>
      %squeeze3A_197 = vector.extract %slice3A_196[0] : i32 from vector<1xi32>
      %slice3A_198 = vector.extract_strided_slice %get3A_97 {offsets = [1], sizes = [1], strides = [1]} : vector<16xi32> to vector<1xi32>
      %squeeze3A_199 = vector.extract %slice3A_198[0] : i32 from vector<1xi32>
      %slice3A_200 = vector.extract_strided_slice %get3A_102 {offsets = [1], sizes = [1], strides = [1]} : vector<16xi32> to vector<1xi32>
      %squeeze3A_201 = vector.extract %slice3A_200[0] : i32 from vector<1xi32>
      %get3A_202 = arith.index_cast %squeeze3A_197 : i32 to index
      %get3A_203 = arith.constant 0 : index
      %get3A_204 = tpu.vector_load %arg12[%get3A_202, %get3A_203] {strides = array<i32>} : memref<64x48xf32, #tpu.memory_space<vmem>>, vector<1x16xf32>,
      %get3A_205 = vector.shape_cast %get3A_204 : vector<1x16xf32> to vector<16xf32>
      %get3A_206 = arith.index_cast %squeeze3A_197 : i32 to index
      %get3A_207 = arith.constant 16 : index
      %get3A_208 = tpu.vector_load %arg12[%get3A_206, %get3A_207] {strides = array<i32>} : memref<64x48xf32, #tpu.memory_space<vmem>>, vector<1x16xf32>,
      %get3A_209 = vector.shape_cast %get3A_208 : vector<1x16xf32> to vector<16xf32>
      %get3A_210 = arith.index_cast %squeeze3A_197 : i32 to index
      %get3A_211 = arith.constant 32 : index
      %get3A_212 = tpu.vector_load %arg12[%get3A_210, %get3A_211] {strides = array<i32>} : memref<64x48xf32, #tpu.memory_space<vmem>>, vector<1x16xf32>,
      %get3A_213 = vector.shape_cast %get3A_212 : vector<1x16xf32> to vector<16xf32>
      %get3A_214 = arith.index_cast %squeeze3A_199 : i32 to index
      %get3A_215 = arith.constant 32 : index
      %get3A_216 = tpu.vector_load %arg13[%get3A_214, %get3A_215] {strides = array<i32>} : memref<32x128xf32, #tpu.memory_space<vmem>>, vector<1x16xf32>,
      %get3A_217 = vector.shape_cast %get3A_216 : vector<1x16xf32> to vector<16xf32>
      %add3A_218 = arith.addf %get3A_213, %get3A_217 : vector<16xf32>
      %get3A_219 = arith.index_cast %squeeze3A_199 : i32 to index
      %get3A_220 = arith.constant 48 : index
      %get3A_221 = tpu.vector_load %arg13[%get3A_219, %get3A_220] {strides = array<i32>} : memref<32x128xf32, #tpu.memory_space<vmem>>, vector<1x16xf32>,
      %get3A_222 = vector.shape_cast %get3A_221 : vector<1x16xf32> to vector<16xf32>
      %get3A_223 = arith.index_cast %squeeze3A_199 : i32 to index
      %get3A_224 = arith.constant 64 : index
      %get3A_225 = tpu.vector_load %arg13[%get3A_223, %get3A_224] {strides = array<i32>} : memref<32x128xf32, #tpu.memory_space<vmem>>, vector<1x16xf32>,
      %get3A_226 = vector.shape_cast %get3A_225 : vector<1x16xf32> to vector<16xf32>
      %get3A_227 = arith.index_cast %squeeze3A_199 : i32 to index
      %get3A_228 = arith.constant 80 : index
      %get3A_229 = tpu.vector_load %arg13[%get3A_227, %get3A_228] {strides = array<i32>} : memref<32x128xf32, #tpu.memory_space<vmem>>, vector<1x16xf32>,
      %get3A_230 = vector.shape_cast %get3A_229 : vector<1x16xf32> to vector<16xf32>
      %get3A_231 = arith.index_cast %squeeze3A_201 : i32 to index
      %get3A_232 = arith.constant 0 : index
      %get3A_233 = tpu.vector_load %arg14[%get3A_231, %get3A_232] {strides = array<i32>} : memref<16x48xf32, #tpu.memory_space<vmem>>, vector<1x16xf32>,
      %get3A_234 = vector.shape_cast %get3A_233 : vector<1x16xf32> to vector<16xf32>
      %add3A_235 = arith.addf %get3A_230, %get3A_234 : vector<16xf32>
      %get3A_236 = arith.index_cast %squeeze3A_201 : i32 to index
      %get3A_237 = arith.constant 16 : index
      %get3A_238 = tpu.vector_load %arg14[%get3A_236, %get3A_237] {strides = array<i32>} : memref<16x48xf32, #tpu.memory_space<vmem>>, vector<1x16xf32>,
      %get3A_239 = vector.shape_cast %get3A_238 : vector<1x16xf32> to vector<16xf32>
      %get3A_240 = arith.index_cast %squeeze3A_201 : i32 to index
      %get3A_241 = arith.constant 32 : index
      %get3A_242 = tpu.vector_load %arg14[%get3A_240, %get3A_241] {strides = array<i32>} : memref<16x48xf32, #tpu.memory_space<vmem>>, vector<1x16xf32>,
      %get3A_243 = vector.shape_cast %get3A_242 : vector<1x16xf32> to vector<16xf32>
      %swap3A_244 = arith.index_cast %add3A_195 : i32 to index
      %swap3A_245 = arith.constant 0 : index
      %swap3A_246 = tpu.vector_load %arg15[%swap3A_244, %swap3A_245] {strides = array<i32>} : memref<512x128xf32, #tpu.memory_space<vmem>>, vector<1x16xf32>,
      %swap3A_247 = vector.shape_cast %swap3A_246 : vector<1x16xf32> to vector<16xf32>
      %swap3A_248 = vector.shape_cast %get3A_205 : vector<16xf32> to vector<1x16xf32>
      tpu.vector_store %arg15[%swap3A_244, %swap3A_245], %swap3A_248 {strides = array<i32>} : memref<512x128xf32, #tpu.memory_space<vmem>>, vector<1x16xf32>,
      %swap3A_249 = arith.index_cast %add3A_195 : i32 to index
      %swap3A_250 = arith.constant 16 : index
      %swap3A_251 = tpu.vector_load %arg15[%swap3A_249, %swap3A_250] {strides = array<i32>} : memref<512x128xf32, #tpu.memory_space<vmem>>, vector<1x16xf32>,
      %swap3A_252 = vector.shape_cast %swap3A_251 : vector<1x16xf32> to vector<16xf32>
      %swap3A_253 = vector.shape_cast %get3A_209 : vector<16xf32> to vector<1x16xf32>
      tpu.vector_store %arg15[%swap3A_249, %swap3A_250], %swap3A_253 {strides = array<i32>} : memref<512x128xf32, #tpu.memory_space<vmem>>, vector<1x16xf32>,
      %swap3A_254 = arith.index_cast %add3A_195 : i32 to index
      %swap3A_255 = arith.constant 32 : index
      %swap3A_256 = tpu.vector_load %arg15[%swap3A_254, %swap3A_255] {strides = array<i32>} : memref<512x128xf32, #tpu.memory_space<vmem>>, vector<1x16xf32>,
      %swap3A_257 = vector.shape_cast %swap3A_256 : vector<1x16xf32> to vector<16xf32>
      %swap3A_258 = vector.shape_cast %add3A_218 : vector<16xf32> to vector<1x16xf32>
      tpu.vector_store %arg15[%swap3A_254, %swap3A_255], %swap3A_258 {strides = array<i32>} : memref<512x128xf32, #tpu.memory_space<vmem>>, vector<1x16xf32>,
      %swap3A_259 = arith.index_cast %add3A_195 : i32 to index
      %swap3A_260 = arith.constant 48 : index
      %swap3A_261 = tpu.vector_load %arg15[%swap3A_259, %swap3A_260] {strides = array<i32>} : memref<512x128xf32, #tpu.memory_space<vmem>>, vector<1x16xf32>,
      %swap3A_262 = vector.shape_cast %swap3A_261 : vector<1x16xf32> to vector<16xf32>
      %swap3A_263 = vector.shape_cast %get3A_222 : vector<16xf32> to vector<1x16xf32>
      tpu.vector_store %arg15[%swap3A_259, %swap3A_260], %swap3A_263 {strides = array<i32>} : memref<512x128xf32, #tpu.memory_space<vmem>>, vector<1x16xf32>,
      %swap3A_264 = arith.index_cast %add3A_195 : i32 to index
      %swap3A_265 = arith.constant 64 : index
      %swap3A_266 = tpu.vector_load %arg15[%swap3A_264, %swap3A_265] {strides = array<i32>} : memref<512x128xf32, #tpu.memory_space<vmem>>, vector<1x16xf32>,
      %swap3A_267 = vector.shape_cast %swap3A_266 : vector<1x16xf32> to vector<16xf32>
      %swap3A_268 = vector.shape_cast %get3A_226 : vector<16xf32> to vector<1x16xf32>
      tpu.vector_store %arg15[%swap3A_264, %swap3A_265], %swap3A_268 {strides = array<i32>} : memref<512x128xf32, #tpu.memory_space<vmem>>, vector<1x16xf32>,
      %swap3A_269 = arith.index_cast %add3A_195 : i32 to index
      %swap3A_270 = arith.constant 80 : index
      %swap3A_271 = tpu.vector_load %arg15[%swap3A_269, %swap3A_270] {strides = array<i32>} : memref<512x128xf32, #tpu.memory_space<vmem>>, vector<1x16xf32>,
      %swap3A_272 = vector.shape_cast %swap3A_271 : vector<1x16xf32> to vector<16xf32>
      %swap3A_273 = vector.shape_cast %add3A_235 : vector<16xf32> to vector<1x16xf32>
      tpu.vector_store %arg15[%swap3A_269, %swap3A_270], %swap3A_273 {strides = array<i32>} : memref<512x128xf32, #tpu.memory_space<vmem>>, vector<1x16xf32>,
      %swap3A_274 = arith.index_cast %add3A_195 : i32 to index
      %swap3A_275 = arith.constant 96 : index
      %swap3A_276 = tpu.vector_load %arg15[%swap3A_274, %swap3A_275] {strides = array<i32>} : memref<512x128xf32, #tpu.memory_space<vmem>>, vector<1x16xf32>,
      %swap3A_277 = vector.shape_cast %swap3A_276 : vector<1x16xf32> to vector<16xf32>
      %swap3A_278 = vector.shape_cast %get3A_239 : vector<16xf32> to vector<1x16xf32>
      tpu.vector_store %arg15[%swap3A_274, %swap3A_275], %swap3A_278 {strides = array<i32>} : memref<512x128xf32, #tpu.memory_space<vmem>>, vector<1x16xf32>,
      %swap3A_279 = arith.index_cast %add3A_195 : i32 to index
      %swap3A_280 = arith.constant 112 : index
      %swap3A_281 = tpu.vector_load %arg15[%swap3A_279, %swap3A_280] {strides = array<i32>} : memref<512x128xf32, #tpu.memory_space<vmem>>, vector<1x16xf32>,
      %swap3A_282 = vector.shape_cast %swap3A_281 : vector<1x16xf32> to vector<16xf32>
      %swap3A_283 = vector.shape_cast %get3A_243 : vector<16xf32> to vector<1x16xf32>
      tpu.vector_store %arg15[%swap3A_279, %swap3A_280], %swap3A_283 {strides = array<i32>} : memref<512x128xf32, #tpu.memory_space<vmem>>, vector<1x16xf32>,
      %add3A_284 = arith.constant 256 : i32
      %add3A_285 = arith.addi %add3A_284, %mul3A_88 : i32
      %add3A_286 = arith.constant 2 : i32
      %add3A_287 = arith.addi %add3A_285, %add3A_286 : i32
      %slice3A_288 = vector.extract_strided_slice %get3A_92 {offsets = [2], sizes = [1], strides = [1]} : vector<16xi32> to vector<1xi32>
      %squeeze3A_289 = vector.extract %slice3A_288[0] : i32 from vector<1xi32>
      %slice3A_290 = vector.extract_strided_slice %get3A_97 {offsets = [2], sizes = [1], strides = [1]} : vector<16xi32> to vector<1xi32>
      %squeeze3A_291 = vector.extract %slice3A_290[0] : i32 from vector<1xi32>
      %slice3A_292 = vector.extract_strided_slice %get3A_102 {offsets = [2], sizes = [1], strides = [1]} : vector<16xi32> to vector<1xi32>
      %squeeze3A_293 = vector.extract %slice3A_292[0] : i32 from vector<1xi32>
      %get3A_294 = arith.index_cast %squeeze3A_289 : i32 to index
      %get3A_295 = arith.constant 0 : index
      %get3A_296 = tpu.vector_load %arg12[%get3A_294, %get3A_295] {strides = array<i32>} : memref<64x48xf32, #tpu.memory_space<vmem>>, vector<1x16xf32>,
      %get3A_297 = vector.shape_cast %get3A_296 : vector<1x16xf32> to vector<16xf32>
      %get3A_298 = arith.index_cast %squeeze3A_289 : i32 to index
      %get3A_299 = arith.constant 16 : index
      %get3A_300 = tpu.vector_load %arg12[%get3A_298, %get3A_299] {strides = array<i32>} : memref<64x48xf32, #tpu.memory_space<vmem>>, vector<1x16xf32>,
      %get3A_301 = vector.shape_cast %get3A_300 : vector<1x16xf32> to vector<16xf32>
      %get3A_302 = arith.index_cast %squeeze3A_289 : i32 to index
      %get3A_303 = arith.constant 32 : index
      %get3A_304 = tpu.vector_load %arg12[%get3A_302, %get3A_303] {strides = array<i32>} : memref<64x48xf32, #tpu.memory_space<vmem>>, vector<1x16xf32>,
      %get3A_305 = vector.shape_cast %get3A_304 : vector<1x16xf32> to vector<16xf32>
      %get3A_306 = arith.index_cast %squeeze3A_291 : i32 to index
      %get3A_307 = arith.constant 32 : index
      %get3A_308 = tpu.vector_load %arg13[%get3A_306, %get3A_307] {strides = array<i32>} : memref<32x128xf32, #tpu.memory_space<vmem>>, vector<1x16xf32>,
      %get3A_309 = vector.shape_cast %get3A_308 : vector<1x16xf32> to vector<16xf32>
      %add3A_310 = arith.addf %get3A_305, %get3A_309 : vector<16xf32>
      %get3A_311 = arith.index_cast %squeeze3A_291 : i32 to index
      %get3A_312 = arith.constant 48 : index
      %get3A_313 = tpu.vector_load %arg13[%get3A_311, %get3A_312] {strides = array<i32>} : memref<32x128xf32, #tpu.memory_space<vmem>>, vector<1x16xf32>,
      %get3A_314 = vector.shape_cast %get3A_313 : vector<1x16xf32> to vector<16xf32>
      %get3A_315 = arith.index_cast %squeeze3A_291 : i32 to index
      %get3A_316 = arith.constant 64 : index
      %get3A_317 = tpu.vector_load %arg13[%get3A_315, %get3A_316] {strides = array<i32>} : memref<32x128xf32, #tpu.memory_space<vmem>>, vector<1x16xf32>,
      %get3A_318 = vector.shape_cast %get3A_317 : vector<1x16xf32> to vector<16xf32>
      %get3A_319 = arith.index_cast %squeeze3A_291 : i32 to index
      %get3A_320 = arith.constant 80 : index
      %get3A_321 = tpu.vector_load %arg13[%get3A_319, %get3A_320] {strides = array<i32>} : memref<32x128xf32, #tpu.memory_space<vmem>>, vector<1x16xf32>,
      %get3A_322 = vector.shape_cast %get3A_321 : vector<1x16xf32> to vector<16xf32>
      %get3A_323 = arith.index_cast %squeeze3A_293 : i32 to index
      %get3A_324 = arith.constant 0 : index
      %get3A_325 = tpu.vector_load %arg14[%get3A_323, %get3A_324] {strides = array<i32>} : memref<16x48xf32, #tpu.memory_space<vmem>>, vector<1x16xf32>,
      %get3A_326 = vector.shape_cast %get3A_325 : vector<1x16xf32> to vector<16xf32>
      %add3A_327 = arith.addf %get3A_322, %get3A_326 : vector<16xf32>
      %get3A_328 = arith.index_cast %squeeze3A_293 : i32 to index
      %get3A_329 = arith.constant 16 : index
      %get3A_330 = tpu.vector_load %arg14[%get3A_328, %get3A_329] {strides = array<i32>} : memref<16x48xf32, #tpu.memory_space<vmem>>, vector<1x16xf32>,
      %get3A_331 = vector.shape_cast %get3A_330 : vector<1x16xf32> to vector<16xf32>
      %get3A_332 = arith.index_cast %squeeze3A_293 : i32 to index
      %get3A_333 = arith.constant 32 : index
      %get3A_334 = tpu.vector_load %arg14[%get3A_332, %get3A_333] {strides = array<i32>} : memref<16x48xf32, #tpu.memory_space<vmem>>, vector<1x16xf32>,
      %get3A_335 = vector.shape_cast %get3A_334 : vector<1x16xf32> to vector<16xf32>
      %swap3A_336 = arith.index_cast %add3A_287 : i32 to index
      %swap3A_337 = arith.constant 0 : index
      %swap3A_338 = tpu.vector_load %arg15[%swap3A_336, %swap3A_337] {strides = array<i32>} : memref<512x128xf32, #tpu.memory_space<vmem>>, vector<1x16xf32>,
      %swap3A_339 = vector.shape_cast %swap3A_338 : vector<1x16xf32> to vector<16xf32>
      %swap3A_340 = vector.shape_cast %get3A_297 : vector<16xf32> to vector<1x16xf32>
      tpu.vector_store %arg15[%swap3A_336, %swap3A_337], %swap3A_340 {strides = array<i32>} : memref<512x128xf32, #tpu.memory_space<vmem>>, vector<1x16xf32>,
      %swap3A_341 = arith.index_cast %add3A_287 : i32 to index
      %swap3A_342 = arith.constant 16 : index
      %swap3A_343 = tpu.vector_load %arg15[%swap3A_341, %swap3A_342] {strides = array<i32>} : memref<512x128xf32, #tpu.memory_space<vmem>>, vector<1x16xf32>,
      %swap3A_344 = vector.shape_cast %swap3A_343 : vector<1x16xf32> to vector<16xf32>
      %swap3A_345 = vector.shape_cast %get3A_301 : vector<16xf32> to vector<1x16xf32>
      tpu.vector_store %arg15[%swap3A_341, %swap3A_342], %swap3A_345 {strides = array<i32>} : memref<512x128xf32, #tpu.memory_space<vmem>>, vector<1x16xf32>,
      %swap3A_346 = arith.index_cast %add3A_287 : i32 to index
      %swap3A_347 = arith.constant 32 : index
      %swap3A_348 = tpu.vector_load %arg15[%swap3A_346, %swap3A_347] {strides = array<i32>} : memref<512x128xf32, #tpu.memory_space<vmem>>, vector<1x16xf32>,
      %swap3A_349 = vector.shape_cast %swap3A_348 : vector<1x16xf32> to vector<16xf32>
      %swap3A_350 = vector.shape_cast %add3A_310 : vector<16xf32> to vector<1x16xf32>
      tpu.vector_store %arg15[%swap3A_346, %swap3A_347], %swap3A_350 {strides = array<i32>} : memref<512x128xf32, #tpu.memory_space<vmem>>, vector<1x16xf32>,
      %swap3A_351 = arith.index_cast %add3A_287 : i32 to index
      %swap3A_352 = arith.constant 48 : index
      %swap3A_353 = tpu.vector_load %arg15[%swap3A_351, %swap3A_352] {strides = array<i32>} : memref<512x128xf32, #tpu.memory_space<vmem>>, vector<1x16xf32>,
      %swap3A_354 = vector.shape_cast %swap3A_353 : vector<1x16xf32> to vector<16xf32>
      %swap3A_355 = vector.shape_cast %get3A_314 : vector<16xf32> to vector<1x16xf32>
      tpu.vector_store %arg15[%swap3A_351, %swap3A_352], %swap3A_355 {strides = array<i32>} : memref<512x128xf32, #tpu.memory_space<vmem>>, vector<1x16xf32>,
      %swap3A_356 = arith.index_cast %add3A_287 : i32 to index
      %swap3A_357 = arith.constant 64 : index
      %swap3A_358 = tpu.vector_load %arg15[%swap3A_356, %swap3A_357] {strides = array<i32>} : memref<512x128xf32, #tpu.memory_space<vmem>>, vector<1x16xf32>,
      %swap3A_359 = vector.shape_cast %swap3A_358 : vector<1x16xf32> to vector<16xf32>
      %swap3A_360 = vector.shape_cast %get3A_318 : vector<16xf32> to vector<1x16xf32>
      tpu.vector_store %arg15[%swap3A_356, %swap3A_357], %swap3A_360 {strides = array<i32>} : memref<512x128xf32, #tpu.memory_space<vmem>>, vector<1x16xf32>,
      %swap3A_361 = arith.index_cast %add3A_287 : i32 to index
      %swap3A_362 = arith.constant 80 : index
      %swap3A_363 = tpu.vector_load %arg15[%swap3A_361, %swap3A_362] {strides = array<i32>} : memref<512x128xf32, #tpu.memory_space<vmem>>, vector<1x16xf32>,
      %swap3A_364 = vector.shape_cast %swap3A_363 : vector<1x16xf32> to vector<16xf32>
      %swap3A_365 = vector.shape_cast %add3A_327 : vector<16xf32> to vector<1x16xf32>
      tpu.vector_store %arg15[%swap3A_361, %swap3A_362], %swap3A_365 {strides = array<i32>} : memref<512x128xf32, #tpu.memory_space<vmem>>, vector<1x16xf32>,
      %swap3A_366 = arith.index_cast %add3A_287 : i32 to index
      %swap3A_367 = arith.constant 96 : index
      %swap3A_368 = tpu.vector_load %arg15[%swap3A_366, %swap3A_367] {strides = array<i32>} : memref<512x128xf32, #tpu.memory_space<vmem>>, vector<1x16xf32>,
      %swap3A_369 = vector.shape_cast %swap3A_368 : vector<1x16xf32> to vector<16xf32>
      %swap3A_370 = vector.shape_cast %get3A_331 : vector<16xf32> to vector<1x16xf32>
      tpu.vector_store %arg15[%swap3A_366, %swap3A_367], %swap3A_370 {strides = array<i32>} : memref<512x128xf32, #tpu.memory_space<vmem>>, vector<1x16xf32>,
      %swap3A_371 = arith.index_cast %add3A_287 : i32 to index
      %swap3A_372 = arith.constant 112 : index
      %swap3A_373 = tpu.vector_load %arg15[%swap3A_371, %swap3A_372] {strides = array<i32>} : memref<512x128xf32, #tpu.memory_space<vmem>>, vector<1x16xf32>,
      %swap3A_374 = vector.shape_cast %swap3A_373 : vector<1x16xf32> to vector<16xf32>
      %swap3A_375 = vector.shape_cast %get3A_335 : vector<16xf32> to vector<1x16xf32>
      tpu.vector_store %arg15[%swap3A_371, %swap3A_372], %swap3A_375 {strides = array<i32>} : memref<512x128xf32, #tpu.memory_space<vmem>>, vector<1x16xf32>,
      %add3A_376 = arith.constant 256 : i32
      %add3A_377 = arith.addi %add3A_376, %mul3A_88 : i32
      %add3A_378 = arith.constant 3 : i32
      %add3A_379 = arith.addi %add3A_377, %add3A_378 : i32
      %slice3A_380 = vector.extract_strided_slice %get3A_92 {offsets = [3], sizes = [1], strides = [1]} : vector<16xi32> to vector<1xi32>
      %squeeze3A_381 = vector.extract %slice3A_380[0] : i32 from vector<1xi32>
      %slice3A_382 = vector.extract_strided_slice %get3A_97 {offsets = [3], sizes = [1], strides = [1]} : vector<16xi32> to vector<1xi32>
      %squeeze3A_383 = vector.extract %slice3A_382[0] : i32 from vector<1xi32>
      %slice3A_384 = vector.extract_strided_slice %get3A_102 {offsets = [3], sizes = [1], strides = [1]} : vector<16xi32> to vector<1xi32>
      %squeeze3A_385 = vector.extract %slice3A_384[0] : i32 from vector<1xi32>
      %get3A_386 = arith.index_cast %squeeze3A_381 : i32 to index
      %get3A_387 = arith.constant 0 : index
      %get3A_388 = tpu.vector_load %arg12[%get3A_386, %get3A_387] {strides = array<i32>} : memref<64x48xf32, #tpu.memory_space<vmem>>, vector<1x16xf32>,
      %get3A_389 = vector.shape_cast %get3A_388 : vector<1x16xf32> to vector<16xf32>
      %get3A_390 = arith.index_cast %squeeze3A_381 : i32 to index
      %get3A_391 = arith.constant 16 : index
      %get3A_392 = tpu.vector_load %arg12[%get3A_390, %get3A_391] {strides = array<i32>} : memref<64x48xf32, #tpu.memory_space<vmem>>, vector<1x16xf32>,
      %get3A_393 = vector.shape_cast %get3A_392 : vector<1x16xf32> to vector<16xf32>
      %get3A_394 = arith.index_cast %squeeze3A_381 : i32 to index
      %get3A_395 = arith.constant 32 : index
      %get3A_396 = tpu.vector_load %arg12[%get3A_394, %get3A_395] {strides = array<i32>} : memref<64x48xf32, #tpu.memory_space<vmem>>, vector<1x16xf32>,
      %get3A_397 = vector.shape_cast %get3A_396 : vector<1x16xf32> to vector<16xf32>
      %get3A_398 = arith.index_cast %squeeze3A_383 : i32 to index
      %get3A_399 = arith.constant 32 : index
      %get3A_400 = tpu.vector_load %arg13[%get3A_398, %get3A_399] {strides = array<i32>} : memref<32x128xf32, #tpu.memory_space<vmem>>, vector<1x16xf32>,
      %get3A_401 = vector.shape_cast %get3A_400 : vector<1x16xf32> to vector<16xf32>
      %add3A_402 = arith.addf %get3A_397, %get3A_401 : vector<16xf32>
      %get3A_403 = arith.index_cast %squeeze3A_383 : i32 to index
      %get3A_404 = arith.constant 48 : index
      %get3A_405 = tpu.vector_load %arg13[%get3A_403, %get3A_404] {strides = array<i32>} : memref<32x128xf32, #tpu.memory_space<vmem>>, vector<1x16xf32>,
      %get3A_406 = vector.shape_cast %get3A_405 : vector<1x16xf32> to vector<16xf32>
      %get3A_407 = arith.index_cast %squeeze3A_383 : i32 to index
      %get3A_408 = arith.constant 64 : index
      %get3A_409 = tpu.vector_load %arg13[%get3A_407, %get3A_408] {strides = array<i32>} : memref<32x128xf32, #tpu.memory_space<vmem>>, vector<1x16xf32>,
      %get3A_410 = vector.shape_cast %get3A_409 : vector<1x16xf32> to vector<16xf32>
      %get3A_411 = arith.index_cast %squeeze3A_383 : i32 to index
      %get3A_412 = arith.constant 80 : index
      %get3A_413 = tpu.vector_load %arg13[%get3A_411, %get3A_412] {strides = array<i32>} : memref<32x128xf32, #tpu.memory_space<vmem>>, vector<1x16xf32>,
      %get3A_414 = vector.shape_cast %get3A_413 : vector<1x16xf32> to vector<16xf32>
      %get3A_415 = arith.index_cast %squeeze3A_385 : i32 to index
      %get3A_416 = arith.constant 0 : index
      %get3A_417 = tpu.vector_load %arg14[%get3A_415, %get3A_416] {strides = array<i32>} : memref<16x48xf32, #tpu.memory_space<vmem>>, vector<1x16xf32>,
      %get3A_418 = vector.shape_cast %get3A_417 : vector<1x16xf32> to vector<16xf32>
      %add3A_419 = arith.addf %get3A_414, %get3A_418 : vector<16xf32>
      %get3A_420 = arith.index_cast %squeeze3A_385 : i32 to index
      %get3A_421 = arith.constant 16 : index
      %get3A_422 = tpu.vector_load %arg14[%get3A_420, %get3A_421] {strides = array<i32>} : memref<16x48xf32, #tpu.memory_space<vmem>>, vector<1x16xf32>,
      %get3A_423 = vector.shape_cast %get3A_422 : vector<1x16xf32> to vector<16xf32>
      %get3A_424 = arith.index_cast %squeeze3A_385 : i32 to index
      %get3A_425 = arith.constant 32 : index
      %get3A_426 = tpu.vector_load %arg14[%get3A_424, %get3A_425] {strides = array<i32>} : memref<16x48xf32, #tpu.memory_space<vmem>>, vector<1x16xf32>,
      %get3A_427 = vector.shape_cast %get3A_426 : vector<1x16xf32> to vector<16xf32>
      %swap3A_428 = arith.index_cast %add3A_379 : i32 to index
      %swap3A_429 = arith.constant 0 : index
      %swap3A_430 = tpu.vector_load %arg15[%swap3A_428, %swap3A_429] {strides = array<i32>} : memref<512x128xf32, #tpu.memory_space<vmem>>, vector<1x16xf32>,
      %swap3A_431 = vector.shape_cast %swap3A_430 : vector<1x16xf32> to vector<16xf32>
      %swap3A_432 = vector.shape_cast %get3A_389 : vector<16xf32> to vector<1x16xf32>
      tpu.vector_store %arg15[%swap3A_428, %swap3A_429], %swap3A_432 {strides = array<i32>} : memref<512x128xf32, #tpu.memory_space<vmem>>, vector<1x16xf32>,
      %swap3A_433 = arith.index_cast %add3A_379 : i32 to index
      %swap3A_434 = arith.constant 16 : index
      %swap3A_435 = tpu.vector_load %arg15[%swap3A_433, %swap3A_434] {strides = array<i32>} : memref<512x128xf32, #tpu.memory_space<vmem>>, vector<1x16xf32>,
      %swap3A_436 = vector.shape_cast %swap3A_435 : vector<1x16xf32> to vector<16xf32>
      %swap3A_437 = vector.shape_cast %get3A_393 : vector<16xf32> to vector<1x16xf32>
      tpu.vector_store %arg15[%swap3A_433, %swap3A_434], %swap3A_437 {strides = array<i32>} : memref<512x128xf32, #tpu.memory_space<vmem>>, vector<1x16xf32>,
      %swap3A_438 = arith.index_cast %add3A_379 : i32 to index
      %swap3A_439 = arith.constant 32 : index
      %swap3A_440 = tpu.vector_load %arg15[%swap3A_438, %swap3A_439] {strides = array<i32>} : memref<512x128xf32, #tpu.memory_space<vmem>>, vector<1x16xf32>,
      %swap3A_441 = vector.shape_cast %swap3A_440 : vector<1x16xf32> to vector<16xf32>
      %swap3A_442 = vector.shape_cast %add3A_402 : vector<16xf32> to vector<1x16xf32>
      tpu.vector_store %arg15[%swap3A_438, %swap3A_439], %swap3A_442 {strides = array<i32>} : memref<512x128xf32, #tpu.memory_space<vmem>>, vector<1x16xf32>,
      %swap3A_443 = arith.index_cast %add3A_379 : i32 to index
      %swap3A_444 = arith.constant 48 : index
      %swap3A_445 = tpu.vector_load %arg15[%swap3A_443, %swap3A_444] {strides = array<i32>} : memref<512x128xf32, #tpu.memory_space<vmem>>, vector<1x16xf32>,
      %swap3A_446 = vector.shape_cast %swap3A_445 : vector<1x16xf32> to vector<16xf32>
      %swap3A_447 = vector.shape_cast %get3A_406 : vector<16xf32> to vector<1x16xf32>
      tpu.vector_store %arg15[%swap3A_443, %swap3A_444], %swap3A_447 {strides = array<i32>} : memref<512x128xf32, #tpu.memory_space<vmem>>, vector<1x16xf32>,
      %swap3A_448 = arith.index_cast %add3A_379 : i32 to index
      %swap3A_449 = arith.constant 64 : index
      %swap3A_450 = tpu.vector_load %arg15[%swap3A_448, %swap3A_449] {strides = array<i32>} : memref<512x128xf32, #tpu.memory_space<vmem>>, vector<1x16xf32>,
      %swap3A_451 = vector.shape_cast %swap3A_450 : vector<1x16xf32> to vector<16xf32>
      %swap3A_452 = vector.shape_cast %get3A_410 : vector<16xf32> to vector<1x16xf32>
      tpu.vector_store %arg15[%swap3A_448, %swap3A_449], %swap3A_452 {strides = array<i32>} : memref<512x128xf32, #tpu.memory_space<vmem>>, vector<1x16xf32>,
      %swap3A_453 = arith.index_cast %add3A_379 : i32 to index
      %swap3A_454 = arith.constant 80 : index
      %swap3A_455 = tpu.vector_load %arg15[%swap3A_453, %swap3A_454] {strides = array<i32>} : memref<512x128xf32, #tpu.memory_space<vmem>>, vector<1x16xf32>,
      %swap3A_456 = vector.shape_cast %swap3A_455 : vector<1x16xf32> to vector<16xf32>
      %swap3A_457 = vector.shape_cast %add3A_419 : vector<16xf32> to vector<1x16xf32>
      tpu.vector_store %arg15[%swap3A_453, %swap3A_454], %swap3A_457 {strides = array<i32>} : memref<512x128xf32, #tpu.memory_space<vmem>>, vector<1x16xf32>,
      %swap3A_458 = arith.index_cast %add3A_379 : i32 to index
      %swap3A_459 = arith.constant 96 : index
      %swap3A_460 = tpu.vector_load %arg15[%swap3A_458, %swap3A_459] {strides = array<i32>} : memref<512x128xf32, #tpu.memory_space<vmem>>, vector<1x16xf32>,
      %swap3A_461 = vector.shape_cast %swap3A_460 : vector<1x16xf32> to vector<16xf32>
      %swap3A_462 = vector.shape_cast %get3A_423 : vector<16xf32> to vector<1x16xf32>
      tpu.vector_store %arg15[%swap3A_458, %swap3A_459], %swap3A_462 {strides = array<i32>} : memref<512x128xf32, #tpu.memory_space<vmem>>, vector<1x16xf32>,
      %swap3A_463 = arith.index_cast %add3A_379 : i32 to index
      %swap3A_464 = arith.constant 112 : index
      %swap3A_465 = tpu.vector_load %arg15[%swap3A_463, %swap3A_464] {strides = array<i32>} : memref<512x128xf32, #tpu.memory_space<vmem>>, vector<1x16xf32>,
      %swap3A_466 = vector.shape_cast %swap3A_465 : vector<1x16xf32> to vector<16xf32>
      %swap3A_467 = vector.shape_cast %get3A_427 : vector<16xf32> to vector<1x16xf32>
      tpu.vector_store %arg15[%swap3A_463, %swap3A_464], %swap3A_467 {strides = array<i32>} : memref<512x128xf32, #tpu.memory_space<vmem>>, vector<1x16xf32>,
      %add3A_468 = arith.constant 256 : i32
      %add3A_469 = arith.addi %add3A_468, %mul3A_88 : i32
      %add3A_470 = arith.constant 4 : i32
      %add3A_471 = arith.addi %add3A_469, %add3A_470 : i32
      %slice3A_472 = vector.extract_strided_slice %get3A_92 {offsets = [4], sizes = [1], strides = [1]} : vector<16xi32> to vector<1xi32>
      %squeeze3A_473 = vector.extract %slice3A_472[0] : i32 from vector<1xi32>
      %slice3A_474 = vector.extract_strided_slice %get3A_97 {offsets = [4], sizes = [1], strides = [1]} : vector<16xi32> to vector<1xi32>
      %squeeze3A_475 = vector.extract %slice3A_474[0] : i32 from vector<1xi32>
      %slice3A_476 = vector.extract_strided_slice %get3A_102 {offsets = [4], sizes = [1], strides = [1]} : vector<16xi32> to vector<1xi32>
      %squeeze3A_477 = vector.extract %slice3A_476[0] : i32 from vector<1xi32>
      %get3A_478 = arith.index_cast %squeeze3A_473 : i32 to index
      %get3A_479 = arith.constant 0 : index
      %get3A_480 = tpu.vector_load %arg12[%get3A_478, %get3A_479] {strides = array<i32>} : memref<64x48xf32, #tpu.memory_space<vmem>>, vector<1x16xf32>,
      %get3A_481 = vector.shape_cast %get3A_480 : vector<1x16xf32> to vector<16xf32>
      %get3A_482 = arith.index_cast %squeeze3A_473 : i32 to index
      %get3A_483 = arith.constant 16 : index
      %get3A_484 = tpu.vector_load %arg12[%get3A_482, %get3A_483] {strides = array<i32>} : memref<64x48xf32, #tpu.memory_space<vmem>>, vector<1x16xf32>,
      %get3A_485 = vector.shape_cast %get3A_484 : vector<1x16xf32> to vector<16xf32>
      %get3A_486 = arith.index_cast %squeeze3A_473 : i32 to index
      %get3A_487 = arith.constant 32 : index
      %get3A_488 = tpu.vector_load %arg12[%get3A_486, %get3A_487] {strides = array<i32>} : memref<64x48xf32, #tpu.memory_space<vmem>>, vector<1x16xf32>,
      %get3A_489 = vector.shape_cast %get3A_488 : vector<1x16xf32> to vector<16xf32>
      %get3A_490 = arith.index_cast %squeeze3A_475 : i32 to index
      %get3A_491 = arith.constant 32 : index
      %get3A_492 = tpu.vector_load %arg13[%get3A_490, %get3A_491] {strides = array<i32>} : memref<32x128xf32, #tpu.memory_space<vmem>>, vector<1x16xf32>,
      %get3A_493 = vector.shape_cast %get3A_492 : vector<1x16xf32> to vector<16xf32>
      %add3A_494 = arith.addf %get3A_489, %get3A_493 : vector<16xf32>
      %get3A_495 = arith.index_cast %squeeze3A_475 : i32 to index
      %get3A_496 = arith.constant 48 : index
      %get3A_497 = tpu.vector_load %arg13[%get3A_495, %get3A_496] {strides = array<i32>} : memref<32x128xf32, #tpu.memory_space<vmem>>, vector<1x16xf32>,
      %get3A_498 = vector.shape_cast %get3A_497 : vector<1x16xf32> to vector<16xf32>
      %get3A_499 = arith.index_cast %squeeze3A_475 : i32 to index
      %get3A_500 = arith.constant 64 : index
      %get3A_501 = tpu.vector_load %arg13[%get3A_499, %get3A_500] {strides = array<i32>} : memref<32x128xf32, #tpu.memory_space<vmem>>, vector<1x16xf32>,
      %get3A_502 = vector.shape_cast %get3A_501 : vector<1x16xf32> to vector<16xf32>
      %get3A_503 = arith.index_cast %squeeze3A_475 : i32 to index
      %get3A_504 = arith.constant 80 : index
      %get3A_505 = tpu.vector_load %arg13[%get3A_503, %get3A_504] {strides = array<i32>} : memref<32x128xf32, #tpu.memory_space<vmem>>, vector<1x16xf32>,
      %get3A_506 = vector.shape_cast %get3A_505 : vector<1x16xf32> to vector<16xf32>
      %get3A_507 = arith.index_cast %squeeze3A_477 : i32 to index
      %get3A_508 = arith.constant 0 : index
      %get3A_509 = tpu.vector_load %arg14[%get3A_507, %get3A_508] {strides = array<i32>} : memref<16x48xf32, #tpu.memory_space<vmem>>, vector<1x16xf32>,
      %get3A_510 = vector.shape_cast %get3A_509 : vector<1x16xf32> to vector<16xf32>
      %add3A_511 = arith.addf %get3A_506, %get3A_510 : vector<16xf32>
      %get3A_512 = arith.index_cast %squeeze3A_477 : i32 to index
      %get3A_513 = arith.constant 16 : index
      %get3A_514 = tpu.vector_load %arg14[%get3A_512, %get3A_513] {strides = array<i32>} : memref<16x48xf32, #tpu.memory_space<vmem>>, vector<1x16xf32>,
      %get3A_515 = vector.shape_cast %get3A_514 : vector<1x16xf32> to vector<16xf32>
      %get3A_516 = arith.index_cast %squeeze3A_477 : i32 to index
      %get3A_517 = arith.constant 32 : index
      %get3A_518 = tpu.vector_load %arg14[%get3A_516, %get3A_517] {strides = array<i32>} : memref<16x48xf32, #tpu.memory_space<vmem>>, vector<1x16xf32>,
      %get3A_519 = vector.shape_cast %get3A_518 : vector<1x16xf32> to vector<16xf32>
      %swap3A_520 = arith.index_cast %add3A_471 : i32 to index
      %swap3A_521 = arith.constant 0 : index
      %swap3A_522 = tpu.vector_load %arg15[%swap3A_520, %swap3A_521] {strides = array<i32>} : memref<512x128xf32, #tpu.memory_space<vmem>>, vector<1x16xf32>,
      %swap3A_523 = vector.shape_cast %swap3A_522 : vector<1x16xf32> to vector<16xf32>
      %swap3A_524 = vector.shape_cast %get3A_481 : vector<16xf32> to vector<1x16xf32>
      tpu.vector_store %arg15[%swap3A_520, %swap3A_521], %swap3A_524 {strides = array<i32>} : memref<512x128xf32, #tpu.memory_space<vmem>>, vector<1x16xf32>,
      %swap3A_525 = arith.index_cast %add3A_471 : i32 to index
      %swap3A_526 = arith.constant 16 : index
      %swap3A_527 = tpu.vector_load %arg15[%swap3A_525, %swap3A_526] {strides = array<i32>} : memref<512x128xf32, #tpu.memory_space<vmem>>, vector<1x16xf32>,
      %swap3A_528 = vector.shape_cast %swap3A_527 : vector<1x16xf32> to vector<16xf32>
      %swap3A_529 = vector.shape_cast %get3A_485 : vector<16xf32> to vector<1x16xf32>
      tpu.vector_store %arg15[%swap3A_525, %swap3A_526], %swap3A_529 {strides = array<i32>} : memref<512x128xf32, #tpu.memory_space<vmem>>, vector<1x16xf32>,
      %swap3A_530 = arith.index_cast %add3A_471 : i32 to index
      %swap3A_531 = arith.constant 32 : index
      %swap3A_532 = tpu.vector_load %arg15[%swap3A_530, %swap3A_531] {strides = array<i32>} : memref<512x128xf32, #tpu.memory_space<vmem>>, vector<1x16xf32>,
      %swap3A_533 = vector.shape_cast %swap3A_532 : vector<1x16xf32> to vector<16xf32>
      %swap3A_534 = vector.shape_cast %add3A_494 : vector<16xf32> to vector<1x16xf32>
      tpu.vector_store %arg15[%swap3A_530, %swap3A_531], %swap3A_534 {strides = array<i32>} : memref<512x128xf32, #tpu.memory_space<vmem>>, vector<1x16xf32>,
      %swap3A_535 = arith.index_cast %add3A_471 : i32 to index
      %swap3A_536 = arith.constant 48 : index
      %swap3A_537 = tpu.vector_load %arg15[%swap3A_535, %swap3A_536] {strides = array<i32>} : memref<512x128xf32, #tpu.memory_space<vmem>>, vector<1x16xf32>,
      %swap3A_538 = vector.shape_cast %swap3A_537 : vector<1x16xf32> to vector<16xf32>
      %swap3A_539 = vector.shape_cast %get3A_498 : vector<16xf32> to vector<1x16xf32>
      tpu.vector_store %arg15[%swap3A_535, %swap3A_536], %swap3A_539 {strides = array<i32>} : memref<512x128xf32, #tpu.memory_space<vmem>>, vector<1x16xf32>,
      %swap3A_540 = arith.index_cast %add3A_471 : i32 to index
      %swap3A_541 = arith.constant 64 : index
      %swap3A_542 = tpu.vector_load %arg15[%swap3A_540, %swap3A_541] {strides = array<i32>} : memref<512x128xf32, #tpu.memory_space<vmem>>, vector<1x16xf32>,
      %swap3A_543 = vector.shape_cast %swap3A_542 : vector<1x16xf32> to vector<16xf32>
      %swap3A_544 = vector.shape_cast %get3A_502 : vector<16xf32> to vector<1x16xf32>
      tpu.vector_store %arg15[%swap3A_540, %swap3A_541], %swap3A_544 {strides = array<i32>} : memref<512x128xf32, #tpu.memory_space<vmem>>, vector<1x16xf32>,
      %swap3A_545 = arith.index_cast %add3A_471 : i32 to index
      %swap3A_546 = arith.constant 80 : index
      %swap3A_547 = tpu.vector_load %arg15[%swap3A_545, %swap3A_546] {strides = array<i32>} : memref<512x128xf32, #tpu.memory_space<vmem>>, vector<1x16xf32>,
      %swap3A_548 = vector.shape_cast %swap3A_547 : vector<1x16xf32> to vector<16xf32>
      %swap3A_549 = vector.shape_cast %add3A_511 : vector<16xf32> to vector<1x16xf32>
      tpu.vector_store %arg15[%swap3A_545, %swap3A_546], %swap3A_549 {strides = array<i32>} : memref<512x128xf32, #tpu.memory_space<vmem>>, vector<1x16xf32>,
      %swap3A_550 = arith.index_cast %add3A_471 : i32 to index
      %swap3A_551 = arith.constant 96 : index
      %swap3A_552 = tpu.vector_load %arg15[%swap3A_550, %swap3A_551] {strides = array<i32>} : memref<512x128xf32, #tpu.memory_space<vmem>>, vector<1x16xf32>,
      %swap3A_553 = vector.shape_cast %swap3A_552 : vector<1x16xf32> to vector<16xf32>
      %swap3A_554 = vector.shape_cast %get3A_515 : vector<16xf32> to vector<1x16xf32>
      tpu.vector_store %arg15[%swap3A_550, %swap3A_551], %swap3A_554 {strides = array<i32>} : memref<512x128xf32, #tpu.memory_space<vmem>>, vector<1x16xf32>,
      %swap3A_555 = arith.index_cast %add3A_471 : i32 to index
      %swap3A_556 = arith.constant 112 : index
      %swap3A_557 = tpu.vector_load %arg15[%swap3A_555, %swap3A_556] {strides = array<i32>} : memref<512x128xf32, #tpu.memory_space<vmem>>, vector<1x16xf32>,
      %swap3A_558 = vector.shape_cast %swap3A_557 : vector<1x16xf32> to vector<16xf32>
      %swap3A_559 = vector.shape_cast %get3A_519 : vector<16xf32> to vector<1x16xf32>
      tpu.vector_store %arg15[%swap3A_555, %swap3A_556], %swap3A_559 {strides = array<i32>} : memref<512x128xf32, #tpu.memory_space<vmem>>, vector<1x16xf32>,
      %add3A_560 = arith.constant 256 : i32
      %add3A_561 = arith.addi %add3A_560, %mul3A_88 : i32
      %add3A_562 = arith.constant 5 : i32
      %add3A_563 = arith.addi %add3A_561, %add3A_562 : i32
      %slice3A_564 = vector.extract_strided_slice %get3A_92 {offsets = [5], sizes = [1], strides = [1]} : vector<16xi32> to vector<1xi32>
      %squeeze3A_565 = vector.extract %slice3A_564[0] : i32 from vector<1xi32>
      %slice3A_566 = vector.extract_strided_slice %get3A_97 {offsets = [5], sizes = [1], strides = [1]} : vector<16xi32> to vector<1xi32>
      %squeeze3A_567 = vector.extract %slice3A_566[0] : i32 from vector<1xi32>
      %slice3A_568 = vector.extract_strided_slice %get3A_102 {offsets = [5], sizes = [1], strides = [1]} : vector<16xi32> to vector<1xi32>
      %squeeze3A_569 = vector.extract %slice3A_568[0] : i32 from vector<1xi32>
      %get3A_570 = arith.index_cast %squeeze3A_565 : i32 to index
      %get3A_571 = arith.constant 0 : index
      %get3A_572 = tpu.vector_load %arg12[%get3A_570, %get3A_571] {strides = array<i32>} : memref<64x48xf32, #tpu.memory_space<vmem>>, vector<1x16xf32>,
      %get3A_573 = vector.shape_cast %get3A_572 : vector<1x16xf32> to vector<16xf32>
      %get3A_574 = arith.index_cast %squeeze3A_565 : i32 to index
      %get3A_575 = arith.constant 16 : index
      %get3A_576 = tpu.vector_load %arg12[%get3A_574, %get3A_575] {strides = array<i32>} : memref<64x48xf32, #tpu.memory_space<vmem>>, vector<1x16xf32>,
      %get3A_577 = vector.shape_cast %get3A_576 : vector<1x16xf32> to vector<16xf32>
      %get3A_578 = arith.index_cast %squeeze3A_565 : i32 to index
      %get3A_579 = arith.constant 32 : index
      %get3A_580 = tpu.vector_load %arg12[%get3A_578, %get3A_579] {strides = array<i32>} : memref<64x48xf32, #tpu.memory_space<vmem>>, vector<1x16xf32>,
      %get3A_581 = vector.shape_cast %get3A_580 : vector<1x16xf32> to vector<16xf32>
      %get3A_582 = arith.index_cast %squeeze3A_567 : i32 to index
      %get3A_583 = arith.constant 32 : index
      %get3A_584 = tpu.vector_load %arg13[%get3A_582, %get3A_583] {strides = array<i32>} : memref<32x128xf32, #tpu.memory_space<vmem>>, vector<1x16xf32>,
      %get3A_585 = vector.shape_cast %get3A_584 : vector<1x16xf32> to vector<16xf32>
      %add3A_586 = arith.addf %get3A_581, %get3A_585 : vector<16xf32>
      %get3A_587 = arith.index_cast %squeeze3A_567 : i32 to index
      %get3A_588 = arith.constant 48 : index
      %get3A_589 = tpu.vector_load %arg13[%get3A_587, %get3A_588] {strides = array<i32>} : memref<32x128xf32, #tpu.memory_space<vmem>>, vector<1x16xf32>,
      %get3A_590 = vector.shape_cast %get3A_589 : vector<1x16xf32> to vector<16xf32>
      %get3A_591 = arith.index_cast %squeeze3A_567 : i32 to index
      %get3A_592 = arith.constant 64 : index
      %get3A_593 = tpu.vector_load %arg13[%get3A_591, %get3A_592] {strides = array<i32>} : memref<32x128xf32, #tpu.memory_space<vmem>>, vector<1x16xf32>,
      %get3A_594 = vector.shape_cast %get3A_593 : vector<1x16xf32> to vector<16xf32>
      %get3A_595 = arith.index_cast %squeeze3A_567 : i32 to index
      %get3A_596 = arith.constant 80 : index
      %get3A_597 = tpu.vector_load %arg13[%get3A_595, %get3A_596] {strides = array<i32>} : memref<32x128xf32, #tpu.memory_space<vmem>>, vector<1x16xf32>,
      %get3A_598 = vector.shape_cast %get3A_597 : vector<1x16xf32> to vector<16xf32>
      %get3A_599 = arith.index_cast %squeeze3A_569 : i32 to index
      %get3A_600 = arith.constant 0 : index
      %get3A_601 = tpu.vector_load %arg14[%get3A_599, %get3A_600] {strides = array<i32>} : memref<16x48xf32, #tpu.memory_space<vmem>>, vector<1x16xf32>,
      %get3A_602 = vector.shape_cast %get3A_601 : vector<1x16xf32> to vector<16xf32>
      %add3A_603 = arith.addf %get3A_598, %get3A_602 : vector<16xf32>
      %get3A_604 = arith.index_cast %squeeze3A_569 : i32 to index
      %get3A_605 = arith.constant 16 : index
      %get3A_606 = tpu.vector_load %arg14[%get3A_604, %get3A_605] {strides = array<i32>} : memref<16x48xf32, #tpu.memory_space<vmem>>, vector<1x16xf32>,
      %get3A_607 = vector.shape_cast %get3A_606 : vector<1x16xf32> to vector<16xf32>
      %get3A_608 = arith.index_cast %squeeze3A_569 : i32 to index
      %get3A_609 = arith.constant 32 : index
      %get3A_610 = tpu.vector_load %arg14[%get3A_608, %get3A_609] {strides = array<i32>} : memref<16x48xf32, #tpu.memory_space<vmem>>, vector<1x16xf32>,
      %get3A_611 = vector.shape_cast %get3A_610 : vector<1x16xf32> to vector<16xf32>
      %swap3A_612 = arith.index_cast %add3A_563 : i32 to index
      %swap3A_613 = arith.constant 0 : index
      %swap3A_614 = tpu.vector_load %arg15[%swap3A_612, %swap3A_613] {strides = array<i32>} : memref<512x128xf32, #tpu.memory_space<vmem>>, vector<1x16xf32>,
      %swap3A_615 = vector.shape_cast %swap3A_614 : vector<1x16xf32> to vector<16xf32>
      %swap3A_616 = vector.shape_cast %get3A_573 : vector<16xf32> to vector<1x16xf32>
      tpu.vector_store %arg15[%swap3A_612, %swap3A_613], %swap3A_616 {strides = array<i32>} : memref<512x128xf32, #tpu.memory_space<vmem>>, vector<1x16xf32>,
      %swap3A_617 = arith.index_cast %add3A_563 : i32 to index
      %swap3A_618 = arith.constant 16 : index
      %swap3A_619 = tpu.vector_load %arg15[%swap3A_617, %swap3A_618] {strides = array<i32>} : memref<512x128xf32, #tpu.memory_space<vmem>>, vector<1x16xf32>,
      %swap3A_620 = vector.shape_cast %swap3A_619 : vector<1x16xf32> to vector<16xf32>
      %swap3A_621 = vector.shape_cast %get3A_577 : vector<16xf32> to vector<1x16xf32>
      tpu.vector_store %arg15[%swap3A_617, %swap3A_618], %swap3A_621 {strides = array<i32>} : memref<512x128xf32, #tpu.memory_space<vmem>>, vector<1x16xf32>,
      %swap3A_622 = arith.index_cast %add3A_563 : i32 to index
      %swap3A_623 = arith.constant 32 : index
      %swap3A_624 = tpu.vector_load %arg15[%swap3A_622, %swap3A_623] {strides = array<i32>} : memref<512x128xf32, #tpu.memory_space<vmem>>, vector<1x16xf32>,
      %swap3A_625 = vector.shape_cast %swap3A_624 : vector<1x16xf32> to vector<16xf32>
      %swap3A_626 = vector.shape_cast %add3A_586 : vector<16xf32> to vector<1x16xf32>
      tpu.vector_store %arg15[%swap3A_622, %swap3A_623], %swap3A_626 {strides = array<i32>} : memref<512x128xf32, #tpu.memory_space<vmem>>, vector<1x16xf32>,
      %swap3A_627 = arith.index_cast %add3A_563 : i32 to index
      %swap3A_628 = arith.constant 48 : index
      %swap3A_629 = tpu.vector_load %arg15[%swap3A_627, %swap3A_628] {strides = array<i32>} : memref<512x128xf32, #tpu.memory_space<vmem>>, vector<1x16xf32>,
      %swap3A_630 = vector.shape_cast %swap3A_629 : vector<1x16xf32> to vector<16xf32>
      %swap3A_631 = vector.shape_cast %get3A_590 : vector<16xf32> to vector<1x16xf32>
      tpu.vector_store %arg15[%swap3A_627, %swap3A_628], %swap3A_631 {strides = array<i32>} : memref<512x128xf32, #tpu.memory_space<vmem>>, vector<1x16xf32>,
      %swap3A_632 = arith.index_cast %add3A_563 : i32 to index
      %swap3A_633 = arith.constant 64 : index
      %swap3A_634 = tpu.vector_load %arg15[%swap3A_632, %swap3A_633] {strides = array<i32>} : memref<512x128xf32, #tpu.memory_space<vmem>>, vector<1x16xf32>,
      %swap3A_635 = vector.shape_cast %swap3A_634 : vector<1x16xf32> to vector<16xf32>
      %swap3A_636 = vector.shape_cast %get3A_594 : vector<16xf32> to vector<1x16xf32>
      tpu.vector_store %arg15[%swap3A_632, %swap3A_633], %swap3A_636 {strides = array<i32>} : memref<512x128xf32, #tpu.memory_space<vmem>>, vector<1x16xf32>,
      %swap3A_637 = arith.index_cast %add3A_563 : i32 to index
      %swap3A_638 = arith.constant 80 : index
      %swap3A_639 = tpu.vector_load %arg15[%swap3A_637, %swap3A_638] {strides = array<i32>} : memref<512x128xf32, #tpu.memory_space<vmem>>, vector<1x16xf32>,
      %swap3A_640 = vector.shape_cast %swap3A_639 : vector<1x16xf32> to vector<16xf32>
      %swap3A_641 = vector.shape_cast %add3A_603 : vector<16xf32> to vector<1x16xf32>
      tpu.vector_store %arg15[%swap3A_637, %swap3A_638], %swap3A_641 {strides = array<i32>} : memref<512x128xf32, #tpu.memory_space<vmem>>, vector<1x16xf32>,
      %swap3A_642 = arith.index_cast %add3A_563 : i32 to index
      %swap3A_643 = arith.constant 96 : index
      %swap3A_644 = tpu.vector_load %arg15[%swap3A_642, %swap3A_643] {strides = array<i32>} : memref<512x128xf32, #tpu.memory_space<vmem>>, vector<1x16xf32>,
      %swap3A_645 = vector.shape_cast %swap3A_644 : vector<1x16xf32> to vector<16xf32>
      %swap3A_646 = vector.shape_cast %get3A_607 : vector<16xf32> to vector<1x16xf32>
      tpu.vector_store %arg15[%swap3A_642, %swap3A_643], %swap3A_646 {strides = array<i32>} : memref<512x128xf32, #tpu.memory_space<vmem>>, vector<1x16xf32>,
      %swap3A_647 = arith.index_cast %add3A_563 : i32 to index
      %swap3A_648 = arith.constant 112 : index
      %swap3A_649 = tpu.vector_load %arg15[%swap3A_647, %swap3A_648] {strides = array<i32>} : memref<512x128xf32, #tpu.memory_space<vmem>>, vector<1x16xf32>,
      %swap3A_650 = vector.shape_cast %swap3A_649 : vector<1x16xf32> to vector<16xf32>
      %swap3A_651 = vector.shape_cast %get3A_611 : vector<16xf32> to vector<1x16xf32>
      tpu.vector_store %arg15[%swap3A_647, %swap3A_648], %swap3A_651 {strides = array<i32>} : memref<512x128xf32, #tpu.memory_space<vmem>>, vector<1x16xf32>,
      %add3A_652 = arith.constant 256 : i32
      %add3A_653 = arith.addi %add3A_652, %mul3A_88 : i32
      %add3A_654 = arith.constant 6 : i32
      %add3A_655 = arith.addi %add3A_653, %add3A_654 : i32
      %slice3A_656 = vector.extract_strided_slice %get3A_92 {offsets = [6], sizes = [1], strides = [1]} : vector<16xi32> to vector<1xi32>
      %squeeze3A_657 = vector.extract %slice3A_656[0] : i32 from vector<1xi32>
      %slice3A_658 = vector.extract_strided_slice %get3A_97 {offsets = [6], sizes = [1], strides = [1]} : vector<16xi32> to vector<1xi32>
      %squeeze3A_659 = vector.extract %slice3A_658[0] : i32 from vector<1xi32>
      %slice3A_660 = vector.extract_strided_slice %get3A_102 {offsets = [6], sizes = [1], strides = [1]} : vector<16xi32> to vector<1xi32>
      %squeeze3A_661 = vector.extract %slice3A_660[0] : i32 from vector<1xi32>
      %get3A_662 = arith.index_cast %squeeze3A_657 : i32 to index
      %get3A_663 = arith.constant 0 : index
      %get3A_664 = tpu.vector_load %arg12[%get3A_662, %get3A_663] {strides = array<i32>} : memref<64x48xf32, #tpu.memory_space<vmem>>, vector<1x16xf32>,
      %get3A_665 = vector.shape_cast %get3A_664 : vector<1x16xf32> to vector<16xf32>
      %get3A_666 = arith.index_cast %squeeze3A_657 : i32 to index
      %get3A_667 = arith.constant 16 : index
      %get3A_668 = tpu.vector_load %arg12[%get3A_666, %get3A_667] {strides = array<i32>} : memref<64x48xf32, #tpu.memory_space<vmem>>, vector<1x16xf32>,
      %get3A_669 = vector.shape_cast %get3A_668 : vector<1x16xf32> to vector<16xf32>
      %get3A_670 = arith.index_cast %squeeze3A_657 : i32 to index
      %get3A_671 = arith.constant 32 : index
      %get3A_672 = tpu.vector_load %arg12[%get3A_670, %get3A_671] {strides = array<i32>} : memref<64x48xf32, #tpu.memory_space<vmem>>, vector<1x16xf32>,
      %get3A_673 = vector.shape_cast %get3A_672 : vector<1x16xf32> to vector<16xf32>
      %get3A_674 = arith.index_cast %squeeze3A_659 : i32 to index
      %get3A_675 = arith.constant 32 : index
      %get3A_676 = tpu.vector_load %arg13[%get3A_674, %get3A_675] {strides = array<i32>} : memref<32x128xf32, #tpu.memory_space<vmem>>, vector<1x16xf32>,
      %get3A_677 = vector.shape_cast %get3A_676 : vector<1x16xf32> to vector<16xf32>
      %add3A_678 = arith.addf %get3A_673, %get3A_677 : vector<16xf32>
      %get3A_679 = arith.index_cast %squeeze3A_659 : i32 to index
      %get3A_680 = arith.constant 48 : index
      %get3A_681 = tpu.vector_load %arg13[%get3A_679, %get3A_680] {strides = array<i32>} : memref<32x128xf32, #tpu.memory_space<vmem>>, vector<1x16xf32>,
      %get3A_682 = vector.shape_cast %get3A_681 : vector<1x16xf32> to vector<16xf32>
      %get3A_683 = arith.index_cast %squeeze3A_659 : i32 to index
      %get3A_684 = arith.constant 64 : index
      %get3A_685 = tpu.vector_load %arg13[%get3A_683, %get3A_684] {strides = array<i32>} : memref<32x128xf32, #tpu.memory_space<vmem>>, vector<1x16xf32>,
      %get3A_686 = vector.shape_cast %get3A_685 : vector<1x16xf32> to vector<16xf32>
      %get3A_687 = arith.index_cast %squeeze3A_659 : i32 to index
      %get3A_688 = arith.constant 80 : index
      %get3A_689 = tpu.vector_load %arg13[%get3A_687, %get3A_688] {strides = array<i32>} : memref<32x128xf32, #tpu.memory_space<vmem>>, vector<1x16xf32>,
      %get3A_690 = vector.shape_cast %get3A_689 : vector<1x16xf32> to vector<16xf32>
      %get3A_691 = arith.index_cast %squeeze3A_661 : i32 to index
      %get3A_692 = arith.constant 0 : index
      %get3A_693 = tpu.vector_load %arg14[%get3A_691, %get3A_692] {strides = array<i32>} : memref<16x48xf32, #tpu.memory_space<vmem>>, vector<1x16xf32>,
      %get3A_694 = vector.shape_cast %get3A_693 : vector<1x16xf32> to vector<16xf32>
      %add3A_695 = arith.addf %get3A_690, %get3A_694 : vector<16xf32>
      %get3A_696 = arith.index_cast %squeeze3A_661 : i32 to index
      %get3A_697 = arith.constant 16 : index
      %get3A_698 = tpu.vector_load %arg14[%get3A_696, %get3A_697] {strides = array<i32>} : memref<16x48xf32, #tpu.memory_space<vmem>>, vector<1x16xf32>,
      %get3A_699 = vector.shape_cast %get3A_698 : vector<1x16xf32> to vector<16xf32>
      %get3A_700 = arith.index_cast %squeeze3A_661 : i32 to index
      %get3A_701 = arith.constant 32 : index
      %get3A_702 = tpu.vector_load %arg14[%get3A_700, %get3A_701] {strides = array<i32>} : memref<16x48xf32, #tpu.memory_space<vmem>>, vector<1x16xf32>,
      %get3A_703 = vector.shape_cast %get3A_702 : vector<1x16xf32> to vector<16xf32>
      %swap3A_704 = arith.index_cast %add3A_655 : i32 to index
      %swap3A_705 = arith.constant 0 : index
      %swap3A_706 = tpu.vector_load %arg15[%swap3A_704, %swap3A_705] {strides = array<i32>} : memref<512x128xf32, #tpu.memory_space<vmem>>, vector<1x16xf32>,
      %swap3A_707 = vector.shape_cast %swap3A_706 : vector<1x16xf32> to vector<16xf32>
      %swap3A_708 = vector.shape_cast %get3A_665 : vector<16xf32> to vector<1x16xf32>
      tpu.vector_store %arg15[%swap3A_704, %swap3A_705], %swap3A_708 {strides = array<i32>} : memref<512x128xf32, #tpu.memory_space<vmem>>, vector<1x16xf32>,
      %swap3A_709 = arith.index_cast %add3A_655 : i32 to index
      %swap3A_710 = arith.constant 16 : index
      %swap3A_711 = tpu.vector_load %arg15[%swap3A_709, %swap3A_710] {strides = array<i32>} : memref<512x128xf32, #tpu.memory_space<vmem>>, vector<1x16xf32>,
      %swap3A_712 = vector.shape_cast %swap3A_711 : vector<1x16xf32> to vector<16xf32>
      %swap3A_713 = vector.shape_cast %get3A_669 : vector<16xf32> to vector<1x16xf32>
      tpu.vector_store %arg15[%swap3A_709, %swap3A_710], %swap3A_713 {strides = array<i32>} : memref<512x128xf32, #tpu.memory_space<vmem>>, vector<1x16xf32>,
      %swap3A_714 = arith.index_cast %add3A_655 : i32 to index
      %swap3A_715 = arith.constant 32 : index
      %swap3A_716 = tpu.vector_load %arg15[%swap3A_714, %swap3A_715] {strides = array<i32>} : memref<512x128xf32, #tpu.memory_space<vmem>>, vector<1x16xf32>,
      %swap3A_717 = vector.shape_cast %swap3A_716 : vector<1x16xf32> to vector<16xf32>
      %swap3A_718 = vector.shape_cast %add3A_678 : vector<16xf32> to vector<1x16xf32>
      tpu.vector_store %arg15[%swap3A_714, %swap3A_715], %swap3A_718 {strides = array<i32>} : memref<512x128xf32, #tpu.memory_space<vmem>>, vector<1x16xf32>,
      %swap3A_719 = arith.index_cast %add3A_655 : i32 to index
      %swap3A_720 = arith.constant 48 : index
      %swap3A_721 = tpu.vector_load %arg15[%swap3A_719, %swap3A_720] {strides = array<i32>} : memref<512x128xf32, #tpu.memory_space<vmem>>, vector<1x16xf32>,
      %swap3A_722 = vector.shape_cast %swap3A_721 : vector<1x16xf32> to vector<16xf32>
      %swap3A_723 = vector.shape_cast %get3A_682 : vector<16xf32> to vector<1x16xf32>
      tpu.vector_store %arg15[%swap3A_719, %swap3A_720], %swap3A_723 {strides = array<i32>} : memref<512x128xf32, #tpu.memory_space<vmem>>, vector<1x16xf32>,
      %swap3A_724 = arith.index_cast %add3A_655 : i32 to index
      %swap3A_725 = arith.constant 64 : index
      %swap3A_726 = tpu.vector_load %arg15[%swap3A_724, %swap3A_725] {strides = array<i32>} : memref<512x128xf32, #tpu.memory_space<vmem>>, vector<1x16xf32>,
      %swap3A_727 = vector.shape_cast %swap3A_726 : vector<1x16xf32> to vector<16xf32>
      %swap3A_728 = vector.shape_cast %get3A_686 : vector<16xf32> to vector<1x16xf32>
      tpu.vector_store %arg15[%swap3A_724, %swap3A_725], %swap3A_728 {strides = array<i32>} : memref<512x128xf32, #tpu.memory_space<vmem>>, vector<1x16xf32>,
      %swap3A_729 = arith.index_cast %add3A_655 : i32 to index
      %swap3A_730 = arith.constant 80 : index
      %swap3A_731 = tpu.vector_load %arg15[%swap3A_729, %swap3A_730] {strides = array<i32>} : memref<512x128xf32, #tpu.memory_space<vmem>>, vector<1x16xf32>,
      %swap3A_732 = vector.shape_cast %swap3A_731 : vector<1x16xf32> to vector<16xf32>
      %swap3A_733 = vector.shape_cast %add3A_695 : vector<16xf32> to vector<1x16xf32>
      tpu.vector_store %arg15[%swap3A_729, %swap3A_730], %swap3A_733 {strides = array<i32>} : memref<512x128xf32, #tpu.memory_space<vmem>>, vector<1x16xf32>,
      %swap3A_734 = arith.index_cast %add3A_655 : i32 to index
      %swap3A_735 = arith.constant 96 : index
      %swap3A_736 = tpu.vector_load %arg15[%swap3A_734, %swap3A_735] {strides = array<i32>} : memref<512x128xf32, #tpu.memory_space<vmem>>, vector<1x16xf32>,
      %swap3A_737 = vector.shape_cast %swap3A_736 : vector<1x16xf32> to vector<16xf32>
      %swap3A_738 = vector.shape_cast %get3A_699 : vector<16xf32> to vector<1x16xf32>
      tpu.vector_store %arg15[%swap3A_734, %swap3A_735], %swap3A_738 {strides = array<i32>} : memref<512x128xf32, #tpu.memory_space<vmem>>, vector<1x16xf32>,
      %swap3A_739 = arith.index_cast %add3A_655 : i32 to index
      %swap3A_740 = arith.constant 112 : index
      %swap3A_741 = tpu.vector_load %arg15[%swap3A_739, %swap3A_740] {strides = array<i32>} : memref<512x128xf32, #tpu.memory_space<vmem>>, vector<1x16xf32>,
      %swap3A_742 = vector.shape_cast %swap3A_741 : vector<1x16xf32> to vector<16xf32>
      %swap3A_743 = vector.shape_cast %get3A_703 : vector<16xf32> to vector<1x16xf32>
      tpu.vector_store %arg15[%swap3A_739, %swap3A_740], %swap3A_743 {strides = array<i32>} : memref<512x128xf32, #tpu.memory_space<vmem>>, vector<1x16xf32>,
      %add3A_744 = arith.constant 256 : i32
      %add3A_745 = arith.addi %add3A_744, %mul3A_88 : i32
      %add3A_746 = arith.constant 7 : i32
      %add3A_747 = arith.addi %add3A_745, %add3A_746 : i32
      %slice3A_748 = vector.extract_strided_slice %get3A_92 {offsets = [7], sizes = [1], strides = [1]} : vector<16xi32> to vector<1xi32>
      %squeeze3A_749 = vector.extract %slice3A_748[0] : i32 from vector<1xi32>
      %slice3A_750 = vector.extract_strided_slice %get3A_97 {offsets = [7], sizes = [1], strides = [1]} : vector<16xi32> to vector<1xi32>
      %squeeze3A_751 = vector.extract %slice3A_750[0] : i32 from vector<1xi32>
      %slice3A_752 = vector.extract_strided_slice %get3A_102 {offsets = [7], sizes = [1], strides = [1]} : vector<16xi32> to vector<1xi32>
      %squeeze3A_753 = vector.extract %slice3A_752[0] : i32 from vector<1xi32>
      %get3A_754 = arith.index_cast %squeeze3A_749 : i32 to index
      %get3A_755 = arith.constant 0 : index
      %get3A_756 = tpu.vector_load %arg12[%get3A_754, %get3A_755] {strides = array<i32>} : memref<64x48xf32, #tpu.memory_space<vmem>>, vector<1x16xf32>,
      %get3A_757 = vector.shape_cast %get3A_756 : vector<1x16xf32> to vector<16xf32>
      %get3A_758 = arith.index_cast %squeeze3A_749 : i32 to index
      %get3A_759 = arith.constant 16 : index
      %get3A_760 = tpu.vector_load %arg12[%get3A_758, %get3A_759] {strides = array<i32>} : memref<64x48xf32, #tpu.memory_space<vmem>>, vector<1x16xf32>,
      %get3A_761 = vector.shape_cast %get3A_760 : vector<1x16xf32> to vector<16xf32>
      %get3A_762 = arith.index_cast %squeeze3A_749 : i32 to index
      %get3A_763 = arith.constant 32 : index
      %get3A_764 = tpu.vector_load %arg12[%get3A_762, %get3A_763] {strides = array<i32>} : memref<64x48xf32, #tpu.memory_space<vmem>>, vector<1x16xf32>,
      %get3A_765 = vector.shape_cast %get3A_764 : vector<1x16xf32> to vector<16xf32>
      %get3A_766 = arith.index_cast %squeeze3A_751 : i32 to index
      %get3A_767 = arith.constant 32 : index
      %get3A_768 = tpu.vector_load %arg13[%get3A_766, %get3A_767] {strides = array<i32>} : memref<32x128xf32, #tpu.memory_space<vmem>>, vector<1x16xf32>,
      %get3A_769 = vector.shape_cast %get3A_768 : vector<1x16xf32> to vector<16xf32>
      %add3A_770 = arith.addf %get3A_765, %get3A_769 : vector<16xf32>
      %get3A_771 = arith.index_cast %squeeze3A_751 : i32 to index
      %get3A_772 = arith.constant 48 : index
      %get3A_773 = tpu.vector_load %arg13[%get3A_771, %get3A_772] {strides = array<i32>} : memref<32x128xf32, #tpu.memory_space<vmem>>, vector<1x16xf32>,
      %get3A_774 = vector.shape_cast %get3A_773 : vector<1x16xf32> to vector<16xf32>
      %get3A_775 = arith.index_cast %squeeze3A_751 : i32 to index
      %get3A_776 = arith.constant 64 : index
      %get3A_777 = tpu.vector_load %arg13[%get3A_775, %get3A_776] {strides = array<i32>} : memref<32x128xf32, #tpu.memory_space<vmem>>, vector<1x16xf32>,
      %get3A_778 = vector.shape_cast %get3A_777 : vector<1x16xf32> to vector<16xf32>
      %get3A_779 = arith.index_cast %squeeze3A_751 : i32 to index
      %get3A_780 = arith.constant 80 : index
      %get3A_781 = tpu.vector_load %arg13[%get3A_779, %get3A_780] {strides = array<i32>} : memref<32x128xf32, #tpu.memory_space<vmem>>, vector<1x16xf32>,
      %get3A_782 = vector.shape_cast %get3A_781 : vector<1x16xf32> to vector<16xf32>
      %get3A_783 = arith.index_cast %squeeze3A_753 : i32 to index
      %get3A_784 = arith.constant 0 : index
      %get3A_785 = tpu.vector_load %arg14[%get3A_783, %get3A_784] {strides = array<i32>} : memref<16x48xf32, #tpu.memory_space<vmem>>, vector<1x16xf32>,
      %get3A_786 = vector.shape_cast %get3A_785 : vector<1x16xf32> to vector<16xf32>
      %add3A_787 = arith.addf %get3A_782, %get3A_786 : vector<16xf32>
      %get3A_788 = arith.index_cast %squeeze3A_753 : i32 to index
      %get3A_789 = arith.constant 16 : index
      %get3A_790 = tpu.vector_load %arg14[%get3A_788, %get3A_789] {strides = array<i32>} : memref<16x48xf32, #tpu.memory_space<vmem>>, vector<1x16xf32>,
      %get3A_791 = vector.shape_cast %get3A_790 : vector<1x16xf32> to vector<16xf32>
      %get3A_792 = arith.index_cast %squeeze3A_753 : i32 to index
      %get3A_793 = arith.constant 32 : index
      %get3A_794 = tpu.vector_load %arg14[%get3A_792, %get3A_793] {strides = array<i32>} : memref<16x48xf32, #tpu.memory_space<vmem>>, vector<1x16xf32>,
      %get3A_795 = vector.shape_cast %get3A_794 : vector<1x16xf32> to vector<16xf32>
      %swap3A_796 = arith.index_cast %add3A_747 : i32 to index
      %swap3A_797 = arith.constant 0 : index
      %swap3A_798 = tpu.vector_load %arg15[%swap3A_796, %swap3A_797] {strides = array<i32>} : memref<512x128xf32, #tpu.memory_space<vmem>>, vector<1x16xf32>,
      %swap3A_799 = vector.shape_cast %swap3A_798 : vector<1x16xf32> to vector<16xf32>
      %swap3A_800 = vector.shape_cast %get3A_757 : vector<16xf32> to vector<1x16xf32>
      tpu.vector_store %arg15[%swap3A_796, %swap3A_797], %swap3A_800 {strides = array<i32>} : memref<512x128xf32, #tpu.memory_space<vmem>>, vector<1x16xf32>,
      %swap3A_801 = arith.index_cast %add3A_747 : i32 to index
      %swap3A_802 = arith.constant 16 : index
      %swap3A_803 = tpu.vector_load %arg15[%swap3A_801, %swap3A_802] {strides = array<i32>} : memref<512x128xf32, #tpu.memory_space<vmem>>, vector<1x16xf32>,
      %swap3A_804 = vector.shape_cast %swap3A_803 : vector<1x16xf32> to vector<16xf32>
      %swap3A_805 = vector.shape_cast %get3A_761 : vector<16xf32> to vector<1x16xf32>
      tpu.vector_store %arg15[%swap3A_801, %swap3A_802], %swap3A_805 {strides = array<i32>} : memref<512x128xf32, #tpu.memory_space<vmem>>, vector<1x16xf32>,
      %swap3A_806 = arith.index_cast %add3A_747 : i32 to index
      %swap3A_807 = arith.constant 32 : index
      %swap3A_808 = tpu.vector_load %arg15[%swap3A_806, %swap3A_807] {strides = array<i32>} : memref<512x128xf32, #tpu.memory_space<vmem>>, vector<1x16xf32>,
      %swap3A_809 = vector.shape_cast %swap3A_808 : vector<1x16xf32> to vector<16xf32>
      %swap3A_810 = vector.shape_cast %add3A_770 : vector<16xf32> to vector<1x16xf32>
      tpu.vector_store %arg15[%swap3A_806, %swap3A_807], %swap3A_810 {strides = array<i32>} : memref<512x128xf32, #tpu.memory_space<vmem>>, vector<1x16xf32>,
      %swap3A_811 = arith.index_cast %add3A_747 : i32 to index
      %swap3A_812 = arith.constant 48 : index
      %swap3A_813 = tpu.vector_load %arg15[%swap3A_811, %swap3A_812] {strides = array<i32>} : memref<512x128xf32, #tpu.memory_space<vmem>>, vector<1x16xf32>,
      %swap3A_814 = vector.shape_cast %swap3A_813 : vector<1x16xf32> to vector<16xf32>
      %swap3A_815 = vector.shape_cast %get3A_774 : vector<16xf32> to vector<1x16xf32>
      tpu.vector_store %arg15[%swap3A_811, %swap3A_812], %swap3A_815 {strides = array<i32>} : memref<512x128xf32, #tpu.memory_space<vmem>>, vector<1x16xf32>,
      %swap3A_816 = arith.index_cast %add3A_747 : i32 to index
      %swap3A_817 = arith.constant 64 : index
      %swap3A_818 = tpu.vector_load %arg15[%swap3A_816, %swap3A_817] {strides = array<i32>} : memref<512x128xf32, #tpu.memory_space<vmem>>, vector<1x16xf32>,
      %swap3A_819 = vector.shape_cast %swap3A_818 : vector<1x16xf32> to vector<16xf32>
      %swap3A_820 = vector.shape_cast %get3A_778 : vector<16xf32> to vector<1x16xf32>
      tpu.vector_store %arg15[%swap3A_816, %swap3A_817], %swap3A_820 {strides = array<i32>} : memref<512x128xf32, #tpu.memory_space<vmem>>, vector<1x16xf32>,
      %swap3A_821 = arith.index_cast %add3A_747 : i32 to index
      %swap3A_822 = arith.constant 80 : index
      %swap3A_823 = tpu.vector_load %arg15[%swap3A_821, %swap3A_822] {strides = array<i32>} : memref<512x128xf32, #tpu.memory_space<vmem>>, vector<1x16xf32>,
      %swap3A_824 = vector.shape_cast %swap3A_823 : vector<1x16xf32> to vector<16xf32>
      %swap3A_825 = vector.shape_cast %add3A_787 : vector<16xf32> to vector<1x16xf32>
      tpu.vector_store %arg15[%swap3A_821, %swap3A_822], %swap3A_825 {strides = array<i32>} : memref<512x128xf32, #tpu.memory_space<vmem>>, vector<1x16xf32>,
      %swap3A_826 = arith.index_cast %add3A_747 : i32 to index
      %swap3A_827 = arith.constant 96 : index
      %swap3A_828 = tpu.vector_load %arg15[%swap3A_826, %swap3A_827] {strides = array<i32>} : memref<512x128xf32, #tpu.memory_space<vmem>>, vector<1x16xf32>,
      %swap3A_829 = vector.shape_cast %swap3A_828 : vector<1x16xf32> to vector<16xf32>
      %swap3A_830 = vector.shape_cast %get3A_791 : vector<16xf32> to vector<1x16xf32>
      tpu.vector_store %arg15[%swap3A_826, %swap3A_827], %swap3A_830 {strides = array<i32>} : memref<512x128xf32, #tpu.memory_space<vmem>>, vector<1x16xf32>,
      %swap3A_831 = arith.index_cast %add3A_747 : i32 to index
      %swap3A_832 = arith.constant 112 : index
      %swap3A_833 = tpu.vector_load %arg15[%swap3A_831, %swap3A_832] {strides = array<i32>} : memref<512x128xf32, #tpu.memory_space<vmem>>, vector<1x16xf32>,
      %swap3A_834 = vector.shape_cast %swap3A_833 : vector<1x16xf32> to vector<16xf32>
      %swap3A_835 = vector.shape_cast %get3A_795 : vector<16xf32> to vector<1x16xf32>
      tpu.vector_store %arg15[%swap3A_831, %swap3A_832], %swap3A_835 {strides = array<i32>} : memref<512x128xf32, #tpu.memory_space<vmem>>, vector<1x16xf32>,
      %add3A_836 = arith.constant 256 : i32
      %add3A_837 = arith.addi %add3A_836, %mul3A_88 : i32
      %add3A_838 = arith.constant 8 : i32
      %add3A_839 = arith.addi %add3A_837, %add3A_838 : i32
      %slice3A_840 = vector.extract_strided_slice %get3A_92 {offsets = [8], sizes = [1], strides = [1]} : vector<16xi32> to vector<1xi32>
      %squeeze3A_841 = vector.extract %slice3A_840[0] : i32 from vector<1xi32>
      %slice3A_842 = vector.extract_strided_slice %get3A_97 {offsets = [8], sizes = [1], strides = [1]} : vector<16xi32> to vector<1xi32>
      %squeeze3A_843 = vector.extract %slice3A_842[0] : i32 from vector<1xi32>
      %slice3A_844 = vector.extract_strided_slice %get3A_102 {offsets = [8], sizes = [1], strides = [1]} : vector<16xi32> to vector<1xi32>
      %squeeze3A_845 = vector.extract %slice3A_844[0] : i32 from vector<1xi32>
      %get3A_846 = arith.index_cast %squeeze3A_841 : i32 to index
      %get3A_847 = arith.constant 0 : index
      %get3A_848 = tpu.vector_load %arg12[%get3A_846, %get3A_847] {strides = array<i32>} : memref<64x48xf32, #tpu.memory_space<vmem>>, vector<1x16xf32>,
      %get3A_849 = vector.shape_cast %get3A_848 : vector<1x16xf32> to vector<16xf32>
      %get3A_850 = arith.index_cast %squeeze3A_841 : i32 to index
      %get3A_851 = arith.constant 16 : index
      %get3A_852 = tpu.vector_load %arg12[%get3A_850, %get3A_851] {strides = array<i32>} : memref<64x48xf32, #tpu.memory_space<vmem>>, vector<1x16xf32>,
      %get3A_853 = vector.shape_cast %get3A_852 : vector<1x16xf32> to vector<16xf32>
      %get3A_854 = arith.index_cast %squeeze3A_841 : i32 to index
      %get3A_855 = arith.constant 32 : index
      %get3A_856 = tpu.vector_load %arg12[%get3A_854, %get3A_855] {strides = array<i32>} : memref<64x48xf32, #tpu.memory_space<vmem>>, vector<1x16xf32>,
      %get3A_857 = vector.shape_cast %get3A_856 : vector<1x16xf32> to vector<16xf32>
      %get3A_858 = arith.index_cast %squeeze3A_843 : i32 to index
      %get3A_859 = arith.constant 32 : index
      %get3A_860 = tpu.vector_load %arg13[%get3A_858, %get3A_859] {strides = array<i32>} : memref<32x128xf32, #tpu.memory_space<vmem>>, vector<1x16xf32>,
      %get3A_861 = vector.shape_cast %get3A_860 : vector<1x16xf32> to vector<16xf32>
      %add3A_862 = arith.addf %get3A_857, %get3A_861 : vector<16xf32>
      %get3A_863 = arith.index_cast %squeeze3A_843 : i32 to index
      %get3A_864 = arith.constant 48 : index
      %get3A_865 = tpu.vector_load %arg13[%get3A_863, %get3A_864] {strides = array<i32>} : memref<32x128xf32, #tpu.memory_space<vmem>>, vector<1x16xf32>,
      %get3A_866 = vector.shape_cast %get3A_865 : vector<1x16xf32> to vector<16xf32>
      %get3A_867 = arith.index_cast %squeeze3A_843 : i32 to index
      %get3A_868 = arith.constant 64 : index
      %get3A_869 = tpu.vector_load %arg13[%get3A_867, %get3A_868] {strides = array<i32>} : memref<32x128xf32, #tpu.memory_space<vmem>>, vector<1x16xf32>,
      %get3A_870 = vector.shape_cast %get3A_869 : vector<1x16xf32> to vector<16xf32>
      %get3A_871 = arith.index_cast %squeeze3A_843 : i32 to index
      %get3A_872 = arith.constant 80 : index
      %get3A_873 = tpu.vector_load %arg13[%get3A_871, %get3A_872] {strides = array<i32>} : memref<32x128xf32, #tpu.memory_space<vmem>>, vector<1x16xf32>,
      %get3A_874 = vector.shape_cast %get3A_873 : vector<1x16xf32> to vector<16xf32>
      %get3A_875 = arith.index_cast %squeeze3A_845 : i32 to index
      %get3A_876 = arith.constant 0 : index
      %get3A_877 = tpu.vector_load %arg14[%get3A_875, %get3A_876] {strides = array<i32>} : memref<16x48xf32, #tpu.memory_space<vmem>>, vector<1x16xf32>,
      %get3A_878 = vector.shape_cast %get3A_877 : vector<1x16xf32> to vector<16xf32>
      %add3A_879 = arith.addf %get3A_874, %get3A_878 : vector<16xf32>
      %get3A_880 = arith.index_cast %squeeze3A_845 : i32 to index
      %get3A_881 = arith.constant 16 : index
      %get3A_882 = tpu.vector_load %arg14[%get3A_880, %get3A_881] {strides = array<i32>} : memref<16x48xf32, #tpu.memory_space<vmem>>, vector<1x16xf32>,
      %get3A_883 = vector.shape_cast %get3A_882 : vector<1x16xf32> to vector<16xf32>
      %get3A_884 = arith.index_cast %squeeze3A_845 : i32 to index
      %get3A_885 = arith.constant 32 : index
      %get3A_886 = tpu.vector_load %arg14[%get3A_884, %get3A_885] {strides = array<i32>} : memref<16x48xf32, #tpu.memory_space<vmem>>, vector<1x16xf32>,
      %get3A_887 = vector.shape_cast %get3A_886 : vector<1x16xf32> to vector<16xf32>
      %swap3A_888 = arith.index_cast %add3A_839 : i32 to index
      %swap3A_889 = arith.constant 0 : index
      %swap3A_890 = tpu.vector_load %arg15[%swap3A_888, %swap3A_889] {strides = array<i32>} : memref<512x128xf32, #tpu.memory_space<vmem>>, vector<1x16xf32>,
      %swap3A_891 = vector.shape_cast %swap3A_890 : vector<1x16xf32> to vector<16xf32>
      %swap3A_892 = vector.shape_cast %get3A_849 : vector<16xf32> to vector<1x16xf32>
      tpu.vector_store %arg15[%swap3A_888, %swap3A_889], %swap3A_892 {strides = array<i32>} : memref<512x128xf32, #tpu.memory_space<vmem>>, vector<1x16xf32>,
      %swap3A_893 = arith.index_cast %add3A_839 : i32 to index
      %swap3A_894 = arith.constant 16 : index
      %swap3A_895 = tpu.vector_load %arg15[%swap3A_893, %swap3A_894] {strides = array<i32>} : memref<512x128xf32, #tpu.memory_space<vmem>>, vector<1x16xf32>,
      %swap3A_896 = vector.shape_cast %swap3A_895 : vector<1x16xf32> to vector<16xf32>
      %swap3A_897 = vector.shape_cast %get3A_853 : vector<16xf32> to vector<1x16xf32>
      tpu.vector_store %arg15[%swap3A_893, %swap3A_894], %swap3A_897 {strides = array<i32>} : memref<512x128xf32, #tpu.memory_space<vmem>>, vector<1x16xf32>,
      %swap3A_898 = arith.index_cast %add3A_839 : i32 to index
      %swap3A_899 = arith.constant 32 : index
      %swap3A_900 = tpu.vector_load %arg15[%swap3A_898, %swap3A_899] {strides = array<i32>} : memref<512x128xf32, #tpu.memory_space<vmem>>, vector<1x16xf32>,
      %swap3A_901 = vector.shape_cast %swap3A_900 : vector<1x16xf32> to vector<16xf32>
      %swap3A_902 = vector.shape_cast %add3A_862 : vector<16xf32> to vector<1x16xf32>
      tpu.vector_store %arg15[%swap3A_898, %swap3A_899], %swap3A_902 {strides = array<i32>} : memref<512x128xf32, #tpu.memory_space<vmem>>, vector<1x16xf32>,
      %swap3A_903 = arith.index_cast %add3A_839 : i32 to index
      %swap3A_904 = arith.constant 48 : index
      %swap3A_905 = tpu.vector_load %arg15[%swap3A_903, %swap3A_904] {strides = array<i32>} : memref<512x128xf32, #tpu.memory_space<vmem>>, vector<1x16xf32>,
      %swap3A_906 = vector.shape_cast %swap3A_905 : vector<1x16xf32> to vector<16xf32>
      %swap3A_907 = vector.shape_cast %get3A_866 : vector<16xf32> to vector<1x16xf32>
      tpu.vector_store %arg15[%swap3A_903, %swap3A_904], %swap3A_907 {strides = array<i32>} : memref<512x128xf32, #tpu.memory_space<vmem>>, vector<1x16xf32>,
      %swap3A_908 = arith.index_cast %add3A_839 : i32 to index
      %swap3A_909 = arith.constant 64 : index
      %swap3A_910 = tpu.vector_load %arg15[%swap3A_908, %swap3A_909] {strides = array<i32>} : memref<512x128xf32, #tpu.memory_space<vmem>>, vector<1x16xf32>,
      %swap3A_911 = vector.shape_cast %swap3A_910 : vector<1x16xf32> to vector<16xf32>
      %swap3A_912 = vector.shape_cast %get3A_870 : vector<16xf32> to vector<1x16xf32>
      tpu.vector_store %arg15[%swap3A_908, %swap3A_909], %swap3A_912 {strides = array<i32>} : memref<512x128xf32, #tpu.memory_space<vmem>>, vector<1x16xf32>,
      %swap3A_913 = arith.index_cast %add3A_839 : i32 to index
      %swap3A_914 = arith.constant 80 : index
      %swap3A_915 = tpu.vector_load %arg15[%swap3A_913, %swap3A_914] {strides = array<i32>} : memref<512x128xf32, #tpu.memory_space<vmem>>, vector<1x16xf32>,
      %swap3A_916 = vector.shape_cast %swap3A_915 : vector<1x16xf32> to vector<16xf32>
      %swap3A_917 = vector.shape_cast %add3A_879 : vector<16xf32> to vector<1x16xf32>
      tpu.vector_store %arg15[%swap3A_913, %swap3A_914], %swap3A_917 {strides = array<i32>} : memref<512x128xf32, #tpu.memory_space<vmem>>, vector<1x16xf32>,
      %swap3A_918 = arith.index_cast %add3A_839 : i32 to index
      %swap3A_919 = arith.constant 96 : index
      %swap3A_920 = tpu.vector_load %arg15[%swap3A_918, %swap3A_919] {strides = array<i32>} : memref<512x128xf32, #tpu.memory_space<vmem>>, vector<1x16xf32>,
      %swap3A_921 = vector.shape_cast %swap3A_920 : vector<1x16xf32> to vector<16xf32>
      %swap3A_922 = vector.shape_cast %get3A_883 : vector<16xf32> to vector<1x16xf32>
      tpu.vector_store %arg15[%swap3A_918, %swap3A_919], %swap3A_922 {strides = array<i32>} : memref<512x128xf32, #tpu.memory_space<vmem>>, vector<1x16xf32>,
      %swap3A_923 = arith.index_cast %add3A_839 : i32 to index
      %swap3A_924 = arith.constant 112 : index
      %swap3A_925 = tpu.vector_load %arg15[%swap3A_923, %swap3A_924] {strides = array<i32>} : memref<512x128xf32, #tpu.memory_space<vmem>>, vector<1x16xf32>,
      %swap3A_926 = vector.shape_cast %swap3A_925 : vector<1x16xf32> to vector<16xf32>
      %swap3A_927 = vector.shape_cast %get3A_887 : vector<16xf32> to vector<1x16xf32>
      tpu.vector_store %arg15[%swap3A_923, %swap3A_924], %swap3A_927 {strides = array<i32>} : memref<512x128xf32, #tpu.memory_space<vmem>>, vector<1x16xf32>,
      %add3A_928 = arith.constant 256 : i32
      %add3A_929 = arith.addi %add3A_928, %mul3A_88 : i32
      %add3A_930 = arith.constant 9 : i32
      %add3A_931 = arith.addi %add3A_929, %add3A_930 : i32
      %slice3A_932 = vector.extract_strided_slice %get3A_92 {offsets = [9], sizes = [1], strides = [1]} : vector<16xi32> to vector<1xi32>
      %squeeze3A_933 = vector.extract %slice3A_932[0] : i32 from vector<1xi32>
      %slice3A_934 = vector.extract_strided_slice %get3A_97 {offsets = [9], sizes = [1], strides = [1]} : vector<16xi32> to vector<1xi32>
      %squeeze3A_935 = vector.extract %slice3A_934[0] : i32 from vector<1xi32>
      %slice3A_936 = vector.extract_strided_slice %get3A_102 {offsets = [9], sizes = [1], strides = [1]} : vector<16xi32> to vector<1xi32>
      %squeeze3A_937 = vector.extract %slice3A_936[0] : i32 from vector<1xi32>
      %get3A_938 = arith.index_cast %squeeze3A_933 : i32 to index
      %get3A_939 = arith.constant 0 : index
      %get3A_940 = tpu.vector_load %arg12[%get3A_938, %get3A_939] {strides = array<i32>} : memref<64x48xf32, #tpu.memory_space<vmem>>, vector<1x16xf32>,
      %get3A_941 = vector.shape_cast %get3A_940 : vector<1x16xf32> to vector<16xf32>
      %get3A_942 = arith.index_cast %squeeze3A_933 : i32 to index
      %get3A_943 = arith.constant 16 : index
      %get3A_944 = tpu.vector_load %arg12[%get3A_942, %get3A_943] {strides = array<i32>} : memref<64x48xf32, #tpu.memory_space<vmem>>, vector<1x16xf32>,
      %get3A_945 = vector.shape_cast %get3A_944 : vector<1x16xf32> to vector<16xf32>
      %get3A_946 = arith.index_cast %squeeze3A_933 : i32 to index
      %get3A_947 = arith.constant 32 : index
      %get3A_948 = tpu.vector_load %arg12[%get3A_946, %get3A_947] {strides = array<i32>} : memref<64x48xf32, #tpu.memory_space<vmem>>, vector<1x16xf32>,
      %get3A_949 = vector.shape_cast %get3A_948 : vector<1x16xf32> to vector<16xf32>
      %get3A_950 = arith.index_cast %squeeze3A_935 : i32 to index
      %get3A_951 = arith.constant 32 : index
      %get3A_952 = tpu.vector_load %arg13[%get3A_950, %get3A_951] {strides = array<i32>} : memref<32x128xf32, #tpu.memory_space<vmem>>, vector<1x16xf32>,
      %get3A_953 = vector.shape_cast %get3A_952 : vector<1x16xf32> to vector<16xf32>
      %add3A_954 = arith.addf %get3A_949, %get3A_953 : vector<16xf32>
      %get3A_955 = arith.index_cast %squeeze3A_935 : i32 to index
      %get3A_956 = arith.constant 48 : index
      %get3A_957 = tpu.vector_load %arg13[%get3A_955, %get3A_956] {strides = array<i32>} : memref<32x128xf32, #tpu.memory_space<vmem>>, vector<1x16xf32>,
      %get3A_958 = vector.shape_cast %get3A_957 : vector<1x16xf32> to vector<16xf32>
      %get3A_959 = arith.index_cast %squeeze3A_935 : i32 to index
      %get3A_960 = arith.constant 64 : index
      %get3A_961 = tpu.vector_load %arg13[%get3A_959, %get3A_960] {strides = array<i32>} : memref<32x128xf32, #tpu.memory_space<vmem>>, vector<1x16xf32>,
      %get3A_962 = vector.shape_cast %get3A_961 : vector<1x16xf32> to vector<16xf32>
      %get3A_963 = arith.index_cast %squeeze3A_935 : i32 to index
      %get3A_964 = arith.constant 80 : index
      %get3A_965 = tpu.vector_load %arg13[%get3A_963, %get3A_964] {strides = array<i32>} : memref<32x128xf32, #tpu.memory_space<vmem>>, vector<1x16xf32>,
      %get3A_966 = vector.shape_cast %get3A_965 : vector<1x16xf32> to vector<16xf32>
      %get3A_967 = arith.index_cast %squeeze3A_937 : i32 to index
      %get3A_968 = arith.constant 0 : index
      %get3A_969 = tpu.vector_load %arg14[%get3A_967, %get3A_968] {strides = array<i32>} : memref<16x48xf32, #tpu.memory_space<vmem>>, vector<1x16xf32>,
      %get3A_970 = vector.shape_cast %get3A_969 : vector<1x16xf32> to vector<16xf32>
      %add3A_971 = arith.addf %get3A_966, %get3A_970 : vector<16xf32>
      %get3A_972 = arith.index_cast %squeeze3A_937 : i32 to index
      %get3A_973 = arith.constant 16 : index
      %get3A_974 = tpu.vector_load %arg14[%get3A_972, %get3A_973] {strides = array<i32>} : memref<16x48xf32, #tpu.memory_space<vmem>>, vector<1x16xf32>,
      %get3A_975 = vector.shape_cast %get3A_974 : vector<1x16xf32> to vector<16xf32>
      %get3A_976 = arith.index_cast %squeeze3A_937 : i32 to index
      %get3A_977 = arith.constant 32 : index
      %get3A_978 = tpu.vector_load %arg14[%get3A_976, %get3A_977] {strides = array<i32>} : memref<16x48xf32, #tpu.memory_space<vmem>>, vector<1x16xf32>,
      %get3A_979 = vector.shape_cast %get3A_978 : vector<1x16xf32> to vector<16xf32>
      %swap3A_980 = arith.index_cast %add3A_931 : i32 to index
      %swap3A_981 = arith.constant 0 : index
      %swap3A_982 = tpu.vector_load %arg15[%swap3A_980, %swap3A_981] {strides = array<i32>} : memref<512x128xf32, #tpu.memory_space<vmem>>, vector<1x16xf32>,
      %swap3A_983 = vector.shape_cast %swap3A_982 : vector<1x16xf32> to vector<16xf32>
      %swap3A_984 = vector.shape_cast %get3A_941 : vector<16xf32> to vector<1x16xf32>
      tpu.vector_store %arg15[%swap3A_980, %swap3A_981], %swap3A_984 {strides = array<i32>} : memref<512x128xf32, #tpu.memory_space<vmem>>, vector<1x16xf32>,
      %swap3A_985 = arith.index_cast %add3A_931 : i32 to index
      %swap3A_986 = arith.constant 16 : index
      %swap3A_987 = tpu.vector_load %arg15[%swap3A_985, %swap3A_986] {strides = array<i32>} : memref<512x128xf32, #tpu.memory_space<vmem>>, vector<1x16xf32>,
      %swap3A_988 = vector.shape_cast %swap3A_987 : vector<1x16xf32> to vector<16xf32>
      %swap3A_989 = vector.shape_cast %get3A_945 : vector<16xf32> to vector<1x16xf32>
      tpu.vector_store %arg15[%swap3A_985, %swap3A_986], %swap3A_989 {strides = array<i32>} : memref<512x128xf32, #tpu.memory_space<vmem>>, vector<1x16xf32>,
      %swap3A_990 = arith.index_cast %add3A_931 : i32 to index
      %swap3A_991 = arith.constant 32 : index
      %swap3A_992 = tpu.vector_load %arg15[%swap3A_990, %swap3A_991] {strides = array<i32>} : memref<512x128xf32, #tpu.memory_space<vmem>>, vector<1x16xf32>,
      %swap3A_993 = vector.shape_cast %swap3A_992 : vector<1x16xf32> to vector<16xf32>
      %swap3A_994 = vector.shape_cast %add3A_954 : vector<16xf32> to vector<1x16xf32>
      tpu.vector_store %arg15[%swap3A_990, %swap3A_991], %swap3A_994 {strides = array<i32>} : memref<512x128xf32, #tpu.memory_space<vmem>>, vector<1x16xf32>,
      %swap3A_995 = arith.index_cast %add3A_931 : i32 to index
      %swap3A_996 = arith.constant 48 : index
      %swap3A_997 = tpu.vector_load %arg15[%swap3A_995, %swap3A_996] {strides = array<i32>} : memref<512x128xf32, #tpu.memory_space<vmem>>, vector<1x16xf32>,
      %swap3A_998 = vector.shape_cast %swap3A_997 : vector<1x16xf32> to vector<16xf32>
      %swap3A_999 = vector.shape_cast %get3A_958 : vector<16xf32> to vector<1x16xf32>
      tpu.vector_store %arg15[%swap3A_995, %swap3A_996], %swap3A_999 {strides = array<i32>} : memref<512x128xf32, #tpu.memory_space<vmem>>, vector<1x16xf32>,
      %swap3A_1000 = arith.index_cast %add3A_931 : i32 to index
      %swap3A_1001 = arith.constant 64 : index
      %swap3A_1002 = tpu.vector_load %arg15[%swap3A_1000, %swap3A_1001] {strides = array<i32>} : memref<512x128xf32, #tpu.memory_space<vmem>>, vector<1x16xf32>,
      %swap3A_1003 = vector.shape_cast %swap3A_1002 : vector<1x16xf32> to vector<16xf32>
      %swap3A_1004 = vector.shape_cast %get3A_962 : vector<16xf32> to vector<1x16xf32>
      tpu.vector_store %arg15[%swap3A_1000, %swap3A_1001], %swap3A_1004 {strides = array<i32>} : memref<512x128xf32, #tpu.memory_space<vmem>>, vector<1x16xf32>,
      %swap3A_1005 = arith.index_cast %add3A_931 : i32 to index
      %swap3A_1006 = arith.constant 80 : index
      %swap3A_1007 = tpu.vector_load %arg15[%swap3A_1005, %swap3A_1006] {strides = array<i32>} : memref<512x128xf32, #tpu.memory_space<vmem>>, vector<1x16xf32>,
      %swap3A_1008 = vector.shape_cast %swap3A_1007 : vector<1x16xf32> to vector<16xf32>
      %swap3A_1009 = vector.shape_cast %add3A_971 : vector<16xf32> to vector<1x16xf32>
      tpu.vector_store %arg15[%swap3A_1005, %swap3A_1006], %swap3A_1009 {strides = array<i32>} : memref<512x128xf32, #tpu.memory_space<vmem>>, vector<1x16xf32>,
      %swap3A_1010 = arith.index_cast %add3A_931 : i32 to index
      %swap3A_1011 = arith.constant 96 : index
      %swap3A_1012 = tpu.vector_load %arg15[%swap3A_1010, %swap3A_1011] {strides = array<i32>} : memref<512x128xf32, #tpu.memory_space<vmem>>, vector<1x16xf32>,
      %swap3A_1013 = vector.shape_cast %swap3A_1012 : vector<1x16xf32> to vector<16xf32>
      %swap3A_1014 = vector.shape_cast %get3A_975 : vector<16xf32> to vector<1x16xf32>
      tpu.vector_store %arg15[%swap3A_1010, %swap3A_1011], %swap3A_1014 {strides = array<i32>} : memref<512x128xf32, #tpu.memory_space<vmem>>, vector<1x16xf32>,
      %swap3A_1015 = arith.index_cast %add3A_931 : i32 to index
      %swap3A_1016 = arith.constant 112 : index
      %swap3A_1017 = tpu.vector_load %arg15[%swap3A_1015, %swap3A_1016] {strides = array<i32>} : memref<512x128xf32, #tpu.memory_space<vmem>>, vector<1x16xf32>,
      %swap3A_1018 = vector.shape_cast %swap3A_1017 : vector<1x16xf32> to vector<16xf32>
      %swap3A_1019 = vector.shape_cast %get3A_979 : vector<16xf32> to vector<1x16xf32>
      tpu.vector_store %arg15[%swap3A_1015, %swap3A_1016], %swap3A_1019 {strides = array<i32>} : memref<512x128xf32, #tpu.memory_space<vmem>>, vector<1x16xf32>,
      %add3A_1020 = arith.constant 256 : i32
      %add3A_1021 = arith.addi %add3A_1020, %mul3A_88 : i32
      %add3A_1022 = arith.constant 10 : i32
      %add3A_1023 = arith.addi %add3A_1021, %add3A_1022 : i32
      %slice3A_1024 = vector.extract_strided_slice %get3A_92 {offsets = [10], sizes = [1], strides = [1]} : vector<16xi32> to vector<1xi32>
      %squeeze3A_1025 = vector.extract %slice3A_1024[0] : i32 from vector<1xi32>
      %slice3A_1026 = vector.extract_strided_slice %get3A_97 {offsets = [10], sizes = [1], strides = [1]} : vector<16xi32> to vector<1xi32>
      %squeeze3A_1027 = vector.extract %slice3A_1026[0] : i32 from vector<1xi32>
      %slice3A_1028 = vector.extract_strided_slice %get3A_102 {offsets = [10], sizes = [1], strides = [1]} : vector<16xi32> to vector<1xi32>
      %squeeze3A_1029 = vector.extract %slice3A_1028[0] : i32 from vector<1xi32>
      %get3A_1030 = arith.index_cast %squeeze3A_1025 : i32 to index
      %get3A_1031 = arith.constant 0 : index
      %get3A_1032 = tpu.vector_load %arg12[%get3A_1030, %get3A_1031] {strides = array<i32>} : memref<64x48xf32, #tpu.memory_space<vmem>>, vector<1x16xf32>,
      %get3A_1033 = vector.shape_cast %get3A_1032 : vector<1x16xf32> to vector<16xf32>
      %get3A_1034 = arith.index_cast %squeeze3A_1025 : i32 to index
      %get3A_1035 = arith.constant 16 : index
      %get3A_1036 = tpu.vector_load %arg12[%get3A_1034, %get3A_1035] {strides = array<i32>} : memref<64x48xf32, #tpu.memory_space<vmem>>, vector<1x16xf32>,
      %get3A_1037 = vector.shape_cast %get3A_1036 : vector<1x16xf32> to vector<16xf32>
      %get3A_1038 = arith.index_cast %squeeze3A_1025 : i32 to index
      %get3A_1039 = arith.constant 32 : index
      %get3A_1040 = tpu.vector_load %arg12[%get3A_1038, %get3A_1039] {strides = array<i32>} : memref<64x48xf32, #tpu.memory_space<vmem>>, vector<1x16xf32>,
      %get3A_1041 = vector.shape_cast %get3A_1040 : vector<1x16xf32> to vector<16xf32>
      %get3A_1042 = arith.index_cast %squeeze3A_1027 : i32 to index
      %get3A_1043 = arith.constant 32 : index
      %get3A_1044 = tpu.vector_load %arg13[%get3A_1042, %get3A_1043] {strides = array<i32>} : memref<32x128xf32, #tpu.memory_space<vmem>>, vector<1x16xf32>,
      %get3A_1045 = vector.shape_cast %get3A_1044 : vector<1x16xf32> to vector<16xf32>
      %add3A_1046 = arith.addf %get3A_1041, %get3A_1045 : vector<16xf32>
      %get3A_1047 = arith.index_cast %squeeze3A_1027 : i32 to index
      %get3A_1048 = arith.constant 48 : index
      %get3A_1049 = tpu.vector_load %arg13[%get3A_1047, %get3A_1048] {strides = array<i32>} : memref<32x128xf32, #tpu.memory_space<vmem>>, vector<1x16xf32>,
      %get3A_1050 = vector.shape_cast %get3A_1049 : vector<1x16xf32> to vector<16xf32>
      %get3A_1051 = arith.index_cast %squeeze3A_1027 : i32 to index
      %get3A_1052 = arith.constant 64 : index
      %get3A_1053 = tpu.vector_load %arg13[%get3A_1051, %get3A_1052] {strides = array<i32>} : memref<32x128xf32, #tpu.memory_space<vmem>>, vector<1x16xf32>,
      %get3A_1054 = vector.shape_cast %get3A_1053 : vector<1x16xf32> to vector<16xf32>
      %get3A_1055 = arith.index_cast %squeeze3A_1027 : i32 to index
      %get3A_1056 = arith.constant 80 : index
      %get3A_1057 = tpu.vector_load %arg13[%get3A_1055, %get3A_1056] {strides = array<i32>} : memref<32x128xf32, #tpu.memory_space<vmem>>, vector<1x16xf32>,
      %get3A_1058 = vector.shape_cast %get3A_1057 : vector<1x16xf32> to vector<16xf32>
      %get3A_1059 = arith.index_cast %squeeze3A_1029 : i32 to index
      %get3A_1060 = arith.constant 0 : index
      %get3A_1061 = tpu.vector_load %arg14[%get3A_1059, %get3A_1060] {strides = array<i32>} : memref<16x48xf32, #tpu.memory_space<vmem>>, vector<1x16xf32>,
      %get3A_1062 = vector.shape_cast %get3A_1061 : vector<1x16xf32> to vector<16xf32>
      %add3A_1063 = arith.addf %get3A_1058, %get3A_1062 : vector<16xf32>
      %get3A_1064 = arith.index_cast %squeeze3A_1029 : i32 to index
      %get3A_1065 = arith.constant 16 : index
      %get3A_1066 = tpu.vector_load %arg14[%get3A_1064, %get3A_1065] {strides = array<i32>} : memref<16x48xf32, #tpu.memory_space<vmem>>, vector<1x16xf32>,
      %get3A_1067 = vector.shape_cast %get3A_1066 : vector<1x16xf32> to vector<16xf32>
      %get3A_1068 = arith.index_cast %squeeze3A_1029 : i32 to index
      %get3A_1069 = arith.constant 32 : index
      %get3A_1070 = tpu.vector_load %arg14[%get3A_1068, %get3A_1069] {strides = array<i32>} : memref<16x48xf32, #tpu.memory_space<vmem>>, vector<1x16xf32>,
      %get3A_1071 = vector.shape_cast %get3A_1070 : vector<1x16xf32> to vector<16xf32>
      %swap3A_1072 = arith.index_cast %add3A_1023 : i32 to index
      %swap3A_1073 = arith.constant 0 : index
      %swap3A_1074 = tpu.vector_load %arg15[%swap3A_1072, %swap3A_1073] {strides = array<i32>} : memref<512x128xf32, #tpu.memory_space<vmem>>, vector<1x16xf32>,
      %swap3A_1075 = vector.shape_cast %swap3A_1074 : vector<1x16xf32> to vector<16xf32>
      %swap3A_1076 = vector.shape_cast %get3A_1033 : vector<16xf32> to vector<1x16xf32>
      tpu.vector_store %arg15[%swap3A_1072, %swap3A_1073], %swap3A_1076 {strides = array<i32>} : memref<512x128xf32, #tpu.memory_space<vmem>>, vector<1x16xf32>,
      %swap3A_1077 = arith.index_cast %add3A_1023 : i32 to index
      %swap3A_1078 = arith.constant 16 : index
      %swap3A_1079 = tpu.vector_load %arg15[%swap3A_1077, %swap3A_1078] {strides = array<i32>} : memref<512x128xf32, #tpu.memory_space<vmem>>, vector<1x16xf32>,
      %swap3A_1080 = vector.shape_cast %swap3A_1079 : vector<1x16xf32> to vector<16xf32>
      %swap3A_1081 = vector.shape_cast %get3A_1037 : vector<16xf32> to vector<1x16xf32>
      tpu.vector_store %arg15[%swap3A_1077, %swap3A_1078], %swap3A_1081 {strides = array<i32>} : memref<512x128xf32, #tpu.memory_space<vmem>>, vector<1x16xf32>,
      %swap3A_1082 = arith.index_cast %add3A_1023 : i32 to index
      %swap3A_1083 = arith.constant 32 : index
      %swap3A_1084 = tpu.vector_load %arg15[%swap3A_1082, %swap3A_1083] {strides = array<i32>} : memref<512x128xf32, #tpu.memory_space<vmem>>, vector<1x16xf32>,
      %swap3A_1085 = vector.shape_cast %swap3A_1084 : vector<1x16xf32> to vector<16xf32>
      %swap3A_1086 = vector.shape_cast %add3A_1046 : vector<16xf32> to vector<1x16xf32>
      tpu.vector_store %arg15[%swap3A_1082, %swap3A_1083], %swap3A_1086 {strides = array<i32>} : memref<512x128xf32, #tpu.memory_space<vmem>>, vector<1x16xf32>,
      %swap3A_1087 = arith.index_cast %add3A_1023 : i32 to index
      %swap3A_1088 = arith.constant 48 : index
      %swap3A_1089 = tpu.vector_load %arg15[%swap3A_1087, %swap3A_1088] {strides = array<i32>} : memref<512x128xf32, #tpu.memory_space<vmem>>, vector<1x16xf32>,
      %swap3A_1090 = vector.shape_cast %swap3A_1089 : vector<1x16xf32> to vector<16xf32>
      %swap3A_1091 = vector.shape_cast %get3A_1050 : vector<16xf32> to vector<1x16xf32>
      tpu.vector_store %arg15[%swap3A_1087, %swap3A_1088], %swap3A_1091 {strides = array<i32>} : memref<512x128xf32, #tpu.memory_space<vmem>>, vector<1x16xf32>,
      %swap3A_1092 = arith.index_cast %add3A_1023 : i32 to index
      %swap3A_1093 = arith.constant 64 : index
      %swap3A_1094 = tpu.vector_load %arg15[%swap3A_1092, %swap3A_1093] {strides = array<i32>} : memref<512x128xf32, #tpu.memory_space<vmem>>, vector<1x16xf32>,
      %swap3A_1095 = vector.shape_cast %swap3A_1094 : vector<1x16xf32> to vector<16xf32>
      %swap3A_1096 = vector.shape_cast %get3A_1054 : vector<16xf32> to vector<1x16xf32>
      tpu.vector_store %arg15[%swap3A_1092, %swap3A_1093], %swap3A_1096 {strides = array<i32>} : memref<512x128xf32, #tpu.memory_space<vmem>>, vector<1x16xf32>,
      %swap3A_1097 = arith.index_cast %add3A_1023 : i32 to index
      %swap3A_1098 = arith.constant 80 : index
      %swap3A_1099 = tpu.vector_load %arg15[%swap3A_1097, %swap3A_1098] {strides = array<i32>} : memref<512x128xf32, #tpu.memory_space<vmem>>, vector<1x16xf32>,
      %swap3A_1100 = vector.shape_cast %swap3A_1099 : vector<1x16xf32> to vector<16xf32>
      %swap3A_1101 = vector.shape_cast %add3A_1063 : vector<16xf32> to vector<1x16xf32>
      tpu.vector_store %arg15[%swap3A_1097, %swap3A_1098], %swap3A_1101 {strides = array<i32>} : memref<512x128xf32, #tpu.memory_space<vmem>>, vector<1x16xf32>,
      %swap3A_1102 = arith.index_cast %add3A_1023 : i32 to index
      %swap3A_1103 = arith.constant 96 : index
      %swap3A_1104 = tpu.vector_load %arg15[%swap3A_1102, %swap3A_1103] {strides = array<i32>} : memref<512x128xf32, #tpu.memory_space<vmem>>, vector<1x16xf32>,
      %swap3A_1105 = vector.shape_cast %swap3A_1104 : vector<1x16xf32> to vector<16xf32>
      %swap3A_1106 = vector.shape_cast %get3A_1067 : vector<16xf32> to vector<1x16xf32>
      tpu.vector_store %arg15[%swap3A_1102, %swap3A_1103], %swap3A_1106 {strides = array<i32>} : memref<512x128xf32, #tpu.memory_space<vmem>>, vector<1x16xf32>,
      %swap3A_1107 = arith.index_cast %add3A_1023 : i32 to index
      %swap3A_1108 = arith.constant 112 : index
      %swap3A_1109 = tpu.vector_load %arg15[%swap3A_1107, %swap3A_1108] {strides = array<i32>} : memref<512x128xf32, #tpu.memory_space<vmem>>, vector<1x16xf32>,
      %swap3A_1110 = vector.shape_cast %swap3A_1109 : vector<1x16xf32> to vector<16xf32>
      %swap3A_1111 = vector.shape_cast %get3A_1071 : vector<16xf32> to vector<1x16xf32>
      tpu.vector_store %arg15[%swap3A_1107, %swap3A_1108], %swap3A_1111 {strides = array<i32>} : memref<512x128xf32, #tpu.memory_space<vmem>>, vector<1x16xf32>,
      %add3A_1112 = arith.constant 256 : i32
      %add3A_1113 = arith.addi %add3A_1112, %mul3A_88 : i32
      %add3A_1114 = arith.constant 11 : i32
      %add3A_1115 = arith.addi %add3A_1113, %add3A_1114 : i32
      %slice3A_1116 = vector.extract_strided_slice %get3A_92 {offsets = [11], sizes = [1], strides = [1]} : vector<16xi32> to vector<1xi32>
      %squeeze3A_1117 = vector.extract %slice3A_1116[0] : i32 from vector<1xi32>
      %slice3A_1118 = vector.extract_strided_slice %get3A_97 {offsets = [11], sizes = [1], strides = [1]} : vector<16xi32> to vector<1xi32>
      %squeeze3A_1119 = vector.extract %slice3A_1118[0] : i32 from vector<1xi32>
      %slice3A_1120 = vector.extract_strided_slice %get3A_102 {offsets = [11], sizes = [1], strides = [1]} : vector<16xi32> to vector<1xi32>
      %squeeze3A_1121 = vector.extract %slice3A_1120[0] : i32 from vector<1xi32>
      %get3A_1122 = arith.index_cast %squeeze3A_1117 : i32 to index
      %get3A_1123 = arith.constant 0 : index
      %get3A_1124 = tpu.vector_load %arg12[%get3A_1122, %get3A_1123] {strides = array<i32>} : memref<64x48xf32, #tpu.memory_space<vmem>>, vector<1x16xf32>,
      %get3A_1125 = vector.shape_cast %get3A_1124 : vector<1x16xf32> to vector<16xf32>
      %get3A_1126 = arith.index_cast %squeeze3A_1117 : i32 to index
      %get3A_1127 = arith.constant 16 : index
      %get3A_1128 = tpu.vector_load %arg12[%get3A_1126, %get3A_1127] {strides = array<i32>} : memref<64x48xf32, #tpu.memory_space<vmem>>, vector<1x16xf32>,
      %get3A_1129 = vector.shape_cast %get3A_1128 : vector<1x16xf32> to vector<16xf32>
      %get3A_1130 = arith.index_cast %squeeze3A_1117 : i32 to index
      %get3A_1131 = arith.constant 32 : index
      %get3A_1132 = tpu.vector_load %arg12[%get3A_1130, %get3A_1131] {strides = array<i32>} : memref<64x48xf32, #tpu.memory_space<vmem>>, vector<1x16xf32>,
      %get3A_1133 = vector.shape_cast %get3A_1132 : vector<1x16xf32> to vector<16xf32>
      %get3A_1134 = arith.index_cast %squeeze3A_1119 : i32 to index
      %get3A_1135 = arith.constant 32 : index
      %get3A_1136 = tpu.vector_load %arg13[%get3A_1134, %get3A_1135] {strides = array<i32>} : memref<32x128xf32, #tpu.memory_space<vmem>>, vector<1x16xf32>,
      %get3A_1137 = vector.shape_cast %get3A_1136 : vector<1x16xf32> to vector<16xf32>
      %add3A_1138 = arith.addf %get3A_1133, %get3A_1137 : vector<16xf32>
      %get3A_1139 = arith.index_cast %squeeze3A_1119 : i32 to index
      %get3A_1140 = arith.constant 48 : index
      %get3A_1141 = tpu.vector_load %arg13[%get3A_1139, %get3A_1140] {strides = array<i32>} : memref<32x128xf32, #tpu.memory_space<vmem>>, vector<1x16xf32>,
      %get3A_1142 = vector.shape_cast %get3A_1141 : vector<1x16xf32> to vector<16xf32>
      %get3A_1143 = arith.index_cast %squeeze3A_1119 : i32 to index
      %get3A_1144 = arith.constant 64 : index
      %get3A_1145 = tpu.vector_load %arg13[%get3A_1143, %get3A_1144] {strides = array<i32>} : memref<32x128xf32, #tpu.memory_space<vmem>>, vector<1x16xf32>,
      %get3A_1146 = vector.shape_cast %get3A_1145 : vector<1x16xf32> to vector<16xf32>
      %get3A_1147 = arith.index_cast %squeeze3A_1119 : i32 to index
      %get3A_1148 = arith.constant 80 : index
      %get3A_1149 = tpu.vector_load %arg13[%get3A_1147, %get3A_1148] {strides = array<i32>} : memref<32x128xf32, #tpu.memory_space<vmem>>, vector<1x16xf32>,
      %get3A_1150 = vector.shape_cast %get3A_1149 : vector<1x16xf32> to vector<16xf32>
      %get3A_1151 = arith.index_cast %squeeze3A_1121 : i32 to index
      %get3A_1152 = arith.constant 0 : index
      %get3A_1153 = tpu.vector_load %arg14[%get3A_1151, %get3A_1152] {strides = array<i32>} : memref<16x48xf32, #tpu.memory_space<vmem>>, vector<1x16xf32>,
      %get3A_1154 = vector.shape_cast %get3A_1153 : vector<1x16xf32> to vector<16xf32>
      %add3A_1155 = arith.addf %get3A_1150, %get3A_1154 : vector<16xf32>
      %get3A_1156 = arith.index_cast %squeeze3A_1121 : i32 to index
      %get3A_1157 = arith.constant 16 : index
      %get3A_1158 = tpu.vector_load %arg14[%get3A_1156, %get3A_1157] {strides = array<i32>} : memref<16x48xf32, #tpu.memory_space<vmem>>, vector<1x16xf32>,
      %get3A_1159 = vector.shape_cast %get3A_1158 : vector<1x16xf32> to vector<16xf32>
      %get3A_1160 = arith.index_cast %squeeze3A_1121 : i32 to index
      %get3A_1161 = arith.constant 32 : index
      %get3A_1162 = tpu.vector_load %arg14[%get3A_1160, %get3A_1161] {strides = array<i32>} : memref<16x48xf32, #tpu.memory_space<vmem>>, vector<1x16xf32>,
      %get3A_1163 = vector.shape_cast %get3A_1162 : vector<1x16xf32> to vector<16xf32>
      %swap3A_1164 = arith.index_cast %add3A_1115 : i32 to index
      %swap3A_1165 = arith.constant 0 : index
      %swap3A_1166 = tpu.vector_load %arg15[%swap3A_1164, %swap3A_1165] {strides = array<i32>} : memref<512x128xf32, #tpu.memory_space<vmem>>, vector<1x16xf32>,
      %swap3A_1167 = vector.shape_cast %swap3A_1166 : vector<1x16xf32> to vector<16xf32>
      %swap3A_1168 = vector.shape_cast %get3A_1125 : vector<16xf32> to vector<1x16xf32>
      tpu.vector_store %arg15[%swap3A_1164, %swap3A_1165], %swap3A_1168 {strides = array<i32>} : memref<512x128xf32, #tpu.memory_space<vmem>>, vector<1x16xf32>,
      %swap3A_1169 = arith.index_cast %add3A_1115 : i32 to index
      %swap3A_1170 = arith.constant 16 : index
      %swap3A_1171 = tpu.vector_load %arg15[%swap3A_1169, %swap3A_1170] {strides = array<i32>} : memref<512x128xf32, #tpu.memory_space<vmem>>, vector<1x16xf32>,
      %swap3A_1172 = vector.shape_cast %swap3A_1171 : vector<1x16xf32> to vector<16xf32>
      %swap3A_1173 = vector.shape_cast %get3A_1129 : vector<16xf32> to vector<1x16xf32>
      tpu.vector_store %arg15[%swap3A_1169, %swap3A_1170], %swap3A_1173 {strides = array<i32>} : memref<512x128xf32, #tpu.memory_space<vmem>>, vector<1x16xf32>,
      %swap3A_1174 = arith.index_cast %add3A_1115 : i32 to index
      %swap3A_1175 = arith.constant 32 : index
      %swap3A_1176 = tpu.vector_load %arg15[%swap3A_1174, %swap3A_1175] {strides = array<i32>} : memref<512x128xf32, #tpu.memory_space<vmem>>, vector<1x16xf32>,
      %swap3A_1177 = vector.shape_cast %swap3A_1176 : vector<1x16xf32> to vector<16xf32>
      %swap3A_1178 = vector.shape_cast %add3A_1138 : vector<16xf32> to vector<1x16xf32>
      tpu.vector_store %arg15[%swap3A_1174, %swap3A_1175], %swap3A_1178 {strides = array<i32>} : memref<512x128xf32, #tpu.memory_space<vmem>>, vector<1x16xf32>,
      %swap3A_1179 = arith.index_cast %add3A_1115 : i32 to index
      %swap3A_1180 = arith.constant 48 : index
      %swap3A_1181 = tpu.vector_load %arg15[%swap3A_1179, %swap3A_1180] {strides = array<i32>} : memref<512x128xf32, #tpu.memory_space<vmem>>, vector<1x16xf32>,
      %swap3A_1182 = vector.shape_cast %swap3A_1181 : vector<1x16xf32> to vector<16xf32>
      %swap3A_1183 = vector.shape_cast %get3A_1142 : vector<16xf32> to vector<1x16xf32>
      tpu.vector_store %arg15[%swap3A_1179, %swap3A_1180], %swap3A_1183 {strides = array<i32>} : memref<512x128xf32, #tpu.memory_space<vmem>>, vector<1x16xf32>,
      %swap3A_1184 = arith.index_cast %add3A_1115 : i32 to index
      %swap3A_1185 = arith.constant 64 : index
      %swap3A_1186 = tpu.vector_load %arg15[%swap3A_1184, %swap3A_1185] {strides = array<i32>} : memref<512x128xf32, #tpu.memory_space<vmem>>, vector<1x16xf32>,
      %swap3A_1187 = vector.shape_cast %swap3A_1186 : vector<1x16xf32> to vector<16xf32>
      %swap3A_1188 = vector.shape_cast %get3A_1146 : vector<16xf32> to vector<1x16xf32>
      tpu.vector_store %arg15[%swap3A_1184, %swap3A_1185], %swap3A_1188 {strides = array<i32>} : memref<512x128xf32, #tpu.memory_space<vmem>>, vector<1x16xf32>,
      %swap3A_1189 = arith.index_cast %add3A_1115 : i32 to index
      %swap3A_1190 = arith.constant 80 : index
      %swap3A_1191 = tpu.vector_load %arg15[%swap3A_1189, %swap3A_1190] {strides = array<i32>} : memref<512x128xf32, #tpu.memory_space<vmem>>, vector<1x16xf32>,
      %swap3A_1192 = vector.shape_cast %swap3A_1191 : vector<1x16xf32> to vector<16xf32>
      %swap3A_1193 = vector.shape_cast %add3A_1155 : vector<16xf32> to vector<1x16xf32>
      tpu.vector_store %arg15[%swap3A_1189, %swap3A_1190], %swap3A_1193 {strides = array<i32>} : memref<512x128xf32, #tpu.memory_space<vmem>>, vector<1x16xf32>,
      %swap3A_1194 = arith.index_cast %add3A_1115 : i32 to index
      %swap3A_1195 = arith.constant 96 : index
      %swap3A_1196 = tpu.vector_load %arg15[%swap3A_1194, %swap3A_1195] {strides = array<i32>} : memref<512x128xf32, #tpu.memory_space<vmem>>, vector<1x16xf32>,
      %swap3A_1197 = vector.shape_cast %swap3A_1196 : vector<1x16xf32> to vector<16xf32>
      %swap3A_1198 = vector.shape_cast %get3A_1159 : vector<16xf32> to vector<1x16xf32>
      tpu.vector_store %arg15[%swap3A_1194, %swap3A_1195], %swap3A_1198 {strides = array<i32>} : memref<512x128xf32, #tpu.memory_space<vmem>>, vector<1x16xf32>,
      %swap3A_1199 = arith.index_cast %add3A_1115 : i32 to index
      %swap3A_1200 = arith.constant 112 : index
      %swap3A_1201 = tpu.vector_load %arg15[%swap3A_1199, %swap3A_1200] {strides = array<i32>} : memref<512x128xf32, #tpu.memory_space<vmem>>, vector<1x16xf32>,
      %swap3A_1202 = vector.shape_cast %swap3A_1201 : vector<1x16xf32> to vector<16xf32>
      %swap3A_1203 = vector.shape_cast %get3A_1163 : vector<16xf32> to vector<1x16xf32>
      tpu.vector_store %arg15[%swap3A_1199, %swap3A_1200], %swap3A_1203 {strides = array<i32>} : memref<512x128xf32, #tpu.memory_space<vmem>>, vector<1x16xf32>,
      %add3A_1204 = arith.constant 256 : i32
      %add3A_1205 = arith.addi %add3A_1204, %mul3A_88 : i32
      %add3A_1206 = arith.constant 12 : i32
      %add3A_1207 = arith.addi %add3A_1205, %add3A_1206 : i32
      %slice3A_1208 = vector.extract_strided_slice %get3A_92 {offsets = [12], sizes = [1], strides = [1]} : vector<16xi32> to vector<1xi32>
      %squeeze3A_1209 = vector.extract %slice3A_1208[0] : i32 from vector<1xi32>
      %slice3A_1210 = vector.extract_strided_slice %get3A_97 {offsets = [12], sizes = [1], strides = [1]} : vector<16xi32> to vector<1xi32>
      %squeeze3A_1211 = vector.extract %slice3A_1210[0] : i32 from vector<1xi32>
      %slice3A_1212 = vector.extract_strided_slice %get3A_102 {offsets = [12], sizes = [1], strides = [1]} : vector<16xi32> to vector<1xi32>
      %squeeze3A_1213 = vector.extract %slice3A_1212[0] : i32 from vector<1xi32>
      %get3A_1214 = arith.index_cast %squeeze3A_1209 : i32 to index
      %get3A_1215 = arith.constant 0 : index
      %get3A_1216 = tpu.vector_load %arg12[%get3A_1214, %get3A_1215] {strides = array<i32>} : memref<64x48xf32, #tpu.memory_space<vmem>>, vector<1x16xf32>,
      %get3A_1217 = vector.shape_cast %get3A_1216 : vector<1x16xf32> to vector<16xf32>
      %get3A_1218 = arith.index_cast %squeeze3A_1209 : i32 to index
      %get3A_1219 = arith.constant 16 : index
      %get3A_1220 = tpu.vector_load %arg12[%get3A_1218, %get3A_1219] {strides = array<i32>} : memref<64x48xf32, #tpu.memory_space<vmem>>, vector<1x16xf32>,
      %get3A_1221 = vector.shape_cast %get3A_1220 : vector<1x16xf32> to vector<16xf32>
      %get3A_1222 = arith.index_cast %squeeze3A_1209 : i32 to index
      %get3A_1223 = arith.constant 32 : index
      %get3A_1224 = tpu.vector_load %arg12[%get3A_1222, %get3A_1223] {strides = array<i32>} : memref<64x48xf32, #tpu.memory_space<vmem>>, vector<1x16xf32>,
      %get3A_1225 = vector.shape_cast %get3A_1224 : vector<1x16xf32> to vector<16xf32>
      %get3A_1226 = arith.index_cast %squeeze3A_1211 : i32 to index
      %get3A_1227 = arith.constant 32 : index
      %get3A_1228 = tpu.vector_load %arg13[%get3A_1226, %get3A_1227] {strides = array<i32>} : memref<32x128xf32, #tpu.memory_space<vmem>>, vector<1x16xf32>,
      %get3A_1229 = vector.shape_cast %get3A_1228 : vector<1x16xf32> to vector<16xf32>
      %add3A_1230 = arith.addf %get3A_1225, %get3A_1229 : vector<16xf32>
      %get3A_1231 = arith.index_cast %squeeze3A_1211 : i32 to index
      %get3A_1232 = arith.constant 48 : index
      %get3A_1233 = tpu.vector_load %arg13[%get3A_1231, %get3A_1232] {strides = array<i32>} : memref<32x128xf32, #tpu.memory_space<vmem>>, vector<1x16xf32>,
      %get3A_1234 = vector.shape_cast %get3A_1233 : vector<1x16xf32> to vector<16xf32>
      %get3A_1235 = arith.index_cast %squeeze3A_1211 : i32 to index
      %get3A_1236 = arith.constant 64 : index
      %get3A_1237 = tpu.vector_load %arg13[%get3A_1235, %get3A_1236] {strides = array<i32>} : memref<32x128xf32, #tpu.memory_space<vmem>>, vector<1x16xf32>,
      %get3A_1238 = vector.shape_cast %get3A_1237 : vector<1x16xf32> to vector<16xf32>
      %get3A_1239 = arith.index_cast %squeeze3A_1211 : i32 to index
      %get3A_1240 = arith.constant 80 : index
      %get3A_1241 = tpu.vector_load %arg13[%get3A_1239, %get3A_1240] {strides = array<i32>} : memref<32x128xf32, #tpu.memory_space<vmem>>, vector<1x16xf32>,
      %get3A_1242 = vector.shape_cast %get3A_1241 : vector<1x16xf32> to vector<16xf32>
      %get3A_1243 = arith.index_cast %squeeze3A_1213 : i32 to index
      %get3A_1244 = arith.constant 0 : index
      %get3A_1245 = tpu.vector_load %arg14[%get3A_1243, %get3A_1244] {strides = array<i32>} : memref<16x48xf32, #tpu.memory_space<vmem>>, vector<1x16xf32>,
      %get3A_1246 = vector.shape_cast %get3A_1245 : vector<1x16xf32> to vector<16xf32>
      %add3A_1247 = arith.addf %get3A_1242, %get3A_1246 : vector<16xf32>
      %get3A_1248 = arith.index_cast %squeeze3A_1213 : i32 to index
      %get3A_1249 = arith.constant 16 : index
      %get3A_1250 = tpu.vector_load %arg14[%get3A_1248, %get3A_1249] {strides = array<i32>} : memref<16x48xf32, #tpu.memory_space<vmem>>, vector<1x16xf32>,
      %get3A_1251 = vector.shape_cast %get3A_1250 : vector<1x16xf32> to vector<16xf32>
      %get3A_1252 = arith.index_cast %squeeze3A_1213 : i32 to index
      %get3A_1253 = arith.constant 32 : index
      %get3A_1254 = tpu.vector_load %arg14[%get3A_1252, %get3A_1253] {strides = array<i32>} : memref<16x48xf32, #tpu.memory_space<vmem>>, vector<1x16xf32>,
      %get3A_1255 = vector.shape_cast %get3A_1254 : vector<1x16xf32> to vector<16xf32>
      %swap3A_1256 = arith.index_cast %add3A_1207 : i32 to index
      %swap3A_1257 = arith.constant 0 : index
      %swap3A_1258 = tpu.vector_load %arg15[%swap3A_1256, %swap3A_1257] {strides = array<i32>} : memref<512x128xf32, #tpu.memory_space<vmem>>, vector<1x16xf32>,
      %swap3A_1259 = vector.shape_cast %swap3A_1258 : vector<1x16xf32> to vector<16xf32>
      %swap3A_1260 = vector.shape_cast %get3A_1217 : vector<16xf32> to vector<1x16xf32>
      tpu.vector_store %arg15[%swap3A_1256, %swap3A_1257], %swap3A_1260 {strides = array<i32>} : memref<512x128xf32, #tpu.memory_space<vmem>>, vector<1x16xf32>,
      %swap3A_1261 = arith.index_cast %add3A_1207 : i32 to index
      %swap3A_1262 = arith.constant 16 : index
      %swap3A_1263 = tpu.vector_load %arg15[%swap3A_1261, %swap3A_1262] {strides = array<i32>} : memref<512x128xf32, #tpu.memory_space<vmem>>, vector<1x16xf32>,
      %swap3A_1264 = vector.shape_cast %swap3A_1263 : vector<1x16xf32> to vector<16xf32>
      %swap3A_1265 = vector.shape_cast %get3A_1221 : vector<16xf32> to vector<1x16xf32>
      tpu.vector_store %arg15[%swap3A_1261, %swap3A_1262], %swap3A_1265 {strides = array<i32>} : memref<512x128xf32, #tpu.memory_space<vmem>>, vector<1x16xf32>,
      %swap3A_1266 = arith.index_cast %add3A_1207 : i32 to index
      %swap3A_1267 = arith.constant 32 : index
      %swap3A_1268 = tpu.vector_load %arg15[%swap3A_1266, %swap3A_1267] {strides = array<i32>} : memref<512x128xf32, #tpu.memory_space<vmem>>, vector<1x16xf32>,
      %swap3A_1269 = vector.shape_cast %swap3A_1268 : vector<1x16xf32> to vector<16xf32>
      %swap3A_1270 = vector.shape_cast %add3A_1230 : vector<16xf32> to vector<1x16xf32>
      tpu.vector_store %arg15[%swap3A_1266, %swap3A_1267], %swap3A_1270 {strides = array<i32>} : memref<512x128xf32, #tpu.memory_space<vmem>>, vector<1x16xf32>,
      %swap3A_1271 = arith.index_cast %add3A_1207 : i32 to index
      %swap3A_1272 = arith.constant 48 : index
      %swap3A_1273 = tpu.vector_load %arg15[%swap3A_1271, %swap3A_1272] {strides = array<i32>} : memref<512x128xf32, #tpu.memory_space<vmem>>, vector<1x16xf32>,
      %swap3A_1274 = vector.shape_cast %swap3A_1273 : vector<1x16xf32> to vector<16xf32>
      %swap3A_1275 = vector.shape_cast %get3A_1234 : vector<16xf32> to vector<1x16xf32>
      tpu.vector_store %arg15[%swap3A_1271, %swap3A_1272], %swap3A_1275 {strides = array<i32>} : memref<512x128xf32, #tpu.memory_space<vmem>>, vector<1x16xf32>,
      %swap3A_1276 = arith.index_cast %add3A_1207 : i32 to index
      %swap3A_1277 = arith.constant 64 : index
      %swap3A_1278 = tpu.vector_load %arg15[%swap3A_1276, %swap3A_1277] {strides = array<i32>} : memref<512x128xf32, #tpu.memory_space<vmem>>, vector<1x16xf32>,
      %swap3A_1279 = vector.shape_cast %swap3A_1278 : vector<1x16xf32> to vector<16xf32>
      %swap3A_1280 = vector.shape_cast %get3A_1238 : vector<16xf32> to vector<1x16xf32>
      tpu.vector_store %arg15[%swap3A_1276, %swap3A_1277], %swap3A_1280 {strides = array<i32>} : memref<512x128xf32, #tpu.memory_space<vmem>>, vector<1x16xf32>,
      %swap3A_1281 = arith.index_cast %add3A_1207 : i32 to index
      %swap3A_1282 = arith.constant 80 : index
      %swap3A_1283 = tpu.vector_load %arg15[%swap3A_1281, %swap3A_1282] {strides = array<i32>} : memref<512x128xf32, #tpu.memory_space<vmem>>, vector<1x16xf32>,
      %swap3A_1284 = vector.shape_cast %swap3A_1283 : vector<1x16xf32> to vector<16xf32>
      %swap3A_1285 = vector.shape_cast %add3A_1247 : vector<16xf32> to vector<1x16xf32>
      tpu.vector_store %arg15[%swap3A_1281, %swap3A_1282], %swap3A_1285 {strides = array<i32>} : memref<512x128xf32, #tpu.memory_space<vmem>>, vector<1x16xf32>,
      %swap3A_1286 = arith.index_cast %add3A_1207 : i32 to index
      %swap3A_1287 = arith.constant 96 : index
      %swap3A_1288 = tpu.vector_load %arg15[%swap3A_1286, %swap3A_1287] {strides = array<i32>} : memref<512x128xf32, #tpu.memory_space<vmem>>, vector<1x16xf32>,
      %swap3A_1289 = vector.shape_cast %swap3A_1288 : vector<1x16xf32> to vector<16xf32>
      %swap3A_1290 = vector.shape_cast %get3A_1251 : vector<16xf32> to vector<1x16xf32>
      tpu.vector_store %arg15[%swap3A_1286, %swap3A_1287], %swap3A_1290 {strides = array<i32>} : memref<512x128xf32, #tpu.memory_space<vmem>>, vector<1x16xf32>,
      %swap3A_1291 = arith.index_cast %add3A_1207 : i32 to index
      %swap3A_1292 = arith.constant 112 : index
      %swap3A_1293 = tpu.vector_load %arg15[%swap3A_1291, %swap3A_1292] {strides = array<i32>} : memref<512x128xf32, #tpu.memory_space<vmem>>, vector<1x16xf32>,
      %swap3A_1294 = vector.shape_cast %swap3A_1293 : vector<1x16xf32> to vector<16xf32>
      %swap3A_1295 = vector.shape_cast %get3A_1255 : vector<16xf32> to vector<1x16xf32>
      tpu.vector_store %arg15[%swap3A_1291, %swap3A_1292], %swap3A_1295 {strides = array<i32>} : memref<512x128xf32, #tpu.memory_space<vmem>>, vector<1x16xf32>,
      %add3A_1296 = arith.constant 256 : i32
      %add3A_1297 = arith.addi %add3A_1296, %mul3A_88 : i32
      %add3A_1298 = arith.constant 13 : i32
      %add3A_1299 = arith.addi %add3A_1297, %add3A_1298 : i32
      %slice3A_1300 = vector.extract_strided_slice %get3A_92 {offsets = [13], sizes = [1], strides = [1]} : vector<16xi32> to vector<1xi32>
      %squeeze3A_1301 = vector.extract %slice3A_1300[0] : i32 from vector<1xi32>
      %slice3A_1302 = vector.extract_strided_slice %get3A_97 {offsets = [13], sizes = [1], strides = [1]} : vector<16xi32> to vector<1xi32>
      %squeeze3A_1303 = vector.extract %slice3A_1302[0] : i32 from vector<1xi32>
      %slice3A_1304 = vector.extract_strided_slice %get3A_102 {offsets = [13], sizes = [1], strides = [1]} : vector<16xi32> to vector<1xi32>
      %squeeze3A_1305 = vector.extract %slice3A_1304[0] : i32 from vector<1xi32>
      %get3A_1306 = arith.index_cast %squeeze3A_1301 : i32 to index
      %get3A_1307 = arith.constant 0 : index
      %get3A_1308 = tpu.vector_load %arg12[%get3A_1306, %get3A_1307] {strides = array<i32>} : memref<64x48xf32, #tpu.memory_space<vmem>>, vector<1x16xf32>,
      %get3A_1309 = vector.shape_cast %get3A_1308 : vector<1x16xf32> to vector<16xf32>
      %get3A_1310 = arith.index_cast %squeeze3A_1301 : i32 to index
      %get3A_1311 = arith.constant 16 : index
      %get3A_1312 = tpu.vector_load %arg12[%get3A_1310, %get3A_1311] {strides = array<i32>} : memref<64x48xf32, #tpu.memory_space<vmem>>, vector<1x16xf32>,
      %get3A_1313 = vector.shape_cast %get3A_1312 : vector<1x16xf32> to vector<16xf32>
      %get3A_1314 = arith.index_cast %squeeze3A_1301 : i32 to index
      %get3A_1315 = arith.constant 32 : index
      %get3A_1316 = tpu.vector_load %arg12[%get3A_1314, %get3A_1315] {strides = array<i32>} : memref<64x48xf32, #tpu.memory_space<vmem>>, vector<1x16xf32>,
      %get3A_1317 = vector.shape_cast %get3A_1316 : vector<1x16xf32> to vector<16xf32>
      %get3A_1318 = arith.index_cast %squeeze3A_1303 : i32 to index
      %get3A_1319 = arith.constant 32 : index
      %get3A_1320 = tpu.vector_load %arg13[%get3A_1318, %get3A_1319] {strides = array<i32>} : memref<32x128xf32, #tpu.memory_space<vmem>>, vector<1x16xf32>,
      %get3A_1321 = vector.shape_cast %get3A_1320 : vector<1x16xf32> to vector<16xf32>
      %add3A_1322 = arith.addf %get3A_1317, %get3A_1321 : vector<16xf32>
      %get3A_1323 = arith.index_cast %squeeze3A_1303 : i32 to index
      %get3A_1324 = arith.constant 48 : index
      %get3A_1325 = tpu.vector_load %arg13[%get3A_1323, %get3A_1324] {strides = array<i32>} : memref<32x128xf32, #tpu.memory_space<vmem>>, vector<1x16xf32>,
      %get3A_1326 = vector.shape_cast %get3A_1325 : vector<1x16xf32> to vector<16xf32>
      %get3A_1327 = arith.index_cast %squeeze3A_1303 : i32 to index
      %get3A_1328 = arith.constant 64 : index
      %get3A_1329 = tpu.vector_load %arg13[%get3A_1327, %get3A_1328] {strides = array<i32>} : memref<32x128xf32, #tpu.memory_space<vmem>>, vector<1x16xf32>,
      %get3A_1330 = vector.shape_cast %get3A_1329 : vector<1x16xf32> to vector<16xf32>
      %get3A_1331 = arith.index_cast %squeeze3A_1303 : i32 to index
      %get3A_1332 = arith.constant 80 : index
      %get3A_1333 = tpu.vector_load %arg13[%get3A_1331, %get3A_1332] {strides = array<i32>} : memref<32x128xf32, #tpu.memory_space<vmem>>, vector<1x16xf32>,
      %get3A_1334 = vector.shape_cast %get3A_1333 : vector<1x16xf32> to vector<16xf32>
      %get3A_1335 = arith.index_cast %squeeze3A_1305 : i32 to index
      %get3A_1336 = arith.constant 0 : index
      %get3A_1337 = tpu.vector_load %arg14[%get3A_1335, %get3A_1336] {strides = array<i32>} : memref<16x48xf32, #tpu.memory_space<vmem>>, vector<1x16xf32>,
      %get3A_1338 = vector.shape_cast %get3A_1337 : vector<1x16xf32> to vector<16xf32>
      %add3A_1339 = arith.addf %get3A_1334, %get3A_1338 : vector<16xf32>
      %get3A_1340 = arith.index_cast %squeeze3A_1305 : i32 to index
      %get3A_1341 = arith.constant 16 : index
      %get3A_1342 = tpu.vector_load %arg14[%get3A_1340, %get3A_1341] {strides = array<i32>} : memref<16x48xf32, #tpu.memory_space<vmem>>, vector<1x16xf32>,
      %get3A_1343 = vector.shape_cast %get3A_1342 : vector<1x16xf32> to vector<16xf32>
      %get3A_1344 = arith.index_cast %squeeze3A_1305 : i32 to index
      %get3A_1345 = arith.constant 32 : index
      %get3A_1346 = tpu.vector_load %arg14[%get3A_1344, %get3A_1345] {strides = array<i32>} : memref<16x48xf32, #tpu.memory_space<vmem>>, vector<1x16xf32>,
      %get3A_1347 = vector.shape_cast %get3A_1346 : vector<1x16xf32> to vector<16xf32>
      %swap3A_1348 = arith.index_cast %add3A_1299 : i32 to index
      %swap3A_1349 = arith.constant 0 : index
      %swap3A_1350 = tpu.vector_load %arg15[%swap3A_1348, %swap3A_1349] {strides = array<i32>} : memref<512x128xf32, #tpu.memory_space<vmem>>, vector<1x16xf32>,
      %swap3A_1351 = vector.shape_cast %swap3A_1350 : vector<1x16xf32> to vector<16xf32>
      %swap3A_1352 = vector.shape_cast %get3A_1309 : vector<16xf32> to vector<1x16xf32>
      tpu.vector_store %arg15[%swap3A_1348, %swap3A_1349], %swap3A_1352 {strides = array<i32>} : memref<512x128xf32, #tpu.memory_space<vmem>>, vector<1x16xf32>,
      %swap3A_1353 = arith.index_cast %add3A_1299 : i32 to index
      %swap3A_1354 = arith.constant 16 : index
      %swap3A_1355 = tpu.vector_load %arg15[%swap3A_1353, %swap3A_1354] {strides = array<i32>} : memref<512x128xf32, #tpu.memory_space<vmem>>, vector<1x16xf32>,
      %swap3A_1356 = vector.shape_cast %swap3A_1355 : vector<1x16xf32> to vector<16xf32>
      %swap3A_1357 = vector.shape_cast %get3A_1313 : vector<16xf32> to vector<1x16xf32>
      tpu.vector_store %arg15[%swap3A_1353, %swap3A_1354], %swap3A_1357 {strides = array<i32>} : memref<512x128xf32, #tpu.memory_space<vmem>>, vector<1x16xf32>,
      %swap3A_1358 = arith.index_cast %add3A_1299 : i32 to index
      %swap3A_1359 = arith.constant 32 : index
      %swap3A_1360 = tpu.vector_load %arg15[%swap3A_1358, %swap3A_1359] {strides = array<i32>} : memref<512x128xf32, #tpu.memory_space<vmem>>, vector<1x16xf32>,
      %swap3A_1361 = vector.shape_cast %swap3A_1360 : vector<1x16xf32> to vector<16xf32>
      %swap3A_1362 = vector.shape_cast %add3A_1322 : vector<16xf32> to vector<1x16xf32>
      tpu.vector_store %arg15[%swap3A_1358, %swap3A_1359], %swap3A_1362 {strides = array<i32>} : memref<512x128xf32, #tpu.memory_space<vmem>>, vector<1x16xf32>,
      %swap3A_1363 = arith.index_cast %add3A_1299 : i32 to index
      %swap3A_1364 = arith.constant 48 : index
      %swap3A_1365 = tpu.vector_load %arg15[%swap3A_1363, %swap3A_1364] {strides = array<i32>} : memref<512x128xf32, #tpu.memory_space<vmem>>, vector<1x16xf32>,
      %swap3A_1366 = vector.shape_cast %swap3A_1365 : vector<1x16xf32> to vector<16xf32>
      %swap3A_1367 = vector.shape_cast %get3A_1326 : vector<16xf32> to vector<1x16xf32>
      tpu.vector_store %arg15[%swap3A_1363, %swap3A_1364], %swap3A_1367 {strides = array<i32>} : memref<512x128xf32, #tpu.memory_space<vmem>>, vector<1x16xf32>,
      %swap3A_1368 = arith.index_cast %add3A_1299 : i32 to index
      %swap3A_1369 = arith.constant 64 : index
      %swap3A_1370 = tpu.vector_load %arg15[%swap3A_1368, %swap3A_1369] {strides = array<i32>} : memref<512x128xf32, #tpu.memory_space<vmem>>, vector<1x16xf32>,
      %swap3A_1371 = vector.shape_cast %swap3A_1370 : vector<1x16xf32> to vector<16xf32>
      %swap3A_1372 = vector.shape_cast %get3A_1330 : vector<16xf32> to vector<1x16xf32>
      tpu.vector_store %arg15[%swap3A_1368, %swap3A_1369], %swap3A_1372 {strides = array<i32>} : memref<512x128xf32, #tpu.memory_space<vmem>>, vector<1x16xf32>,
      %swap3A_1373 = arith.index_cast %add3A_1299 : i32 to index
      %swap3A_1374 = arith.constant 80 : index
      %swap3A_1375 = tpu.vector_load %arg15[%swap3A_1373, %swap3A_1374] {strides = array<i32>} : memref<512x128xf32, #tpu.memory_space<vmem>>, vector<1x16xf32>,
      %swap3A_1376 = vector.shape_cast %swap3A_1375 : vector<1x16xf32> to vector<16xf32>
      %swap3A_1377 = vector.shape_cast %add3A_1339 : vector<16xf32> to vector<1x16xf32>
      tpu.vector_store %arg15[%swap3A_1373, %swap3A_1374], %swap3A_1377 {strides = array<i32>} : memref<512x128xf32, #tpu.memory_space<vmem>>, vector<1x16xf32>,
      %swap3A_1378 = arith.index_cast %add3A_1299 : i32 to index
      %swap3A_1379 = arith.constant 96 : index
      %swap3A_1380 = tpu.vector_load %arg15[%swap3A_1378, %swap3A_1379] {strides = array<i32>} : memref<512x128xf32, #tpu.memory_space<vmem>>, vector<1x16xf32>,
      %swap3A_1381 = vector.shape_cast %swap3A_1380 : vector<1x16xf32> to vector<16xf32>
      %swap3A_1382 = vector.shape_cast %get3A_1343 : vector<16xf32> to vector<1x16xf32>
      tpu.vector_store %arg15[%swap3A_1378, %swap3A_1379], %swap3A_1382 {strides = array<i32>} : memref<512x128xf32, #tpu.memory_space<vmem>>, vector<1x16xf32>,
      %swap3A_1383 = arith.index_cast %add3A_1299 : i32 to index
      %swap3A_1384 = arith.constant 112 : index
      %swap3A_1385 = tpu.vector_load %arg15[%swap3A_1383, %swap3A_1384] {strides = array<i32>} : memref<512x128xf32, #tpu.memory_space<vmem>>, vector<1x16xf32>,
      %swap3A_1386 = vector.shape_cast %swap3A_1385 : vector<1x16xf32> to vector<16xf32>
      %swap3A_1387 = vector.shape_cast %get3A_1347 : vector<16xf32> to vector<1x16xf32>
      tpu.vector_store %arg15[%swap3A_1383, %swap3A_1384], %swap3A_1387 {strides = array<i32>} : memref<512x128xf32, #tpu.memory_space<vmem>>, vector<1x16xf32>,
      %add3A_1388 = arith.constant 256 : i32
      %add3A_1389 = arith.addi %add3A_1388, %mul3A_88 : i32
      %add3A_1390 = arith.constant 14 : i32
      %add3A_1391 = arith.addi %add3A_1389, %add3A_1390 : i32
      %slice3A_1392 = vector.extract_strided_slice %get3A_92 {offsets = [14], sizes = [1], strides = [1]} : vector<16xi32> to vector<1xi32>
      %squeeze3A_1393 = vector.extract %slice3A_1392[0] : i32 from vector<1xi32>
      %slice3A_1394 = vector.extract_strided_slice %get3A_97 {offsets = [14], sizes = [1], strides = [1]} : vector<16xi32> to vector<1xi32>
      %squeeze3A_1395 = vector.extract %slice3A_1394[0] : i32 from vector<1xi32>
      %slice3A_1396 = vector.extract_strided_slice %get3A_102 {offsets = [14], sizes = [1], strides = [1]} : vector<16xi32> to vector<1xi32>
      %squeeze3A_1397 = vector.extract %slice3A_1396[0] : i32 from vector<1xi32>
      %get3A_1398 = arith.index_cast %squeeze3A_1393 : i32 to index
      %get3A_1399 = arith.constant 0 : index
      %get3A_1400 = tpu.vector_load %arg12[%get3A_1398, %get3A_1399] {strides = array<i32>} : memref<64x48xf32, #tpu.memory_space<vmem>>, vector<1x16xf32>,
      %get3A_1401 = vector.shape_cast %get3A_1400 : vector<1x16xf32> to vector<16xf32>
      %get3A_1402 = arith.index_cast %squeeze3A_1393 : i32 to index
      %get3A_1403 = arith.constant 16 : index
      %get3A_1404 = tpu.vector_load %arg12[%get3A_1402, %get3A_1403] {strides = array<i32>} : memref<64x48xf32, #tpu.memory_space<vmem>>, vector<1x16xf32>,
      %get3A_1405 = vector.shape_cast %get3A_1404 : vector<1x16xf32> to vector<16xf32>
      %get3A_1406 = arith.index_cast %squeeze3A_1393 : i32 to index
      %get3A_1407 = arith.constant 32 : index
      %get3A_1408 = tpu.vector_load %arg12[%get3A_1406, %get3A_1407] {strides = array<i32>} : memref<64x48xf32, #tpu.memory_space<vmem>>, vector<1x16xf32>,
      %get3A_1409 = vector.shape_cast %get3A_1408 : vector<1x16xf32> to vector<16xf32>
      %get3A_1410 = arith.index_cast %squeeze3A_1395 : i32 to index
      %get3A_1411 = arith.constant 32 : index
      %get3A_1412 = tpu.vector_load %arg13[%get3A_1410, %get3A_1411] {strides = array<i32>} : memref<32x128xf32, #tpu.memory_space<vmem>>, vector<1x16xf32>,
      %get3A_1413 = vector.shape_cast %get3A_1412 : vector<1x16xf32> to vector<16xf32>
      %add3A_1414 = arith.addf %get3A_1409, %get3A_1413 : vector<16xf32>
      %get3A_1415 = arith.index_cast %squeeze3A_1395 : i32 to index
      %get3A_1416 = arith.constant 48 : index
      %get3A_1417 = tpu.vector_load %arg13[%get3A_1415, %get3A_1416] {strides = array<i32>} : memref<32x128xf32, #tpu.memory_space<vmem>>, vector<1x16xf32>,
      %get3A_1418 = vector.shape_cast %get3A_1417 : vector<1x16xf32> to vector<16xf32>
      %get3A_1419 = arith.index_cast %squeeze3A_1395 : i32 to index
      %get3A_1420 = arith.constant 64 : index
      %get3A_1421 = tpu.vector_load %arg13[%get3A_1419, %get3A_1420] {strides = array<i32>} : memref<32x128xf32, #tpu.memory_space<vmem>>, vector<1x16xf32>,
      %get3A_1422 = vector.shape_cast %get3A_1421 : vector<1x16xf32> to vector<16xf32>
      %get3A_1423 = arith.index_cast %squeeze3A_1395 : i32 to index
      %get3A_1424 = arith.constant 80 : index
      %get3A_1425 = tpu.vector_load %arg13[%get3A_1423, %get3A_1424] {strides = array<i32>} : memref<32x128xf32, #tpu.memory_space<vmem>>, vector<1x16xf32>,
      %get3A_1426 = vector.shape_cast %get3A_1425 : vector<1x16xf32> to vector<16xf32>
      %get3A_1427 = arith.index_cast %squeeze3A_1397 : i32 to index
      %get3A_1428 = arith.constant 0 : index
      %get3A_1429 = tpu.vector_load %arg14[%get3A_1427, %get3A_1428] {strides = array<i32>} : memref<16x48xf32, #tpu.memory_space<vmem>>, vector<1x16xf32>,
      %get3A_1430 = vector.shape_cast %get3A_1429 : vector<1x16xf32> to vector<16xf32>
      %add3A_1431 = arith.addf %get3A_1426, %get3A_1430 : vector<16xf32>
      %get3A_1432 = arith.index_cast %squeeze3A_1397 : i32 to index
      %get3A_1433 = arith.constant 16 : index
      %get3A_1434 = tpu.vector_load %arg14[%get3A_1432, %get3A_1433] {strides = array<i32>} : memref<16x48xf32, #tpu.memory_space<vmem>>, vector<1x16xf32>,
      %get3A_1435 = vector.shape_cast %get3A_1434 : vector<1x16xf32> to vector<16xf32>
      %get3A_1436 = arith.index_cast %squeeze3A_1397 : i32 to index
      %get3A_1437 = arith.constant 32 : index
      %get3A_1438 = tpu.vector_load %arg14[%get3A_1436, %get3A_1437] {strides = array<i32>} : memref<16x48xf32, #tpu.memory_space<vmem>>, vector<1x16xf32>,
      %get3A_1439 = vector.shape_cast %get3A_1438 : vector<1x16xf32> to vector<16xf32>
      %swap3A_1440 = arith.index_cast %add3A_1391 : i32 to index
      %swap3A_1441 = arith.constant 0 : index
      %swap3A_1442 = tpu.vector_load %arg15[%swap3A_1440, %swap3A_1441] {strides = array<i32>} : memref<512x128xf32, #tpu.memory_space<vmem>>, vector<1x16xf32>,
      %swap3A_1443 = vector.shape_cast %swap3A_1442 : vector<1x16xf32> to vector<16xf32>
      %swap3A_1444 = vector.shape_cast %get3A_1401 : vector<16xf32> to vector<1x16xf32>
      tpu.vector_store %arg15[%swap3A_1440, %swap3A_1441], %swap3A_1444 {strides = array<i32>} : memref<512x128xf32, #tpu.memory_space<vmem>>, vector<1x16xf32>,
      %swap3A_1445 = arith.index_cast %add3A_1391 : i32 to index
      %swap3A_1446 = arith.constant 16 : index
      %swap3A_1447 = tpu.vector_load %arg15[%swap3A_1445, %swap3A_1446] {strides = array<i32>} : memref<512x128xf32, #tpu.memory_space<vmem>>, vector<1x16xf32>,
      %swap3A_1448 = vector.shape_cast %swap3A_1447 : vector<1x16xf32> to vector<16xf32>
      %swap3A_1449 = vector.shape_cast %get3A_1405 : vector<16xf32> to vector<1x16xf32>
      tpu.vector_store %arg15[%swap3A_1445, %swap3A_1446], %swap3A_1449 {strides = array<i32>} : memref<512x128xf32, #tpu.memory_space<vmem>>, vector<1x16xf32>,
      %swap3A_1450 = arith.index_cast %add3A_1391 : i32 to index
      %swap3A_1451 = arith.constant 32 : index
      %swap3A_1452 = tpu.vector_load %arg15[%swap3A_1450, %swap3A_1451] {strides = array<i32>} : memref<512x128xf32, #tpu.memory_space<vmem>>, vector<1x16xf32>,
      %swap3A_1453 = vector.shape_cast %swap3A_1452 : vector<1x16xf32> to vector<16xf32>
      %swap3A_1454 = vector.shape_cast %add3A_1414 : vector<16xf32> to vector<1x16xf32>
      tpu.vector_store %arg15[%swap3A_1450, %swap3A_1451], %swap3A_1454 {strides = array<i32>} : memref<512x128xf32, #tpu.memory_space<vmem>>, vector<1x16xf32>,
      %swap3A_1455 = arith.index_cast %add3A_1391 : i32 to index
      %swap3A_1456 = arith.constant 48 : index
      %swap3A_1457 = tpu.vector_load %arg15[%swap3A_1455, %swap3A_1456] {strides = array<i32>} : memref<512x128xf32, #tpu.memory_space<vmem>>, vector<1x16xf32>,
      %swap3A_1458 = vector.shape_cast %swap3A_1457 : vector<1x16xf32> to vector<16xf32>
      %swap3A_1459 = vector.shape_cast %get3A_1418 : vector<16xf32> to vector<1x16xf32>
      tpu.vector_store %arg15[%swap3A_1455, %swap3A_1456], %swap3A_1459 {strides = array<i32>} : memref<512x128xf32, #tpu.memory_space<vmem>>, vector<1x16xf32>,
      %swap3A_1460 = arith.index_cast %add3A_1391 : i32 to index
      %swap3A_1461 = arith.constant 64 : index
      %swap3A_1462 = tpu.vector_load %arg15[%swap3A_1460, %swap3A_1461] {strides = array<i32>} : memref<512x128xf32, #tpu.memory_space<vmem>>, vector<1x16xf32>,
      %swap3A_1463 = vector.shape_cast %swap3A_1462 : vector<1x16xf32> to vector<16xf32>
      %swap3A_1464 = vector.shape_cast %get3A_1422 : vector<16xf32> to vector<1x16xf32>
      tpu.vector_store %arg15[%swap3A_1460, %swap3A_1461], %swap3A_1464 {strides = array<i32>} : memref<512x128xf32, #tpu.memory_space<vmem>>, vector<1x16xf32>,
      %swap3A_1465 = arith.index_cast %add3A_1391 : i32 to index
      %swap3A_1466 = arith.constant 80 : index
      %swap3A_1467 = tpu.vector_load %arg15[%swap3A_1465, %swap3A_1466] {strides = array<i32>} : memref<512x128xf32, #tpu.memory_space<vmem>>, vector<1x16xf32>,
      %swap3A_1468 = vector.shape_cast %swap3A_1467 : vector<1x16xf32> to vector<16xf32>
      %swap3A_1469 = vector.shape_cast %add3A_1431 : vector<16xf32> to vector<1x16xf32>
      tpu.vector_store %arg15[%swap3A_1465, %swap3A_1466], %swap3A_1469 {strides = array<i32>} : memref<512x128xf32, #tpu.memory_space<vmem>>, vector<1x16xf32>,
      %swap3A_1470 = arith.index_cast %add3A_1391 : i32 to index
      %swap3A_1471 = arith.constant 96 : index
      %swap3A_1472 = tpu.vector_load %arg15[%swap3A_1470, %swap3A_1471] {strides = array<i32>} : memref<512x128xf32, #tpu.memory_space<vmem>>, vector<1x16xf32>,
      %swap3A_1473 = vector.shape_cast %swap3A_1472 : vector<1x16xf32> to vector<16xf32>
      %swap3A_1474 = vector.shape_cast %get3A_1435 : vector<16xf32> to vector<1x16xf32>
      tpu.vector_store %arg15[%swap3A_1470, %swap3A_1471], %swap3A_1474 {strides = array<i32>} : memref<512x128xf32, #tpu.memory_space<vmem>>, vector<1x16xf32>,
      %swap3A_1475 = arith.index_cast %add3A_1391 : i32 to index
      %swap3A_1476 = arith.constant 112 : index
      %swap3A_1477 = tpu.vector_load %arg15[%swap3A_1475, %swap3A_1476] {strides = array<i32>} : memref<512x128xf32, #tpu.memory_space<vmem>>, vector<1x16xf32>,
      %swap3A_1478 = vector.shape_cast %swap3A_1477 : vector<1x16xf32> to vector<16xf32>
      %swap3A_1479 = vector.shape_cast %get3A_1439 : vector<16xf32> to vector<1x16xf32>
      tpu.vector_store %arg15[%swap3A_1475, %swap3A_1476], %swap3A_1479 {strides = array<i32>} : memref<512x128xf32, #tpu.memory_space<vmem>>, vector<1x16xf32>,
      %add3A_1480 = arith.constant 256 : i32
      %add3A_1481 = arith.addi %add3A_1480, %mul3A_88 : i32
      %add3A_1482 = arith.constant 15 : i32
      %add3A_1483 = arith.addi %add3A_1481, %add3A_1482 : i32
      %slice3A_1484 = vector.extract_strided_slice %get3A_92 {offsets = [15], sizes = [1], strides = [1]} : vector<16xi32> to vector<1xi32>
      %squeeze3A_1485 = vector.extract %slice3A_1484[0] : i32 from vector<1xi32>
      %slice3A_1486 = vector.extract_strided_slice %get3A_97 {offsets = [15], sizes = [1], strides = [1]} : vector<16xi32> to vector<1xi32>
      %squeeze3A_1487 = vector.extract %slice3A_1486[0] : i32 from vector<1xi32>
      %slice3A_1488 = vector.extract_strided_slice %get3A_102 {offsets = [15], sizes = [1], strides = [1]} : vector<16xi32> to vector<1xi32>
      %squeeze3A_1489 = vector.extract %slice3A_1488[0] : i32 from vector<1xi32>
      %get3A_1490 = arith.index_cast %squeeze3A_1485 : i32 to index
      %get3A_1491 = arith.constant 0 : index
      %get3A_1492 = tpu.vector_load %arg12[%get3A_1490, %get3A_1491] {strides = array<i32>} : memref<64x48xf32, #tpu.memory_space<vmem>>, vector<1x16xf32>,
      %get3A_1493 = vector.shape_cast %get3A_1492 : vector<1x16xf32> to vector<16xf32>
      %get3A_1494 = arith.index_cast %squeeze3A_1485 : i32 to index
      %get3A_1495 = arith.constant 16 : index
      %get3A_1496 = tpu.vector_load %arg12[%get3A_1494, %get3A_1495] {strides = array<i32>} : memref<64x48xf32, #tpu.memory_space<vmem>>, vector<1x16xf32>,
      %get3A_1497 = vector.shape_cast %get3A_1496 : vector<1x16xf32> to vector<16xf32>
      %get3A_1498 = arith.index_cast %squeeze3A_1485 : i32 to index
      %get3A_1499 = arith.constant 32 : index
      %get3A_1500 = tpu.vector_load %arg12[%get3A_1498, %get3A_1499] {strides = array<i32>} : memref<64x48xf32, #tpu.memory_space<vmem>>, vector<1x16xf32>,
      %get3A_1501 = vector.shape_cast %get3A_1500 : vector<1x16xf32> to vector<16xf32>
      %get3A_1502 = arith.index_cast %squeeze3A_1487 : i32 to index
      %get3A_1503 = arith.constant 32 : index
      %get3A_1504 = tpu.vector_load %arg13[%get3A_1502, %get3A_1503] {strides = array<i32>} : memref<32x128xf32, #tpu.memory_space<vmem>>, vector<1x16xf32>,
      %get3A_1505 = vector.shape_cast %get3A_1504 : vector<1x16xf32> to vector<16xf32>
      %add3A_1506 = arith.addf %get3A_1501, %get3A_1505 : vector<16xf32>
      %get3A_1507 = arith.index_cast %squeeze3A_1487 : i32 to index
      %get3A_1508 = arith.constant 48 : index
      %get3A_1509 = tpu.vector_load %arg13[%get3A_1507, %get3A_1508] {strides = array<i32>} : memref<32x128xf32, #tpu.memory_space<vmem>>, vector<1x16xf32>,
      %get3A_1510 = vector.shape_cast %get3A_1509 : vector<1x16xf32> to vector<16xf32>
      %get3A_1511 = arith.index_cast %squeeze3A_1487 : i32 to index
      %get3A_1512 = arith.constant 64 : index
      %get3A_1513 = tpu.vector_load %arg13[%get3A_1511, %get3A_1512] {strides = array<i32>} : memref<32x128xf32, #tpu.memory_space<vmem>>, vector<1x16xf32>,
      %get3A_1514 = vector.shape_cast %get3A_1513 : vector<1x16xf32> to vector<16xf32>
      %get3A_1515 = arith.index_cast %squeeze3A_1487 : i32 to index
      %get3A_1516 = arith.constant 80 : index
      %get3A_1517 = tpu.vector_load %arg13[%get3A_1515, %get3A_1516] {strides = array<i32>} : memref<32x128xf32, #tpu.memory_space<vmem>>, vector<1x16xf32>,
      %get3A_1518 = vector.shape_cast %get3A_1517 : vector<1x16xf32> to vector<16xf32>
      %get3A_1519 = arith.index_cast %squeeze3A_1489 : i32 to index
      %get3A_1520 = arith.constant 0 : index
      %get3A_1521 = tpu.vector_load %arg14[%get3A_1519, %get3A_1520] {strides = array<i32>} : memref<16x48xf32, #tpu.memory_space<vmem>>, vector<1x16xf32>,
      %get3A_1522 = vector.shape_cast %get3A_1521 : vector<1x16xf32> to vector<16xf32>
      %add3A_1523 = arith.addf %get3A_1518, %get3A_1522 : vector<16xf32>
      %get3A_1524 = arith.index_cast %squeeze3A_1489 : i32 to index
      %get3A_1525 = arith.constant 16 : index
      %get3A_1526 = tpu.vector_load %arg14[%get3A_1524, %get3A_1525] {strides = array<i32>} : memref<16x48xf32, #tpu.memory_space<vmem>>, vector<1x16xf32>,
      %get3A_1527 = vector.shape_cast %get3A_1526 : vector<1x16xf32> to vector<16xf32>
      %get3A_1528 = arith.index_cast %squeeze3A_1489 : i32 to index
      %get3A_1529 = arith.constant 32 : index
      %get3A_1530 = tpu.vector_load %arg14[%get3A_1528, %get3A_1529] {strides = array<i32>} : memref<16x48xf32, #tpu.memory_space<vmem>>, vector<1x16xf32>,
      %get3A_1531 = vector.shape_cast %get3A_1530 : vector<1x16xf32> to vector<16xf32>
      %swap3A_1532 = arith.index_cast %add3A_1483 : i32 to index
      %swap3A_1533 = arith.constant 0 : index
      %swap3A_1534 = tpu.vector_load %arg15[%swap3A_1532, %swap3A_1533] {strides = array<i32>} : memref<512x128xf32, #tpu.memory_space<vmem>>, vector<1x16xf32>,
      %swap3A_1535 = vector.shape_cast %swap3A_1534 : vector<1x16xf32> to vector<16xf32>
      %swap3A_1536 = vector.shape_cast %get3A_1493 : vector<16xf32> to vector<1x16xf32>
      tpu.vector_store %arg15[%swap3A_1532, %swap3A_1533], %swap3A_1536 {strides = array<i32>} : memref<512x128xf32, #tpu.memory_space<vmem>>, vector<1x16xf32>,
      %swap3A_1537 = arith.index_cast %add3A_1483 : i32 to index
      %swap3A_1538 = arith.constant 16 : index
      %swap3A_1539 = tpu.vector_load %arg15[%swap3A_1537, %swap3A_1538] {strides = array<i32>} : memref<512x128xf32, #tpu.memory_space<vmem>>, vector<1x16xf32>,
      %swap3A_1540 = vector.shape_cast %swap3A_1539 : vector<1x16xf32> to vector<16xf32>
      %swap3A_1541 = vector.shape_cast %get3A_1497 : vector<16xf32> to vector<1x16xf32>
      tpu.vector_store %arg15[%swap3A_1537, %swap3A_1538], %swap3A_1541 {strides = array<i32>} : memref<512x128xf32, #tpu.memory_space<vmem>>, vector<1x16xf32>,
      %swap3A_1542 = arith.index_cast %add3A_1483 : i32 to index
      %swap3A_1543 = arith.constant 32 : index
      %swap3A_1544 = tpu.vector_load %arg15[%swap3A_1542, %swap3A_1543] {strides = array<i32>} : memref<512x128xf32, #tpu.memory_space<vmem>>, vector<1x16xf32>,
      %swap3A_1545 = vector.shape_cast %swap3A_1544 : vector<1x16xf32> to vector<16xf32>
      %swap3A_1546 = vector.shape_cast %add3A_1506 : vector<16xf32> to vector<1x16xf32>
      tpu.vector_store %arg15[%swap3A_1542, %swap3A_1543], %swap3A_1546 {strides = array<i32>} : memref<512x128xf32, #tpu.memory_space<vmem>>, vector<1x16xf32>,
      %swap3A_1547 = arith.index_cast %add3A_1483 : i32 to index
      %swap3A_1548 = arith.constant 48 : index
      %swap3A_1549 = tpu.vector_load %arg15[%swap3A_1547, %swap3A_1548] {strides = array<i32>} : memref<512x128xf32, #tpu.memory_space<vmem>>, vector<1x16xf32>,
      %swap3A_1550 = vector.shape_cast %swap3A_1549 : vector<1x16xf32> to vector<16xf32>
      %swap3A_1551 = vector.shape_cast %get3A_1510 : vector<16xf32> to vector<1x16xf32>
      tpu.vector_store %arg15[%swap3A_1547, %swap3A_1548], %swap3A_1551 {strides = array<i32>} : memref<512x128xf32, #tpu.memory_space<vmem>>, vector<1x16xf32>,
      %swap3A_1552 = arith.index_cast %add3A_1483 : i32 to index
      %swap3A_1553 = arith.constant 64 : index
      %swap3A_1554 = tpu.vector_load %arg15[%swap3A_1552, %swap3A_1553] {strides = array<i32>} : memref<512x128xf32, #tpu.memory_space<vmem>>, vector<1x16xf32>,
      %swap3A_1555 = vector.shape_cast %swap3A_1554 : vector<1x16xf32> to vector<16xf32>
      %swap3A_1556 = vector.shape_cast %get3A_1514 : vector<16xf32> to vector<1x16xf32>
      tpu.vector_store %arg15[%swap3A_1552, %swap3A_1553], %swap3A_1556 {strides = array<i32>} : memref<512x128xf32, #tpu.memory_space<vmem>>, vector<1x16xf32>,
      %swap3A_1557 = arith.index_cast %add3A_1483 : i32 to index
      %swap3A_1558 = arith.constant 80 : index
      %swap3A_1559 = tpu.vector_load %arg15[%swap3A_1557, %swap3A_1558] {strides = array<i32>} : memref<512x128xf32, #tpu.memory_space<vmem>>, vector<1x16xf32>,
      %swap3A_1560 = vector.shape_cast %swap3A_1559 : vector<1x16xf32> to vector<16xf32>
      %swap3A_1561 = vector.shape_cast %add3A_1523 : vector<16xf32> to vector<1x16xf32>
      tpu.vector_store %arg15[%swap3A_1557, %swap3A_1558], %swap3A_1561 {strides = array<i32>} : memref<512x128xf32, #tpu.memory_space<vmem>>, vector<1x16xf32>,
      %swap3A_1562 = arith.index_cast %add3A_1483 : i32 to index
      %swap3A_1563 = arith.constant 96 : index
      %swap3A_1564 = tpu.vector_load %arg15[%swap3A_1562, %swap3A_1563] {strides = array<i32>} : memref<512x128xf32, #tpu.memory_space<vmem>>, vector<1x16xf32>,
      %swap3A_1565 = vector.shape_cast %swap3A_1564 : vector<1x16xf32> to vector<16xf32>
      %swap3A_1566 = vector.shape_cast %get3A_1527 : vector<16xf32> to vector<1x16xf32>
      tpu.vector_store %arg15[%swap3A_1562, %swap3A_1563], %swap3A_1566 {strides = array<i32>} : memref<512x128xf32, #tpu.memory_space<vmem>>, vector<1x16xf32>,
      %swap3A_1567 = arith.index_cast %add3A_1483 : i32 to index
      %swap3A_1568 = arith.constant 112 : index
      %swap3A_1569 = tpu.vector_load %arg15[%swap3A_1567, %swap3A_1568] {strides = array<i32>} : memref<512x128xf32, #tpu.memory_space<vmem>>, vector<1x16xf32>,
      %swap3A_1570 = vector.shape_cast %swap3A_1569 : vector<1x16xf32> to vector<16xf32>
      %swap3A_1571 = vector.shape_cast %get3A_1531 : vector<16xf32> to vector<1x16xf32>
      tpu.vector_store %arg15[%swap3A_1567, %swap3A_1568], %swap3A_1571 {strides = array<i32>} : memref<512x128xf32, #tpu.memory_space<vmem>>, vector<1x16xf32>,
    }
    %scan3A_53 = arith.constant 16 : i32
    %add3A_54 = arith.constant 256 : i32
    %add3A_55 = arith.addi %mul3A_2, %add3A_54 : i32
    %dma_start3A_56 = arith.constant 256 : i32
    %dma_start3A_57 = arith.constant 0 : i32
    %dma_start3A_58 = tpu.memref_slice %arg15[%dma_start3A_56, %dma_start3A_57] : memref<512x128xf32, #tpu.memory_space<vmem>> -> memref<256x128xf32, #tpu.memory_space<vmem>>
    %dma_start3A_59 = arith.constant 0 : i32
    %dma_start3A_60 = tpu.memref_slice %arg8[%add3A_55, %dma_start3A_59] : memref<16384x128xf32, #tpu.memory_space<hbm>> -> memref<256x128xf32, #tpu.memory_space<hbm>>
    %dma_start3A_61 = arith.constant 0 : i32
    %dma_start3A_62 = tpu.memref_slice %arg8[%add3A_55, %dma_start3A_61] : memref<16384x128xf32, #tpu.memory_space<hbm>> -> memref<256x128xf32, #tpu.memory_space<hbm>>
    %dma_start3A_63 = arith.constant 256 : i32
    %dma_start3A_64 = arith.constant 0 : i32
    %dma_start3A_65 = tpu.memref_slice %arg15[%dma_start3A_63, %dma_start3A_64] : memref<512x128xf32, #tpu.memory_space<vmem>> -> memref<256x128xf32, #tpu.memory_space<vmem>>
    tpu.enqueue_dma source(%dma_start3A_65 : memref<256x128xf32, #tpu.memory_space<vmem>>) target(%dma_start3A_62 : memref<256x128xf32, #tpu.memory_space<hbm>>) target_semaphore(%arg17 : memref<!tpu.dma_semaphore, #tpu.memory_space<semaphore_mem>>)
    %dma_wait3A_66 = arith.constant 0 : i32
    %dma_wait3A_67 = arith.constant 0 : i32
    %dma_wait3A_68 = tpu.memref_slice %arg15[%dma_wait3A_66, %dma_wait3A_67] : memref<512x128xf32, #tpu.memory_space<vmem>> -> memref<256x128xf32, #tpu.memory_space<vmem>>
    %dma_wait3A_69 = arith.constant 0 : i32
    %dma_wait3A_70 = tpu.memref_slice %arg8[%add3A_37, %dma_wait3A_69] : memref<16384x128xf32, #tpu.memory_space<hbm>> -> memref<256x128xf32, #tpu.memory_space<hbm>>
    %dma_wait3A_71 = arith.constant 0 : i32
    %dma_wait3A_72 = tpu.memref_slice %arg8[%add3A_37, %dma_wait3A_71] : memref<16384x128xf32, #tpu.memory_space<hbm>> -> memref<256x128xf32, #tpu.memory_space<hbm>>
    %dma_wait3A_73 = arith.constant 0 : i32
    %dma_wait3A_74 = arith.constant 0 : i32
    %dma_wait3A_75 = tpu.memref_slice %arg15[%dma_wait3A_73, %dma_wait3A_74] : memref<512x128xf32, #tpu.memory_space<vmem>> -> memref<256x128xf32, #tpu.memory_space<vmem>>
    tpu.wait_dma2 semaphore(%arg17 : memref<!tpu.dma_semaphore, #tpu.memory_space<semaphore_mem>>) src(%dma_wait3A_75 : memref<256x128xf32, #tpu.memory_space<vmem>>) dst(%dma_wait3A_72 : memref<256x128xf32, #tpu.memory_space<hbm>>)
    %dma_wait3A_76 = arith.constant 256 : i32
    %dma_wait3A_77 = arith.constant 0 : i32
    %dma_wait3A_78 = tpu.memref_slice %arg15[%dma_wait3A_76, %dma_wait3A_77] : memref<512x128xf32, #tpu.memory_space<vmem>> -> memref<256x128xf32, #tpu.memory_space<vmem>>
    %dma_wait3A_79 = arith.constant 0 : i32
    %dma_wait3A_80 = tpu.memref_slice %arg8[%add3A_55, %dma_wait3A_79] : memref<16384x128xf32, #tpu.memory_space<hbm>> -> memref<256x128xf32, #tpu.memory_space<hbm>>
    %dma_wait3A_81 = arith.constant 0 : i32
    %dma_wait3A_82 = tpu.memref_slice %arg8[%add3A_55, %dma_wait3A_81] : memref<16384x128xf32, #tpu.memory_space<hbm>> -> memref<256x128xf32, #tpu.memory_space<hbm>>
    %dma_wait3A_83 = arith.constant 256 : i32
    %dma_wait3A_84 = arith.constant 0 : i32
    %dma_wait3A_85 = tpu.memref_slice %arg15[%dma_wait3A_83, %dma_wait3A_84] : memref<512x128xf32, #tpu.memory_space<vmem>> -> memref<256x128xf32, #tpu.memory_space<vmem>>
    tpu.wait_dma2 semaphore(%arg17 : memref<!tpu.dma_semaphore, #tpu.memory_space<semaphore_mem>>) src(%dma_wait3A_85 : memref<256x128xf32, #tpu.memory_space<vmem>>) dst(%dma_wait3A_82 : memref<256x128xf32, #tpu.memory_space<hbm>>)
    return
  }
}

</mosaic_0001>

<sc_bundles>
// kernel: kernel.3.cloned.1.call-start
scs
__scs_entry_jumppad:
0x0: {  	(pc) =	sbr.rel $0x88, $3  }
0x1: {  	(tag) =	ssettag $0x0;
	lr =	simm.s32 $0x1  }
0x2: {  	[smem:$0x3F9B] =	sst lr;
	_ =	strace $0xD0000000  }
0x3: {  	_ = 	snop  }
0x4: {  	_ = 	snop  }
0x5: {  	_ = 	snop  }
0x6: {  	_ = 	snop  }
0x7: {  	_ = 	snop  }
__scs_overlays_trampoline_lowered:
0x8: {  	[smem:$0x3FAA] =	sst s0  }
0x9: {  	[smem:$0x3FAB] =	sst s1  }
0xa: {  	[smem:$0x3FAC] =	sst s2  }
0xb: {  	[smem:$0x3FAD] =	sst s3  }
0xc: {  	[smem:$0x3FAE] =	sst s4  }
0xd: {  	[smem:$0x3FAF] =	sst s5  }
0xe: {  	[smem:$0x3FB0] =	sst s6  }
0xf: {  	[smem:$0x3FB1] =	sst s7  }
0x10: {  	[smem:$0x3FB2] =	sst s8  }
0x11: {  	[smem:$0x3FB3] =	sst s9;
	s0 =	simm.s32 @!p0 $0x0  }
0x12: {  	s1 =	sld [smem:$0x3F99];
	s0 =	simm.s32 @p0 $0x1  }
0x13: {  	[smem:$0x3FB4] =	sst s0;
	s0 =	simm.s32 @!p1 $0x0  }
0x14: {  	s2 =	sld [smem:$0x3F98];
	s0 =	simm.s32 @p1 $0x1  }
0x15: {  	[smem:$0x3FB5] =	sst s0;
	s0 =	simm.s32 @!p2 $0x0  }
0x16: {  	s3 =	sld [smem:$0x3FDB];
	s0 =	simm.s32 @p2 $0x1  }
0x17: {  	s4 =	simm.s32 $0x1BF5;
	[smem:$0x3FB7] =	sst s0  }
0x18: {  	s0 =	sld [smem:$0x3F9A];
	_ =	swait.ge [sflag:s4], $0x0  }
0x19: {  	s7 =	sld [smem:$0x3F9B]  }
0x1a: {  	s8 =	sadd.s32 $0xFFFFE003, lr  }
0x1b: {  	s9 =	sadd.s32 $0xFFFFFEF7, lr;
	s5 =	simm.s32 $0xFFFFFFFF;
	p2 =	slt.u32 s8, $0xFFFFF086  }
0x1c: {  	p1 =	slt.u32 s9, $0xF7A;
	s5 =	simm.s32 @!p2 $0x0  }
0x1d: {  	s5 =	simm.s32 @p1 $0x1;
	p0 =	seq.s32 s7, s2  }
0x1e: {  	s7 =	smul.u32 @!p0 $0xF7A, s2;
	p2 =	seq.s32 @!p0 s5, $0x0  }
0x1f: {  	s9 =	smul.u32 $0xF7A, s1;
	s8 =	simm.s32 @!p0 $0x1BF5;
	p2 =	por !p2, p0  }
0x20: {  	[sflag:s8] =	ssyncset.s32 @!p0 $0xFFFFF086;
	s6 =	sadd.s32 @!p0 s3, s7;
	s7 =	simm.s32 @!p0 $0x108  }
0x21: {  	s3 =	sadd.s32 s3, s9;
	s6 =	sadd.s32 @!p0 $0x88, s6;
	s7 =	simm.s32 @p2 $0x1082  }
0x22: {  	[simem:s7], [sflag:s8] =	dma.local @!p0 [hbm:s6], $0xF7A  }
0x23: {  	s9 =	sor.u32 $0xD0000000, s2;
	s6 =	simm.s32 $0x108;
	_ =	swait.ge @!p0 [sflag:s8], $0x0  }
0x24: {  	s3 =	sadd.s32 $0x88, s3;
	s6 =	simm.s32 @!p1 $0x1082;
	[sflag:s4] =	ssyncset.s32 $0xFFFFF086  }
0x25: {  	[simem:s6], [sflag:s4] =	dma.local [hbm:s3], $0xF7A  }
0x26: {  	[smem:$0x3F9B] =	sst s1;
	(tag) =	ssettag s2;
	_ =	strace s9  }
0x27: {  	s1 =	sld [smem:$0x3FAB]  }
0x28: {  	s2 =	sld [smem:$0x3FAC]  }
0x29: {  	s4 =	sld [smem:$0x3FAE]  }
0x2a: {  	p0 =	seq.s32 s5, $0x0;
	s5 =	sld [smem:$0x3FAF]  }
0x2b: {  	s6 =	sld [smem:$0x3FB0]  }
0x2c: {  	s7 =	sld [smem:$0x3FB1]  }
0x2d: {  	s3 =	simm.s32 $0x108;
	s8 =	sld [smem:$0x3FB2]  }
0x2e: {  	s3 =	simm.s32 @!p0 $0x1082;
	s9 =	sld [smem:$0x3FB3]  }
0x2f: {  	lr =	sadd.s32 s0, s3;
	s0 =	sld [smem:$0x3FAA]  }
0x30: {  	s3 =	sld [smem:$0x3FAD]  }
0x31: {  	[smem:$0x3FB6] =	sst s10  }
0x32: {  	s10 =	sld [smem:$0x3FB4];
	_ =	sdelay $0x3  }
0x33: {  	p0 =	seq.s32 s10, $0x1;
	s10 =	sld [smem:$0x3FB6];
	_ =	sdelay $0x3  }
0x34: {  	[smem:$0x3FB6] =	sst s10  }
0x35: {  	s10 =	sld [smem:$0x3FB5];
	_ =	sdelay $0x3  }
0x36: {  	p1 =	seq.s32 s10, $0x1;
	s10 =	sld [smem:$0x3FB6];
	_ =	sdelay $0x3  }
0x37: {  	[smem:$0x3FB6] =	sst s10  }
0x38: {  	s10 =	sld [smem:$0x3FB7]  }
0x39: {  	_ = 	snop;
	(pc) =	sbr.ind lr, $3  }
0x3a: {  	_ = 	snop  }
0x3b: {  	_ = 	snop  }
0x3c: {  	p2 =	seq.s32 s10, $0x1;
	s10 =	sld [smem:$0x3FB6]  }
0x3d: {  	_ =	shalt  }
0x3e: {  	_ =	shalt  }
0x3f: {  	_ =	shalt  }
0x40: {  	_ =	shalt  }
0x41: {  	_ =	shalt  }
0x42: {  	_ =	shalt  }
0x43: {  	_ =	shalt  }
0x44: {  	_ =	shalt  }
0x45: {  	_ =	shalt  }
0x46: {  	_ =	shalt  }
0x47: {  	_ =	shalt  }
0x48: {  	_ =	shalt  }
0x49: {  	_ =	shalt  }
0x4a: {  	_ =	shalt  }
0x4b: {  	_ =	shalt  }
0x4c: {  	_ =	shalt  }
0x4d: {  	_ =	shalt  }
0x4e: {  	_ =	shalt  }
0x4f: {  	_ =	shalt  }
0x50: {  	_ =	shalt  }
0x51: {  	_ =	shalt  }
0x52: {  	_ =	shalt  }
0x53: {  	_ =	shalt  }
0x54: {  	_ =	shalt  }
0x55: {  	_ =	shalt  }
0x56: {  	_ =	shalt  }
0x57: {  	_ =	shalt  }
0x58: {  	_ =	shalt  }
0x59: {  	_ =	shalt  }
0x5a: {  	_ =	shalt  }
0x5b: {  	_ =	shalt  }
0x5c: {  	_ =	shalt  }
0x5d: {  	_ =	shalt  }
0x5e: {  	_ =	shalt  }
0x5f: {  	_ =	shalt  }
0x60: {  	_ =	shalt  }
0x61: {  	_ =	shalt  }
0x62: {  	_ =	shalt  }
0x63: {  	_ =	shalt  }
0x64: {  	_ =	shalt  }
0x65: {  	_ =	shalt  }
0x66: {  	_ =	shalt  }
0x67: {  	_ =	shalt  }
0x68: {  	_ =	shalt  }
0x69: {  	_ =	shalt  }
0x6a: {  	_ =	shalt  }
0x6b: {  	_ =	shalt  }
0x6c: {  	_ =	shalt  }
0x6d: {  	_ =	shalt  }
0x6e: {  	_ =	shalt  }
0x6f: {  	_ =	shalt  }
0x70: {  	_ =	shalt  }
0x71: {  	_ =	shalt  }
0x72: {  	_ =	shalt  }
0x73: {  	_ =	shalt  }
0x74: {  	_ =	shalt  }
0x75: {  	_ =	shalt  }
0x76: {  	_ =	shalt  }
0x77: {  	_ =	shalt  }
0x78: {  	_ =	shalt  }
0x79: {  	_ =	shalt  }
0x7a: {  	_ =	shalt  }
0x7b: {  	_ =	shalt  }
0x7c: {  	_ =	shalt  }
0x7d: {  	_ =	shalt  }
0x7e: {  	_ =	shalt  }
0x7f: {  	_ =	shalt  }
0x80: {  	_ =	shalt  }
0x81: {  	_ =	shalt  }
0x82: {  	_ =	shalt  }
0x83: {  	_ =	shalt  }
0x84: {  	_ =	shalt  }
0x85: {  	_ =	shalt  }
0x86: {  	_ =	shalt  }
0x87: {  	_ =	shalt  }
.Lfunc_end0:
.L_simem_size_0:
called_computation_lowered:
.L_overlay_start_0:
0x88: {  	s2 =	sld [smem:$0x3FD9]  }
0x89: {  	s3 =	sld [smem:$0x3FFE];
	_ =	sdelay $0x1  }
0x8a: {  	s1 =	srdreg.scid  }
0x8b: {  	s0 =	sand.u32 $0x1, s1  }
0x8c: {  	s17 =	sshll.u32 s0, $0xA;
	s2 =	sadd.s32 s3, s2  }
0x8d: {  	s2 =	sadd.s32 s2, s17  }
0x8e: {  	[smem:$0x3FC2] =	sst s2  }
0x8f: {  	_ = 	snop  }
0x90: {  	s2 =	sld [smem:$0x3FC9]  }
0x91: {  	s18 =	sld [smem:$0x3FC8]  }
0x92: {  	s4 =	sld [smem:$0x3FC7]  }
0x93: {  	s5 =	sld [smem:$0x3FD0];
	(tm) =	ssettm $0x1  }
0x94: {  	s6 =	sld [smem:$0x3FFB];
	_ =	sdelay $0x3  }
0x95: {  	_ =	strace s6  }
0x96: {  	s6 =	sld [smem:$0x3FFC];
	_ =	sdelay $0x3  }
0x97: {  	_ =	strace s6  }
0x98: {  	s6 =	sld [smem:$0x3FFD];
	_ =	sdelay $0x3  }
0x99: {  	_ =	strace s6  }
0x9a: {  	_ =	strace $0x8FFFFFFF  }
0x9b: {  	s19 =	sld [smem:$0x3FDB];
	_ =	sdelay $0x1  }
0x9c: {  	s7 =	simm.s32 $_scs_section_size  }
0x9d: {  	s8 =	simm.s32 $_size__tile_overlayer_lowered;
	s9 =	simm.s32 $_tile_overlayer_lowered  }
0x9e: {  	s22 =	simm.s32 $0x1BFF;
	s21 =	sshll.u32 s9, $0x1;
	s6 =	sadd.s32 s7, s19  }
0x9f: {  	s10 =	simm.s32 $0x0;
	s20 =	sshll.u32 s8, $0x1;
	s8 =	sadd.s32 s21, s6  }
0xa0: {  	[timem:s10], [sflag:s22] =	dma.local [hbm:s8], s20  }
0xa1: {  	_ =	swait.ge [sflag:s22], s20  }
0xa2: {  	s7 =	ssub.s32 $0x0, s20;
	[sflag:s22] =	ssyncset.done $0x0  }
0xa3: {  	[sflag:s22] =	ssyncadd.s32 s7;
	_ =	sdelay $0x1  }
0xa4: {  	s23 =	simm.s32 $0x1B8B  }
0xa5: {  	_ =	swait.ge [sflag:s23], $0x1  }
0xa6: {  	[sflag:s23] =	ssyncset.done $0x0  }
0xa7: {  	s25 =	simm.s32 $0x1B8E;
	s24 =	sld [smem:$0x3FFE];
	[sflag:s23] =	ssyncadd.s32 $0xFFFFFFFF  }
0xa8: {  	s26 =	simm.s32 $execute0_lowered;
	[smem:$0x3FD2] =	sst s25  }
0xa9: {  	s8 =	sshll.u32 s26, $0x1;
	_ =	strace $0x80000046;
	[dreg:$0x1] =	wrdreg $0xFFFFFFFF  }
0xaa: {  	s28 =	simm.s32 $_size_execute0_lowered;
	s6 =	sadd.s32 s6, s8;
	[dreg:$0x0] =	wrdreg $0x0  }
0xab: {  	s8 =	sshll.u32 s28, $0x1;
	[dreg:$0x2] =	wrdreg s6  }
0xac: {  	[dreg:$0x3] =	wrdreg s8  }
0xad: {  	[dreg:$0x4] =	wrdreg $0xC0  }
0xae: {  	_ =	task [dreg:s10], $0x5FFFF  }
0xaf: {  	[dreg:$0x1] =	wrdreg $0xFFFFFFFF  }
0xb0: {  	[dreg:$0x0] =	wrdreg $0x60  }
0xb1: {  	[dreg:$0x2] =	wrdreg s2  }
0xb2: {  	[dreg:$0x3] =	wrdreg s18  }
0xb3: {  	[dreg:$0x4] =	wrdreg s4  }
0xb4: {  	[dreg:$0x5] =	wrdreg s24  }
0xb5: {  	[dreg:$0x6] =	wrdreg s5  }
0xb6: {  	[dreg:$0x7] =	wrdreg $0x9  }
0xb7: {  	_ =	task.clear_ibuf [dreg:s10], $0x8FFFF;
	_ =	strace $0x90000046  }
0xb8: {  	s29 =	simm.s32 $0x9;
	_ =	strace $0x80000048  }
0xb9: {  	_ =	swait.ge [sflag:s29], $0x1  }
0xba: {  	[sflag:s29] =	ssyncadd.s32 $0xFFFFFFFF  }
0xbb: {  	_ =	strace $0x90000048  }
0xbc: {  	_ =	sfence  }
0xbd: {  	s30 =	sld [smem:$0x0];
	_ =	sdelay $0x2  }
0xbe: {  	s31 =	sshll.u32 s1, $0xD;
	s1 =	sshrl.u32 s1, $0x2  }
0xbf: {  	s3 =	sand.u32 $0x4000, s31;
	s1 =	sadd.s32 s1, s30  }
0xc0: {  	s0 =	sor.u32 s3, s0;
	s1 =	sshll.u32 s1, $0x11  }
0xc1: {  	s0 =	sor.u32 s1, s0  }
0xc2: {  	s0 =	sadd.s32 $0x8F2B, s0  }
0xc3: {  	[sflag:s0] =	ssyncadd.remote.s32 $0x1  }
0xc4: {  	_ =	sfence.sel $0xFFFF  }
0xc5: {  	[dreg:$0x0] =	wrdreg $0xFFFFFFFF;
	(pc) =	sbr.abs _section_cstart, $3  }
0xc6: {  	[dreg:$0x1] =	wrdreg $0xFFFFFFFF  }
0xc7: {  	_ =	task.clear_ibuf [dreg:s10], $0x2FFFF;
	_ =	strace $0x9FFFFFFF  }
0xc8: {  	(tm) =	ssettm $0x7FFFFFFF  }
0xc9: {  	_ =	shalt  }
tec
execute0_lowered:
.L_overlay_start_1:
0x0: {  	(tag) =	ssettag $0x1  }
0x1: {  	s6 =	rddreg [dreg:$0x0]  }
0x2: {  	s7 =	rddreg [dreg:$0x1]  }
0x3: {  	s8 =	rddreg [dreg:$0x2]  }
0x4: {  	s5 =	rddreg [dreg:$0x3]  }
0x5: {  	s9 =	rddreg [dreg:$0x4]  }
0x6: {  	s0 =	rddreg [dreg:$0x5];
	s2 =	simm.s32 $0x0;
	s4 =	srdreg.scid  }
0x7: {  	s1 =	stileid.u32;
	s14 =	simm.s32 $0x600;
	s15 =	simm.s32 $0x1200  }
0x8: {  	s16 =	simm.s32 $0x2200;
	s17 =	simm.s32 $0x1;
	s18 =	simm.s32 $0x2500  }
0x9: {  	s19 =	simm.s32 $0xA500;
	s20 =	simm.s32 $0x2;
	s21 =	simm.s32 $0x0  }
0xa: {  	[smem:$0x7FF] =	sst s2;
	s3 =	sadd.s32 $0x800, s5;
	s10 =	sand.u32 $0x1, s4  }
0xb: {  	s11 =	sshll.u32 s1, $0x1;
	s4 =	sadd.s32 $0x600, s5;
	s5 =	sadd.s32 $0x400, s5  }
0xc: {  	_ =	strace $0x80000047;
	s12 =	ssub.s32 $0x2, s10;
	s10 =	sor.u32 s10, s11  }
0xd: {  	s31 =	sshrl.u32 s12, $0x1;
	s13 =	sshll.u32 s10, $0x6;
	s10 =	sshll.u32 s10, $0xD  }
0xe: {  	s11 =	ssub.s32 s12, s31;
	s6 =	sadd.s32 s6, s13;
	s7 =	sadd.s32 s7, s13  }
0xf: {  	s8 =	sadd.s32 s8, s13;
	s9 =	sadd.s32 s9, s10;
	s12 =	simm.s32 $0x200  }
0x10: {  	s13 =	simm.s32 $0x400;
	s10 =	sadd.s32 $0x1000, s9;
	s11 =	smax.u32 s11, $0x1  }
.LBB2_1:
0x11: {  	[tilespmem:s2], [sflag:$0x1] =	stream.linear.gather [hbm4b:s6+s2], $0x200, $0x38;
	[tilespmem:$0x12500] =	vst v63  }
0x12: {  	_ = 	snop  }
0x13: {  	[tilespmem:s12], [sflag:$0x1] =	stream.linear.gather [hbm4b:s7+s2], $0x200, $0x38;
	[tilespmem:$0x12500] =	vst v63  }
0x14: {  	_ = 	snop  }
0x15: {  	[tilespmem:s13], [sflag:$0x1] =	stream.linear.gather [hbm4b:s8+s2], $0x200, $0x38;
	[tilespmem:$0x12500] =	vst v63  }
0x16: {  	_ = 	snop  }
0x17: {  	[tilespmem:s14], [sflag:$0x1] =	stream.linear.gather [hbm4b:s3+s2], $0xC00, $0x38;
	[tilespmem:$0x12500] =	vst v63  }
0x18: {  	_ = 	snop  }
0x19: {  	[tilespmem:s15], [sflag:$0x1] =	stream.linear.gather [hbm4b:s4+s2], $0x1000, $0x38;
	[tilespmem:$0x12500] =	vst v63  }
0x1a: {  	_ = 	snop  }
0x1b: {  	[tilespmem:s16], [sflag:$0x1] =	stream.linear.gather [hbm4b:s5+s2], $0x300, $0x38;
	[tilespmem:$0x12500] =	vst v63  }
0x1c: {  	_ =	swait.ge [sflag:s17], $0x200  }
0x1d: {  	[sflag:s17] =	ssyncset.done $0x0  }
0x1e: {  	[sflag:s17] =	ssyncadd.s32 $0xFFFFFE00  }
0x1f: {  	_ =	swait.ge [sflag:s17], $0x200  }
0x20: {  	[sflag:s17] =	ssyncset.done $0x0  }
0x21: {  	[sflag:s17] =	ssyncadd.s32 $0xFFFFFE00  }
0x22: {  	_ =	swait.ge [sflag:s17], $0x200  }
0x23: {  	[sflag:s17] =	ssyncset.done $0x0  }
0x24: {  	[sflag:s17] =	ssyncadd.s32 $0xFFFFFE00  }
0x25: {  	_ =	swait.ge [sflag:s17], $0xC00  }
0x26: {  	[sflag:s17] =	ssyncset.done $0x0  }
0x27: {  	[sflag:s17] =	ssyncadd.s32 $0xFFFFF400  }
0x28: {  	_ =	swait.ge [sflag:s17], $0x1000  }
0x29: {  	[sflag:s17] =	ssyncset.done $0x0  }
0x2a: {  	[sflag:s17] =	ssyncadd.s32 $0xFFFFF000  }
0x2b: {  	_ =	swait.ge [sflag:s17], $0x300  }
0x2c: {  	[sflag:s17] =	ssyncset.done $0x0  }
0x2d: {  	s22 =	simm.s32 $0x2900;
	s23 =	simm.s32 $0x0;
	[sflag:s17] =	ssyncadd.s32 $0xFFFFFD00  }
.LBB2_2:
0x2e: {  	s24 =	sshra.s32 s23, $0x2  }
0x2f: {  	v0 =	vld [tilespmem:s24+$0x0];
	_ =	sdelay $0x3  }
0x30: {  	v1 =	vld [tilespmem:s24+$0x200]  }
0x31: {  	v0 =	vmul.u32 $0xC0, v0;
	_ =	sdelay $0x1  }
0x32: {  	v3 =	vld [tilespmem:s24+$0x400];
	v2 =	vshra.s32 v0, $0x2  }
0x33: {  	(v2sf) =	vpush v2, $0x0  }
0x34: {  	v45 =	vshll.u32 v1, $0x9  }
0x35: {  	v1 =	vshra.s32 v45, $0x2  }
0x36: {  	(v2sf) =	vpush v1, $0x0  }
0x37: {  	v46 =	vmul.u32 $0xC0, v3;
	_ =	sdelay $0x1  }
0x38: {  	v0 =	vshra.s32 v46, $0x2  }
0x39: {  	(v2sf) =	vpush v0, $0x0;
	_ =	sdelay $0x7  }
0x3a: {  	s25 =	spop (v2sf)  }
0x3b: {  	v47 =	vld [tilespmem:s25+$0x600]  }
0x3c: {  	(v2sf) =	vpush v2, $0x1;
	v4 =	vld [tilespmem:s25+$0x610]  }
0x3d: {  	v5 =	vld [tilespmem:s25+$0x620];
	s26 =	spop (v2sf)  }
0x3e: {  	v6 =	vld [tilespmem:s26+$0x1220]  }
0x3f: {  	(v2sf) =	vpush v1, $0x1;
	v7 =	vld [tilespmem:s26+$0x1230]  }
0x40: {  	v8 =	vld [tilespmem:s26+$0x1240]  }
0x41: {  	v9 =	vld [tilespmem:s26+$0x1250];
	s28 =	spop (v2sf)  }
0x42: {  	v10 =	vld [tilespmem:s28+$0x2200]  }
0x43: {  	(v2sf) =	vpush v0, $0x1;
	v11 =	vld [tilespmem:s28+$0x2210]  }
0x44: {  	v12 =	vld [tilespmem:s28+$0x2220];
	[tilespmem:s22+$0xFFFFFC00] =	vst v47  }
0x45: {  	[tilespmem:s22+$0xFFFFFC10] =	vst v4  }
0x46: {  	[tilespmem:s22+$0xFFFFFC30] =	vst v7  }
0x47: {  	[tilespmem:s22+$0xFFFFFC40] =	vst v8  }
0x48: {  	v5 =	vadd.f32 v6, v5;
	[tilespmem:s22+$0xFFFFFC60] =	vst v11  }
0x49: {  	v48 =	vadd.f32 v10, v9;
	[tilespmem:s22+$0xFFFFFC70] =	vst v12  }
0x4a: {  	[tilespmem:s22+$0xFFFFFC20] =	vst v5  }
0x4b: {  	[tilespmem:s22+$0xFFFFFC50] =	vst v48;
	s29 =	spop (v2sf)  }
0x4c: {  	v3 =	vld [tilespmem:s29+$0x600]  }
0x4d: {  	(v2sf) =	vpush v2, $0x2;
	v4 =	vld [tilespmem:s29+$0x610]  }
0x4e: {  	v5 =	vld [tilespmem:s29+$0x620];
	s30 =	spop (v2sf)  }
0x4f: {  	v49 =	vld [tilespmem:s30+$0x1220]  }
0x50: {  	(v2sf) =	vpush v1, $0x2;
	v7 =	vld [tilespmem:s30+$0x1230]  }
0x51: {  	v8 =	vld [tilespmem:s30+$0x1240]  }
0x52: {  	v50 =	vld [tilespmem:s30+$0x1250];
	s31 =	spop (v2sf)  }
0x53: {  	v51 =	vld [tilespmem:s31+$0x2200]  }
0x54: {  	(v2sf) =	vpush v0, $0x2;
	v11 =	vld [tilespmem:s31+$0x2210]  }
0x55: {  	v12 =	vld [tilespmem:s31+$0x2220];
	[tilespmem:s22+$0xFFFFFC80] =	vst v3  }
0x56: {  	[tilespmem:s22+$0xFFFFFC90] =	vst v4  }
0x57: {  	[tilespmem:s22+$0xFFFFFCB0] =	vst v7  }
0x58: {  	[tilespmem:s22+$0xFFFFFCC0] =	vst v8  }
0x59: {  	v5 =	vadd.f32 v49, v5;
	[tilespmem:s22+$0xFFFFFCE0] =	vst v11  }
0x5a: {  	v52 =	vadd.f32 v51, v50;
	[tilespmem:s22+$0xFFFFFCF0] =	vst v12  }
0x5b: {  	[tilespmem:s22+$0xFFFFFCA0] =	vst v5  }
0x5c: {  	[tilespmem:s22+$0xFFFFFCD0] =	vst v52;
	s25 =	spop (v2sf)  }
0x5d: {  	v3 =	vld [tilespmem:s25+$0x600]  }
0x5e: {  	(v2sf) =	vpush v2, $0x3;
	v4 =	vld [tilespmem:s25+$0x610]  }
0x5f: {  	v5 =	vld [tilespmem:s25+$0x620];
	s26 =	spop (v2sf)  }
0x60: {  	v53 =	vld [tilespmem:s26+$0x1220]  }
0x61: {  	(v2sf) =	vpush v1, $0x3;
	v7 =	vld [tilespmem:s26+$0x1230]  }
0x62: {  	v8 =	vld [tilespmem:s26+$0x1240]  }
0x63: {  	v54 =	vld [tilespmem:s26+$0x1250];
	s28 =	spop (v2sf)  }
0x64: {  	v55 =	vld [tilespmem:s28+$0x2200]  }
0x65: {  	(v2sf) =	vpush v0, $0x3;
	v11 =	vld [tilespmem:s28+$0x2210]  }
0x66: {  	v12 =	vld [tilespmem:s28+$0x2220];
	[tilespmem:s22+$0xFFFFFD00] =	vst v3  }
0x67: {  	[tilespmem:s22+$0xFFFFFD10] =	vst v4  }
0x68: {  	[tilespmem:s22+$0xFFFFFD30] =	vst v7  }
0x69: {  	[tilespmem:s22+$0xFFFFFD40] =	vst v8  }
0x6a: {  	v5 =	vadd.f32 v53, v5;
	[tilespmem:s22+$0xFFFFFD60] =	vst v11  }
0x6b: {  	v56 =	vadd.f32 v55, v54;
	[tilespmem:s22+$0xFFFFFD70] =	vst v12  }
0x6c: {  	[tilespmem:s22+$0xFFFFFD20] =	vst v5  }
0x6d: {  	[tilespmem:s22+$0xFFFFFD50] =	vst v56;
	s29 =	spop (v2sf)  }
0x6e: {  	v3 =	vld [tilespmem:s29+$0x600]  }
0x6f: {  	(v2sf) =	vpush v2, $0x4;
	v4 =	vld [tilespmem:s29+$0x610]  }
0x70: {  	v5 =	vld [tilespmem:s29+$0x620];
	s30 =	spop (v2sf)  }
0x71: {  	v57 =	vld [tilespmem:s30+$0x1220]  }
0x72: {  	(v2sf) =	vpush v1, $0x4;
	v7 =	vld [tilespmem:s30+$0x1230]  }
0x73: {  	v8 =	vld [tilespmem:s30+$0x1240]  }
0x74: {  	v58 =	vld [tilespmem:s30+$0x1250];
	s31 =	spop (v2sf)  }
0x75: {  	v59 =	vld [tilespmem:s31+$0x2200]  }
0x76: {  	(v2sf) =	vpush v0, $0x4;
	v11 =	vld [tilespmem:s31+$0x2210]  }
0x77: {  	v12 =	vld [tilespmem:s31+$0x2220];
	[tilespmem:s22+$0xFFFFFD80] =	vst v3  }
0x78: {  	[tilespmem:s22+$0xFFFFFD90] =	vst v4  }
0x79: {  	[tilespmem:s22+$0xFFFFFDB0] =	vst v7  }
0x7a: {  	[tilespmem:s22+$0xFFFFFDC0] =	vst v8  }
0x7b: {  	v5 =	vadd.f32 v57, v5;
	[tilespmem:s22+$0xFFFFFDE0] =	vst v11  }
0x7c: {  	v60 =	vadd.f32 v59, v58;
	[tilespmem:s22+$0xFFFFFDF0] =	vst v12  }
0x7d: {  	[tilespmem:s22+$0xFFFFFDA0] =	vst v5  }
0x7e: {  	[tilespmem:s22+$0xFFFFFDD0] =	vst v60;
	s25 =	spop (v2sf)  }
0x7f: {  	v3 =	vld [tilespmem:s25+$0x600]  }
0x80: {  	(v2sf) =	vpush v2, $0x5;
	v4 =	vld [tilespmem:s25+$0x610]  }
0x81: {  	v5 =	vld [tilespmem:s25+$0x620];
	s26 =	spop (v2sf)  }
0x82: {  	v61 =	vld [tilespmem:s26+$0x1220]  }
0x83: {  	(v2sf) =	vpush v1, $0x5;
	v7 =	vld [tilespmem:s26+$0x1230]  }
0x84: {  	v8 =	vld [tilespmem:s26+$0x1240]  }
0x85: {  	v62 =	vld [tilespmem:s26+$0x1250];
	s28 =	spop (v2sf)  }
0x86: {  	v63 =	vld [tilespmem:s28+$0x2200]  }
0x87: {  	(v2sf) =	vpush v0, $0x5;
	v11 =	vld [tilespmem:s28+$0x2210]  }
0x88: {  	v12 =	vld [tilespmem:s28+$0x2220];
	[tilespmem:s22+$0xFFFFFE00] =	vst v3  }
0x89: {  	[tilespmem:s22+$0xFFFFFE10] =	vst v4  }
0x8a: {  	[tilespmem:s22+$0xFFFFFE30] =	vst v7  }
0x8b: {  	[tilespmem:s22+$0xFFFFFE40] =	vst v8  }
0x8c: {  	v5 =	vadd.f32 v61, v5;
	[tilespmem:s22+$0xFFFFFE60] =	vst v11  }
0x8d: {  	v15 =	vadd.f32 v63, v62;
	[tilespmem:s22+$0xFFFFFE70] =	vst v12  }
0x8e: {  	[tilespmem:s22+$0xFFFFFE20] =	vst v5  }
0x8f: {  	[tilespmem:s22+$0xFFFFFE50] =	vst v15;
	s29 =	spop (v2sf)  }
0x90: {  	v3 =	vld [tilespmem:s29+$0x600]  }
0x91: {  	(v2sf) =	vpush v2, $0x6;
	v4 =	vld [tilespmem:s29+$0x610]  }
0x92: {  	v5 =	vld [tilespmem:s29+$0x620];
	s30 =	spop (v2sf)  }
0x93: {  	v16 =	vld [tilespmem:s30+$0x1220]  }
0x94: {  	(v2sf) =	vpush v1, $0x6;
	v7 =	vld [tilespmem:s30+$0x1230]  }
0x95: {  	v8 =	vld [tilespmem:s30+$0x1240]  }
0x96: {  	v17 =	vld [tilespmem:s30+$0x1250];
	s31 =	spop (v2sf)  }
0x97: {  	v18 =	vld [tilespmem:s31+$0x2200]  }
0x98: {  	(v2sf) =	vpush v0, $0x6;
	v11 =	vld [tilespmem:s31+$0x2210]  }
0x99: {  	v12 =	vld [tilespmem:s31+$0x2220];
	[tilespmem:s22+$0xFFFFFE80] =	vst v3  }
0x9a: {  	[tilespmem:s22+$0xFFFFFE90] =	vst v4  }
0x9b: {  	[tilespmem:s22+$0xFFFFFEB0] =	vst v7  }
0x9c: {  	[tilespmem:s22+$0xFFFFFEC0] =	vst v8  }
0x9d: {  	v5 =	vadd.f32 v16, v5;
	[tilespmem:s22+$0xFFFFFEE0] =	vst v11  }
0x9e: {  	v19 =	vadd.f32 v18, v17;
	[tilespmem:s22+$0xFFFFFEF0] =	vst v12  }
0x9f: {  	[tilespmem:s22+$0xFFFFFEA0] =	vst v5  }
0xa0: {  	[tilespmem:s22+$0xFFFFFED0] =	vst v19;
	s25 =	spop (v2sf)  }
0xa1: {  	v3 =	vld [tilespmem:s25+$0x600]  }
0xa2: {  	(v2sf) =	vpush v2, $0x7;
	v4 =	vld [tilespmem:s25+$0x610]  }
0xa3: {  	v5 =	vld [tilespmem:s25+$0x620];
	s26 =	spop (v2sf)  }
0xa4: {  	v20 =	vld [tilespmem:s26+$0x1220]  }
0xa5: {  	(v2sf) =	vpush v1, $0x7;
	v7 =	vld [tilespmem:s26+$0x1230]  }
0xa6: {  	v8 =	vld [tilespmem:s26+$0x1240]  }
0xa7: {  	v21 =	vld [tilespmem:s26+$0x1250];
	s28 =	spop (v2sf)  }
0xa8: {  	v22 =	vld [tilespmem:s28+$0x2200]  }
0xa9: {  	(v2sf) =	vpush v0, $0x7;
	v11 =	vld [tilespmem:s28+$0x2210]  }
0xaa: {  	v12 =	vld [tilespmem:s28+$0x2220];
	[tilespmem:s22+$0xFFFFFF00] =	vst v3  }
0xab: {  	[tilespmem:s22+$0xFFFFFF10] =	vst v4  }
0xac: {  	[tilespmem:s22+$0xFFFFFF30] =	vst v7  }
0xad: {  	[tilespmem:s22+$0xFFFFFF40] =	vst v8  }
0xae: {  	v5 =	vadd.f32 v20, v5;
	[tilespmem:s22+$0xFFFFFF60] =	vst v11  }
0xaf: {  	v23 =	vadd.f32 v22, v21;
	[tilespmem:s22+$0xFFFFFF70] =	vst v12  }
0xb0: {  	[tilespmem:s22+$0xFFFFFF20] =	vst v5  }
0xb1: {  	[tilespmem:s22+$0xFFFFFF50] =	vst v23;
	s29 =	spop (v2sf)  }
0xb2: {  	v3 =	vld [tilespmem:s29+$0x600]  }
0xb3: {  	(v2sf) =	vpush v2, $0x8;
	v4 =	vld [tilespmem:s29+$0x610]  }
0xb4: {  	v5 =	vld [tilespmem:s29+$0x620];
	s30 =	spop (v2sf)  }
0xb5: {  	v24 =	vld [tilespmem:s30+$0x1220]  }
0xb6: {  	(v2sf) =	vpush v1, $0x8;
	v7 =	vld [tilespmem:s30+$0x1230]  }
0xb7: {  	v8 =	vld [tilespmem:s30+$0x1240]  }
0xb8: {  	v25 =	vld [tilespmem:s30+$0x1250];
	s31 =	spop (v2sf)  }
0xb9: {  	v26 =	vld [tilespmem:s31+$0x2200]  }
0xba: {  	(v2sf) =	vpush v0, $0x8;
	v11 =	vld [tilespmem:s31+$0x2210]  }
0xbb: {  	v12 =	vld [tilespmem:s31+$0x2220];
	[tilespmem:s22+$0xFFFFFF80] =	vst v3  }
0xbc: {  	[tilespmem:s22+$0xFFFFFF90] =	vst v4  }
0xbd: {  	[tilespmem:s22+$0xFFFFFFB0] =	vst v7  }
0xbe: {  	[tilespmem:s22+$0xFFFFFFC0] =	vst v8  }
0xbf: {  	v5 =	vadd.f32 v24, v5;
	[tilespmem:s22+$0xFFFFFFE0] =	vst v11  }
0xc0: {  	v27 =	vadd.f32 v26, v25;
	[tilespmem:s22+$0xFFFFFFF0] =	vst v12  }
0xc1: {  	[tilespmem:s22+$0xFFFFFFA0] =	vst v5  }
0xc2: {  	[tilespmem:s22+$0xFFFFFFD0] =	vst v27;
	s25 =	spop (v2sf)  }
0xc3: {  	v3 =	vld [tilespmem:s25+$0x600]  }
0xc4: {  	(v2sf) =	vpush v2, $0x9;
	v4 =	vld [tilespmem:s25+$0x610]  }
0xc5: {  	v5 =	vld [tilespmem:s25+$0x620];
	s26 =	spop (v2sf)  }
0xc6: {  	v28 =	vld [tilespmem:s26+$0x1220]  }
0xc7: {  	(v2sf) =	vpush v1, $0x9;
	v7 =	vld [tilespmem:s26+$0x1230]  }
0xc8: {  	v8 =	vld [tilespmem:s26+$0x1240]  }
0xc9: {  	v29 =	vld [tilespmem:s26+$0x1250];
	s28 =	spop (v2sf)  }
0xca: {  	v30 =	vld [tilespmem:s28+$0x2200]  }
0xcb: {  	(v2sf) =	vpush v0, $0x9;
	v11 =	vld [tilespmem:s28+$0x2210]  }
0xcc: {  	v12 =	vld [tilespmem:s28+$0x2220];
	[tilespmem:s22+$0x0] =	vst v3  }
0xcd: {  	[tilespmem:s22+$0x10] =	vst v4  }
0xce: {  	[tilespmem:s22+$0x30] =	vst v7  }
0xcf: {  	[tilespmem:s22+$0x40] =	vst v8  }
0xd0: {  	v5 =	vadd.f32 v28, v5;
	[tilespmem:s22+$0x60] =	vst v11  }
0xd1: {  	v31 =	vadd.f32 v30, v29;
	[tilespmem:s22+$0x70] =	vst v12  }
0xd2: {  	[tilespmem:s22+$0x20] =	vst v5  }
0xd3: {  	[tilespmem:s22+$0x50] =	vst v31;
	s29 =	spop (v2sf)  }
0xd4: {  	v3 =	vld [tilespmem:s29+$0x600]  }
0xd5: {  	(v2sf) =	vpush v2, $0xA;
	v4 =	vld [tilespmem:s29+$0x610]  }
0xd6: {  	v5 =	vld [tilespmem:s29+$0x620];
	s30 =	spop (v2sf)  }
0xd7: {  	v32 =	vld [tilespmem:s30+$0x1220]  }
0xd8: {  	(v2sf) =	vpush v1, $0xA;
	v7 =	vld [tilespmem:s30+$0x1230]  }
0xd9: {  	v8 =	vld [tilespmem:s30+$0x1240]  }
0xda: {  	v33 =	vld [tilespmem:s30+$0x1250];
	s31 =	spop (v2sf)  }
0xdb: {  	v34 =	vld [tilespmem:s31+$0x2200]  }
0xdc: {  	(v2sf) =	vpush v0, $0xA;
	v11 =	vld [tilespmem:s31+$0x2210]  }
0xdd: {  	v12 =	vld [tilespmem:s31+$0x2220];
	[tilespmem:s22+$0x80] =	vst v3  }
0xde: {  	[tilespmem:s22+$0x90] =	vst v4  }
0xdf: {  	[tilespmem:s22+$0xB0] =	vst v7  }
0xe0: {  	[tilespmem:s22+$0xC0] =	vst v8  }
0xe1: {  	v5 =	vadd.f32 v32, v5;
	[tilespmem:s22+$0xE0] =	vst v11  }
0xe2: {  	v35 =	vadd.f32 v34, v33;
	[tilespmem:s22+$0xF0] =	vst v12  }
0xe3: {  	[tilespmem:s22+$0xA0] =	vst v5  }
0xe4: {  	[tilespmem:s22+$0xD0] =	vst v35;
	s25 =	spop (v2sf)  }
0xe5: {  	v3 =	vld [tilespmem:s25+$0x600]  }
0xe6: {  	(v2sf) =	vpush v2, $0xB;
	v4 =	vld [tilespmem:s25+$0x610]  }
0xe7: {  	v5 =	vld [tilespmem:s25+$0x620];
	s26 =	spop (v2sf)  }
0xe8: {  	v36 =	vld [tilespmem:s26+$0x1220]  }
0xe9: {  	(v2sf) =	vpush v1, $0xB;
	v7 =	vld [tilespmem:s26+$0x1230]  }
0xea: {  	v8 =	vld [tilespmem:s26+$0x1240]  }
0xeb: {  	v37 =	vld [tilespmem:s26+$0x1250];
	s28 =	spop (v2sf)  }
0xec: {  	v38 =	vld [tilespmem:s28+$0x2200]  }
0xed: {  	(v2sf) =	vpush v0, $0xB;
	v11 =	vld [tilespmem:s28+$0x2210]  }
0xee: {  	v12 =	vld [tilespmem:s28+$0x2220];
	[tilespmem:s22+$0x100] =	vst v3  }
0xef: {  	[tilespmem:s22+$0x110] =	vst v4  }
0xf0: {  	[tilespmem:s22+$0x130] =	vst v7  }
0xf1: {  	[tilespmem:s22+$0x140] =	vst v8  }
0xf2: {  	v5 =	vadd.f32 v36, v5;
	[tilespmem:s22+$0x160] =	vst v11  }
0xf3: {  	v39 =	vadd.f32 v38, v37;
	[tilespmem:s22+$0x170] =	vst v12  }
0xf4: {  	[tilespmem:s22+$0x120] =	vst v5  }
0xf5: {  	[tilespmem:s22+$0x150] =	vst v39;
	s29 =	spop (v2sf)  }
0xf6: {  	v3 =	vld [tilespmem:s29+$0x600]  }
0xf7: {  	(v2sf) =	vpush v2, $0xC;
	v4 =	vld [tilespmem:s29+$0x610]  }
0xf8: {  	v5 =	vld [tilespmem:s29+$0x620];
	s30 =	spop (v2sf)  }
0xf9: {  	v40 =	vld [tilespmem:s30+$0x1220]  }
0xfa: {  	(v2sf) =	vpush v1, $0xC;
	v7 =	vld [tilespmem:s30+$0x1230]  }
0xfb: {  	v8 =	vld [tilespmem:s30+$0x1240]  }
0xfc: {  	v41 =	vld [tilespmem:s30+$0x1250];
	s31 =	spop (v2sf)  }
0xfd: {  	v42 =	vld [tilespmem:s31+$0x2200]  }
0xfe: {  	(v2sf) =	vpush v0, $0xC;
	v11 =	vld [tilespmem:s31+$0x2210]  }
0xff: {  	v12 =	vld [tilespmem:s31+$0x2220];
	[tilespmem:s22+$0x180] =	vst v3  }
0x100: {  	[tilespmem:s22+$0x190] =	vst v4  }
0x101: {  	[tilespmem:s22+$0x1B0] =	vst v7  }
0x102: {  	[tilespmem:s22+$0x1C0] =	vst v8  }
0x103: {  	v5 =	vadd.f32 v40, v5;
	[tilespmem:s22+$0x1E0] =	vst v11  }
0x104: {  	v43 =	vadd.f32 v42, v41;
	[tilespmem:s22+$0x1F0] =	vst v12  }
0x105: {  	[tilespmem:s22+$0x1A0] =	vst v5  }
0x106: {  	[tilespmem:s22+$0x1D0] =	vst v43;
	s25 =	spop (v2sf)  }
0x107: {  	v3 =	vld [tilespmem:s25+$0x600]  }
0x108: {  	(v2sf) =	vpush v2, $0xD;
	v4 =	vld [tilespmem:s25+$0x610]  }
0x109: {  	v5 =	vld [tilespmem:s25+$0x620];
	s26 =	spop (v2sf)  }
0x10a: {  	v44 =	vld [tilespmem:s26+$0x1220]  }
0x10b: {  	(v2sf) =	vpush v1, $0xD;
	v7 =	vld [tilespmem:s26+$0x1230]  }
0x10c: {  	v8 =	vld [tilespmem:s26+$0x1240]  }
0x10d: {  	v45 =	vld [tilespmem:s26+$0x1250];
	s28 =	spop (v2sf)  }
0x10e: {  	v46 =	vld [tilespmem:s28+$0x2200]  }
0x10f: {  	(v2sf) =	vpush v0, $0xD;
	v11 =	vld [tilespmem:s28+$0x2210]  }
0x110: {  	v12 =	vld [tilespmem:s28+$0x2220];
	[tilespmem:s22+$0x200] =	vst v3  }
0x111: {  	[tilespmem:s22+$0x210] =	vst v4  }
0x112: {  	[tilespmem:s22+$0x230] =	vst v7  }
0x113: {  	[tilespmem:s22+$0x240] =	vst v8  }
0x114: {  	v5 =	vadd.f32 v44, v5;
	[tilespmem:s22+$0x260] =	vst v11  }
0x115: {  	v47 =	vadd.f32 v46, v45;
	[tilespmem:s22+$0x270] =	vst v12  }
0x116: {  	[tilespmem:s22+$0x220] =	vst v5  }
0x117: {  	[tilespmem:s22+$0x250] =	vst v47;
	s29 =	spop (v2sf)  }
0x118: {  	v3 =	vld [tilespmem:s29+$0x600]  }
0x119: {  	(v2sf) =	vpush v2, $0xE;
	v4 =	vld [tilespmem:s29+$0x610]  }
0x11a: {  	v5 =	vld [tilespmem:s29+$0x620];
	s30 =	spop (v2sf)  }
0x11b: {  	v48 =	vld [tilespmem:s30+$0x1220]  }
0x11c: {  	(v2sf) =	vpush v1, $0xE;
	v7 =	vld [tilespmem:s30+$0x1230]  }
0x11d: {  	v8 =	vld [tilespmem:s30+$0x1240]  }
0x11e: {  	v49 =	vld [tilespmem:s30+$0x1250];
	s31 =	spop (v2sf)  }
0x11f: {  	v50 =	vld [tilespmem:s31+$0x2200]  }
0x120: {  	(v2sf) =	vpush v0, $0xE;
	v11 =	vld [tilespmem:s31+$0x2210]  }
0x121: {  	v12 =	vld [tilespmem:s31+$0x2220];
	[tilespmem:s22+$0x280] =	vst v3  }
0x122: {  	[tilespmem:s22+$0x290] =	vst v4  }
0x123: {  	[tilespmem:s22+$0x2B0] =	vst v7  }
0x124: {  	[tilespmem:s22+$0x2C0] =	vst v8  }
0x125: {  	v5 =	vadd.f32 v48, v5;
	[tilespmem:s22+$0x2E0] =	vst v11  }
0x126: {  	v51 =	vadd.f32 v50, v49;
	[tilespmem:s22+$0x2F0] =	vst v12  }
0x127: {  	[tilespmem:s22+$0x2A0] =	vst v5  }
0x128: {  	[tilespmem:s22+$0x2D0] =	vst v51;
	s25 =	spop (v2sf)  }
0x129: {  	v3 =	vld [tilespmem:s25+$0x600]  }
0x12a: {  	(v2sf) =	vpush v2, $0xF;
	v4 =	vld [tilespmem:s25+$0x610]  }
0x12b: {  	v5 =	vld [tilespmem:s25+$0x620];
	s26 =	spop (v2sf)  }
0x12c: {  	v52 =	vld [tilespmem:s26+$0x1220]  }
0x12d: {  	(v2sf) =	vpush v1, $0xF;
	v53 =	vld [tilespmem:s26+$0x1230]  }
0x12e: {  	v7 =	vld [tilespmem:s26+$0x1240]  }
0x12f: {  	v54 =	vld [tilespmem:s26+$0x1250];
	s28 =	spop (v2sf)  }
0x130: {  	v8 =	vld [tilespmem:s28+$0x2200]  }
0x131: {  	(v2sf) =	vpush v0, $0xF;
	v55 =	vld [tilespmem:s28+$0x2210]  }
0x132: {  	v56 =	vld [tilespmem:s28+$0x2220];
	[tilespmem:s22+$0x300] =	vst v3  }
0x133: {  	[tilespmem:s22+$0x310] =	vst v4  }
0x134: {  	[tilespmem:s22+$0x330] =	vst v53  }
0x135: {  	[tilespmem:s22+$0x340] =	vst v7  }
0x136: {  	v57 =	vadd.f32 v52, v5;
	[tilespmem:s22+$0x360] =	vst v55  }
0x137: {  	v58 =	vadd.f32 v8, v54;
	[tilespmem:s22+$0x370] =	vst v56  }
0x138: {  	[tilespmem:s22+$0x320] =	vst v57  }
0x139: {  	[tilespmem:s22+$0x350] =	vst v58;
	s29 =	spop (v2sf)  }
0x13a: {  	v0 =	vld [tilespmem:s29+$0x600]  }
0x13b: {  	v59 =	vld [tilespmem:s29+$0x610]  }
0x13c: {  	v60 =	vld [tilespmem:s29+$0x620];
	s30 =	spop (v2sf)  }
0x13d: {  	v3 =	vld [tilespmem:s30+$0x1220]  }
0x13e: {  	v4 =	vld [tilespmem:s30+$0x1230]  }
0x13f: {  	v61 =	vld [tilespmem:s30+$0x1240]  }
0x140: {  	v6 =	vld [tilespmem:s30+$0x1250];
	s31 =	spop (v2sf)  }
0x141: {  	v7 =	vld [tilespmem:s31+$0x2200]  }
0x142: {  	v62 =	vld [tilespmem:s31+$0x2210]  }
0x143: {  	v9 =	vld [tilespmem:s31+$0x2220];
	[tilespmem:s22+$0x380] =	vst v0  }
0x144: {  	[tilespmem:s22+$0x390] =	vst v59  }
0x145: {  	p0 =	sne.s32 s23, $0x3C0;
	[tilespmem:s22+$0x3B0] =	vst v4  }
.Ltmp0:
0x146: {  	[tilespmem:s22+$0x3C0] =	vst v61;
	(pc) =	sbr.rel @p0 .LBB2_2-.Ltmp0, $4  }
0x147: {  	v2 =	vadd.f32 v3, v60;
	[tilespmem:s22+$0x3E0] =	vst v62  }
0x148: {  	v63 =	vadd.f32 v7, v6;
	[tilespmem:s22+$0x3F0] =	vst v9  }
0x149: {  	[tilespmem:s22+$0x3A0] =	vst v2  }
0x14a: {  	s23 =	sadd.s32 $0x40, s23;
	[tilespmem:s22+$0x3D0] =	vst v63;
	s22 =	sadd.s32 $0x800, s22  }
0x14b: {  	s22 =	simm.s32 $0x0  }
0x14c: {  	s23 =	simm.s32 $0x100;
	s24 =	simm.s32 $0x300;
	s25 =	simm.s32 $0x500  }
0x14d: {  	[hbm4b:s9+s22] =	stream.linear.scatter [tilespmem:s18], [sflag:$0x2], $0x8000, $0x38;
	[tilespmem:$0x12500] =	vst v63  }
.LBB2_4:
0x14e: {  	v0 =	vld [tilespmem:s23+$0x0];
	_ =	sdelay $0x3  }
0x14f: {  	v1 =	vld [tilespmem:s24+$0x0]  }
0x150: {  	v0 =	vmul.u32 $0xC0, v0;
	_ =	sdelay $0x1  }
0x151: {  	v3 =	vld [tilespmem:s25+$0x0];
	v2 =	vshra.s32 v0, $0x2  }
0x152: {  	(v2sf) =	vpush v2, $0x0  }
0x153: {  	v45 =	vshll.u32 v1, $0x9  }
0x154: {  	v1 =	vshra.s32 v45, $0x2  }
0x155: {  	(v2sf) =	vpush v1, $0x0  }
0x156: {  	v46 =	vmul.u32 $0xC0, v3;
	_ =	sdelay $0x1  }
0x157: {  	v0 =	vshra.s32 v46, $0x2  }
0x158: {  	(v2sf) =	vpush v0, $0x0;
	_ =	sdelay $0x7  }
0x159: {  	s26 =	spop (v2sf)  }
0x15a: {  	v47 =	vld [tilespmem:s26+$0x600]  }
0x15b: {  	(v2sf) =	vpush v2, $0x1;
	v4 =	vld [tilespmem:s26+$0x610]  }
0x15c: {  	v5 =	vld [tilespmem:s26+$0x620];
	s28 =	spop (v2sf)  }
0x15d: {  	v6 =	vld [tilespmem:s28+$0x1220]  }
0x15e: {  	(v2sf) =	vpush v1, $0x1;
	v7 =	vld [tilespmem:s28+$0x1230]  }
0x15f: {  	v8 =	vld [tilespmem:s28+$0x1240]  }
0x160: {  	v9 =	vld [tilespmem:s28+$0x1250];
	s29 =	spop (v2sf)  }
0x161: {  	v10 =	vld [tilespmem:s29+$0x2200]  }
0x162: {  	s26 =	sshra.s32 s22, $0x2;
	(v2sf) =	vpush v0, $0x1;
	v11 =	vld [tilespmem:s29+$0x2210]  }
0x163: {  	v12 =	vld [tilespmem:s29+$0x2220];
	[tilespmem:s26+$0xA500] =	vst v47  }
0x164: {  	[tilespmem:s26+$0xA510] =	vst v4  }
0x165: {  	[tilespmem:s26+$0xA530] =	vst v7  }
0x166: {  	[tilespmem:s26+$0xA540] =	vst v8  }
0x167: {  	v5 =	vadd.f32 v6, v5;
	[tilespmem:s26+$0xA560] =	vst v11  }
0x168: {  	v48 =	vadd.f32 v10, v9;
	[tilespmem:s26+$0xA570] =	vst v12  }
0x169: {  	[tilespmem:s26+$0xA520] =	vst v5  }
0x16a: {  	[tilespmem:s26+$0xA550] =	vst v48;
	s28 =	spop (v2sf)  }
0x16b: {  	v3 =	vld [tilespmem:s28+$0x600]  }
0x16c: {  	(v2sf) =	vpush v2, $0x2;
	v4 =	vld [tilespmem:s28+$0x610]  }
0x16d: {  	v5 =	vld [tilespmem:s28+$0x620];
	s30 =	spop (v2sf)  }
0x16e: {  	v49 =	vld [tilespmem:s30+$0x1220]  }
0x16f: {  	(v2sf) =	vpush v1, $0x2;
	v7 =	vld [tilespmem:s30+$0x1230]  }
0x170: {  	v8 =	vld [tilespmem:s30+$0x1240]  }
0x171: {  	v50 =	vld [tilespmem:s30+$0x1250];
	s31 =	spop (v2sf)  }
0x172: {  	v51 =	vld [tilespmem:s31+$0x2200]  }
0x173: {  	(v2sf) =	vpush v0, $0x2;
	v11 =	vld [tilespmem:s31+$0x2210]  }
0x174: {  	v12 =	vld [tilespmem:s31+$0x2220];
	[tilespmem:s26+$0xA580] =	vst v3  }
0x175: {  	[tilespmem:s26+$0xA590] =	vst v4  }
0x176: {  	[tilespmem:s26+$0xA5B0] =	vst v7  }
0x177: {  	[tilespmem:s26+$0xA5C0] =	vst v8  }
0x178: {  	v5 =	vadd.f32 v49, v5;
	[tilespmem:s26+$0xA5E0] =	vst v11  }
0x179: {  	v52 =	vadd.f32 v51, v50;
	[tilespmem:s26+$0xA5F0] =	vst v12  }
0x17a: {  	[tilespmem:s26+$0xA5A0] =	vst v5  }
0x17b: {  	[tilespmem:s26+$0xA5D0] =	vst v52;
	s29 =	spop (v2sf)  }
0x17c: {  	v3 =	vld [tilespmem:s29+$0x600]  }
0x17d: {  	(v2sf) =	vpush v2, $0x3;
	v4 =	vld [tilespmem:s29+$0x610]  }
0x17e: {  	v5 =	vld [tilespmem:s29+$0x620];
	s30 =	spop (v2sf)  }
0x17f: {  	v53 =	vld [tilespmem:s30+$0x1220]  }
0x180: {  	(v2sf) =	vpush v1, $0x3;
	v7 =	vld [tilespmem:s30+$0x1230]  }
0x181: {  	v8 =	vld [tilespmem:s30+$0x1240]  }
0x182: {  	v54 =	vld [tilespmem:s30+$0x1250];
	s31 =	spop (v2sf)  }
0x183: {  	v55 =	vld [tilespmem:s31+$0x2200]  }
0x184: {  	(v2sf) =	vpush v0, $0x3;
	v11 =	vld [tilespmem:s31+$0x2210]  }
0x185: {  	v12 =	vld [tilespmem:s31+$0x2220];
	[tilespmem:s26+$0xA600] =	vst v3  }
0x186: {  	[tilespmem:s26+$0xA610] =	vst v4  }
0x187: {  	[tilespmem:s26+$0xA630] =	vst v7  }
0x188: {  	[tilespmem:s26+$0xA640] =	vst v8  }
0x189: {  	v5 =	vadd.f32 v53, v5;
	[tilespmem:s26+$0xA660] =	vst v11  }
0x18a: {  	v56 =	vadd.f32 v55, v54;
	[tilespmem:s26+$0xA670] =	vst v12  }
0x18b: {  	[tilespmem:s26+$0xA620] =	vst v5  }
0x18c: {  	[tilespmem:s26+$0xA650] =	vst v56;
	s29 =	spop (v2sf)  }
0x18d: {  	v3 =	vld [tilespmem:s29+$0x600]  }
0x18e: {  	(v2sf) =	vpush v2, $0x4;
	v4 =	vld [tilespmem:s29+$0x610]  }
0x18f: {  	v5 =	vld [tilespmem:s29+$0x620];
	s30 =	spop (v2sf)  }
0x190: {  	v57 =	vld [tilespmem:s30+$0x1220]  }
0x191: {  	(v2sf) =	vpush v1, $0x4;
	v7 =	vld [tilespmem:s30+$0x1230]  }
0x192: {  	v8 =	vld [tilespmem:s30+$0x1240]  }
0x193: {  	v58 =	vld [tilespmem:s30+$0x1250];
	s31 =	spop (v2sf)  }
0x194: {  	v59 =	vld [tilespmem:s31+$0x2200]  }
0x195: {  	(v2sf) =	vpush v0, $0x4;
	v11 =	vld [tilespmem:s31+$0x2210]  }
0x196: {  	v12 =	vld [tilespmem:s31+$0x2220];
	[tilespmem:s26+$0xA680] =	vst v3  }
0x197: {  	[tilespmem:s26+$0xA690] =	vst v4  }
0x198: {  	[tilespmem:s26+$0xA6B0] =	vst v7  }
0x199: {  	[tilespmem:s26+$0xA6C0] =	vst v8  }
0x19a: {  	v5 =	vadd.f32 v57, v5;
	[tilespmem:s26+$0xA6E0] =	vst v11  }
0x19b: {  	v60 =	vadd.f32 v59, v58;
	[tilespmem:s26+$0xA6F0] =	vst v12  }
0x19c: {  	[tilespmem:s26+$0xA6A0] =	vst v5  }
0x19d: {  	[tilespmem:s26+$0xA6D0] =	vst v60;
	s29 =	spop (v2sf)  }
0x19e: {  	v3 =	vld [tilespmem:s29+$0x600]  }
0x19f: {  	(v2sf) =	vpush v2, $0x5;
	v4 =	vld [tilespmem:s29+$0x610]  }
0x1a0: {  	v5 =	vld [tilespmem:s29+$0x620];
	s30 =	spop (v2sf)  }
0x1a1: {  	v61 =	vld [tilespmem:s30+$0x1220]  }
0x1a2: {  	(v2sf) =	vpush v1, $0x5;
	v7 =	vld [tilespmem:s30+$0x1230]  }
0x1a3: {  	v8 =	vld [tilespmem:s30+$0x1240]  }
0x1a4: {  	v62 =	vld [tilespmem:s30+$0x1250];
	s31 =	spop (v2sf)  }
0x1a5: {  	v63 =	vld [tilespmem:s31+$0x2200]  }
0x1a6: {  	(v2sf) =	vpush v0, $0x5;
	v11 =	vld [tilespmem:s31+$0x2210]  }
0x1a7: {  	v12 =	vld [tilespmem:s31+$0x2220];
	[tilespmem:s26+$0xA700] =	vst v3  }
0x1a8: {  	[tilespmem:s26+$0xA710] =	vst v4  }
0x1a9: {  	[tilespmem:s26+$0xA730] =	vst v7  }
0x1aa: {  	[tilespmem:s26+$0xA740] =	vst v8  }
0x1ab: {  	v5 =	vadd.f32 v61, v5;
	[tilespmem:s26+$0xA760] =	vst v11  }
0x1ac: {  	v15 =	vadd.f32 v63, v62;
	[tilespmem:s26+$0xA770] =	vst v12  }
0x1ad: {  	[tilespmem:s26+$0xA720] =	vst v5  }
0x1ae: {  	[tilespmem:s26+$0xA750] =	vst v15;
	s29 =	spop (v2sf)  }
0x1af: {  	v3 =	vld [tilespmem:s29+$0x600]  }
0x1b0: {  	(v2sf) =	vpush v2, $0x6;
	v4 =	vld [tilespmem:s29+$0x610]  }
0x1b1: {  	v5 =	vld [tilespmem:s29+$0x620];
	s30 =	spop (v2sf)  }
0x1b2: {  	v16 =	vld [tilespmem:s30+$0x1220]  }
0x1b3: {  	(v2sf) =	vpush v1, $0x6;
	v7 =	vld [tilespmem:s30+$0x1230]  }
0x1b4: {  	v8 =	vld [tilespmem:s30+$0x1240]  }
0x1b5: {  	v17 =	vld [tilespmem:s30+$0x1250];
	s31 =	spop (v2sf)  }
0x1b6: {  	v18 =	vld [tilespmem:s31+$0x2200]  }
0x1b7: {  	(v2sf) =	vpush v0, $0x6;
	v11 =	vld [tilespmem:s31+$0x2210]  }
0x1b8: {  	v12 =	vld [tilespmem:s31+$0x2220];
	[tilespmem:s26+$0xA780] =	vst v3  }
0x1b9: {  	[tilespmem:s26+$0xA790] =	vst v4  }
0x1ba: {  	[tilespmem:s26+$0xA7B0] =	vst v7  }
0x1bb: {  	[tilespmem:s26+$0xA7C0] =	vst v8  }
0x1bc: {  	v5 =	vadd.f32 v16, v5;
	[tilespmem:s26+$0xA7E0] =	vst v11  }
0x1bd: {  	v19 =	vadd.f32 v18, v17;
	[tilespmem:s26+$0xA7F0] =	vst v12  }
0x1be: {  	[tilespmem:s26+$0xA7A0] =	vst v5  }
0x1bf: {  	[tilespmem:s26+$0xA7D0] =	vst v19;
	s29 =	spop (v2sf)  }
0x1c0: {  	v3 =	vld [tilespmem:s29+$0x600]  }
0x1c1: {  	(v2sf) =	vpush v2, $0x7;
	v4 =	vld [tilespmem:s29+$0x610]  }
0x1c2: {  	v5 =	vld [tilespmem:s29+$0x620];
	s30 =	spop (v2sf)  }
0x1c3: {  	v20 =	vld [tilespmem:s30+$0x1220]  }
0x1c4: {  	(v2sf) =	vpush v1, $0x7;
	v7 =	vld [tilespmem:s30+$0x1230]  }
0x1c5: {  	v8 =	vld [tilespmem:s30+$0x1240]  }
0x1c6: {  	v21 =	vld [tilespmem:s30+$0x1250];
	s31 =	spop (v2sf)  }
0x1c7: {  	v22 =	vld [tilespmem:s31+$0x2200]  }
0x1c8: {  	(v2sf) =	vpush v0, $0x7;
	v11 =	vld [tilespmem:s31+$0x2210]  }
0x1c9: {  	v12 =	vld [tilespmem:s31+$0x2220];
	[tilespmem:s26+$0xA800] =	vst v3  }
0x1ca: {  	[tilespmem:s26+$0xA810] =	vst v4  }
0x1cb: {  	[tilespmem:s26+$0xA830] =	vst v7  }
0x1cc: {  	[tilespmem:s26+$0xA840] =	vst v8  }
0x1cd: {  	v5 =	vadd.f32 v20, v5;
	[tilespmem:s26+$0xA860] =	vst v11  }
0x1ce: {  	v23 =	vadd.f32 v22, v21;
	[tilespmem:s26+$0xA870] =	vst v12  }
0x1cf: {  	[tilespmem:s26+$0xA820] =	vst v5  }
0x1d0: {  	[tilespmem:s26+$0xA850] =	vst v23;
	s29 =	spop (v2sf)  }
0x1d1: {  	v3 =	vld [tilespmem:s29+$0x600]  }
0x1d2: {  	(v2sf) =	vpush v2, $0x8;
	v4 =	vld [tilespmem:s29+$0x610]  }
0x1d3: {  	v5 =	vld [tilespmem:s29+$0x620];
	s30 =	spop (v2sf)  }
0x1d4: {  	v24 =	vld [tilespmem:s30+$0x1220]  }
0x1d5: {  	(v2sf) =	vpush v1, $0x8;
	v7 =	vld [tilespmem:s30+$0x1230]  }
0x1d6: {  	v8 =	vld [tilespmem:s30+$0x1240]  }
0x1d7: {  	v25 =	vld [tilespmem:s30+$0x1250];
	s31 =	spop (v2sf)  }
0x1d8: {  	v26 =	vld [tilespmem:s31+$0x2200]  }
0x1d9: {  	(v2sf) =	vpush v0, $0x8;
	v11 =	vld [tilespmem:s31+$0x2210]  }
0x1da: {  	v12 =	vld [tilespmem:s31+$0x2220];
	[tilespmem:s26+$0xA880] =	vst v3  }
0x1db: {  	[tilespmem:s26+$0xA890] =	vst v4  }
0x1dc: {  	[tilespmem:s26+$0xA8B0] =	vst v7  }
0x1dd: {  	[tilespmem:s26+$0xA8C0] =	vst v8  }
0x1de: {  	v5 =	vadd.f32 v24, v5;
	[tilespmem:s26+$0xA8E0] =	vst v11  }
0x1df: {  	v27 =	vadd.f32 v26, v25;
	[tilespmem:s26+$0xA8F0] =	vst v12  }
0x1e0: {  	[tilespmem:s26+$0xA8A0] =	vst v5  }
0x1e1: {  	[tilespmem:s26+$0xA8D0] =	vst v27;
	s29 =	spop (v2sf)  }
0x1e2: {  	v3 =	vld [tilespmem:s29+$0x600]  }
0x1e3: {  	(v2sf) =	vpush v2, $0x9;
	v4 =	vld [tilespmem:s29+$0x610]  }
0x1e4: {  	v5 =	vld [tilespmem:s29+$0x620];
	s30 =	spop (v2sf)  }
0x1e5: {  	v28 =	vld [tilespmem:s30+$0x1220]  }
0x1e6: {  	(v2sf) =	vpush v1, $0x9;
	v7 =	vld [tilespmem:s30+$0x1230]  }
0x1e7: {  	v8 =	vld [tilespmem:s30+$0x1240]  }
0x1e8: {  	v29 =	vld [tilespmem:s30+$0x1250];
	s31 =	spop (v2sf)  }
0x1e9: {  	v30 =	vld [tilespmem:s31+$0x2200]  }
0x1ea: {  	(v2sf) =	vpush v0, $0x9;
	v11 =	vld [tilespmem:s31+$0x2210]  }
0x1eb: {  	v12 =	vld [tilespmem:s31+$0x2220];
	[tilespmem:s26+$0xA900] =	vst v3  }
0x1ec: {  	[tilespmem:s26+$0xA910] =	vst v4  }
0x1ed: {  	[tilespmem:s26+$0xA930] =	vst v7  }
0x1ee: {  	[tilespmem:s26+$0xA940] =	vst v8  }
0x1ef: {  	v5 =	vadd.f32 v28, v5;
	[tilespmem:s26+$0xA960] =	vst v11  }
0x1f0: {  	v31 =	vadd.f32 v30, v29;
	[tilespmem:s26+$0xA970] =	vst v12  }
0x1f1: {  	[tilespmem:s26+$0xA920] =	vst v5  }
0x1f2: {  	[tilespmem:s26+$0xA950] =	vst v31;
	s29 =	spop (v2sf)  }
0x1f3: {  	v3 =	vld [tilespmem:s29+$0x600]  }
0x1f4: {  	(v2sf) =	vpush v2, $0xA;
	v4 =	vld [tilespmem:s29+$0x610]  }
0x1f5: {  	v5 =	vld [tilespmem:s29+$0x620];
	s30 =	spop (v2sf)  }
0x1f6: {  	v32 =	vld [tilespmem:s30+$0x1220]  }
0x1f7: {  	(v2sf) =	vpush v1, $0xA;
	v7 =	vld [tilespmem:s30+$0x1230]  }
0x1f8: {  	v8 =	vld [tilespmem:s30+$0x1240]  }
0x1f9: {  	v33 =	vld [tilespmem:s30+$0x1250];
	s31 =	spop (v2sf)  }
0x1fa: {  	v34 =	vld [tilespmem:s31+$0x2200]  }
0x1fb: {  	(v2sf) =	vpush v0, $0xA;
	v11 =	vld [tilespmem:s31+$0x2210]  }
0x1fc: {  	v12 =	vld [tilespmem:s31+$0x2220];
	[tilespmem:s26+$0xA980] =	vst v3  }
0x1fd: {  	[tilespmem:s26+$0xA990] =	vst v4  }
0x1fe: {  	[tilespmem:s26+$0xA9B0] =	vst v7  }
0x1ff: {  	[tilespmem:s26+$0xA9C0] =	vst v8  }
0x200: {  	v5 =	vadd.f32 v32, v5;
	[tilespmem:s26+$0xA9E0] =	vst v11  }
0x201: {  	v35 =	vadd.f32 v34, v33;
	[tilespmem:s26+$0xA9F0] =	vst v12  }
0x202: {  	[tilespmem:s26+$0xA9A0] =	vst v5  }
0x203: {  	[tilespmem:s26+$0xA9D0] =	vst v35;
	s29 =	spop (v2sf)  }
0x204: {  	v3 =	vld [tilespmem:s29+$0x600]  }
0x205: {  	(v2sf) =	vpush v2, $0xB;
	v4 =	vld [tilespmem:s29+$0x610]  }
0x206: {  	v5 =	vld [tilespmem:s29+$0x620];
	s30 =	spop (v2sf)  }
0x207: {  	v36 =	vld [tilespmem:s30+$0x1220]  }
0x208: {  	(v2sf) =	vpush v1, $0xB;
	v7 =	vld [tilespmem:s30+$0x1230]  }
0x209: {  	v8 =	vld [tilespmem:s30+$0x1240]  }
0x20a: {  	v37 =	vld [tilespmem:s30+$0x1250];
	s31 =	spop (v2sf)  }
0x20b: {  	v38 =	vld [tilespmem:s31+$0x2200]  }
0x20c: {  	(v2sf) =	vpush v0, $0xB;
	v11 =	vld [tilespmem:s31+$0x2210]  }
0x20d: {  	v12 =	vld [tilespmem:s31+$0x2220];
	[tilespmem:s26+$0xAA00] =	vst v3  }
0x20e: {  	[tilespmem:s26+$0xAA10] =	vst v4  }
0x20f: {  	[tilespmem:s26+$0xAA30] =	vst v7  }
0x210: {  	[tilespmem:s26+$0xAA40] =	vst v8  }
0x211: {  	v5 =	vadd.f32 v36, v5;
	[tilespmem:s26+$0xAA60] =	vst v11  }
0x212: {  	v39 =	vadd.f32 v38, v37;
	[tilespmem:s26+$0xAA70] =	vst v12  }
0x213: {  	[tilespmem:s26+$0xAA20] =	vst v5  }
0x214: {  	[tilespmem:s26+$0xAA50] =	vst v39;
	s29 =	spop (v2sf)  }
0x215: {  	v3 =	vld [tilespmem:s29+$0x600]  }
0x216: {  	(v2sf) =	vpush v2, $0xC;
	v4 =	vld [tilespmem:s29+$0x610]  }
0x217: {  	v5 =	vld [tilespmem:s29+$0x620];
	s30 =	spop (v2sf)  }
0x218: {  	v40 =	vld [tilespmem:s30+$0x1220]  }
0x219: {  	(v2sf) =	vpush v1, $0xC;
	v7 =	vld [tilespmem:s30+$0x1230]  }
0x21a: {  	v8 =	vld [tilespmem:s30+$0x1240]  }
0x21b: {  	v41 =	vld [tilespmem:s30+$0x1250];
	s31 =	spop (v2sf)  }
0x21c: {  	v42 =	vld [tilespmem:s31+$0x2200]  }
0x21d: {  	(v2sf) =	vpush v0, $0xC;
	v11 =	vld [tilespmem:s31+$0x2210]  }
0x21e: {  	v12 =	vld [tilespmem:s31+$0x2220];
	[tilespmem:s26+$0xAA80] =	vst v3  }
0x21f: {  	[tilespmem:s26+$0xAA90] =	vst v4  }
0x220: {  	[tilespmem:s26+$0xAAB0] =	vst v7  }
0x221: {  	[tilespmem:s26+$0xAAC0] =	vst v8  }
0x222: {  	v5 =	vadd.f32 v40, v5;
	[tilespmem:s26+$0xAAE0] =	vst v11  }
0x223: {  	v43 =	vadd.f32 v42, v41;
	[tilespmem:s26+$0xAAF0] =	vst v12  }
0x224: {  	[tilespmem:s26+$0xAAA0] =	vst v5  }
0x225: {  	[tilespmem:s26+$0xAAD0] =	vst v43;
	s29 =	spop (v2sf)  }
0x226: {  	v3 =	vld [tilespmem:s29+$0x600]  }
0x227: {  	(v2sf) =	vpush v2, $0xD;
	v4 =	vld [tilespmem:s29+$0x610]  }
0x228: {  	v5 =	vld [tilespmem:s29+$0x620];
	s30 =	spop (v2sf)  }
0x229: {  	v44 =	vld [tilespmem:s30+$0x1220]  }
0x22a: {  	(v2sf) =	vpush v1, $0xD;
	v7 =	vld [tilespmem:s30+$0x1230]  }
0x22b: {  	v8 =	vld [tilespmem:s30+$0x1240]  }
0x22c: {  	v45 =	vld [tilespmem:s30+$0x1250];
	s31 =	spop (v2sf)  }
0x22d: {  	v46 =	vld [tilespmem:s31+$0x2200]  }
0x22e: {  	(v2sf) =	vpush v0, $0xD;
	v11 =	vld [tilespmem:s31+$0x2210]  }
0x22f: {  	v12 =	vld [tilespmem:s31+$0x2220];
	[tilespmem:s26+$0xAB00] =	vst v3  }
0x230: {  	[tilespmem:s26+$0xAB10] =	vst v4  }
0x231: {  	[tilespmem:s26+$0xAB30] =	vst v7  }
0x232: {  	[tilespmem:s26+$0xAB40] =	vst v8  }
0x233: {  	v5 =	vadd.f32 v44, v5;
	[tilespmem:s26+$0xAB60] =	vst v11  }
0x234: {  	v47 =	vadd.f32 v46, v45;
	[tilespmem:s26+$0xAB70] =	vst v12  }
0x235: {  	[tilespmem:s26+$0xAB20] =	vst v5  }
0x236: {  	[tilespmem:s26+$0xAB50] =	vst v47;
	s29 =	spop (v2sf)  }
0x237: {  	v3 =	vld [tilespmem:s29+$0x600]  }
0x238: {  	(v2sf) =	vpush v2, $0xE;
	v4 =	vld [tilespmem:s29+$0x610]  }
0x239: {  	v5 =	vld [tilespmem:s29+$0x620];
	s30 =	spop (v2sf)  }
0x23a: {  	v48 =	vld [tilespmem:s30+$0x1220]  }
0x23b: {  	(v2sf) =	vpush v1, $0xE;
	v7 =	vld [tilespmem:s30+$0x1230]  }
0x23c: {  	v8 =	vld [tilespmem:s30+$0x1240]  }
0x23d: {  	v49 =	vld [tilespmem:s30+$0x1250];
	s31 =	spop (v2sf)  }
0x23e: {  	v50 =	vld [tilespmem:s31+$0x2200]  }
0x23f: {  	(v2sf) =	vpush v0, $0xE;
	v11 =	vld [tilespmem:s31+$0x2210]  }
0x240: {  	v12 =	vld [tilespmem:s31+$0x2220];
	[tilespmem:s26+$0xAB80] =	vst v3  }
0x241: {  	[tilespmem:s26+$0xAB90] =	vst v4  }
0x242: {  	[tilespmem:s26+$0xABB0] =	vst v7  }
0x243: {  	[tilespmem:s26+$0xABC0] =	vst v8  }
0x244: {  	v5 =	vadd.f32 v48, v5;
	[tilespmem:s26+$0xABE0] =	vst v11  }
0x245: {  	v51 =	vadd.f32 v50, v49;
	[tilespmem:s26+$0xABF0] =	vst v12  }
0x246: {  	[tilespmem:s26+$0xABA0] =	vst v5  }
0x247: {  	[tilespmem:s26+$0xABD0] =	vst v51;
	s29 =	spop (v2sf)  }
0x248: {  	v3 =	vld [tilespmem:s29+$0x600]  }
0x249: {  	(v2sf) =	vpush v2, $0xF;
	v4 =	vld [tilespmem:s29+$0x610]  }
0x24a: {  	v5 =	vld [tilespmem:s29+$0x620];
	s30 =	spop (v2sf)  }
0x24b: {  	v52 =	vld [tilespmem:s30+$0x1220]  }
0x24c: {  	(v2sf) =	vpush v1, $0xF;
	v53 =	vld [tilespmem:s30+$0x1230]  }
0x24d: {  	v7 =	vld [tilespmem:s30+$0x1240]  }
0x24e: {  	v54 =	vld [tilespmem:s30+$0x1250];
	s31 =	spop (v2sf)  }
0x24f: {  	v8 =	vld [tilespmem:s31+$0x2200]  }
0x250: {  	(v2sf) =	vpush v0, $0xF;
	v55 =	vld [tilespmem:s31+$0x2210]  }
0x251: {  	v56 =	vld [tilespmem:s31+$0x2220];
	[tilespmem:s26+$0xAC00] =	vst v3  }
0x252: {  	[tilespmem:s26+$0xAC10] =	vst v4  }
0x253: {  	[tilespmem:s26+$0xAC30] =	vst v53  }
0x254: {  	[tilespmem:s26+$0xAC40] =	vst v7  }
0x255: {  	v57 =	vadd.f32 v52, v5;
	[tilespmem:s26+$0xAC60] =	vst v55  }
0x256: {  	v58 =	vadd.f32 v8, v54;
	[tilespmem:s26+$0xAC70] =	vst v56  }
0x257: {  	[tilespmem:s26+$0xAC20] =	vst v57  }
0x258: {  	[tilespmem:s26+$0xAC50] =	vst v58;
	s29 =	spop (v2sf)  }
0x259: {  	v0 =	vld [tilespmem:s29+$0x600]  }
0x25a: {  	v59 =	vld [tilespmem:s29+$0x610]  }
0x25b: {  	v60 =	vld [tilespmem:s29+$0x620];
	s30 =	spop (v2sf)  }
0x25c: {  	v3 =	vld [tilespmem:s30+$0x1220]  }
0x25d: {  	v4 =	vld [tilespmem:s30+$0x1230]  }
0x25e: {  	v61 =	vld [tilespmem:s30+$0x1240]  }
0x25f: {  	v6 =	vld [tilespmem:s30+$0x1250];
	s31 =	spop (v2sf)  }
0x260: {  	v7 =	vld [tilespmem:s31+$0x2200]  }
0x261: {  	v62 =	vld [tilespmem:s31+$0x2210]  }
0x262: {  	v9 =	vld [tilespmem:s31+$0x2220];
	[tilespmem:s26+$0xAC80] =	vst v0  }
0x263: {  	[tilespmem:s26+$0xAC90] =	vst v59  }
0x264: {  	p0 =	sne.s32 s22, $0x1E000;
	[tilespmem:s26+$0xACB0] =	vst v4  }
.Ltmp1:
0x265: {  	[tilespmem:s26+$0xACC0] =	vst v61;
	(pc) =	sbr.rel @p0 .LBB2_4-.Ltmp1, $4  }
0x266: {  	v2 =	vadd.f32 v3, v60;
	[tilespmem:s26+$0xACE0] =	vst v62  }
0x267: {  	v63 =	vadd.f32 v7, v6;
	[tilespmem:s26+$0xACF0] =	vst v9  }
0x268: {  	s23 =	sadd.s32 $0x10, s23;
	[tilespmem:s26+$0xACA0] =	vst v2  }
0x269: {  	s24 =	sadd.s32 $0x10, s24;
	s25 =	sadd.s32 $0x10, s25;
	s22 =	sadd.s32 $0x2000, s22;
	[tilespmem:s26+$0xACD0] =	vst v63  }
0x26a: {  	[hbm4b:s10+s2] =	stream.linear.scatter [tilespmem:s19], [sflag:$0x2], $0x8000, $0x38;
	[tilespmem:$0x12500] =	vst v63  }
0x26b: {  	s21 =	sadd.s32 $0x1, s21  }
0x26c: {  	_ =	swait.ge [sflag:s20], $0x8000;
	p0 =	sne.s32 s21, s11  }
.Ltmp2:
0x26d: {  	[sflag:s20] =	ssyncset.done $0x0;
	(pc) =	sbr.rel @p0 .LBB2_1-.Ltmp2, $4  }
0x26e: {  	[sflag:s20] =	ssyncadd.s32 $0xFFFF8000  }
0x26f: {  	_ =	swait.ge [sflag:s20], $0x8000  }
0x270: {  	[sflag:s20] =	ssyncset.done $0x0  }
0x271: {  	[sflag:s20] =	ssyncadd.s32 $0xFFFF8000  }
0x272: {  	_ =	sfence.sel $0x180000  }
0x273: {  	[bflag:$0x0] =	sbarrier.arrive $0xFFFF  }
0x274: {  	p0 =	sne.s32 s1, $0x0;
	_ =	strace $0x90000047  }
0x275: {  	s0 =	sadd.s32 @!p0 $0x100000, s0;
	[bflag:$0x2] =	sbarrier.arrive $0xFFFF  }
0x276: {  	[sflag:s0] =	ssyncadd.tile.s32 @!p0 $0x1;
	_ =	shalt  }
.Lfunc_end2:
_tile_overlayer_lowered:
.L_overlay_start_2:
0x277: {  	(tag) =	ssettag $0x2  }
0x278: {  	s0 =	rddreg [dreg:$0x0];
	s2 =	stileid.u32  }
0x279: {  	s1 =	rddreg [dreg:$0x1];
	p0 =	sne.s32 s2, $0x0  }
0x27a: {  	s3 =	rddreg [dreg:$0x2];
	[bflag:$0x3] =	sbarrier.arrive $0xFFFF;
	s2 =	simm.s32 @!p0 $0x1C03  }
0x27b: {  	[timem:s3], [sflag:s2] =	dma.local @!p0 [hbm:s0], s1  }
0x27c: {  	s0 =	simm.s32 @!p0 $0x3  }
0x27d: {  	_ =	swait.ge @!p0 [sflag:s0], s1  }
0x27e: {  	s1 =	ssub.s32 @!p0 $0x0, s1;
	[sflag:s0] =	ssyncset.done @!p0 $0x0  }
0x27f: {  	[sflag:s0] =	ssyncadd.s32 @!p0 s1  }
0x280: {  	[bflag:$0x3] =	sbarrier.arrive $0xFFFF  }
0x281: {  	_ =	shalt  }

</sc_bundles>
